<compile_context>
chip_gen: v7x
topology: tpu7x:2x2x1
jax: 0.10.2.dev20260603
libtpu: 0.0.44.dev20260713+nightly
codegen_flags: <defaults>
</compile_context>

<pallas_src>
import jax
import jax.numpy as jnp
from jax import lax
from jax.experimental import pallas as pl
from jax.experimental.pallas import tpu as pltpu
from jax.experimental.pallas import tpu_sc as plsc

NB_CLASSES_K = 21
NB_BINS_K = 20
HSTRIDE = 432
LANES = 16
NUM_CORES = 2
NUM_SUBCORES = 16
CROWS = 8
CCOLS = 256
CHUNK = CROWS * CCOLS


def _treereduce(op, xs):
    xs = list(xs)
    while len(xs) > 1:
        nxt = [op(xs[i], xs[i + 1]) for i in range(0, len(xs) - 1, 2)]
        if len(xs) % 2:
            nxt.append(xs[-1])
        xs = nxt
    return xs[0]


def _hist_body(x_hbm, lbl_hbm, out_hbm,
               xb0, xb1, lb0, lb1, pidx, hist, red,
               semx0, semx1, seml0, seml1):
    cid = lax.axis_index("c")
    sid = lax.axis_index("s")
    wid = sid * NUM_CORES + cid
    b = wid // 4
    hrow0 = (wid % 4) * 128
    nchunk = (128 // CROWS) * (512 // CCOLS)
    ncolh = 512 // CCOLS

    semx = (semx0, semx1)
    seml = (seml0, seml1)
    xbuf = (xb0, xb1)
    lbuf = (lb0, lb1)
    lane = lax.iota(jnp.int32, 16)
    lane_off = lane * HSTRIDE
    ones = jnp.ones((16,), jnp.int32)
    zeros16 = jnp.zeros((16,), jnp.int32)
    csplat = [jnp.full((16,), c, jnp.int32) for c in range(NB_CLASSES_K)]

    def zero_body(i, _):
        hist[pl.ds(i * 16, 16)] = zeros16
        return 0

    lax.fori_loop(0, (LANES * HSTRIDE) // 16, zero_body, 0)

    def zero_pidx(i, _):
        pidx[pl.ds(i * 16, 16)] = zeros16
        return 0

    lax.fori_loop(0, CHUNK // 16, zero_pidx, 0)

    def x_copies(j, buf):
        hr = hrow0 + (j // ncolh) * CROWS
        c0 = (j % ncolh) * CCOLS
        return [
            pltpu.make_async_copy(
                x_hbm.at[b, pl.ds(c, 1), pl.ds(hr, CROWS), pl.ds(c0, CCOLS)],
                xbuf[buf].at[pl.ds(c, 1)], semx[buf])
            for c in range(NB_CLASSES_K)
        ]

    def l_copy(j, buf):
        hr = hrow0 + (j // ncolh) * CROWS
        c0 = (j % ncolh) * CCOLS
        return pltpu.make_async_copy(
            lbl_hbm.at[b, pl.ds(hr, CROWS), pl.ds(c0, CCOLS)],
            lbuf[buf], seml[buf])

    def start_dma(j, buf):
        l_copy(j, buf).start()
        for cp in x_copies(j, buf):
            cp.start()

    start_dma(0, 0)

    def compact_chunk(buf):
        lbb = lbuf[buf]

        def compact(i, cnt):
            msk = lbb[i // (CCOLS // 16),
                      pl.ds((i % (CCOLS // 16)) * 16, 16)] == 0
            pixv = i * 16 + lane
            plsc.store_compressed(pidx.at[pl.ds(cnt, 16)], pixv, mask=msk)
            return cnt + jnp.max(plsc.all_reduce_population_count(msk))

        return lax.fori_loop(0, CHUNK // 16, compact, 0)

    def gather_chunk(buf, cnt):
        xbb = xbuf[buf]

        def grp(g, _):
            gbase = g * 16
            gm = lane < (cnt - gbase)
            pidxv = pidx[pl.ds(gbase, 16)]
            prow = lax.shift_right_logical(pidxv, 8)
            pcol = lax.bitwise_and(pidxv, CCOLS - 1)
            vs = [plsc.load_gather(xbb, [csplat[c], prow, pcol], mask=gm)
                  for c in range(NB_CLASSES_K)]
            m = _treereduce(jnp.maximum, vs)
            cands = [jnp.where(vs[c] == m, c, NB_CLASSES_K)
                     for c in range(NB_CLASSES_K)]
            idx = _treereduce(jnp.minimum, cands)
            es = [jnp.exp(v - m) for v in vs]
            s = _treereduce(lambda p, q: p + q, es)
            y = ((1.0 / s) * float(NB_BINS_K)).astype(jnp.int32)
            y = jnp.minimum(y, NB_BINS_K - 1)
            flat = idx * NB_BINS_K + y + lane_off
            plsc.addupdate_scatter(hist, [flat], ones, mask=gm)
            return 0

        lax.fori_loop(0, (cnt + 15) // 16, grp, 0)

    def step(it, carry):
        for half in (0, 1):
            j = 2 * it + half

            @pl.when(j + 1 < nchunk)
            def _():
                start_dma(j + 1, 1 - half)

            l_copy(j, half).wait()
            cnt = compact_chunk(half)
            hr = hrow0 + (j // ncolh) * CROWS
            c0 = (j % ncolh) * CCOLS
            pltpu.make_async_copy(
                x_hbm.at[b, :, pl.ds(hr, CROWS), pl.ds(c0, CCOLS)],
                xbuf[half], semx[half]).wait()
            gather_chunk(half, cnt)
        return carry

    lax.fori_loop(0, nchunk // 2, step, 0)

    def red_body(g, _):
        acc = hist[pl.ds(g * 16, 16)]
        for l in range(1, LANES):
            acc = acc + hist[pl.ds(l * HSTRIDE + g * 16, 16)]
        red[(g * 16) // 128, pl.ds((g * 16) % 128, 16)] = acc
        return 0

    lax.fori_loop(0, HSTRIDE // 16, red_body, 0)

    def red_pad(g, _):
        red[(HSTRIDE + g * 16) // 128, pl.ds((HSTRIDE + g * 16) % 128, 16)] = (
            zeros16)
        return 0

    lax.fori_loop(0, (8 * 128 - HSTRIDE) // 16, red_pad, 0)
    pltpu.sync_copy(red, out_hbm.at[wid])


def kernel(outputs_old, labels):
    batch, nb_classes, h, w = outputs_old.shape
    lbl = labels.astype(jnp.int32)
    nw = NUM_CORES * NUM_SUBCORES
    mesh = plsc.VectorSubcoreMesh(
        core_axis_name="c", subcore_axis_name="s",
        num_cores=NUM_CORES, num_subcores=NUM_SUBCORES)
    f = pl.kernel(
        _hist_body,
        out_type=jax.ShapeDtypeStruct((nw, 8, 128), jnp.int32),
        mesh=mesh,
        compiler_params=pltpu.CompilerParams(
            needs_layout_passes=False, use_tc_tiling_on_sc=True),
        scratch_types=[
            pltpu.VMEM((nb_classes, CROWS, CCOLS), jnp.float32),
            pltpu.VMEM((nb_classes, CROWS, CCOLS), jnp.float32),
            pltpu.VMEM((CROWS, CCOLS), jnp.int32),
            pltpu.VMEM((CROWS, CCOLS), jnp.int32),
            pltpu.VMEM((CHUNK,), jnp.int32),
            pltpu.VMEM((LANES * HSTRIDE,), jnp.int32),
            pltpu.VMEM((8, 128), jnp.int32),
            pltpu.SemaphoreType.DMA,
            pltpu.SemaphoreType.DMA,
            pltpu.SemaphoreType.DMA,
            pltpu.SemaphoreType.DMA,
        ],
    )
    part = f(outputs_old, lbl)
    return part.sum(axis=0).reshape(-1)[: nb_classes * NB_BINS_K].reshape(
        nb_classes, NB_BINS_K)

# --- scband reference (transcript-rebuilt; emitter-appended) ---
"""Pipeline reference for scband-continual-model-67190468379119 (READ-ONLY COPY).

The authoritative reference and input builder live on the scoring server;
editing this copy changes nothing except your own understanding.
"""

import jax, jax.numpy as jnp
import numpy as np

NB_CLASSES = 21
NB_BINS = 20

def setup_inputs(seed: int = 0) -> dict:
    key = jax.random.key(seed)
    k1, k2 = jax.random.split(key)
    outputs_old = jax.random.normal(k1, (8, NB_CLASSES, 512, 512), dtype=jnp.float32)
    labels = jax.random.randint(k2, (8, 512, 512), 0, NB_CLASSES, dtype=jnp.int64)
    return {"outputs_old": outputs_old, "labels": labels}

def reference(outputs_old, labels):
    # Faithful JAX translation of the histogram-binning core of
    # ContinualModel.find_median (mode == 'naive' / max-probas branch).
    nb_classes = outputs_old.shape[1]
    nb_bins = NB_BINS
    # probas = softmax over channel dim
    probas = jax.nn.softmax(outputs_old, axis=1)
    # max_probas, pseudo_labels = probas.max(dim=1)
    max_probas = jnp.max(probas, axis=1)          # (B, H, W)
    pseudo_labels = jnp.argmax(probas, axis=1)    # (B, H, W)
    # mask_bg = labels == 0
    mask_bg = (labels == 0)
    # values_to_bins = max_probas[mask_bg].view(-1)  -> emulate boolean mask with weights
    vals = max_probas.reshape(-1)
    x_coords = pseudo_labels.reshape(-1)
    # y = clamp((values * nb_bins).long(), max=nb_bins-1); probs>=0 so trunc == floor
    y_coords = jnp.clip(jnp.floor(vals * nb_bins).astype(jnp.int32), 0, nb_bins - 1)
    weights = mask_bg.reshape(-1).astype(jnp.int32)
    # histograms.index_put_((x, y), ones, accumulate=True) -> scatter-add
    flat_idx = x_coords.astype(jnp.int32) * nb_bins + y_coords
    hist = jnp.zeros((nb_classes * nb_bins,), dtype=jnp.int32).at[flat_idx].add(weights)
    return hist.reshape(nb_classes, nb_bins)

if __name__ == "__main__":
    import jax
    _d = setup_inputs()
    print(jax.jit(kernel)(*tuple(_d.values())))

</pallas_src>

<mosaic_0001>
#map = affine_map<(d0, d1) -> (0, 0, 0, 0)>
#map1 = affine_map<(d0, d1) -> (0, 0, 0)>
module attributes {stable_mosaic.version = 14 : i64} {
  func.func @_hist_body(%arg0: i32, %arg1: i32, %arg2: memref<8x21x512x512xf32, #tpu.memory_space<hbm>>, %arg3: memref<8x512x512xi32, #tpu.memory_space<hbm>>, %arg4: memref<32x8x128xi32, #tpu.memory_space<hbm>>, %arg5: memref<21x8x256xf32, #tpu.memory_space<vmem>>, %arg6: memref<21x8x256xf32, #tpu.memory_space<vmem>>, %arg7: memref<8x256xi32, #tpu.memory_space<vmem>>, %arg8: memref<8x256xi32, #tpu.memory_space<vmem>>, %arg9: memref<2048xi32, #tpu.memory_space<vmem>>, %arg10: memref<6912xi32, #tpu.memory_space<vmem>>, %arg11: memref<8x128xi32, #tpu.memory_space<vmem>>, %arg12: memref<!tpu.dma_semaphore, #tpu.memory_space<semaphore_mem>>, %arg13: memref<!tpu.dma_semaphore, #tpu.memory_space<semaphore_mem>>, %arg14: memref<!tpu.dma_semaphore, #tpu.memory_space<semaphore_mem>>, %arg15: memref<!tpu.dma_semaphore, #tpu.memory_space<semaphore_mem>>) attributes {dimension_semantics = [#tpu.dimension_semantics<core_parallel>, #tpu.dimension_semantics<subcore_parallel>], iteration_bounds = array<i64: 2, 16>, scalar_prefetch = 0 : i64, scratch_operands = 11 : i64, tpu.core_type = #tpu.core_type<sc_vector_subcore>, window_params = [{transform_indices = #map}, {transform_indices = #map1}, {transform_indices = #map1}]} {
    %mul3A = arith.constant 2 : i32
    %mul3A_0 = arith.muli %arg1, %mul3A : i32
    %add3A = arith.addi %mul3A_0, %arg0 : i32
    %jit3A = arith.constant 4 : i32
    %div3A = arith.divsi %add3A, %jit3A : i32
    %sign3A = arith.constant 0 : i32
    %sign3A_1 = arith.cmpi sgt, %add3A, %sign3A : i32
    %sign3A_2 = arith.extui %sign3A_1 : i1 to i32
    %sign3A_3 = arith.constant 0 : i32
    %sign3A_4 = arith.cmpi slt, %add3A, %sign3A_3 : i32
    %sign3A_5 = arith.extui %sign3A_4 : i1 to i32
    %sign3A_6 = arith.subi %sign3A_2, %sign3A_5 : i32
    %sign3A_7 = arith.constant 0 : i32
    %sign3A_8 = arith.cmpi sgt, %jit3A, %sign3A_7 : i32
    %sign3A_9 = arith.extui %sign3A_8 : i1 to i32
    %sign3A_10 = arith.constant 0 : i32
    %sign3A_11 = arith.cmpi slt, %jit3A, %sign3A_10 : i32
    %sign3A_12 = arith.extui %sign3A_11 : i1 to i32
    %sign3A_13 = arith.subi %sign3A_9, %sign3A_12 : i32
    %ne3A = arith.cmpi ne, %sign3A_6, %sign3A_13 : i32
    %rem3A = arith.remsi %add3A, %jit3A : i32
    %ne3A_14 = arith.constant 0 : i32
    %ne3A_15 = arith.cmpi ne, %rem3A, %ne3A_14 : i32
    %and3A = arith.andi %ne3A, %ne3A_15 : i1
    %sub3A = arith.constant 1 : i32
    %sub3A_16 = arith.subi %div3A, %sub3A : i32
    %select_n3A = arith.select %and3A, %sub3A_16, %div3A : i32
    %jit3A_17 = arith.constant 4 : i32
    %eq3A = arith.constant 0 : i32
    %eq3A_18 = arith.cmpi eq, %jit3A_17, %eq3A : i32
    %jit3A_19 = arith.constant 1 : i32
    %select_n3A_20 = arith.select %eq3A_18, %jit3A_19, %jit3A_17 : i32
    %rem3A_21 = arith.remsi %add3A, %select_n3A_20 : i32
    %ne3A_22 = arith.constant 0 : i32
    %ne3A_23 = arith.cmpi ne, %rem3A_21, %ne3A_22 : i32
    %lt3A = arith.constant 0 : i32
    %lt3A_24 = arith.cmpi slt, %rem3A_21, %lt3A : i32
    %lt3A_25 = arith.constant 0 : i32
    %lt3A_26 = arith.cmpi slt, %select_n3A_20, %lt3A_25 : i32
    %ne3A_27 = arith.xori %lt3A_24, %lt3A_26 : i1
    %and3A_28 = arith.andi %ne3A_27, %ne3A_23 : i1
    %add3A_29 = arith.addi %rem3A_21, %select_n3A_20 : i32
    %select_n3A_30 = arith.select %and3A_28, %add3A_29, %rem3A_21 : i32
    %mul3A_31 = arith.constant 128 : i32
    %mul3A_32 = arith.muli %select_n3A_30, %mul3A_31 : i32
    %iota3A = tpu.iota {dimensions = array<i32: 0>} : vector<16xi32>
    %mul3A_33 = arith.constant 432 : i32
    %mul3A_34 = vector.broadcast %mul3A_33 : i32 to vector<16xi32>
    %mul3A_35 = arith.muli %iota3A, %mul3A_34 : vector<16xi32>
    %broadcast_in_dim3A = arith.constant 1 : i32
    %broadcast_in_dim3A_36 = vector.broadcast %broadcast_in_dim3A : i32 to vector<16xi32>
    %broadcast_in_dim3A_37 = arith.constant 0 : i32
    %broadcast_in_dim3A_38 = vector.broadcast %broadcast_in_dim3A_37 : i32 to vector<16xi32>
    %broadcast_in_dim3A_39 = arith.constant 0 : i32
    %broadcast_in_dim3A_40 = vector.broadcast %broadcast_in_dim3A_39 : i32 to vector<16xi32>
    %broadcast_in_dim3A_41 = arith.constant 1 : i32
    %broadcast_in_dim3A_42 = vector.broadcast %broadcast_in_dim3A_41 : i32 to vector<16xi32>
    %broadcast_in_dim3A_43 = arith.constant 2 : i32
    %broadcast_in_dim3A_44 = vector.broadcast %broadcast_in_dim3A_43 : i32 to vector<16xi32>
    %broadcast_in_dim3A_45 = arith.constant 3 : i32
    %broadcast_in_dim3A_46 = vector.broadcast %broadcast_in_dim3A_45 : i32 to vector<16xi32>
    %broadcast_in_dim3A_47 = arith.constant 4 : i32
    %broadcast_in_dim3A_48 = vector.broadcast %broadcast_in_dim3A_47 : i32 to vector<16xi32>
    %broadcast_in_dim3A_49 = arith.constant 5 : i32
    %broadcast_in_dim3A_50 = vector.broadcast %broadcast_in_dim3A_49 : i32 to vector<16xi32>
    %broadcast_in_dim3A_51 = arith.constant 6 : i32
    %broadcast_in_dim3A_52 = vector.broadcast %broadcast_in_dim3A_51 : i32 to vector<16xi32>
    %broadcast_in_dim3A_53 = arith.constant 7 : i32
    %broadcast_in_dim3A_54 = vector.broadcast %broadcast_in_dim3A_53 : i32 to vector<16xi32>
    %broadcast_in_dim3A_55 = arith.constant 8 : i32
    %broadcast_in_dim3A_56 = vector.broadcast %broadcast_in_dim3A_55 : i32 to vector<16xi32>
    %broadcast_in_dim3A_57 = arith.constant 9 : i32
    %broadcast_in_dim3A_58 = vector.broadcast %broadcast_in_dim3A_57 : i32 to vector<16xi32>
    %broadcast_in_dim3A_59 = arith.constant 10 : i32
    %broadcast_in_dim3A_60 = vector.broadcast %broadcast_in_dim3A_59 : i32 to vector<16xi32>
    %broadcast_in_dim3A_61 = arith.constant 11 : i32
    %broadcast_in_dim3A_62 = vector.broadcast %broadcast_in_dim3A_61 : i32 to vector<16xi32>
    %broadcast_in_dim3A_63 = arith.constant 12 : i32
    %broadcast_in_dim3A_64 = vector.broadcast %broadcast_in_dim3A_63 : i32 to vector<16xi32>
    %broadcast_in_dim3A_65 = arith.constant 13 : i32
    %broadcast_in_dim3A_66 = vector.broadcast %broadcast_in_dim3A_65 : i32 to vector<16xi32>
    %broadcast_in_dim3A_67 = arith.constant 14 : i32
    %broadcast_in_dim3A_68 = vector.broadcast %broadcast_in_dim3A_67 : i32 to vector<16xi32>
    %broadcast_in_dim3A_69 = arith.constant 15 : i32
    %broadcast_in_dim3A_70 = vector.broadcast %broadcast_in_dim3A_69 : i32 to vector<16xi32>
    %broadcast_in_dim3A_71 = arith.constant 16 : i32
    %broadcast_in_dim3A_72 = vector.broadcast %broadcast_in_dim3A_71 : i32 to vector<16xi32>
    %broadcast_in_dim3A_73 = arith.constant 17 : i32
    %broadcast_in_dim3A_74 = vector.broadcast %broadcast_in_dim3A_73 : i32 to vector<16xi32>
    %broadcast_in_dim3A_75 = arith.constant 18 : i32
    %broadcast_in_dim3A_76 = vector.broadcast %broadcast_in_dim3A_75 : i32 to vector<16xi32>
    %broadcast_in_dim3A_77 = arith.constant 19 : i32
    %broadcast_in_dim3A_78 = vector.broadcast %broadcast_in_dim3A_77 : i32 to vector<16xi32>
    %broadcast_in_dim3A_79 = arith.constant 20 : i32
    %broadcast_in_dim3A_80 = vector.broadcast %broadcast_in_dim3A_79 : i32 to vector<16xi32>
    %scan3A = arith.constant 0 : i32
    %scan3A_81 = arith.constant 0 : i32
    %scan3A_82 = arith.constant 432 : i32
    %scan3A_83 = arith.addi %scan3A_81, %scan3A_82 : i32
    %scan3A_84 = arith.constant 1 : i32
    %scan3A_85 = scf.for %scan3A_459 = %scan3A_81 to %scan3A_83 step %scan3A_84 iter_args(%scan3A_460 = %scan3A) -> (i32)  : i32 {
      %mul3A_461 = arith.constant 16 : i32
      %mul3A_462 = arith.muli %scan3A_459, %mul3A_461 : i32
      %swap3A = arith.index_cast %mul3A_462 : i32 to index
      %swap3A_463 = tpu.vector_load %arg10[%swap3A] {strides = array<i32>} : memref<6912xi32, #tpu.memory_space<vmem>>, vector<16xi32>,
      tpu.vector_store %arg10[%swap3A], %broadcast_in_dim3A_38 {strides = array<i32>} : memref<6912xi32, #tpu.memory_space<vmem>>, vector<16xi32>,
      %scan3A_464 = arith.constant 0 : i32
      scf.yield %scan3A_464 : i32
    }
    %scan3A_86 = arith.constant 432 : i32
    %scan3A_87 = arith.constant 0 : i32
    %scan3A_88 = arith.constant 0 : i32
    %scan3A_89 = arith.constant 128 : i32
    %scan3A_90 = arith.addi %scan3A_88, %scan3A_89 : i32
    %scan3A_91 = arith.constant 1 : i32
    %scan3A_92 = scf.for %scan3A_459 = %scan3A_88 to %scan3A_90 step %scan3A_91 iter_args(%scan3A_460 = %scan3A_87) -> (i32)  : i32 {
      %mul3A_461 = arith.constant 16 : i32
      %mul3A_462 = arith.muli %scan3A_459, %mul3A_461 : i32
      %swap3A = arith.index_cast %mul3A_462 : i32 to index
      %swap3A_463 = tpu.vector_load %arg9[%swap3A] {strides = array<i32>} : memref<2048xi32, #tpu.memory_space<vmem>>, vector<16xi32>,
      tpu.vector_store %arg9[%swap3A], %broadcast_in_dim3A_38 {strides = array<i32>} : memref<2048xi32, #tpu.memory_space<vmem>>, vector<16xi32>,
      %scan3A_464 = arith.constant 0 : i32
      scf.yield %scan3A_464 : i32
    }
    %scan3A_93 = arith.constant 128 : i32
    %add3A_94 = arith.constant 0 : i32
    %add3A_95 = arith.addi %mul3A_32, %add3A_94 : i32
    %dma_start3A = arith.constant 0 : i32
    %dma_start3A_96 = tpu.memref_slice %arg3[%select_n3A, %add3A_95, %dma_start3A] : memref<8x512x512xi32, #tpu.memory_space<hbm>> -> memref<1x8x256xi32, #tpu.memory_space<hbm>>
    %dma_start3A_97 = tpu.memref_squeeze %dma_start3A_96 : memref<1x8x256xi32, #tpu.memory_space<hbm>> -> memref<8x256xi32, #tpu.memory_space<hbm>>
    %dma_start3A_98 = arith.constant 0 : i32
    %dma_start3A_99 = tpu.memref_slice %arg3[%select_n3A, %add3A_95, %dma_start3A_98] : memref<8x512x512xi32, #tpu.memory_space<hbm>> -> memref<1x8x256xi32, #tpu.memory_space<hbm>>
    %dma_start3A_100 = tpu.memref_squeeze %dma_start3A_99 : memref<1x8x256xi32, #tpu.memory_space<hbm>> -> memref<8x256xi32, #tpu.memory_space<hbm>>
    tpu.enqueue_dma source(%dma_start3A_100 : memref<8x256xi32, #tpu.memory_space<hbm>>) target(%arg7 : memref<8x256xi32, #tpu.memory_space<vmem>>) target_semaphore(%arg14 : memref<!tpu.dma_semaphore, #tpu.memory_space<semaphore_mem>>)
    %add3A_101 = arith.constant 0 : i32
    %add3A_102 = arith.addi %mul3A_32, %add3A_101 : i32
    %dma_start3A_103 = arith.constant 0 : i32
    %dma_start3A_104 = arith.constant 0 : i32
    %dma_start3A_105 = arith.constant 0 : i32
    %dma_start3A_106 = tpu.memref_slice %arg5[%dma_start3A_103, %dma_start3A_104, %dma_start3A_105] : memref<21x8x256xf32, #tpu.memory_space<vmem>> -> memref<1x8x256xf32, #tpu.memory_space<vmem>>
    %dma_start3A_107 = arith.constant 0 : i32
    %dma_start3A_108 = arith.constant 0 : i32
    %dma_start3A_109 = tpu.memref_slice %arg2[%select_n3A, %dma_start3A_107, %add3A_102, %dma_start3A_108] : memref<8x21x512x512xf32, #tpu.memory_space<hbm>> -> memref<1x1x8x256xf32, #tpu.memory_space<hbm>>
    %dma_start3A_110 = tpu.memref_squeeze %dma_start3A_109 : memref<1x1x8x256xf32, #tpu.memory_space<hbm>> -> memref<1x8x256xf32, #tpu.memory_space<hbm>>
    %dma_start3A_111 = arith.constant 0 : i32
    %dma_start3A_112 = arith.constant 0 : i32
    %dma_start3A_113 = arith.constant 0 : i32
    %dma_start3A_114 = tpu.memref_slice %arg5[%dma_start3A_111, %dma_start3A_112, %dma_start3A_113] : memref<21x8x256xf32, #tpu.memory_space<vmem>> -> memref<1x8x256xf32, #tpu.memory_space<vmem>>
    %dma_start3A_115 = arith.constant 0 : i32
    %dma_start3A_116 = arith.constant 0 : i32
    %dma_start3A_117 = tpu.memref_slice %arg2[%select_n3A, %dma_start3A_115, %add3A_102, %dma_start3A_116] : memref<8x21x512x512xf32, #tpu.memory_space<hbm>> -> memref<1x1x8x256xf32, #tpu.memory_space<hbm>>
    %dma_start3A_118 = tpu.memref_squeeze %dma_start3A_117 : memref<1x1x8x256xf32, #tpu.memory_space<hbm>> -> memref<1x8x256xf32, #tpu.memory_space<hbm>>
    tpu.enqueue_dma source(%dma_start3A_118 : memref<1x8x256xf32, #tpu.memory_space<hbm>>) target(%dma_start3A_114 : memref<1x8x256xf32, #tpu.memory_space<vmem>>) target_semaphore(%arg12 : memref<!tpu.dma_semaphore, #tpu.memory_space<semaphore_mem>>)
    %dma_start3A_119 = arith.constant 1 : i32
    %dma_start3A_120 = arith.constant 0 : i32
    %dma_start3A_121 = arith.constant 0 : i32
    %dma_start3A_122 = tpu.memref_slice %arg5[%dma_start3A_119, %dma_start3A_120, %dma_start3A_121] : memref<21x8x256xf32, #tpu.memory_space<vmem>> -> memref<1x8x256xf32, #tpu.memory_space<vmem>>
    %dma_start3A_123 = arith.constant 1 : i32
    %dma_start3A_124 = arith.constant 0 : i32
    %dma_start3A_125 = tpu.memref_slice %arg2[%select_n3A, %dma_start3A_123, %add3A_102, %dma_start3A_124] : memref<8x21x512x512xf32, #tpu.memory_space<hbm>> -> memref<1x1x8x256xf32, #tpu.memory_space<hbm>>
    %dma_start3A_126 = tpu.memref_squeeze %dma_start3A_125 : memref<1x1x8x256xf32, #tpu.memory_space<hbm>> -> memref<1x8x256xf32, #tpu.memory_space<hbm>>
    %dma_start3A_127 = arith.constant 1 : i32
    %dma_start3A_128 = arith.constant 0 : i32
    %dma_start3A_129 = arith.constant 0 : i32
    %dma_start3A_130 = tpu.memref_slice %arg5[%dma_start3A_127, %dma_start3A_128, %dma_start3A_129] : memref<21x8x256xf32, #tpu.memory_space<vmem>> -> memref<1x8x256xf32, #tpu.memory_space<vmem>>
    %dma_start3A_131 = arith.constant 1 : i32
    %dma_start3A_132 = arith.constant 0 : i32
    %dma_start3A_133 = tpu.memref_slice %arg2[%select_n3A, %dma_start3A_131, %add3A_102, %dma_start3A_132] : memref<8x21x512x512xf32, #tpu.memory_space<hbm>> -> memref<1x1x8x256xf32, #tpu.memory_space<hbm>>
    %dma_start3A_134 = tpu.memref_squeeze %dma_start3A_133 : memref<1x1x8x256xf32, #tpu.memory_space<hbm>> -> memref<1x8x256xf32, #tpu.memory_space<hbm>>
    tpu.enqueue_dma source(%dma_start3A_134 : memref<1x8x256xf32, #tpu.memory_space<hbm>>) target(%dma_start3A_130 : memref<1x8x256xf32, #tpu.memory_space<vmem>>) target_semaphore(%arg12 : memref<!tpu.dma_semaphore, #tpu.memory_space<semaphore_mem>>)
    %dma_start3A_135 = arith.constant 2 : i32
    %dma_start3A_136 = arith.constant 0 : i32
    %dma_start3A_137 = arith.constant 0 : i32
    %dma_start3A_138 = tpu.memref_slice %arg5[%dma_start3A_135, %dma_start3A_136, %dma_start3A_137] : memref<21x8x256xf32, #tpu.memory_space<vmem>> -> memref<1x8x256xf32, #tpu.memory_space<vmem>>
    %dma_start3A_139 = arith.constant 2 : i32
    %dma_start3A_140 = arith.constant 0 : i32
    %dma_start3A_141 = tpu.memref_slice %arg2[%select_n3A, %dma_start3A_139, %add3A_102, %dma_start3A_140] : memref<8x21x512x512xf32, #tpu.memory_space<hbm>> -> memref<1x1x8x256xf32, #tpu.memory_space<hbm>>
    %dma_start3A_142 = tpu.memref_squeeze %dma_start3A_141 : memref<1x1x8x256xf32, #tpu.memory_space<hbm>> -> memref<1x8x256xf32, #tpu.memory_space<hbm>>
    %dma_start3A_143 = arith.constant 2 : i32
    %dma_start3A_144 = arith.constant 0 : i32
    %dma_start3A_145 = arith.constant 0 : i32
    %dma_start3A_146 = tpu.memref_slice %arg5[%dma_start3A_143, %dma_start3A_144, %dma_start3A_145] : memref<21x8x256xf32, #tpu.memory_space<vmem>> -> memref<1x8x256xf32, #tpu.memory_space<vmem>>
    %dma_start3A_147 = arith.constant 2 : i32
    %dma_start3A_148 = arith.constant 0 : i32
    %dma_start3A_149 = tpu.memref_slice %arg2[%select_n3A, %dma_start3A_147, %add3A_102, %dma_start3A_148] : memref<8x21x512x512xf32, #tpu.memory_space<hbm>> -> memref<1x1x8x256xf32, #tpu.memory_space<hbm>>
    %dma_start3A_150 = tpu.memref_squeeze %dma_start3A_149 : memref<1x1x8x256xf32, #tpu.memory_space<hbm>> -> memref<1x8x256xf32, #tpu.memory_space<hbm>>
    tpu.enqueue_dma source(%dma_start3A_150 : memref<1x8x256xf32, #tpu.memory_space<hbm>>) target(%dma_start3A_146 : memref<1x8x256xf32, #tpu.memory_space<vmem>>) target_semaphore(%arg12 : memref<!tpu.dma_semaphore, #tpu.memory_space<semaphore_mem>>)
    %dma_start3A_151 = arith.constant 3 : i32
    %dma_start3A_152 = arith.constant 0 : i32
    %dma_start3A_153 = arith.constant 0 : i32
    %dma_start3A_154 = tpu.memref_slice %arg5[%dma_start3A_151, %dma_start3A_152, %dma_start3A_153] : memref<21x8x256xf32, #tpu.memory_space<vmem>> -> memref<1x8x256xf32, #tpu.memory_space<vmem>>
    %dma_start3A_155 = arith.constant 3 : i32
    %dma_start3A_156 = arith.constant 0 : i32
    %dma_start3A_157 = tpu.memref_slice %arg2[%select_n3A, %dma_start3A_155, %add3A_102, %dma_start3A_156] : memref<8x21x512x512xf32, #tpu.memory_space<hbm>> -> memref<1x1x8x256xf32, #tpu.memory_space<hbm>>
    %dma_start3A_158 = tpu.memref_squeeze %dma_start3A_157 : memref<1x1x8x256xf32, #tpu.memory_space<hbm>> -> memref<1x8x256xf32, #tpu.memory_space<hbm>>
    %dma_start3A_159 = arith.constant 3 : i32
    %dma_start3A_160 = arith.constant 0 : i32
    %dma_start3A_161 = arith.constant 0 : i32
    %dma_start3A_162 = tpu.memref_slice %arg5[%dma_start3A_159, %dma_start3A_160, %dma_start3A_161] : memref<21x8x256xf32, #tpu.memory_space<vmem>> -> memref<1x8x256xf32, #tpu.memory_space<vmem>>
    %dma_start3A_163 = arith.constant 3 : i32
    %dma_start3A_164 = arith.constant 0 : i32
    %dma_start3A_165 = tpu.memref_slice %arg2[%select_n3A, %dma_start3A_163, %add3A_102, %dma_start3A_164] : memref<8x21x512x512xf32, #tpu.memory_space<hbm>> -> memref<1x1x8x256xf32, #tpu.memory_space<hbm>>
    %dma_start3A_166 = tpu.memref_squeeze %dma_start3A_165 : memref<1x1x8x256xf32, #tpu.memory_space<hbm>> -> memref<1x8x256xf32, #tpu.memory_space<hbm>>
    tpu.enqueue_dma source(%dma_start3A_166 : memref<1x8x256xf32, #tpu.memory_space<hbm>>) target(%dma_start3A_162 : memref<1x8x256xf32, #tpu.memory_space<vmem>>) target_semaphore(%arg12 : memref<!tpu.dma_semaphore, #tpu.memory_space<semaphore_mem>>)
    %dma_start3A_167 = arith.constant 4 : i32
    %dma_start3A_168 = arith.constant 0 : i32
    %dma_start3A_169 = arith.constant 0 : i32
    %dma_start3A_170 = tpu.memref_slice %arg5[%dma_start3A_167, %dma_start3A_168, %dma_start3A_169] : memref<21x8x256xf32, #tpu.memory_space<vmem>> -> memref<1x8x256xf32, #tpu.memory_space<vmem>>
    %dma_start3A_171 = arith.constant 4 : i32
    %dma_start3A_172 = arith.constant 0 : i32
    %dma_start3A_173 = tpu.memref_slice %arg2[%select_n3A, %dma_start3A_171, %add3A_102, %dma_start3A_172] : memref<8x21x512x512xf32, #tpu.memory_space<hbm>> -> memref<1x1x8x256xf32, #tpu.memory_space<hbm>>
    %dma_start3A_174 = tpu.memref_squeeze %dma_start3A_173 : memref<1x1x8x256xf32, #tpu.memory_space<hbm>> -> memref<1x8x256xf32, #tpu.memory_space<hbm>>
    %dma_start3A_175 = arith.constant 4 : i32
    %dma_start3A_176 = arith.constant 0 : i32
    %dma_start3A_177 = arith.constant 0 : i32
    %dma_start3A_178 = tpu.memref_slice %arg5[%dma_start3A_175, %dma_start3A_176, %dma_start3A_177] : memref<21x8x256xf32, #tpu.memory_space<vmem>> -> memref<1x8x256xf32, #tpu.memory_space<vmem>>
    %dma_start3A_179 = arith.constant 4 : i32
    %dma_start3A_180 = arith.constant 0 : i32
    %dma_start3A_181 = tpu.memref_slice %arg2[%select_n3A, %dma_start3A_179, %add3A_102, %dma_start3A_180] : memref<8x21x512x512xf32, #tpu.memory_space<hbm>> -> memref<1x1x8x256xf32, #tpu.memory_space<hbm>>
    %dma_start3A_182 = tpu.memref_squeeze %dma_start3A_181 : memref<1x1x8x256xf32, #tpu.memory_space<hbm>> -> memref<1x8x256xf32, #tpu.memory_space<hbm>>
    tpu.enqueue_dma source(%dma_start3A_182 : memref<1x8x256xf32, #tpu.memory_space<hbm>>) target(%dma_start3A_178 : memref<1x8x256xf32, #tpu.memory_space<vmem>>) target_semaphore(%arg12 : memref<!tpu.dma_semaphore, #tpu.memory_space<semaphore_mem>>)
    %dma_start3A_183 = arith.constant 5 : i32
    %dma_start3A_184 = arith.constant 0 : i32
    %dma_start3A_185 = arith.constant 0 : i32
    %dma_start3A_186 = tpu.memref_slice %arg5[%dma_start3A_183, %dma_start3A_184, %dma_start3A_185] : memref<21x8x256xf32, #tpu.memory_space<vmem>> -> memref<1x8x256xf32, #tpu.memory_space<vmem>>
    %dma_start3A_187 = arith.constant 5 : i32
    %dma_start3A_188 = arith.constant 0 : i32
    %dma_start3A_189 = tpu.memref_slice %arg2[%select_n3A, %dma_start3A_187, %add3A_102, %dma_start3A_188] : memref<8x21x512x512xf32, #tpu.memory_space<hbm>> -> memref<1x1x8x256xf32, #tpu.memory_space<hbm>>
    %dma_start3A_190 = tpu.memref_squeeze %dma_start3A_189 : memref<1x1x8x256xf32, #tpu.memory_space<hbm>> -> memref<1x8x256xf32, #tpu.memory_space<hbm>>
    %dma_start3A_191 = arith.constant 5 : i32
    %dma_start3A_192 = arith.constant 0 : i32
    %dma_start3A_193 = arith.constant 0 : i32
    %dma_start3A_194 = tpu.memref_slice %arg5[%dma_start3A_191, %dma_start3A_192, %dma_start3A_193] : memref<21x8x256xf32, #tpu.memory_space<vmem>> -> memref<1x8x256xf32, #tpu.memory_space<vmem>>
    %dma_start3A_195 = arith.constant 5 : i32
    %dma_start3A_196 = arith.constant 0 : i32
    %dma_start3A_197 = tpu.memref_slice %arg2[%select_n3A, %dma_start3A_195, %add3A_102, %dma_start3A_196] : memref<8x21x512x512xf32, #tpu.memory_space<hbm>> -> memref<1x1x8x256xf32, #tpu.memory_space<hbm>>
    %dma_start3A_198 = tpu.memref_squeeze %dma_start3A_197 : memref<1x1x8x256xf32, #tpu.memory_space<hbm>> -> memref<1x8x256xf32, #tpu.memory_space<hbm>>
    tpu.enqueue_dma source(%dma_start3A_198 : memref<1x8x256xf32, #tpu.memory_space<hbm>>) target(%dma_start3A_194 : memref<1x8x256xf32, #tpu.memory_space<vmem>>) target_semaphore(%arg12 : memref<!tpu.dma_semaphore, #tpu.memory_space<semaphore_mem>>)
    %dma_start3A_199 = arith.constant 6 : i32
    %dma_start3A_200 = arith.constant 0 : i32
    %dma_start3A_201 = arith.constant 0 : i32
    %dma_start3A_202 = tpu.memref_slice %arg5[%dma_start3A_199, %dma_start3A_200, %dma_start3A_201] : memref<21x8x256xf32, #tpu.memory_space<vmem>> -> memref<1x8x256xf32, #tpu.memory_space<vmem>>
    %dma_start3A_203 = arith.constant 6 : i32
    %dma_start3A_204 = arith.constant 0 : i32
    %dma_start3A_205 = tpu.memref_slice %arg2[%select_n3A, %dma_start3A_203, %add3A_102, %dma_start3A_204] : memref<8x21x512x512xf32, #tpu.memory_space<hbm>> -> memref<1x1x8x256xf32, #tpu.memory_space<hbm>>
    %dma_start3A_206 = tpu.memref_squeeze %dma_start3A_205 : memref<1x1x8x256xf32, #tpu.memory_space<hbm>> -> memref<1x8x256xf32, #tpu.memory_space<hbm>>
    %dma_start3A_207 = arith.constant 6 : i32
    %dma_start3A_208 = arith.constant 0 : i32
    %dma_start3A_209 = arith.constant 0 : i32
    %dma_start3A_210 = tpu.memref_slice %arg5[%dma_start3A_207, %dma_start3A_208, %dma_start3A_209] : memref<21x8x256xf32, #tpu.memory_space<vmem>> -> memref<1x8x256xf32, #tpu.memory_space<vmem>>
    %dma_start3A_211 = arith.constant 6 : i32
    %dma_start3A_212 = arith.constant 0 : i32
    %dma_start3A_213 = tpu.memref_slice %arg2[%select_n3A, %dma_start3A_211, %add3A_102, %dma_start3A_212] : memref<8x21x512x512xf32, #tpu.memory_space<hbm>> -> memref<1x1x8x256xf32, #tpu.memory_space<hbm>>
    %dma_start3A_214 = tpu.memref_squeeze %dma_start3A_213 : memref<1x1x8x256xf32, #tpu.memory_space<hbm>> -> memref<1x8x256xf32, #tpu.memory_space<hbm>>
    tpu.enqueue_dma source(%dma_start3A_214 : memref<1x8x256xf32, #tpu.memory_space<hbm>>) target(%dma_start3A_210 : memref<1x8x256xf32, #tpu.memory_space<vmem>>) target_semaphore(%arg12 : memref<!tpu.dma_semaphore, #tpu.memory_space<semaphore_mem>>)
    %dma_start3A_215 = arith.constant 7 : i32
    %dma_start3A_216 = arith.constant 0 : i32
    %dma_start3A_217 = arith.constant 0 : i32
    %dma_start3A_218 = tpu.memref_slice %arg5[%dma_start3A_215, %dma_start3A_216, %dma_start3A_217] : memref<21x8x256xf32, #tpu.memory_space<vmem>> -> memref<1x8x256xf32, #tpu.memory_space<vmem>>
    %dma_start3A_219 = arith.constant 7 : i32
    %dma_start3A_220 = arith.constant 0 : i32
    %dma_start3A_221 = tpu.memref_slice %arg2[%select_n3A, %dma_start3A_219, %add3A_102, %dma_start3A_220] : memref<8x21x512x512xf32, #tpu.memory_space<hbm>> -> memref<1x1x8x256xf32, #tpu.memory_space<hbm>>
    %dma_start3A_222 = tpu.memref_squeeze %dma_start3A_221 : memref<1x1x8x256xf32, #tpu.memory_space<hbm>> -> memref<1x8x256xf32, #tpu.memory_space<hbm>>
    %dma_start3A_223 = arith.constant 7 : i32
    %dma_start3A_224 = arith.constant 0 : i32
    %dma_start3A_225 = arith.constant 0 : i32
    %dma_start3A_226 = tpu.memref_slice %arg5[%dma_start3A_223, %dma_start3A_224, %dma_start3A_225] : memref<21x8x256xf32, #tpu.memory_space<vmem>> -> memref<1x8x256xf32, #tpu.memory_space<vmem>>
    %dma_start3A_227 = arith.constant 7 : i32
    %dma_start3A_228 = arith.constant 0 : i32
    %dma_start3A_229 = tpu.memref_slice %arg2[%select_n3A, %dma_start3A_227, %add3A_102, %dma_start3A_228] : memref<8x21x512x512xf32, #tpu.memory_space<hbm>> -> memref<1x1x8x256xf32, #tpu.memory_space<hbm>>
    %dma_start3A_230 = tpu.memref_squeeze %dma_start3A_229 : memref<1x1x8x256xf32, #tpu.memory_space<hbm>> -> memref<1x8x256xf32, #tpu.memory_space<hbm>>
    tpu.enqueue_dma source(%dma_start3A_230 : memref<1x8x256xf32, #tpu.memory_space<hbm>>) target(%dma_start3A_226 : memref<1x8x256xf32, #tpu.memory_space<vmem>>) target_semaphore(%arg12 : memref<!tpu.dma_semaphore, #tpu.memory_space<semaphore_mem>>)
    %dma_start3A_231 = arith.constant 8 : i32
    %dma_start3A_232 = arith.constant 0 : i32
    %dma_start3A_233 = arith.constant 0 : i32
    %dma_start3A_234 = tpu.memref_slice %arg5[%dma_start3A_231, %dma_start3A_232, %dma_start3A_233] : memref<21x8x256xf32, #tpu.memory_space<vmem>> -> memref<1x8x256xf32, #tpu.memory_space<vmem>>
    %dma_start3A_235 = arith.constant 8 : i32
    %dma_start3A_236 = arith.constant 0 : i32
    %dma_start3A_237 = tpu.memref_slice %arg2[%select_n3A, %dma_start3A_235, %add3A_102, %dma_start3A_236] : memref<8x21x512x512xf32, #tpu.memory_space<hbm>> -> memref<1x1x8x256xf32, #tpu.memory_space<hbm>>
    %dma_start3A_238 = tpu.memref_squeeze %dma_start3A_237 : memref<1x1x8x256xf32, #tpu.memory_space<hbm>> -> memref<1x8x256xf32, #tpu.memory_space<hbm>>
    %dma_start3A_239 = arith.constant 8 : i32
    %dma_start3A_240 = arith.constant 0 : i32
    %dma_start3A_241 = arith.constant 0 : i32
    %dma_start3A_242 = tpu.memref_slice %arg5[%dma_start3A_239, %dma_start3A_240, %dma_start3A_241] : memref<21x8x256xf32, #tpu.memory_space<vmem>> -> memref<1x8x256xf32, #tpu.memory_space<vmem>>
    %dma_start3A_243 = arith.constant 8 : i32
    %dma_start3A_244 = arith.constant 0 : i32
    %dma_start3A_245 = tpu.memref_slice %arg2[%select_n3A, %dma_start3A_243, %add3A_102, %dma_start3A_244] : memref<8x21x512x512xf32, #tpu.memory_space<hbm>> -> memref<1x1x8x256xf32, #tpu.memory_space<hbm>>
    %dma_start3A_246 = tpu.memref_squeeze %dma_start3A_245 : memref<1x1x8x256xf32, #tpu.memory_space<hbm>> -> memref<1x8x256xf32, #tpu.memory_space<hbm>>
    tpu.enqueue_dma source(%dma_start3A_246 : memref<1x8x256xf32, #tpu.memory_space<hbm>>) target(%dma_start3A_242 : memref<1x8x256xf32, #tpu.memory_space<vmem>>) target_semaphore(%arg12 : memref<!tpu.dma_semaphore, #tpu.memory_space<semaphore_mem>>)
    %dma_start3A_247 = arith.constant 9 : i32
    %dma_start3A_248 = arith.constant 0 : i32
    %dma_start3A_249 = arith.constant 0 : i32
    %dma_start3A_250 = tpu.memref_slice %arg5[%dma_start3A_247, %dma_start3A_248, %dma_start3A_249] : memref<21x8x256xf32, #tpu.memory_space<vmem>> -> memref<1x8x256xf32, #tpu.memory_space<vmem>>
    %dma_start3A_251 = arith.constant 9 : i32
    %dma_start3A_252 = arith.constant 0 : i32
    %dma_start3A_253 = tpu.memref_slice %arg2[%select_n3A, %dma_start3A_251, %add3A_102, %dma_start3A_252] : memref<8x21x512x512xf32, #tpu.memory_space<hbm>> -> memref<1x1x8x256xf32, #tpu.memory_space<hbm>>
    %dma_start3A_254 = tpu.memref_squeeze %dma_start3A_253 : memref<1x1x8x256xf32, #tpu.memory_space<hbm>> -> memref<1x8x256xf32, #tpu.memory_space<hbm>>
    %dma_start3A_255 = arith.constant 9 : i32
    %dma_start3A_256 = arith.constant 0 : i32
    %dma_start3A_257 = arith.constant 0 : i32
    %dma_start3A_258 = tpu.memref_slice %arg5[%dma_start3A_255, %dma_start3A_256, %dma_start3A_257] : memref<21x8x256xf32, #tpu.memory_space<vmem>> -> memref<1x8x256xf32, #tpu.memory_space<vmem>>
    %dma_start3A_259 = arith.constant 9 : i32
    %dma_start3A_260 = arith.constant 0 : i32
    %dma_start3A_261 = tpu.memref_slice %arg2[%select_n3A, %dma_start3A_259, %add3A_102, %dma_start3A_260] : memref<8x21x512x512xf32, #tpu.memory_space<hbm>> -> memref<1x1x8x256xf32, #tpu.memory_space<hbm>>
    %dma_start3A_262 = tpu.memref_squeeze %dma_start3A_261 : memref<1x1x8x256xf32, #tpu.memory_space<hbm>> -> memref<1x8x256xf32, #tpu.memory_space<hbm>>
    tpu.enqueue_dma source(%dma_start3A_262 : memref<1x8x256xf32, #tpu.memory_space<hbm>>) target(%dma_start3A_258 : memref<1x8x256xf32, #tpu.memory_space<vmem>>) target_semaphore(%arg12 : memref<!tpu.dma_semaphore, #tpu.memory_space<semaphore_mem>>)
    %dma_start3A_263 = arith.constant 10 : i32
    %dma_start3A_264 = arith.constant 0 : i32
    %dma_start3A_265 = arith.constant 0 : i32
    %dma_start3A_266 = tpu.memref_slice %arg5[%dma_start3A_263, %dma_start3A_264, %dma_start3A_265] : memref<21x8x256xf32, #tpu.memory_space<vmem>> -> memref<1x8x256xf32, #tpu.memory_space<vmem>>
    %dma_start3A_267 = arith.constant 10 : i32
    %dma_start3A_268 = arith.constant 0 : i32
    %dma_start3A_269 = tpu.memref_slice %arg2[%select_n3A, %dma_start3A_267, %add3A_102, %dma_start3A_268] : memref<8x21x512x512xf32, #tpu.memory_space<hbm>> -> memref<1x1x8x256xf32, #tpu.memory_space<hbm>>
    %dma_start3A_270 = tpu.memref_squeeze %dma_start3A_269 : memref<1x1x8x256xf32, #tpu.memory_space<hbm>> -> memref<1x8x256xf32, #tpu.memory_space<hbm>>
    %dma_start3A_271 = arith.constant 10 : i32
    %dma_start3A_272 = arith.constant 0 : i32
    %dma_start3A_273 = arith.constant 0 : i32
    %dma_start3A_274 = tpu.memref_slice %arg5[%dma_start3A_271, %dma_start3A_272, %dma_start3A_273] : memref<21x8x256xf32, #tpu.memory_space<vmem>> -> memref<1x8x256xf32, #tpu.memory_space<vmem>>
    %dma_start3A_275 = arith.constant 10 : i32
    %dma_start3A_276 = arith.constant 0 : i32
    %dma_start3A_277 = tpu.memref_slice %arg2[%select_n3A, %dma_start3A_275, %add3A_102, %dma_start3A_276] : memref<8x21x512x512xf32, #tpu.memory_space<hbm>> -> memref<1x1x8x256xf32, #tpu.memory_space<hbm>>
    %dma_start3A_278 = tpu.memref_squeeze %dma_start3A_277 : memref<1x1x8x256xf32, #tpu.memory_space<hbm>> -> memref<1x8x256xf32, #tpu.memory_space<hbm>>
    tpu.enqueue_dma source(%dma_start3A_278 : memref<1x8x256xf32, #tpu.memory_space<hbm>>) target(%dma_start3A_274 : memref<1x8x256xf32, #tpu.memory_space<vmem>>) target_semaphore(%arg12 : memref<!tpu.dma_semaphore, #tpu.memory_space<semaphore_mem>>)
    %dma_start3A_279 = arith.constant 11 : i32
    %dma_start3A_280 = arith.constant 0 : i32
    %dma_start3A_281 = arith.constant 0 : i32
    %dma_start3A_282 = tpu.memref_slice %arg5[%dma_start3A_279, %dma_start3A_280, %dma_start3A_281] : memref<21x8x256xf32, #tpu.memory_space<vmem>> -> memref<1x8x256xf32, #tpu.memory_space<vmem>>
    %dma_start3A_283 = arith.constant 11 : i32
    %dma_start3A_284 = arith.constant 0 : i32
    %dma_start3A_285 = tpu.memref_slice %arg2[%select_n3A, %dma_start3A_283, %add3A_102, %dma_start3A_284] : memref<8x21x512x512xf32, #tpu.memory_space<hbm>> -> memref<1x1x8x256xf32, #tpu.memory_space<hbm>>
    %dma_start3A_286 = tpu.memref_squeeze %dma_start3A_285 : memref<1x1x8x256xf32, #tpu.memory_space<hbm>> -> memref<1x8x256xf32, #tpu.memory_space<hbm>>
    %dma_start3A_287 = arith.constant 11 : i32
    %dma_start3A_288 = arith.constant 0 : i32
    %dma_start3A_289 = arith.constant 0 : i32
    %dma_start3A_290 = tpu.memref_slice %arg5[%dma_start3A_287, %dma_start3A_288, %dma_start3A_289] : memref<21x8x256xf32, #tpu.memory_space<vmem>> -> memref<1x8x256xf32, #tpu.memory_space<vmem>>
    %dma_start3A_291 = arith.constant 11 : i32
    %dma_start3A_292 = arith.constant 0 : i32
    %dma_start3A_293 = tpu.memref_slice %arg2[%select_n3A, %dma_start3A_291, %add3A_102, %dma_start3A_292] : memref<8x21x512x512xf32, #tpu.memory_space<hbm>> -> memref<1x1x8x256xf32, #tpu.memory_space<hbm>>
    %dma_start3A_294 = tpu.memref_squeeze %dma_start3A_293 : memref<1x1x8x256xf32, #tpu.memory_space<hbm>> -> memref<1x8x256xf32, #tpu.memory_space<hbm>>
    tpu.enqueue_dma source(%dma_start3A_294 : memref<1x8x256xf32, #tpu.memory_space<hbm>>) target(%dma_start3A_290 : memref<1x8x256xf32, #tpu.memory_space<vmem>>) target_semaphore(%arg12 : memref<!tpu.dma_semaphore, #tpu.memory_space<semaphore_mem>>)
    %dma_start3A_295 = arith.constant 12 : i32
    %dma_start3A_296 = arith.constant 0 : i32
    %dma_start3A_297 = arith.constant 0 : i32
    %dma_start3A_298 = tpu.memref_slice %arg5[%dma_start3A_295, %dma_start3A_296, %dma_start3A_297] : memref<21x8x256xf32, #tpu.memory_space<vmem>> -> memref<1x8x256xf32, #tpu.memory_space<vmem>>
    %dma_start3A_299 = arith.constant 12 : i32
    %dma_start3A_300 = arith.constant 0 : i32
    %dma_start3A_301 = tpu.memref_slice %arg2[%select_n3A, %dma_start3A_299, %add3A_102, %dma_start3A_300] : memref<8x21x512x512xf32, #tpu.memory_space<hbm>> -> memref<1x1x8x256xf32, #tpu.memory_space<hbm>>
    %dma_start3A_302 = tpu.memref_squeeze %dma_start3A_301 : memref<1x1x8x256xf32, #tpu.memory_space<hbm>> -> memref<1x8x256xf32, #tpu.memory_space<hbm>>
    %dma_start3A_303 = arith.constant 12 : i32
    %dma_start3A_304 = arith.constant 0 : i32
    %dma_start3A_305 = arith.constant 0 : i32
    %dma_start3A_306 = tpu.memref_slice %arg5[%dma_start3A_303, %dma_start3A_304, %dma_start3A_305] : memref<21x8x256xf32, #tpu.memory_space<vmem>> -> memref<1x8x256xf32, #tpu.memory_space<vmem>>
    %dma_start3A_307 = arith.constant 12 : i32
    %dma_start3A_308 = arith.constant 0 : i32
    %dma_start3A_309 = tpu.memref_slice %arg2[%select_n3A, %dma_start3A_307, %add3A_102, %dma_start3A_308] : memref<8x21x512x512xf32, #tpu.memory_space<hbm>> -> memref<1x1x8x256xf32, #tpu.memory_space<hbm>>
    %dma_start3A_310 = tpu.memref_squeeze %dma_start3A_309 : memref<1x1x8x256xf32, #tpu.memory_space<hbm>> -> memref<1x8x256xf32, #tpu.memory_space<hbm>>
    tpu.enqueue_dma source(%dma_start3A_310 : memref<1x8x256xf32, #tpu.memory_space<hbm>>) target(%dma_start3A_306 : memref<1x8x256xf32, #tpu.memory_space<vmem>>) target_semaphore(%arg12 : memref<!tpu.dma_semaphore, #tpu.memory_space<semaphore_mem>>)
    %dma_start3A_311 = arith.constant 13 : i32
    %dma_start3A_312 = arith.constant 0 : i32
    %dma_start3A_313 = arith.constant 0 : i32
    %dma_start3A_314 = tpu.memref_slice %arg5[%dma_start3A_311, %dma_start3A_312, %dma_start3A_313] : memref<21x8x256xf32, #tpu.memory_space<vmem>> -> memref<1x8x256xf32, #tpu.memory_space<vmem>>
    %dma_start3A_315 = arith.constant 13 : i32
    %dma_start3A_316 = arith.constant 0 : i32
    %dma_start3A_317 = tpu.memref_slice %arg2[%select_n3A, %dma_start3A_315, %add3A_102, %dma_start3A_316] : memref<8x21x512x512xf32, #tpu.memory_space<hbm>> -> memref<1x1x8x256xf32, #tpu.memory_space<hbm>>
    %dma_start3A_318 = tpu.memref_squeeze %dma_start3A_317 : memref<1x1x8x256xf32, #tpu.memory_space<hbm>> -> memref<1x8x256xf32, #tpu.memory_space<hbm>>
    %dma_start3A_319 = arith.constant 13 : i32
    %dma_start3A_320 = arith.constant 0 : i32
    %dma_start3A_321 = arith.constant 0 : i32
    %dma_start3A_322 = tpu.memref_slice %arg5[%dma_start3A_319, %dma_start3A_320, %dma_start3A_321] : memref<21x8x256xf32, #tpu.memory_space<vmem>> -> memref<1x8x256xf32, #tpu.memory_space<vmem>>
    %dma_start3A_323 = arith.constant 13 : i32
    %dma_start3A_324 = arith.constant 0 : i32
    %dma_start3A_325 = tpu.memref_slice %arg2[%select_n3A, %dma_start3A_323, %add3A_102, %dma_start3A_324] : memref<8x21x512x512xf32, #tpu.memory_space<hbm>> -> memref<1x1x8x256xf32, #tpu.memory_space<hbm>>
    %dma_start3A_326 = tpu.memref_squeeze %dma_start3A_325 : memref<1x1x8x256xf32, #tpu.memory_space<hbm>> -> memref<1x8x256xf32, #tpu.memory_space<hbm>>
    tpu.enqueue_dma source(%dma_start3A_326 : memref<1x8x256xf32, #tpu.memory_space<hbm>>) target(%dma_start3A_322 : memref<1x8x256xf32, #tpu.memory_space<vmem>>) target_semaphore(%arg12 : memref<!tpu.dma_semaphore, #tpu.memory_space<semaphore_mem>>)
    %dma_start3A_327 = arith.constant 14 : i32
    %dma_start3A_328 = arith.constant 0 : i32
    %dma_start3A_329 = arith.constant 0 : i32
    %dma_start3A_330 = tpu.memref_slice %arg5[%dma_start3A_327, %dma_start3A_328, %dma_start3A_329] : memref<21x8x256xf32, #tpu.memory_space<vmem>> -> memref<1x8x256xf32, #tpu.memory_space<vmem>>
    %dma_start3A_331 = arith.constant 14 : i32
    %dma_start3A_332 = arith.constant 0 : i32
    %dma_start3A_333 = tpu.memref_slice %arg2[%select_n3A, %dma_start3A_331, %add3A_102, %dma_start3A_332] : memref<8x21x512x512xf32, #tpu.memory_space<hbm>> -> memref<1x1x8x256xf32, #tpu.memory_space<hbm>>
    %dma_start3A_334 = tpu.memref_squeeze %dma_start3A_333 : memref<1x1x8x256xf32, #tpu.memory_space<hbm>> -> memref<1x8x256xf32, #tpu.memory_space<hbm>>
    %dma_start3A_335 = arith.constant 14 : i32
    %dma_start3A_336 = arith.constant 0 : i32
    %dma_start3A_337 = arith.constant 0 : i32
    %dma_start3A_338 = tpu.memref_slice %arg5[%dma_start3A_335, %dma_start3A_336, %dma_start3A_337] : memref<21x8x256xf32, #tpu.memory_space<vmem>> -> memref<1x8x256xf32, #tpu.memory_space<vmem>>
    %dma_start3A_339 = arith.constant 14 : i32
    %dma_start3A_340 = arith.constant 0 : i32
    %dma_start3A_341 = tpu.memref_slice %arg2[%select_n3A, %dma_start3A_339, %add3A_102, %dma_start3A_340] : memref<8x21x512x512xf32, #tpu.memory_space<hbm>> -> memref<1x1x8x256xf32, #tpu.memory_space<hbm>>
    %dma_start3A_342 = tpu.memref_squeeze %dma_start3A_341 : memref<1x1x8x256xf32, #tpu.memory_space<hbm>> -> memref<1x8x256xf32, #tpu.memory_space<hbm>>
    tpu.enqueue_dma source(%dma_start3A_342 : memref<1x8x256xf32, #tpu.memory_space<hbm>>) target(%dma_start3A_338 : memref<1x8x256xf32, #tpu.memory_space<vmem>>) target_semaphore(%arg12 : memref<!tpu.dma_semaphore, #tpu.memory_space<semaphore_mem>>)
    %dma_start3A_343 = arith.constant 15 : i32
    %dma_start3A_344 = arith.constant 0 : i32
    %dma_start3A_345 = arith.constant 0 : i32
    %dma_start3A_346 = tpu.memref_slice %arg5[%dma_start3A_343, %dma_start3A_344, %dma_start3A_345] : memref<21x8x256xf32, #tpu.memory_space<vmem>> -> memref<1x8x256xf32, #tpu.memory_space<vmem>>
    %dma_start3A_347 = arith.constant 15 : i32
    %dma_start3A_348 = arith.constant 0 : i32
    %dma_start3A_349 = tpu.memref_slice %arg2[%select_n3A, %dma_start3A_347, %add3A_102, %dma_start3A_348] : memref<8x21x512x512xf32, #tpu.memory_space<hbm>> -> memref<1x1x8x256xf32, #tpu.memory_space<hbm>>
    %dma_start3A_350 = tpu.memref_squeeze %dma_start3A_349 : memref<1x1x8x256xf32, #tpu.memory_space<hbm>> -> memref<1x8x256xf32, #tpu.memory_space<hbm>>
    %dma_start3A_351 = arith.constant 15 : i32
    %dma_start3A_352 = arith.constant 0 : i32
    %dma_start3A_353 = arith.constant 0 : i32
    %dma_start3A_354 = tpu.memref_slice %arg5[%dma_start3A_351, %dma_start3A_352, %dma_start3A_353] : memref<21x8x256xf32, #tpu.memory_space<vmem>> -> memref<1x8x256xf32, #tpu.memory_space<vmem>>
    %dma_start3A_355 = arith.constant 15 : i32
    %dma_start3A_356 = arith.constant 0 : i32
    %dma_start3A_357 = tpu.memref_slice %arg2[%select_n3A, %dma_start3A_355, %add3A_102, %dma_start3A_356] : memref<8x21x512x512xf32, #tpu.memory_space<hbm>> -> memref<1x1x8x256xf32, #tpu.memory_space<hbm>>
    %dma_start3A_358 = tpu.memref_squeeze %dma_start3A_357 : memref<1x1x8x256xf32, #tpu.memory_space<hbm>> -> memref<1x8x256xf32, #tpu.memory_space<hbm>>
    tpu.enqueue_dma source(%dma_start3A_358 : memref<1x8x256xf32, #tpu.memory_space<hbm>>) target(%dma_start3A_354 : memref<1x8x256xf32, #tpu.memory_space<vmem>>) target_semaphore(%arg12 : memref<!tpu.dma_semaphore, #tpu.memory_space<semaphore_mem>>)
    %dma_start3A_359 = arith.constant 16 : i32
    %dma_start3A_360 = arith.constant 0 : i32
    %dma_start3A_361 = arith.constant 0 : i32
    %dma_start3A_362 = tpu.memref_slice %arg5[%dma_start3A_359, %dma_start3A_360, %dma_start3A_361] : memref<21x8x256xf32, #tpu.memory_space<vmem>> -> memref<1x8x256xf32, #tpu.memory_space<vmem>>
    %dma_start3A_363 = arith.constant 16 : i32
    %dma_start3A_364 = arith.constant 0 : i32
    %dma_start3A_365 = tpu.memref_slice %arg2[%select_n3A, %dma_start3A_363, %add3A_102, %dma_start3A_364] : memref<8x21x512x512xf32, #tpu.memory_space<hbm>> -> memref<1x1x8x256xf32, #tpu.memory_space<hbm>>
    %dma_start3A_366 = tpu.memref_squeeze %dma_start3A_365 : memref<1x1x8x256xf32, #tpu.memory_space<hbm>> -> memref<1x8x256xf32, #tpu.memory_space<hbm>>
    %dma_start3A_367 = arith.constant 16 : i32
    %dma_start3A_368 = arith.constant 0 : i32
    %dma_start3A_369 = arith.constant 0 : i32
    %dma_start3A_370 = tpu.memref_slice %arg5[%dma_start3A_367, %dma_start3A_368, %dma_start3A_369] : memref<21x8x256xf32, #tpu.memory_space<vmem>> -> memref<1x8x256xf32, #tpu.memory_space<vmem>>
    %dma_start3A_371 = arith.constant 16 : i32
    %dma_start3A_372 = arith.constant 0 : i32
    %dma_start3A_373 = tpu.memref_slice %arg2[%select_n3A, %dma_start3A_371, %add3A_102, %dma_start3A_372] : memref<8x21x512x512xf32, #tpu.memory_space<hbm>> -> memref<1x1x8x256xf32, #tpu.memory_space<hbm>>
    %dma_start3A_374 = tpu.memref_squeeze %dma_start3A_373 : memref<1x1x8x256xf32, #tpu.memory_space<hbm>> -> memref<1x8x256xf32, #tpu.memory_space<hbm>>
    tpu.enqueue_dma source(%dma_start3A_374 : memref<1x8x256xf32, #tpu.memory_space<hbm>>) target(%dma_start3A_370 : memref<1x8x256xf32, #tpu.memory_space<vmem>>) target_semaphore(%arg12 : memref<!tpu.dma_semaphore, #tpu.memory_space<semaphore_mem>>)
    %dma_start3A_375 = arith.constant 17 : i32
    %dma_start3A_376 = arith.constant 0 : i32
    %dma_start3A_377 = arith.constant 0 : i32
    %dma_start3A_378 = tpu.memref_slice %arg5[%dma_start3A_375, %dma_start3A_376, %dma_start3A_377] : memref<21x8x256xf32, #tpu.memory_space<vmem>> -> memref<1x8x256xf32, #tpu.memory_space<vmem>>
    %dma_start3A_379 = arith.constant 17 : i32
    %dma_start3A_380 = arith.constant 0 : i32
    %dma_start3A_381 = tpu.memref_slice %arg2[%select_n3A, %dma_start3A_379, %add3A_102, %dma_start3A_380] : memref<8x21x512x512xf32, #tpu.memory_space<hbm>> -> memref<1x1x8x256xf32, #tpu.memory_space<hbm>>
    %dma_start3A_382 = tpu.memref_squeeze %dma_start3A_381 : memref<1x1x8x256xf32, #tpu.memory_space<hbm>> -> memref<1x8x256xf32, #tpu.memory_space<hbm>>
    %dma_start3A_383 = arith.constant 17 : i32
    %dma_start3A_384 = arith.constant 0 : i32
    %dma_start3A_385 = arith.constant 0 : i32
    %dma_start3A_386 = tpu.memref_slice %arg5[%dma_start3A_383, %dma_start3A_384, %dma_start3A_385] : memref<21x8x256xf32, #tpu.memory_space<vmem>> -> memref<1x8x256xf32, #tpu.memory_space<vmem>>
    %dma_start3A_387 = arith.constant 17 : i32
    %dma_start3A_388 = arith.constant 0 : i32
    %dma_start3A_389 = tpu.memref_slice %arg2[%select_n3A, %dma_start3A_387, %add3A_102, %dma_start3A_388] : memref<8x21x512x512xf32, #tpu.memory_space<hbm>> -> memref<1x1x8x256xf32, #tpu.memory_space<hbm>>
    %dma_start3A_390 = tpu.memref_squeeze %dma_start3A_389 : memref<1x1x8x256xf32, #tpu.memory_space<hbm>> -> memref<1x8x256xf32, #tpu.memory_space<hbm>>
    tpu.enqueue_dma source(%dma_start3A_390 : memref<1x8x256xf32, #tpu.memory_space<hbm>>) target(%dma_start3A_386 : memref<1x8x256xf32, #tpu.memory_space<vmem>>) target_semaphore(%arg12 : memref<!tpu.dma_semaphore, #tpu.memory_space<semaphore_mem>>)
    %dma_start3A_391 = arith.constant 18 : i32
    %dma_start3A_392 = arith.constant 0 : i32
    %dma_start3A_393 = arith.constant 0 : i32
    %dma_start3A_394 = tpu.memref_slice %arg5[%dma_start3A_391, %dma_start3A_392, %dma_start3A_393] : memref<21x8x256xf32, #tpu.memory_space<vmem>> -> memref<1x8x256xf32, #tpu.memory_space<vmem>>
    %dma_start3A_395 = arith.constant 18 : i32
    %dma_start3A_396 = arith.constant 0 : i32
    %dma_start3A_397 = tpu.memref_slice %arg2[%select_n3A, %dma_start3A_395, %add3A_102, %dma_start3A_396] : memref<8x21x512x512xf32, #tpu.memory_space<hbm>> -> memref<1x1x8x256xf32, #tpu.memory_space<hbm>>
    %dma_start3A_398 = tpu.memref_squeeze %dma_start3A_397 : memref<1x1x8x256xf32, #tpu.memory_space<hbm>> -> memref<1x8x256xf32, #tpu.memory_space<hbm>>
    %dma_start3A_399 = arith.constant 18 : i32
    %dma_start3A_400 = arith.constant 0 : i32
    %dma_start3A_401 = arith.constant 0 : i32
    %dma_start3A_402 = tpu.memref_slice %arg5[%dma_start3A_399, %dma_start3A_400, %dma_start3A_401] : memref<21x8x256xf32, #tpu.memory_space<vmem>> -> memref<1x8x256xf32, #tpu.memory_space<vmem>>
    %dma_start3A_403 = arith.constant 18 : i32
    %dma_start3A_404 = arith.constant 0 : i32
    %dma_start3A_405 = tpu.memref_slice %arg2[%select_n3A, %dma_start3A_403, %add3A_102, %dma_start3A_404] : memref<8x21x512x512xf32, #tpu.memory_space<hbm>> -> memref<1x1x8x256xf32, #tpu.memory_space<hbm>>
    %dma_start3A_406 = tpu.memref_squeeze %dma_start3A_405 : memref<1x1x8x256xf32, #tpu.memory_space<hbm>> -> memref<1x8x256xf32, #tpu.memory_space<hbm>>
    tpu.enqueue_dma source(%dma_start3A_406 : memref<1x8x256xf32, #tpu.memory_space<hbm>>) target(%dma_start3A_402 : memref<1x8x256xf32, #tpu.memory_space<vmem>>) target_semaphore(%arg12 : memref<!tpu.dma_semaphore, #tpu.memory_space<semaphore_mem>>)
    %dma_start3A_407 = arith.constant 19 : i32
    %dma_start3A_408 = arith.constant 0 : i32
    %dma_start3A_409 = arith.constant 0 : i32
    %dma_start3A_410 = tpu.memref_slice %arg5[%dma_start3A_407, %dma_start3A_408, %dma_start3A_409] : memref<21x8x256xf32, #tpu.memory_space<vmem>> -> memref<1x8x256xf32, #tpu.memory_space<vmem>>
    %dma_start3A_411 = arith.constant 19 : i32
    %dma_start3A_412 = arith.constant 0 : i32
    %dma_start3A_413 = tpu.memref_slice %arg2[%select_n3A, %dma_start3A_411, %add3A_102, %dma_start3A_412] : memref<8x21x512x512xf32, #tpu.memory_space<hbm>> -> memref<1x1x8x256xf32, #tpu.memory_space<hbm>>
    %dma_start3A_414 = tpu.memref_squeeze %dma_start3A_413 : memref<1x1x8x256xf32, #tpu.memory_space<hbm>> -> memref<1x8x256xf32, #tpu.memory_space<hbm>>
    %dma_start3A_415 = arith.constant 19 : i32
    %dma_start3A_416 = arith.constant 0 : i32
    %dma_start3A_417 = arith.constant 0 : i32
    %dma_start3A_418 = tpu.memref_slice %arg5[%dma_start3A_415, %dma_start3A_416, %dma_start3A_417] : memref<21x8x256xf32, #tpu.memory_space<vmem>> -> memref<1x8x256xf32, #tpu.memory_space<vmem>>
    %dma_start3A_419 = arith.constant 19 : i32
    %dma_start3A_420 = arith.constant 0 : i32
    %dma_start3A_421 = tpu.memref_slice %arg2[%select_n3A, %dma_start3A_419, %add3A_102, %dma_start3A_420] : memref<8x21x512x512xf32, #tpu.memory_space<hbm>> -> memref<1x1x8x256xf32, #tpu.memory_space<hbm>>
    %dma_start3A_422 = tpu.memref_squeeze %dma_start3A_421 : memref<1x1x8x256xf32, #tpu.memory_space<hbm>> -> memref<1x8x256xf32, #tpu.memory_space<hbm>>
    tpu.enqueue_dma source(%dma_start3A_422 : memref<1x8x256xf32, #tpu.memory_space<hbm>>) target(%dma_start3A_418 : memref<1x8x256xf32, #tpu.memory_space<vmem>>) target_semaphore(%arg12 : memref<!tpu.dma_semaphore, #tpu.memory_space<semaphore_mem>>)
    %dma_start3A_423 = arith.constant 20 : i32
    %dma_start3A_424 = arith.constant 0 : i32
    %dma_start3A_425 = arith.constant 0 : i32
    %dma_start3A_426 = tpu.memref_slice %arg5[%dma_start3A_423, %dma_start3A_424, %dma_start3A_425] : memref<21x8x256xf32, #tpu.memory_space<vmem>> -> memref<1x8x256xf32, #tpu.memory_space<vmem>>
    %dma_start3A_427 = arith.constant 20 : i32
    %dma_start3A_428 = arith.constant 0 : i32
    %dma_start3A_429 = tpu.memref_slice %arg2[%select_n3A, %dma_start3A_427, %add3A_102, %dma_start3A_428] : memref<8x21x512x512xf32, #tpu.memory_space<hbm>> -> memref<1x1x8x256xf32, #tpu.memory_space<hbm>>
    %dma_start3A_430 = tpu.memref_squeeze %dma_start3A_429 : memref<1x1x8x256xf32, #tpu.memory_space<hbm>> -> memref<1x8x256xf32, #tpu.memory_space<hbm>>
    %dma_start3A_431 = arith.constant 20 : i32
    %dma_start3A_432 = arith.constant 0 : i32
    %dma_start3A_433 = arith.constant 0 : i32
    %dma_start3A_434 = tpu.memref_slice %arg5[%dma_start3A_431, %dma_start3A_432, %dma_start3A_433] : memref<21x8x256xf32, #tpu.memory_space<vmem>> -> memref<1x8x256xf32, #tpu.memory_space<vmem>>
    %dma_start3A_435 = arith.constant 20 : i32
    %dma_start3A_436 = arith.constant 0 : i32
    %dma_start3A_437 = tpu.memref_slice %arg2[%select_n3A, %dma_start3A_435, %add3A_102, %dma_start3A_436] : memref<8x21x512x512xf32, #tpu.memory_space<hbm>> -> memref<1x1x8x256xf32, #tpu.memory_space<hbm>>
    %dma_start3A_438 = tpu.memref_squeeze %dma_start3A_437 : memref<1x1x8x256xf32, #tpu.memory_space<hbm>> -> memref<1x8x256xf32, #tpu.memory_space<hbm>>
    tpu.enqueue_dma source(%dma_start3A_438 : memref<1x8x256xf32, #tpu.memory_space<hbm>>) target(%dma_start3A_434 : memref<1x8x256xf32, #tpu.memory_space<vmem>>) target_semaphore(%arg12 : memref<!tpu.dma_semaphore, #tpu.memory_space<semaphore_mem>>)
    %scan3A_439 = arith.constant 0 : i32
    %scan3A_440 = arith.constant 0 : i32
    %scan3A_441 = arith.constant 16 : i32
    %scan3A_442 = arith.addi %scan3A_440, %scan3A_441 : i32
    %scan3A_443 = arith.constant 1 : i32
    scf.for %scan3A_459 = %scan3A_440 to %scan3A_442 step %scan3A_443  : i32 {
      %mul3A_460 = arith.constant 2 : i32
      %mul3A_461 = arith.muli %mul3A_460, %scan3A_459 : i32
      %add3A_462 = arith.constant 0 : i32
      %add3A_463 = arith.addi %mul3A_461, %add3A_462 : i32
      %add3A_464 = arith.constant 1 : i32
      %add3A_465 = arith.addi %add3A_463, %add3A_464 : i32
      %lt3A_466 = arith.constant 32 : i32
      %lt3A_467 = arith.cmpi slt, %add3A_465, %lt3A_466 : i32
      %convert_element_type3A = arith.extui %lt3A_467 : i1 to i32
      %cond3A = arith.constant 0 : i32
      %cond3A_468 = arith.cmpi ne, %convert_element_type3A, %cond3A : i32
      scf.if %cond3A_468 {
        %add3A_768 = arith.constant 1 : i32
        %add3A_769 = arith.addi %add3A_463, %add3A_768 : i32
        %jit3A_770 = arith.constant 2 : i32
        %div3A_771 = arith.divsi %add3A_769, %jit3A_770 : i32
        %sign3A_772 = arith.constant 0 : i32
        %sign3A_773 = arith.cmpi sgt, %add3A_769, %sign3A_772 : i32
        %sign3A_774 = arith.extui %sign3A_773 : i1 to i32
        %sign3A_775 = arith.constant 0 : i32
        %sign3A_776 = arith.cmpi slt, %add3A_769, %sign3A_775 : i32
        %sign3A_777 = arith.extui %sign3A_776 : i1 to i32
        %sign3A_778 = arith.subi %sign3A_774, %sign3A_777 : i32
        %sign3A_779 = arith.constant 0 : i32
        %sign3A_780 = arith.cmpi sgt, %jit3A_770, %sign3A_779 : i32
        %sign3A_781 = arith.extui %sign3A_780 : i1 to i32
        %sign3A_782 = arith.constant 0 : i32
        %sign3A_783 = arith.cmpi slt, %jit3A_770, %sign3A_782 : i32
        %sign3A_784 = arith.extui %sign3A_783 : i1 to i32
        %sign3A_785 = arith.subi %sign3A_781, %sign3A_784 : i32
        %ne3A_786 = arith.cmpi ne, %sign3A_778, %sign3A_785 : i32
        %rem3A_787 = arith.remsi %add3A_769, %jit3A_770 : i32
        %ne3A_788 = arith.constant 0 : i32
        %ne3A_789 = arith.cmpi ne, %rem3A_787, %ne3A_788 : i32
        %and3A_790 = arith.andi %ne3A_786, %ne3A_789 : i1
        %sub3A_791 = arith.constant 1 : i32
        %sub3A_792 = arith.subi %div3A_771, %sub3A_791 : i32
        %select_n3A_793 = arith.select %and3A_790, %sub3A_792, %div3A_771 : i32
        %mul3A_794 = arith.constant 8 : i32
        %mul3A_795 = arith.muli %select_n3A_793, %mul3A_794 : i32
        %add3A_796 = arith.addi %mul3A_32, %mul3A_795 : i32
        %jit3A_797 = arith.constant 2 : i32
        %eq3A_798 = arith.constant 0 : i32
        %eq3A_799 = arith.cmpi eq, %jit3A_797, %eq3A_798 : i32
        %jit3A_800 = arith.constant 1 : i32
        %select_n3A_801 = arith.select %eq3A_799, %jit3A_800, %jit3A_797 : i32
        %rem3A_802 = arith.remsi %add3A_769, %select_n3A_801 : i32
        %ne3A_803 = arith.constant 0 : i32
        %ne3A_804 = arith.cmpi ne, %rem3A_802, %ne3A_803 : i32
        %lt3A_805 = arith.constant 0 : i32
        %lt3A_806 = arith.cmpi slt, %rem3A_802, %lt3A_805 : i32
        %lt3A_807 = arith.constant 0 : i32
        %lt3A_808 = arith.cmpi slt, %select_n3A_801, %lt3A_807 : i32
        %ne3A_809 = arith.xori %lt3A_806, %lt3A_808 : i1
        %and3A_810 = arith.andi %ne3A_809, %ne3A_804 : i1
        %add3A_811 = arith.addi %rem3A_802, %select_n3A_801 : i32
        %select_n3A_812 = arith.select %and3A_810, %add3A_811, %rem3A_802 : i32
        %mul3A_813 = arith.constant 256 : i32
        %mul3A_814 = arith.muli %select_n3A_812, %mul3A_813 : i32
        %dma_start3A_815 = tpu.memref_slice %arg3[%select_n3A, %add3A_796, %mul3A_814] : memref<8x512x512xi32, #tpu.memory_space<hbm>> -> memref<1x8x256xi32, #tpu.memory_space<hbm>>
        %dma_start3A_816 = tpu.memref_squeeze %dma_start3A_815 : memref<1x8x256xi32, #tpu.memory_space<hbm>> -> memref<8x256xi32, #tpu.memory_space<hbm>>
        %dma_start3A_817 = tpu.memref_slice %arg3[%select_n3A, %add3A_796, %mul3A_814] : memref<8x512x512xi32, #tpu.memory_space<hbm>> -> memref<1x8x256xi32, #tpu.memory_space<hbm>>
        %dma_start3A_818 = tpu.memref_squeeze %dma_start3A_817 : memref<1x8x256xi32, #tpu.memory_space<hbm>> -> memref<8x256xi32, #tpu.memory_space<hbm>>
        tpu.enqueue_dma source(%dma_start3A_818 : memref<8x256xi32, #tpu.memory_space<hbm>>) target(%arg8 : memref<8x256xi32, #tpu.memory_space<vmem>>) target_semaphore(%arg15 : memref<!tpu.dma_semaphore, #tpu.memory_space<semaphore_mem>>)
        %jit3A_819 = arith.constant 2 : i32
        %div3A_820 = arith.divsi %add3A_769, %jit3A_819 : i32
        %sign3A_821 = arith.constant 0 : i32
        %sign3A_822 = arith.cmpi sgt, %add3A_769, %sign3A_821 : i32
        %sign3A_823 = arith.extui %sign3A_822 : i1 to i32
        %sign3A_824 = arith.constant 0 : i32
        %sign3A_825 = arith.cmpi slt, %add3A_769, %sign3A_824 : i32
        %sign3A_826 = arith.extui %sign3A_825 : i1 to i32
        %sign3A_827 = arith.subi %sign3A_823, %sign3A_826 : i32
        %sign3A_828 = arith.constant 0 : i32
        %sign3A_829 = arith.cmpi sgt, %jit3A_819, %sign3A_828 : i32
        %sign3A_830 = arith.extui %sign3A_829 : i1 to i32
        %sign3A_831 = arith.constant 0 : i32
        %sign3A_832 = arith.cmpi slt, %jit3A_819, %sign3A_831 : i32
        %sign3A_833 = arith.extui %sign3A_832 : i1 to i32
        %sign3A_834 = arith.subi %sign3A_830, %sign3A_833 : i32
        %ne3A_835 = arith.cmpi ne, %sign3A_827, %sign3A_834 : i32
        %rem3A_836 = arith.remsi %add3A_769, %jit3A_819 : i32
        %ne3A_837 = arith.constant 0 : i32
        %ne3A_838 = arith.cmpi ne, %rem3A_836, %ne3A_837 : i32
        %and3A_839 = arith.andi %ne3A_835, %ne3A_838 : i1
        %sub3A_840 = arith.constant 1 : i32
        %sub3A_841 = arith.subi %div3A_820, %sub3A_840 : i32
        %select_n3A_842 = arith.select %and3A_839, %sub3A_841, %div3A_820 : i32
        %mul3A_843 = arith.constant 8 : i32
        %mul3A_844 = arith.muli %select_n3A_842, %mul3A_843 : i32
        %add3A_845 = arith.addi %mul3A_32, %mul3A_844 : i32
        %jit3A_846 = arith.constant 2 : i32
        %eq3A_847 = arith.constant 0 : i32
        %eq3A_848 = arith.cmpi eq, %jit3A_846, %eq3A_847 : i32
        %jit3A_849 = arith.constant 1 : i32
        %select_n3A_850 = arith.select %eq3A_848, %jit3A_849, %jit3A_846 : i32
        %rem3A_851 = arith.remsi %add3A_769, %select_n3A_850 : i32
        %ne3A_852 = arith.constant 0 : i32
        %ne3A_853 = arith.cmpi ne, %rem3A_851, %ne3A_852 : i32
        %lt3A_854 = arith.constant 0 : i32
        %lt3A_855 = arith.cmpi slt, %rem3A_851, %lt3A_854 : i32
        %lt3A_856 = arith.constant 0 : i32
        %lt3A_857 = arith.cmpi slt, %select_n3A_850, %lt3A_856 : i32
        %ne3A_858 = arith.xori %lt3A_855, %lt3A_857 : i1
        %and3A_859 = arith.andi %ne3A_858, %ne3A_853 : i1
        %add3A_860 = arith.addi %rem3A_851, %select_n3A_850 : i32
        %select_n3A_861 = arith.select %and3A_859, %add3A_860, %rem3A_851 : i32
        %mul3A_862 = arith.constant 256 : i32
        %mul3A_863 = arith.muli %select_n3A_861, %mul3A_862 : i32
        %dma_start3A_864 = arith.constant 0 : i32
        %dma_start3A_865 = arith.constant 0 : i32
        %dma_start3A_866 = arith.constant 0 : i32
        %dma_start3A_867 = tpu.memref_slice %arg6[%dma_start3A_864, %dma_start3A_865, %dma_start3A_866] : memref<21x8x256xf32, #tpu.memory_space<vmem>> -> memref<1x8x256xf32, #tpu.memory_space<vmem>>
        %dma_start3A_868 = arith.constant 0 : i32
        %dma_start3A_869 = tpu.memref_slice %arg2[%select_n3A, %dma_start3A_868, %add3A_845, %mul3A_863] : memref<8x21x512x512xf32, #tpu.memory_space<hbm>> -> memref<1x1x8x256xf32, #tpu.memory_space<hbm>>
        %dma_start3A_870 = tpu.memref_squeeze %dma_start3A_869 : memref<1x1x8x256xf32, #tpu.memory_space<hbm>> -> memref<1x8x256xf32, #tpu.memory_space<hbm>>
        %dma_start3A_871 = arith.constant 0 : i32
        %dma_start3A_872 = arith.constant 0 : i32
        %dma_start3A_873 = arith.constant 0 : i32
        %dma_start3A_874 = tpu.memref_slice %arg6[%dma_start3A_871, %dma_start3A_872, %dma_start3A_873] : memref<21x8x256xf32, #tpu.memory_space<vmem>> -> memref<1x8x256xf32, #tpu.memory_space<vmem>>
        %dma_start3A_875 = arith.constant 0 : i32
        %dma_start3A_876 = tpu.memref_slice %arg2[%select_n3A, %dma_start3A_875, %add3A_845, %mul3A_863] : memref<8x21x512x512xf32, #tpu.memory_space<hbm>> -> memref<1x1x8x256xf32, #tpu.memory_space<hbm>>
        %dma_start3A_877 = tpu.memref_squeeze %dma_start3A_876 : memref<1x1x8x256xf32, #tpu.memory_space<hbm>> -> memref<1x8x256xf32, #tpu.memory_space<hbm>>
        tpu.enqueue_dma source(%dma_start3A_877 : memref<1x8x256xf32, #tpu.memory_space<hbm>>) target(%dma_start3A_874 : memref<1x8x256xf32, #tpu.memory_space<vmem>>) target_semaphore(%arg13 : memref<!tpu.dma_semaphore, #tpu.memory_space<semaphore_mem>>)
        %dma_start3A_878 = arith.constant 1 : i32
        %dma_start3A_879 = arith.constant 0 : i32
        %dma_start3A_880 = arith.constant 0 : i32
        %dma_start3A_881 = tpu.memref_slice %arg6[%dma_start3A_878, %dma_start3A_879, %dma_start3A_880] : memref<21x8x256xf32, #tpu.memory_space<vmem>> -> memref<1x8x256xf32, #tpu.memory_space<vmem>>
        %dma_start3A_882 = arith.constant 1 : i32
        %dma_start3A_883 = tpu.memref_slice %arg2[%select_n3A, %dma_start3A_882, %add3A_845, %mul3A_863] : memref<8x21x512x512xf32, #tpu.memory_space<hbm>> -> memref<1x1x8x256xf32, #tpu.memory_space<hbm>>
        %dma_start3A_884 = tpu.memref_squeeze %dma_start3A_883 : memref<1x1x8x256xf32, #tpu.memory_space<hbm>> -> memref<1x8x256xf32, #tpu.memory_space<hbm>>
        %dma_start3A_885 = arith.constant 1 : i32
        %dma_start3A_886 = arith.constant 0 : i32
        %dma_start3A_887 = arith.constant 0 : i32
        %dma_start3A_888 = tpu.memref_slice %arg6[%dma_start3A_885, %dma_start3A_886, %dma_start3A_887] : memref<21x8x256xf32, #tpu.memory_space<vmem>> -> memref<1x8x256xf32, #tpu.memory_space<vmem>>
        %dma_start3A_889 = arith.constant 1 : i32
        %dma_start3A_890 = tpu.memref_slice %arg2[%select_n3A, %dma_start3A_889, %add3A_845, %mul3A_863] : memref<8x21x512x512xf32, #tpu.memory_space<hbm>> -> memref<1x1x8x256xf32, #tpu.memory_space<hbm>>
        %dma_start3A_891 = tpu.memref_squeeze %dma_start3A_890 : memref<1x1x8x256xf32, #tpu.memory_space<hbm>> -> memref<1x8x256xf32, #tpu.memory_space<hbm>>
        tpu.enqueue_dma source(%dma_start3A_891 : memref<1x8x256xf32, #tpu.memory_space<hbm>>) target(%dma_start3A_888 : memref<1x8x256xf32, #tpu.memory_space<vmem>>) target_semaphore(%arg13 : memref<!tpu.dma_semaphore, #tpu.memory_space<semaphore_mem>>)
        %dma_start3A_892 = arith.constant 2 : i32
        %dma_start3A_893 = arith.constant 0 : i32
        %dma_start3A_894 = arith.constant 0 : i32
        %dma_start3A_895 = tpu.memref_slice %arg6[%dma_start3A_892, %dma_start3A_893, %dma_start3A_894] : memref<21x8x256xf32, #tpu.memory_space<vmem>> -> memref<1x8x256xf32, #tpu.memory_space<vmem>>
        %dma_start3A_896 = arith.constant 2 : i32
        %dma_start3A_897 = tpu.memref_slice %arg2[%select_n3A, %dma_start3A_896, %add3A_845, %mul3A_863] : memref<8x21x512x512xf32, #tpu.memory_space<hbm>> -> memref<1x1x8x256xf32, #tpu.memory_space<hbm>>
        %dma_start3A_898 = tpu.memref_squeeze %dma_start3A_897 : memref<1x1x8x256xf32, #tpu.memory_space<hbm>> -> memref<1x8x256xf32, #tpu.memory_space<hbm>>
        %dma_start3A_899 = arith.constant 2 : i32
        %dma_start3A_900 = arith.constant 0 : i32
        %dma_start3A_901 = arith.constant 0 : i32
        %dma_start3A_902 = tpu.memref_slice %arg6[%dma_start3A_899, %dma_start3A_900, %dma_start3A_901] : memref<21x8x256xf32, #tpu.memory_space<vmem>> -> memref<1x8x256xf32, #tpu.memory_space<vmem>>
        %dma_start3A_903 = arith.constant 2 : i32
        %dma_start3A_904 = tpu.memref_slice %arg2[%select_n3A, %dma_start3A_903, %add3A_845, %mul3A_863] : memref<8x21x512x512xf32, #tpu.memory_space<hbm>> -> memref<1x1x8x256xf32, #tpu.memory_space<hbm>>
        %dma_start3A_905 = tpu.memref_squeeze %dma_start3A_904 : memref<1x1x8x256xf32, #tpu.memory_space<hbm>> -> memref<1x8x256xf32, #tpu.memory_space<hbm>>
        tpu.enqueue_dma source(%dma_start3A_905 : memref<1x8x256xf32, #tpu.memory_space<hbm>>) target(%dma_start3A_902 : memref<1x8x256xf32, #tpu.memory_space<vmem>>) target_semaphore(%arg13 : memref<!tpu.dma_semaphore, #tpu.memory_space<semaphore_mem>>)
        %dma_start3A_906 = arith.constant 3 : i32
        %dma_start3A_907 = arith.constant 0 : i32
        %dma_start3A_908 = arith.constant 0 : i32
        %dma_start3A_909 = tpu.memref_slice %arg6[%dma_start3A_906, %dma_start3A_907, %dma_start3A_908] : memref<21x8x256xf32, #tpu.memory_space<vmem>> -> memref<1x8x256xf32, #tpu.memory_space<vmem>>
        %dma_start3A_910 = arith.constant 3 : i32
        %dma_start3A_911 = tpu.memref_slice %arg2[%select_n3A, %dma_start3A_910, %add3A_845, %mul3A_863] : memref<8x21x512x512xf32, #tpu.memory_space<hbm>> -> memref<1x1x8x256xf32, #tpu.memory_space<hbm>>
        %dma_start3A_912 = tpu.memref_squeeze %dma_start3A_911 : memref<1x1x8x256xf32, #tpu.memory_space<hbm>> -> memref<1x8x256xf32, #tpu.memory_space<hbm>>
        %dma_start3A_913 = arith.constant 3 : i32
        %dma_start3A_914 = arith.constant 0 : i32
        %dma_start3A_915 = arith.constant 0 : i32
        %dma_start3A_916 = tpu.memref_slice %arg6[%dma_start3A_913, %dma_start3A_914, %dma_start3A_915] : memref<21x8x256xf32, #tpu.memory_space<vmem>> -> memref<1x8x256xf32, #tpu.memory_space<vmem>>
        %dma_start3A_917 = arith.constant 3 : i32
        %dma_start3A_918 = tpu.memref_slice %arg2[%select_n3A, %dma_start3A_917, %add3A_845, %mul3A_863] : memref<8x21x512x512xf32, #tpu.memory_space<hbm>> -> memref<1x1x8x256xf32, #tpu.memory_space<hbm>>
        %dma_start3A_919 = tpu.memref_squeeze %dma_start3A_918 : memref<1x1x8x256xf32, #tpu.memory_space<hbm>> -> memref<1x8x256xf32, #tpu.memory_space<hbm>>
        tpu.enqueue_dma source(%dma_start3A_919 : memref<1x8x256xf32, #tpu.memory_space<hbm>>) target(%dma_start3A_916 : memref<1x8x256xf32, #tpu.memory_space<vmem>>) target_semaphore(%arg13 : memref<!tpu.dma_semaphore, #tpu.memory_space<semaphore_mem>>)
        %dma_start3A_920 = arith.constant 4 : i32
        %dma_start3A_921 = arith.constant 0 : i32
        %dma_start3A_922 = arith.constant 0 : i32
        %dma_start3A_923 = tpu.memref_slice %arg6[%dma_start3A_920, %dma_start3A_921, %dma_start3A_922] : memref<21x8x256xf32, #tpu.memory_space<vmem>> -> memref<1x8x256xf32, #tpu.memory_space<vmem>>
        %dma_start3A_924 = arith.constant 4 : i32
        %dma_start3A_925 = tpu.memref_slice %arg2[%select_n3A, %dma_start3A_924, %add3A_845, %mul3A_863] : memref<8x21x512x512xf32, #tpu.memory_space<hbm>> -> memref<1x1x8x256xf32, #tpu.memory_space<hbm>>
        %dma_start3A_926 = tpu.memref_squeeze %dma_start3A_925 : memref<1x1x8x256xf32, #tpu.memory_space<hbm>> -> memref<1x8x256xf32, #tpu.memory_space<hbm>>
        %dma_start3A_927 = arith.constant 4 : i32
        %dma_start3A_928 = arith.constant 0 : i32
        %dma_start3A_929 = arith.constant 0 : i32
        %dma_start3A_930 = tpu.memref_slice %arg6[%dma_start3A_927, %dma_start3A_928, %dma_start3A_929] : memref<21x8x256xf32, #tpu.memory_space<vmem>> -> memref<1x8x256xf32, #tpu.memory_space<vmem>>
        %dma_start3A_931 = arith.constant 4 : i32
        %dma_start3A_932 = tpu.memref_slice %arg2[%select_n3A, %dma_start3A_931, %add3A_845, %mul3A_863] : memref<8x21x512x512xf32, #tpu.memory_space<hbm>> -> memref<1x1x8x256xf32, #tpu.memory_space<hbm>>
        %dma_start3A_933 = tpu.memref_squeeze %dma_start3A_932 : memref<1x1x8x256xf32, #tpu.memory_space<hbm>> -> memref<1x8x256xf32, #tpu.memory_space<hbm>>
        tpu.enqueue_dma source(%dma_start3A_933 : memref<1x8x256xf32, #tpu.memory_space<hbm>>) target(%dma_start3A_930 : memref<1x8x256xf32, #tpu.memory_space<vmem>>) target_semaphore(%arg13 : memref<!tpu.dma_semaphore, #tpu.memory_space<semaphore_mem>>)
        %dma_start3A_934 = arith.constant 5 : i32
        %dma_start3A_935 = arith.constant 0 : i32
        %dma_start3A_936 = arith.constant 0 : i32
        %dma_start3A_937 = tpu.memref_slice %arg6[%dma_start3A_934, %dma_start3A_935, %dma_start3A_936] : memref<21x8x256xf32, #tpu.memory_space<vmem>> -> memref<1x8x256xf32, #tpu.memory_space<vmem>>
        %dma_start3A_938 = arith.constant 5 : i32
        %dma_start3A_939 = tpu.memref_slice %arg2[%select_n3A, %dma_start3A_938, %add3A_845, %mul3A_863] : memref<8x21x512x512xf32, #tpu.memory_space<hbm>> -> memref<1x1x8x256xf32, #tpu.memory_space<hbm>>
        %dma_start3A_940 = tpu.memref_squeeze %dma_start3A_939 : memref<1x1x8x256xf32, #tpu.memory_space<hbm>> -> memref<1x8x256xf32, #tpu.memory_space<hbm>>
        %dma_start3A_941 = arith.constant 5 : i32
        %dma_start3A_942 = arith.constant 0 : i32
        %dma_start3A_943 = arith.constant 0 : i32
        %dma_start3A_944 = tpu.memref_slice %arg6[%dma_start3A_941, %dma_start3A_942, %dma_start3A_943] : memref<21x8x256xf32, #tpu.memory_space<vmem>> -> memref<1x8x256xf32, #tpu.memory_space<vmem>>
        %dma_start3A_945 = arith.constant 5 : i32
        %dma_start3A_946 = tpu.memref_slice %arg2[%select_n3A, %dma_start3A_945, %add3A_845, %mul3A_863] : memref<8x21x512x512xf32, #tpu.memory_space<hbm>> -> memref<1x1x8x256xf32, #tpu.memory_space<hbm>>
        %dma_start3A_947 = tpu.memref_squeeze %dma_start3A_946 : memref<1x1x8x256xf32, #tpu.memory_space<hbm>> -> memref<1x8x256xf32, #tpu.memory_space<hbm>>
        tpu.enqueue_dma source(%dma_start3A_947 : memref<1x8x256xf32, #tpu.memory_space<hbm>>) target(%dma_start3A_944 : memref<1x8x256xf32, #tpu.memory_space<vmem>>) target_semaphore(%arg13 : memref<!tpu.dma_semaphore, #tpu.memory_space<semaphore_mem>>)
        %dma_start3A_948 = arith.constant 6 : i32
        %dma_start3A_949 = arith.constant 0 : i32
        %dma_start3A_950 = arith.constant 0 : i32
        %dma_start3A_951 = tpu.memref_slice %arg6[%dma_start3A_948, %dma_start3A_949, %dma_start3A_950] : memref<21x8x256xf32, #tpu.memory_space<vmem>> -> memref<1x8x256xf32, #tpu.memory_space<vmem>>
        %dma_start3A_952 = arith.constant 6 : i32
        %dma_start3A_953 = tpu.memref_slice %arg2[%select_n3A, %dma_start3A_952, %add3A_845, %mul3A_863] : memref<8x21x512x512xf32, #tpu.memory_space<hbm>> -> memref<1x1x8x256xf32, #tpu.memory_space<hbm>>
        %dma_start3A_954 = tpu.memref_squeeze %dma_start3A_953 : memref<1x1x8x256xf32, #tpu.memory_space<hbm>> -> memref<1x8x256xf32, #tpu.memory_space<hbm>>
        %dma_start3A_955 = arith.constant 6 : i32
        %dma_start3A_956 = arith.constant 0 : i32
        %dma_start3A_957 = arith.constant 0 : i32
        %dma_start3A_958 = tpu.memref_slice %arg6[%dma_start3A_955, %dma_start3A_956, %dma_start3A_957] : memref<21x8x256xf32, #tpu.memory_space<vmem>> -> memref<1x8x256xf32, #tpu.memory_space<vmem>>
        %dma_start3A_959 = arith.constant 6 : i32
        %dma_start3A_960 = tpu.memref_slice %arg2[%select_n3A, %dma_start3A_959, %add3A_845, %mul3A_863] : memref<8x21x512x512xf32, #tpu.memory_space<hbm>> -> memref<1x1x8x256xf32, #tpu.memory_space<hbm>>
        %dma_start3A_961 = tpu.memref_squeeze %dma_start3A_960 : memref<1x1x8x256xf32, #tpu.memory_space<hbm>> -> memref<1x8x256xf32, #tpu.memory_space<hbm>>
        tpu.enqueue_dma source(%dma_start3A_961 : memref<1x8x256xf32, #tpu.memory_space<hbm>>) target(%dma_start3A_958 : memref<1x8x256xf32, #tpu.memory_space<vmem>>) target_semaphore(%arg13 : memref<!tpu.dma_semaphore, #tpu.memory_space<semaphore_mem>>)
        %dma_start3A_962 = arith.constant 7 : i32
        %dma_start3A_963 = arith.constant 0 : i32
        %dma_start3A_964 = arith.constant 0 : i32
        %dma_start3A_965 = tpu.memref_slice %arg6[%dma_start3A_962, %dma_start3A_963, %dma_start3A_964] : memref<21x8x256xf32, #tpu.memory_space<vmem>> -> memref<1x8x256xf32, #tpu.memory_space<vmem>>
        %dma_start3A_966 = arith.constant 7 : i32
        %dma_start3A_967 = tpu.memref_slice %arg2[%select_n3A, %dma_start3A_966, %add3A_845, %mul3A_863] : memref<8x21x512x512xf32, #tpu.memory_space<hbm>> -> memref<1x1x8x256xf32, #tpu.memory_space<hbm>>
        %dma_start3A_968 = tpu.memref_squeeze %dma_start3A_967 : memref<1x1x8x256xf32, #tpu.memory_space<hbm>> -> memref<1x8x256xf32, #tpu.memory_space<hbm>>
        %dma_start3A_969 = arith.constant 7 : i32
        %dma_start3A_970 = arith.constant 0 : i32
        %dma_start3A_971 = arith.constant 0 : i32
        %dma_start3A_972 = tpu.memref_slice %arg6[%dma_start3A_969, %dma_start3A_970, %dma_start3A_971] : memref<21x8x256xf32, #tpu.memory_space<vmem>> -> memref<1x8x256xf32, #tpu.memory_space<vmem>>
        %dma_start3A_973 = arith.constant 7 : i32
        %dma_start3A_974 = tpu.memref_slice %arg2[%select_n3A, %dma_start3A_973, %add3A_845, %mul3A_863] : memref<8x21x512x512xf32, #tpu.memory_space<hbm>> -> memref<1x1x8x256xf32, #tpu.memory_space<hbm>>
        %dma_start3A_975 = tpu.memref_squeeze %dma_start3A_974 : memref<1x1x8x256xf32, #tpu.memory_space<hbm>> -> memref<1x8x256xf32, #tpu.memory_space<hbm>>
        tpu.enqueue_dma source(%dma_start3A_975 : memref<1x8x256xf32, #tpu.memory_space<hbm>>) target(%dma_start3A_972 : memref<1x8x256xf32, #tpu.memory_space<vmem>>) target_semaphore(%arg13 : memref<!tpu.dma_semaphore, #tpu.memory_space<semaphore_mem>>)
        %dma_start3A_976 = arith.constant 8 : i32
        %dma_start3A_977 = arith.constant 0 : i32
        %dma_start3A_978 = arith.constant 0 : i32
        %dma_start3A_979 = tpu.memref_slice %arg6[%dma_start3A_976, %dma_start3A_977, %dma_start3A_978] : memref<21x8x256xf32, #tpu.memory_space<vmem>> -> memref<1x8x256xf32, #tpu.memory_space<vmem>>
        %dma_start3A_980 = arith.constant 8 : i32
        %dma_start3A_981 = tpu.memref_slice %arg2[%select_n3A, %dma_start3A_980, %add3A_845, %mul3A_863] : memref<8x21x512x512xf32, #tpu.memory_space<hbm>> -> memref<1x1x8x256xf32, #tpu.memory_space<hbm>>
        %dma_start3A_982 = tpu.memref_squeeze %dma_start3A_981 : memref<1x1x8x256xf32, #tpu.memory_space<hbm>> -> memref<1x8x256xf32, #tpu.memory_space<hbm>>
        %dma_start3A_983 = arith.constant 8 : i32
        %dma_start3A_984 = arith.constant 0 : i32
        %dma_start3A_985 = arith.constant 0 : i32
        %dma_start3A_986 = tpu.memref_slice %arg6[%dma_start3A_983, %dma_start3A_984, %dma_start3A_985] : memref<21x8x256xf32, #tpu.memory_space<vmem>> -> memref<1x8x256xf32, #tpu.memory_space<vmem>>
        %dma_start3A_987 = arith.constant 8 : i32
        %dma_start3A_988 = tpu.memref_slice %arg2[%select_n3A, %dma_start3A_987, %add3A_845, %mul3A_863] : memref<8x21x512x512xf32, #tpu.memory_space<hbm>> -> memref<1x1x8x256xf32, #tpu.memory_space<hbm>>
        %dma_start3A_989 = tpu.memref_squeeze %dma_start3A_988 : memref<1x1x8x256xf32, #tpu.memory_space<hbm>> -> memref<1x8x256xf32, #tpu.memory_space<hbm>>
        tpu.enqueue_dma source(%dma_start3A_989 : memref<1x8x256xf32, #tpu.memory_space<hbm>>) target(%dma_start3A_986 : memref<1x8x256xf32, #tpu.memory_space<vmem>>) target_semaphore(%arg13 : memref<!tpu.dma_semaphore, #tpu.memory_space<semaphore_mem>>)
        %dma_start3A_990 = arith.constant 9 : i32
        %dma_start3A_991 = arith.constant 0 : i32
        %dma_start3A_992 = arith.constant 0 : i32
        %dma_start3A_993 = tpu.memref_slice %arg6[%dma_start3A_990, %dma_start3A_991, %dma_start3A_992] : memref<21x8x256xf32, #tpu.memory_space<vmem>> -> memref<1x8x256xf32, #tpu.memory_space<vmem>>
        %dma_start3A_994 = arith.constant 9 : i32
        %dma_start3A_995 = tpu.memref_slice %arg2[%select_n3A, %dma_start3A_994, %add3A_845, %mul3A_863] : memref<8x21x512x512xf32, #tpu.memory_space<hbm>> -> memref<1x1x8x256xf32, #tpu.memory_space<hbm>>
        %dma_start3A_996 = tpu.memref_squeeze %dma_start3A_995 : memref<1x1x8x256xf32, #tpu.memory_space<hbm>> -> memref<1x8x256xf32, #tpu.memory_space<hbm>>
        %dma_start3A_997 = arith.constant 9 : i32
        %dma_start3A_998 = arith.constant 0 : i32
        %dma_start3A_999 = arith.constant 0 : i32
        %dma_start3A_1000 = tpu.memref_slice %arg6[%dma_start3A_997, %dma_start3A_998, %dma_start3A_999] : memref<21x8x256xf32, #tpu.memory_space<vmem>> -> memref<1x8x256xf32, #tpu.memory_space<vmem>>
        %dma_start3A_1001 = arith.constant 9 : i32
        %dma_start3A_1002 = tpu.memref_slice %arg2[%select_n3A, %dma_start3A_1001, %add3A_845, %mul3A_863] : memref<8x21x512x512xf32, #tpu.memory_space<hbm>> -> memref<1x1x8x256xf32, #tpu.memory_space<hbm>>
        %dma_start3A_1003 = tpu.memref_squeeze %dma_start3A_1002 : memref<1x1x8x256xf32, #tpu.memory_space<hbm>> -> memref<1x8x256xf32, #tpu.memory_space<hbm>>
        tpu.enqueue_dma source(%dma_start3A_1003 : memref<1x8x256xf32, #tpu.memory_space<hbm>>) target(%dma_start3A_1000 : memref<1x8x256xf32, #tpu.memory_space<vmem>>) target_semaphore(%arg13 : memref<!tpu.dma_semaphore, #tpu.memory_space<semaphore_mem>>)
        %dma_start3A_1004 = arith.constant 10 : i32
        %dma_start3A_1005 = arith.constant 0 : i32
        %dma_start3A_1006 = arith.constant 0 : i32
        %dma_start3A_1007 = tpu.memref_slice %arg6[%dma_start3A_1004, %dma_start3A_1005, %dma_start3A_1006] : memref<21x8x256xf32, #tpu.memory_space<vmem>> -> memref<1x8x256xf32, #tpu.memory_space<vmem>>
        %dma_start3A_1008 = arith.constant 10 : i32
        %dma_start3A_1009 = tpu.memref_slice %arg2[%select_n3A, %dma_start3A_1008, %add3A_845, %mul3A_863] : memref<8x21x512x512xf32, #tpu.memory_space<hbm>> -> memref<1x1x8x256xf32, #tpu.memory_space<hbm>>
        %dma_start3A_1010 = tpu.memref_squeeze %dma_start3A_1009 : memref<1x1x8x256xf32, #tpu.memory_space<hbm>> -> memref<1x8x256xf32, #tpu.memory_space<hbm>>
        %dma_start3A_1011 = arith.constant 10 : i32
        %dma_start3A_1012 = arith.constant 0 : i32
        %dma_start3A_1013 = arith.constant 0 : i32
        %dma_start3A_1014 = tpu.memref_slice %arg6[%dma_start3A_1011, %dma_start3A_1012, %dma_start3A_1013] : memref<21x8x256xf32, #tpu.memory_space<vmem>> -> memref<1x8x256xf32, #tpu.memory_space<vmem>>
        %dma_start3A_1015 = arith.constant 10 : i32
        %dma_start3A_1016 = tpu.memref_slice %arg2[%select_n3A, %dma_start3A_1015, %add3A_845, %mul3A_863] : memref<8x21x512x512xf32, #tpu.memory_space<hbm>> -> memref<1x1x8x256xf32, #tpu.memory_space<hbm>>
        %dma_start3A_1017 = tpu.memref_squeeze %dma_start3A_1016 : memref<1x1x8x256xf32, #tpu.memory_space<hbm>> -> memref<1x8x256xf32, #tpu.memory_space<hbm>>
        tpu.enqueue_dma source(%dma_start3A_1017 : memref<1x8x256xf32, #tpu.memory_space<hbm>>) target(%dma_start3A_1014 : memref<1x8x256xf32, #tpu.memory_space<vmem>>) target_semaphore(%arg13 : memref<!tpu.dma_semaphore, #tpu.memory_space<semaphore_mem>>)
        %dma_start3A_1018 = arith.constant 11 : i32
        %dma_start3A_1019 = arith.constant 0 : i32
        %dma_start3A_1020 = arith.constant 0 : i32
        %dma_start3A_1021 = tpu.memref_slice %arg6[%dma_start3A_1018, %dma_start3A_1019, %dma_start3A_1020] : memref<21x8x256xf32, #tpu.memory_space<vmem>> -> memref<1x8x256xf32, #tpu.memory_space<vmem>>
        %dma_start3A_1022 = arith.constant 11 : i32
        %dma_start3A_1023 = tpu.memref_slice %arg2[%select_n3A, %dma_start3A_1022, %add3A_845, %mul3A_863] : memref<8x21x512x512xf32, #tpu.memory_space<hbm>> -> memref<1x1x8x256xf32, #tpu.memory_space<hbm>>
        %dma_start3A_1024 = tpu.memref_squeeze %dma_start3A_1023 : memref<1x1x8x256xf32, #tpu.memory_space<hbm>> -> memref<1x8x256xf32, #tpu.memory_space<hbm>>
        %dma_start3A_1025 = arith.constant 11 : i32
        %dma_start3A_1026 = arith.constant 0 : i32
        %dma_start3A_1027 = arith.constant 0 : i32
        %dma_start3A_1028 = tpu.memref_slice %arg6[%dma_start3A_1025, %dma_start3A_1026, %dma_start3A_1027] : memref<21x8x256xf32, #tpu.memory_space<vmem>> -> memref<1x8x256xf32, #tpu.memory_space<vmem>>
        %dma_start3A_1029 = arith.constant 11 : i32
        %dma_start3A_1030 = tpu.memref_slice %arg2[%select_n3A, %dma_start3A_1029, %add3A_845, %mul3A_863] : memref<8x21x512x512xf32, #tpu.memory_space<hbm>> -> memref<1x1x8x256xf32, #tpu.memory_space<hbm>>
        %dma_start3A_1031 = tpu.memref_squeeze %dma_start3A_1030 : memref<1x1x8x256xf32, #tpu.memory_space<hbm>> -> memref<1x8x256xf32, #tpu.memory_space<hbm>>
        tpu.enqueue_dma source(%dma_start3A_1031 : memref<1x8x256xf32, #tpu.memory_space<hbm>>) target(%dma_start3A_1028 : memref<1x8x256xf32, #tpu.memory_space<vmem>>) target_semaphore(%arg13 : memref<!tpu.dma_semaphore, #tpu.memory_space<semaphore_mem>>)
        %dma_start3A_1032 = arith.constant 12 : i32
        %dma_start3A_1033 = arith.constant 0 : i32
        %dma_start3A_1034 = arith.constant 0 : i32
        %dma_start3A_1035 = tpu.memref_slice %arg6[%dma_start3A_1032, %dma_start3A_1033, %dma_start3A_1034] : memref<21x8x256xf32, #tpu.memory_space<vmem>> -> memref<1x8x256xf32, #tpu.memory_space<vmem>>
        %dma_start3A_1036 = arith.constant 12 : i32
        %dma_start3A_1037 = tpu.memref_slice %arg2[%select_n3A, %dma_start3A_1036, %add3A_845, %mul3A_863] : memref<8x21x512x512xf32, #tpu.memory_space<hbm>> -> memref<1x1x8x256xf32, #tpu.memory_space<hbm>>
        %dma_start3A_1038 = tpu.memref_squeeze %dma_start3A_1037 : memref<1x1x8x256xf32, #tpu.memory_space<hbm>> -> memref<1x8x256xf32, #tpu.memory_space<hbm>>
        %dma_start3A_1039 = arith.constant 12 : i32
        %dma_start3A_1040 = arith.constant 0 : i32
        %dma_start3A_1041 = arith.constant 0 : i32
        %dma_start3A_1042 = tpu.memref_slice %arg6[%dma_start3A_1039, %dma_start3A_1040, %dma_start3A_1041] : memref<21x8x256xf32, #tpu.memory_space<vmem>> -> memref<1x8x256xf32, #tpu.memory_space<vmem>>
        %dma_start3A_1043 = arith.constant 12 : i32
        %dma_start3A_1044 = tpu.memref_slice %arg2[%select_n3A, %dma_start3A_1043, %add3A_845, %mul3A_863] : memref<8x21x512x512xf32, #tpu.memory_space<hbm>> -> memref<1x1x8x256xf32, #tpu.memory_space<hbm>>
        %dma_start3A_1045 = tpu.memref_squeeze %dma_start3A_1044 : memref<1x1x8x256xf32, #tpu.memory_space<hbm>> -> memref<1x8x256xf32, #tpu.memory_space<hbm>>
        tpu.enqueue_dma source(%dma_start3A_1045 : memref<1x8x256xf32, #tpu.memory_space<hbm>>) target(%dma_start3A_1042 : memref<1x8x256xf32, #tpu.memory_space<vmem>>) target_semaphore(%arg13 : memref<!tpu.dma_semaphore, #tpu.memory_space<semaphore_mem>>)
        %dma_start3A_1046 = arith.constant 13 : i32
        %dma_start3A_1047 = arith.constant 0 : i32
        %dma_start3A_1048 = arith.constant 0 : i32
        %dma_start3A_1049 = tpu.memref_slice %arg6[%dma_start3A_1046, %dma_start3A_1047, %dma_start3A_1048] : memref<21x8x256xf32, #tpu.memory_space<vmem>> -> memref<1x8x256xf32, #tpu.memory_space<vmem>>
        %dma_start3A_1050 = arith.constant 13 : i32
        %dma_start3A_1051 = tpu.memref_slice %arg2[%select_n3A, %dma_start3A_1050, %add3A_845, %mul3A_863] : memref<8x21x512x512xf32, #tpu.memory_space<hbm>> -> memref<1x1x8x256xf32, #tpu.memory_space<hbm>>
        %dma_start3A_1052 = tpu.memref_squeeze %dma_start3A_1051 : memref<1x1x8x256xf32, #tpu.memory_space<hbm>> -> memref<1x8x256xf32, #tpu.memory_space<hbm>>
        %dma_start3A_1053 = arith.constant 13 : i32
        %dma_start3A_1054 = arith.constant 0 : i32
        %dma_start3A_1055 = arith.constant 0 : i32
        %dma_start3A_1056 = tpu.memref_slice %arg6[%dma_start3A_1053, %dma_start3A_1054, %dma_start3A_1055] : memref<21x8x256xf32, #tpu.memory_space<vmem>> -> memref<1x8x256xf32, #tpu.memory_space<vmem>>
        %dma_start3A_1057 = arith.constant 13 : i32
        %dma_start3A_1058 = tpu.memref_slice %arg2[%select_n3A, %dma_start3A_1057, %add3A_845, %mul3A_863] : memref<8x21x512x512xf32, #tpu.memory_space<hbm>> -> memref<1x1x8x256xf32, #tpu.memory_space<hbm>>
        %dma_start3A_1059 = tpu.memref_squeeze %dma_start3A_1058 : memref<1x1x8x256xf32, #tpu.memory_space<hbm>> -> memref<1x8x256xf32, #tpu.memory_space<hbm>>
        tpu.enqueue_dma source(%dma_start3A_1059 : memref<1x8x256xf32, #tpu.memory_space<hbm>>) target(%dma_start3A_1056 : memref<1x8x256xf32, #tpu.memory_space<vmem>>) target_semaphore(%arg13 : memref<!tpu.dma_semaphore, #tpu.memory_space<semaphore_mem>>)
        %dma_start3A_1060 = arith.constant 14 : i32
        %dma_start3A_1061 = arith.constant 0 : i32
        %dma_start3A_1062 = arith.constant 0 : i32
        %dma_start3A_1063 = tpu.memref_slice %arg6[%dma_start3A_1060, %dma_start3A_1061, %dma_start3A_1062] : memref<21x8x256xf32, #tpu.memory_space<vmem>> -> memref<1x8x256xf32, #tpu.memory_space<vmem>>
        %dma_start3A_1064 = arith.constant 14 : i32
        %dma_start3A_1065 = tpu.memref_slice %arg2[%select_n3A, %dma_start3A_1064, %add3A_845, %mul3A_863] : memref<8x21x512x512xf32, #tpu.memory_space<hbm>> -> memref<1x1x8x256xf32, #tpu.memory_space<hbm>>
        %dma_start3A_1066 = tpu.memref_squeeze %dma_start3A_1065 : memref<1x1x8x256xf32, #tpu.memory_space<hbm>> -> memref<1x8x256xf32, #tpu.memory_space<hbm>>
        %dma_start3A_1067 = arith.constant 14 : i32
        %dma_start3A_1068 = arith.constant 0 : i32
        %dma_start3A_1069 = arith.constant 0 : i32
        %dma_start3A_1070 = tpu.memref_slice %arg6[%dma_start3A_1067, %dma_start3A_1068, %dma_start3A_1069] : memref<21x8x256xf32, #tpu.memory_space<vmem>> -> memref<1x8x256xf32, #tpu.memory_space<vmem>>
        %dma_start3A_1071 = arith.constant 14 : i32
        %dma_start3A_1072 = tpu.memref_slice %arg2[%select_n3A, %dma_start3A_1071, %add3A_845, %mul3A_863] : memref<8x21x512x512xf32, #tpu.memory_space<hbm>> -> memref<1x1x8x256xf32, #tpu.memory_space<hbm>>
        %dma_start3A_1073 = tpu.memref_squeeze %dma_start3A_1072 : memref<1x1x8x256xf32, #tpu.memory_space<hbm>> -> memref<1x8x256xf32, #tpu.memory_space<hbm>>
        tpu.enqueue_dma source(%dma_start3A_1073 : memref<1x8x256xf32, #tpu.memory_space<hbm>>) target(%dma_start3A_1070 : memref<1x8x256xf32, #tpu.memory_space<vmem>>) target_semaphore(%arg13 : memref<!tpu.dma_semaphore, #tpu.memory_space<semaphore_mem>>)
        %dma_start3A_1074 = arith.constant 15 : i32
        %dma_start3A_1075 = arith.constant 0 : i32
        %dma_start3A_1076 = arith.constant 0 : i32
        %dma_start3A_1077 = tpu.memref_slice %arg6[%dma_start3A_1074, %dma_start3A_1075, %dma_start3A_1076] : memref<21x8x256xf32, #tpu.memory_space<vmem>> -> memref<1x8x256xf32, #tpu.memory_space<vmem>>
        %dma_start3A_1078 = arith.constant 15 : i32
        %dma_start3A_1079 = tpu.memref_slice %arg2[%select_n3A, %dma_start3A_1078, %add3A_845, %mul3A_863] : memref<8x21x512x512xf32, #tpu.memory_space<hbm>> -> memref<1x1x8x256xf32, #tpu.memory_space<hbm>>
        %dma_start3A_1080 = tpu.memref_squeeze %dma_start3A_1079 : memref<1x1x8x256xf32, #tpu.memory_space<hbm>> -> memref<1x8x256xf32, #tpu.memory_space<hbm>>
        %dma_start3A_1081 = arith.constant 15 : i32
        %dma_start3A_1082 = arith.constant 0 : i32
        %dma_start3A_1083 = arith.constant 0 : i32
        %dma_start3A_1084 = tpu.memref_slice %arg6[%dma_start3A_1081, %dma_start3A_1082, %dma_start3A_1083] : memref<21x8x256xf32, #tpu.memory_space<vmem>> -> memref<1x8x256xf32, #tpu.memory_space<vmem>>
        %dma_start3A_1085 = arith.constant 15 : i32
        %dma_start3A_1086 = tpu.memref_slice %arg2[%select_n3A, %dma_start3A_1085, %add3A_845, %mul3A_863] : memref<8x21x512x512xf32, #tpu.memory_space<hbm>> -> memref<1x1x8x256xf32, #tpu.memory_space<hbm>>
        %dma_start3A_1087 = tpu.memref_squeeze %dma_start3A_1086 : memref<1x1x8x256xf32, #tpu.memory_space<hbm>> -> memref<1x8x256xf32, #tpu.memory_space<hbm>>
        tpu.enqueue_dma source(%dma_start3A_1087 : memref<1x8x256xf32, #tpu.memory_space<hbm>>) target(%dma_start3A_1084 : memref<1x8x256xf32, #tpu.memory_space<vmem>>) target_semaphore(%arg13 : memref<!tpu.dma_semaphore, #tpu.memory_space<semaphore_mem>>)
        %dma_start3A_1088 = arith.constant 16 : i32
        %dma_start3A_1089 = arith.constant 0 : i32
        %dma_start3A_1090 = arith.constant 0 : i32
        %dma_start3A_1091 = tpu.memref_slice %arg6[%dma_start3A_1088, %dma_start3A_1089, %dma_start3A_1090] : memref<21x8x256xf32, #tpu.memory_space<vmem>> -> memref<1x8x256xf32, #tpu.memory_space<vmem>>
        %dma_start3A_1092 = arith.constant 16 : i32
        %dma_start3A_1093 = tpu.memref_slice %arg2[%select_n3A, %dma_start3A_1092, %add3A_845, %mul3A_863] : memref<8x21x512x512xf32, #tpu.memory_space<hbm>> -> memref<1x1x8x256xf32, #tpu.memory_space<hbm>>
        %dma_start3A_1094 = tpu.memref_squeeze %dma_start3A_1093 : memref<1x1x8x256xf32, #tpu.memory_space<hbm>> -> memref<1x8x256xf32, #tpu.memory_space<hbm>>
        %dma_start3A_1095 = arith.constant 16 : i32
        %dma_start3A_1096 = arith.constant 0 : i32
        %dma_start3A_1097 = arith.constant 0 : i32
        %dma_start3A_1098 = tpu.memref_slice %arg6[%dma_start3A_1095, %dma_start3A_1096, %dma_start3A_1097] : memref<21x8x256xf32, #tpu.memory_space<vmem>> -> memref<1x8x256xf32, #tpu.memory_space<vmem>>
        %dma_start3A_1099 = arith.constant 16 : i32
        %dma_start3A_1100 = tpu.memref_slice %arg2[%select_n3A, %dma_start3A_1099, %add3A_845, %mul3A_863] : memref<8x21x512x512xf32, #tpu.memory_space<hbm>> -> memref<1x1x8x256xf32, #tpu.memory_space<hbm>>
        %dma_start3A_1101 = tpu.memref_squeeze %dma_start3A_1100 : memref<1x1x8x256xf32, #tpu.memory_space<hbm>> -> memref<1x8x256xf32, #tpu.memory_space<hbm>>
        tpu.enqueue_dma source(%dma_start3A_1101 : memref<1x8x256xf32, #tpu.memory_space<hbm>>) target(%dma_start3A_1098 : memref<1x8x256xf32, #tpu.memory_space<vmem>>) target_semaphore(%arg13 : memref<!tpu.dma_semaphore, #tpu.memory_space<semaphore_mem>>)
        %dma_start3A_1102 = arith.constant 17 : i32
        %dma_start3A_1103 = arith.constant 0 : i32
        %dma_start3A_1104 = arith.constant 0 : i32
        %dma_start3A_1105 = tpu.memref_slice %arg6[%dma_start3A_1102, %dma_start3A_1103, %dma_start3A_1104] : memref<21x8x256xf32, #tpu.memory_space<vmem>> -> memref<1x8x256xf32, #tpu.memory_space<vmem>>
        %dma_start3A_1106 = arith.constant 17 : i32
        %dma_start3A_1107 = tpu.memref_slice %arg2[%select_n3A, %dma_start3A_1106, %add3A_845, %mul3A_863] : memref<8x21x512x512xf32, #tpu.memory_space<hbm>> -> memref<1x1x8x256xf32, #tpu.memory_space<hbm>>
        %dma_start3A_1108 = tpu.memref_squeeze %dma_start3A_1107 : memref<1x1x8x256xf32, #tpu.memory_space<hbm>> -> memref<1x8x256xf32, #tpu.memory_space<hbm>>
        %dma_start3A_1109 = arith.constant 17 : i32
        %dma_start3A_1110 = arith.constant 0 : i32
        %dma_start3A_1111 = arith.constant 0 : i32
        %dma_start3A_1112 = tpu.memref_slice %arg6[%dma_start3A_1109, %dma_start3A_1110, %dma_start3A_1111] : memref<21x8x256xf32, #tpu.memory_space<vmem>> -> memref<1x8x256xf32, #tpu.memory_space<vmem>>
        %dma_start3A_1113 = arith.constant 17 : i32
        %dma_start3A_1114 = tpu.memref_slice %arg2[%select_n3A, %dma_start3A_1113, %add3A_845, %mul3A_863] : memref<8x21x512x512xf32, #tpu.memory_space<hbm>> -> memref<1x1x8x256xf32, #tpu.memory_space<hbm>>
        %dma_start3A_1115 = tpu.memref_squeeze %dma_start3A_1114 : memref<1x1x8x256xf32, #tpu.memory_space<hbm>> -> memref<1x8x256xf32, #tpu.memory_space<hbm>>
        tpu.enqueue_dma source(%dma_start3A_1115 : memref<1x8x256xf32, #tpu.memory_space<hbm>>) target(%dma_start3A_1112 : memref<1x8x256xf32, #tpu.memory_space<vmem>>) target_semaphore(%arg13 : memref<!tpu.dma_semaphore, #tpu.memory_space<semaphore_mem>>)
        %dma_start3A_1116 = arith.constant 18 : i32
        %dma_start3A_1117 = arith.constant 0 : i32
        %dma_start3A_1118 = arith.constant 0 : i32
        %dma_start3A_1119 = tpu.memref_slice %arg6[%dma_start3A_1116, %dma_start3A_1117, %dma_start3A_1118] : memref<21x8x256xf32, #tpu.memory_space<vmem>> -> memref<1x8x256xf32, #tpu.memory_space<vmem>>
        %dma_start3A_1120 = arith.constant 18 : i32
        %dma_start3A_1121 = tpu.memref_slice %arg2[%select_n3A, %dma_start3A_1120, %add3A_845, %mul3A_863] : memref<8x21x512x512xf32, #tpu.memory_space<hbm>> -> memref<1x1x8x256xf32, #tpu.memory_space<hbm>>
        %dma_start3A_1122 = tpu.memref_squeeze %dma_start3A_1121 : memref<1x1x8x256xf32, #tpu.memory_space<hbm>> -> memref<1x8x256xf32, #tpu.memory_space<hbm>>
        %dma_start3A_1123 = arith.constant 18 : i32
        %dma_start3A_1124 = arith.constant 0 : i32
        %dma_start3A_1125 = arith.constant 0 : i32
        %dma_start3A_1126 = tpu.memref_slice %arg6[%dma_start3A_1123, %dma_start3A_1124, %dma_start3A_1125] : memref<21x8x256xf32, #tpu.memory_space<vmem>> -> memref<1x8x256xf32, #tpu.memory_space<vmem>>
        %dma_start3A_1127 = arith.constant 18 : i32
        %dma_start3A_1128 = tpu.memref_slice %arg2[%select_n3A, %dma_start3A_1127, %add3A_845, %mul3A_863] : memref<8x21x512x512xf32, #tpu.memory_space<hbm>> -> memref<1x1x8x256xf32, #tpu.memory_space<hbm>>
        %dma_start3A_1129 = tpu.memref_squeeze %dma_start3A_1128 : memref<1x1x8x256xf32, #tpu.memory_space<hbm>> -> memref<1x8x256xf32, #tpu.memory_space<hbm>>
        tpu.enqueue_dma source(%dma_start3A_1129 : memref<1x8x256xf32, #tpu.memory_space<hbm>>) target(%dma_start3A_1126 : memref<1x8x256xf32, #tpu.memory_space<vmem>>) target_semaphore(%arg13 : memref<!tpu.dma_semaphore, #tpu.memory_space<semaphore_mem>>)
        %dma_start3A_1130 = arith.constant 19 : i32
        %dma_start3A_1131 = arith.constant 0 : i32
        %dma_start3A_1132 = arith.constant 0 : i32
        %dma_start3A_1133 = tpu.memref_slice %arg6[%dma_start3A_1130, %dma_start3A_1131, %dma_start3A_1132] : memref<21x8x256xf32, #tpu.memory_space<vmem>> -> memref<1x8x256xf32, #tpu.memory_space<vmem>>
        %dma_start3A_1134 = arith.constant 19 : i32
        %dma_start3A_1135 = tpu.memref_slice %arg2[%select_n3A, %dma_start3A_1134, %add3A_845, %mul3A_863] : memref<8x21x512x512xf32, #tpu.memory_space<hbm>> -> memref<1x1x8x256xf32, #tpu.memory_space<hbm>>
        %dma_start3A_1136 = tpu.memref_squeeze %dma_start3A_1135 : memref<1x1x8x256xf32, #tpu.memory_space<hbm>> -> memref<1x8x256xf32, #tpu.memory_space<hbm>>
        %dma_start3A_1137 = arith.constant 19 : i32
        %dma_start3A_1138 = arith.constant 0 : i32
        %dma_start3A_1139 = arith.constant 0 : i32
        %dma_start3A_1140 = tpu.memref_slice %arg6[%dma_start3A_1137, %dma_start3A_1138, %dma_start3A_1139] : memref<21x8x256xf32, #tpu.memory_space<vmem>> -> memref<1x8x256xf32, #tpu.memory_space<vmem>>
        %dma_start3A_1141 = arith.constant 19 : i32
        %dma_start3A_1142 = tpu.memref_slice %arg2[%select_n3A, %dma_start3A_1141, %add3A_845, %mul3A_863] : memref<8x21x512x512xf32, #tpu.memory_space<hbm>> -> memref<1x1x8x256xf32, #tpu.memory_space<hbm>>
        %dma_start3A_1143 = tpu.memref_squeeze %dma_start3A_1142 : memref<1x1x8x256xf32, #tpu.memory_space<hbm>> -> memref<1x8x256xf32, #tpu.memory_space<hbm>>
        tpu.enqueue_dma source(%dma_start3A_1143 : memref<1x8x256xf32, #tpu.memory_space<hbm>>) target(%dma_start3A_1140 : memref<1x8x256xf32, #tpu.memory_space<vmem>>) target_semaphore(%arg13 : memref<!tpu.dma_semaphore, #tpu.memory_space<semaphore_mem>>)
        %dma_start3A_1144 = arith.constant 20 : i32
        %dma_start3A_1145 = arith.constant 0 : i32
        %dma_start3A_1146 = arith.constant 0 : i32
        %dma_start3A_1147 = tpu.memref_slice %arg6[%dma_start3A_1144, %dma_start3A_1145, %dma_start3A_1146] : memref<21x8x256xf32, #tpu.memory_space<vmem>> -> memref<1x8x256xf32, #tpu.memory_space<vmem>>
        %dma_start3A_1148 = arith.constant 20 : i32
        %dma_start3A_1149 = tpu.memref_slice %arg2[%select_n3A, %dma_start3A_1148, %add3A_845, %mul3A_863] : memref<8x21x512x512xf32, #tpu.memory_space<hbm>> -> memref<1x1x8x256xf32, #tpu.memory_space<hbm>>
        %dma_start3A_1150 = tpu.memref_squeeze %dma_start3A_1149 : memref<1x1x8x256xf32, #tpu.memory_space<hbm>> -> memref<1x8x256xf32, #tpu.memory_space<hbm>>
        %dma_start3A_1151 = arith.constant 20 : i32
        %dma_start3A_1152 = arith.constant 0 : i32
        %dma_start3A_1153 = arith.constant 0 : i32
        %dma_start3A_1154 = tpu.memref_slice %arg6[%dma_start3A_1151, %dma_start3A_1152, %dma_start3A_1153] : memref<21x8x256xf32, #tpu.memory_space<vmem>> -> memref<1x8x256xf32, #tpu.memory_space<vmem>>
        %dma_start3A_1155 = arith.constant 20 : i32
        %dma_start3A_1156 = tpu.memref_slice %arg2[%select_n3A, %dma_start3A_1155, %add3A_845, %mul3A_863] : memref<8x21x512x512xf32, #tpu.memory_space<hbm>> -> memref<1x1x8x256xf32, #tpu.memory_space<hbm>>
        %dma_start3A_1157 = tpu.memref_squeeze %dma_start3A_1156 : memref<1x1x8x256xf32, #tpu.memory_space<hbm>> -> memref<1x8x256xf32, #tpu.memory_space<hbm>>
        tpu.enqueue_dma source(%dma_start3A_1157 : memref<1x8x256xf32, #tpu.memory_space<hbm>>) target(%dma_start3A_1154 : memref<1x8x256xf32, #tpu.memory_space<vmem>>) target_semaphore(%arg13 : memref<!tpu.dma_semaphore, #tpu.memory_space<semaphore_mem>>)
      } else {
      }
      %jit3A_469 = arith.constant 2 : i32
      %div3A_470 = arith.divsi %add3A_463, %jit3A_469 : i32
      %sign3A_471 = arith.constant 0 : i32
      %sign3A_472 = arith.cmpi sgt, %add3A_463, %sign3A_471 : i32
      %sign3A_473 = arith.extui %sign3A_472 : i1 to i32
      %sign3A_474 = arith.constant 0 : i32
      %sign3A_475 = arith.cmpi slt, %add3A_463, %sign3A_474 : i32
      %sign3A_476 = arith.extui %sign3A_475 : i1 to i32
      %sign3A_477 = arith.subi %sign3A_473, %sign3A_476 : i32
      %sign3A_478 = arith.constant 0 : i32
      %sign3A_479 = arith.cmpi sgt, %jit3A_469, %sign3A_478 : i32
      %sign3A_480 = arith.extui %sign3A_479 : i1 to i32
      %sign3A_481 = arith.constant 0 : i32
      %sign3A_482 = arith.cmpi slt, %jit3A_469, %sign3A_481 : i32
      %sign3A_483 = arith.extui %sign3A_482 : i1 to i32
      %sign3A_484 = arith.subi %sign3A_480, %sign3A_483 : i32
      %ne3A_485 = arith.cmpi ne, %sign3A_477, %sign3A_484 : i32
      %rem3A_486 = arith.remsi %add3A_463, %jit3A_469 : i32
      %ne3A_487 = arith.constant 0 : i32
      %ne3A_488 = arith.cmpi ne, %rem3A_486, %ne3A_487 : i32
      %and3A_489 = arith.andi %ne3A_485, %ne3A_488 : i1
      %sub3A_490 = arith.constant 1 : i32
      %sub3A_491 = arith.subi %div3A_470, %sub3A_490 : i32
      %select_n3A_492 = arith.select %and3A_489, %sub3A_491, %div3A_470 : i32
      %mul3A_493 = arith.constant 8 : i32
      %mul3A_494 = arith.muli %select_n3A_492, %mul3A_493 : i32
      %add3A_495 = arith.addi %mul3A_32, %mul3A_494 : i32
      %jit3A_496 = arith.constant 2 : i32
      %eq3A_497 = arith.constant 0 : i32
      %eq3A_498 = arith.cmpi eq, %jit3A_496, %eq3A_497 : i32
      %jit3A_499 = arith.constant 1 : i32
      %select_n3A_500 = arith.select %eq3A_498, %jit3A_499, %jit3A_496 : i32
      %rem3A_501 = arith.remsi %add3A_463, %select_n3A_500 : i32
      %ne3A_502 = arith.constant 0 : i32
      %ne3A_503 = arith.cmpi ne, %rem3A_501, %ne3A_502 : i32
      %lt3A_504 = arith.constant 0 : i32
      %lt3A_505 = arith.cmpi slt, %rem3A_501, %lt3A_504 : i32
      %lt3A_506 = arith.constant 0 : i32
      %lt3A_507 = arith.cmpi slt, %select_n3A_500, %lt3A_506 : i32
      %ne3A_508 = arith.xori %lt3A_505, %lt3A_507 : i1
      %and3A_509 = arith.andi %ne3A_508, %ne3A_503 : i1
      %add3A_510 = arith.addi %rem3A_501, %select_n3A_500 : i32
      %select_n3A_511 = arith.select %and3A_509, %add3A_510, %rem3A_501 : i32
      %mul3A_512 = arith.constant 256 : i32
      %mul3A_513 = arith.muli %select_n3A_511, %mul3A_512 : i32
      %dma_wait3A = tpu.memref_slice %arg3[%select_n3A, %add3A_495, %mul3A_513] : memref<8x512x512xi32, #tpu.memory_space<hbm>> -> memref<1x8x256xi32, #tpu.memory_space<hbm>>
      %dma_wait3A_514 = tpu.memref_squeeze %dma_wait3A : memref<1x8x256xi32, #tpu.memory_space<hbm>> -> memref<8x256xi32, #tpu.memory_space<hbm>>
      %dma_wait3A_515 = tpu.memref_slice %arg3[%select_n3A, %add3A_495, %mul3A_513] : memref<8x512x512xi32, #tpu.memory_space<hbm>> -> memref<1x8x256xi32, #tpu.memory_space<hbm>>
      %dma_wait3A_516 = tpu.memref_squeeze %dma_wait3A_515 : memref<1x8x256xi32, #tpu.memory_space<hbm>> -> memref<8x256xi32, #tpu.memory_space<hbm>>
      tpu.wait_dma2 semaphore(%arg14 : memref<!tpu.dma_semaphore, #tpu.memory_space<semaphore_mem>>) src(%dma_wait3A_516 : memref<8x256xi32, #tpu.memory_space<hbm>>) dst(%arg7 : memref<8x256xi32, #tpu.memory_space<vmem>>)
      %scan3A_517 = arith.constant 0 : i32
      %scan3A_518 = arith.constant 0 : i32
      %scan3A_519 = arith.constant 128 : i32
      %scan3A_520 = arith.addi %scan3A_518, %scan3A_519 : i32
      %scan3A_521 = arith.constant 1 : i32
      %scan3A_522 = scf.for %scan3A_768 = %scan3A_518 to %scan3A_520 step %scan3A_521 iter_args(%scan3A_769 = %scan3A_517) -> (i32)  : i32 {
        %jit3A_770 = arith.constant 16 : i32
        %div3A_771 = arith.divsi %scan3A_768, %jit3A_770 : i32
        %sign3A_772 = arith.constant 0 : i32
        %sign3A_773 = arith.cmpi sgt, %scan3A_768, %sign3A_772 : i32
        %sign3A_774 = arith.extui %sign3A_773 : i1 to i32
        %sign3A_775 = arith.constant 0 : i32
        %sign3A_776 = arith.cmpi slt, %scan3A_768, %sign3A_775 : i32
        %sign3A_777 = arith.extui %sign3A_776 : i1 to i32
        %sign3A_778 = arith.subi %sign3A_774, %sign3A_777 : i32
        %sign3A_779 = arith.constant 0 : i32
        %sign3A_780 = arith.cmpi sgt, %jit3A_770, %sign3A_779 : i32
        %sign3A_781 = arith.extui %sign3A_780 : i1 to i32
        %sign3A_782 = arith.constant 0 : i32
        %sign3A_783 = arith.cmpi slt, %jit3A_770, %sign3A_782 : i32
        %sign3A_784 = arith.extui %sign3A_783 : i1 to i32
        %sign3A_785 = arith.subi %sign3A_781, %sign3A_784 : i32
        %ne3A_786 = arith.cmpi ne, %sign3A_778, %sign3A_785 : i32
        %rem3A_787 = arith.remsi %scan3A_768, %jit3A_770 : i32
        %ne3A_788 = arith.constant 0 : i32
        %ne3A_789 = arith.cmpi ne, %rem3A_787, %ne3A_788 : i32
        %and3A_790 = arith.andi %ne3A_786, %ne3A_789 : i1
        %sub3A_791 = arith.constant 1 : i32
        %sub3A_792 = arith.subi %div3A_771, %sub3A_791 : i32
        %select_n3A_793 = arith.select %and3A_790, %sub3A_792, %div3A_771 : i32
        %jit3A_794 = arith.constant 16 : i32
        %eq3A_795 = arith.constant 0 : i32
        %eq3A_796 = arith.cmpi eq, %jit3A_794, %eq3A_795 : i32
        %jit3A_797 = arith.constant 1 : i32
        %select_n3A_798 = arith.select %eq3A_796, %jit3A_797, %jit3A_794 : i32
        %rem3A_799 = arith.remsi %scan3A_768, %select_n3A_798 : i32
        %ne3A_800 = arith.constant 0 : i32
        %ne3A_801 = arith.cmpi ne, %rem3A_799, %ne3A_800 : i32
        %lt3A_802 = arith.constant 0 : i32
        %lt3A_803 = arith.cmpi slt, %rem3A_799, %lt3A_802 : i32
        %lt3A_804 = arith.constant 0 : i32
        %lt3A_805 = arith.cmpi slt, %select_n3A_798, %lt3A_804 : i32
        %ne3A_806 = arith.xori %lt3A_803, %lt3A_805 : i1
        %and3A_807 = arith.andi %ne3A_806, %ne3A_801 : i1
        %add3A_808 = arith.addi %rem3A_799, %select_n3A_798 : i32
        %select_n3A_809 = arith.select %and3A_807, %add3A_808, %rem3A_799 : i32
        %mul3A_810 = arith.constant 16 : i32
        %mul3A_811 = arith.muli %select_n3A_809, %mul3A_810 : i32
        %get3A = arith.index_cast %select_n3A_793 : i32 to index
        %get3A_812 = arith.index_cast %mul3A_811 : i32 to index
        %get3A_813 = tpu.vector_load %arg7[%get3A, %get3A_812] {strides = array<i32>} : memref<8x256xi32, #tpu.memory_space<vmem>>, vector<16xi32>,
        %eq3A_814 = arith.constant 0 : i32
        %eq3A_815 = vector.broadcast %eq3A_814 : i32 to vector<16xi32>
        %eq3A_816 = arith.cmpi eq, %get3A_813, %eq3A_815 : vector<16xi32>
        %mul3A_817 = arith.constant 16 : i32
        %mul3A_818 = arith.muli %scan3A_768, %mul3A_817 : i32
        %add3A_819 = vector.broadcast %mul3A_818 : i32 to vector<16xi32>
        %add3A_820 = arith.addi %add3A_819, %iota3A : vector<16xi32>
        %swap3A = arith.index_cast %scan3A_769 : i32 to index
        %swap3A_821 = tpu.vector_load %arg9[%swap3A] masked %eq3A_816 {strides = array<i32>} : memref<2048xi32, #tpu.memory_space<vmem>>, vector<16xi32>, vector<16xi1>
        tpu.vector_store %arg9[%swap3A], %add3A_820 masked %eq3A_816 {strides = array<i32>} : memref<2048xi32, #tpu.memory_space<vmem>>, vector<16xi32>, vector<16xi1>
        %all_reduce_population_count3A = tpu.all_reduce %eq3A_816 {dim = 0 : i64, kind = #tpu.reduction_kind<sum>} : vector<16xi1> -> vector<16xi32>
        %reduce_max3A = arith.constant true
        %reduce_max3A_822 = vector.broadcast %reduce_max3A : i1 to vector<16xi1>
        %reduce_max3A_823 = arith.constant -2147483648 : i32
        %reduce_max3A_824 = vector.broadcast %reduce_max3A_823 : i32 to vector<16xi32>
        %reduce_max3A_825 = arith.xori %all_reduce_population_count3A, %reduce_max3A_824 : vector<16xi32>
        %reduce_max3A_826 = tpu.scan <max>, %reduce_max3A_825 masked %reduce_max3A_822 : vector<16xi32>, vector<16xi1> -> vector<16xi32>
        %reduce_max3A_827 = arith.xori %reduce_max3A_826, %reduce_max3A_824 : vector<16xi32>
        %reduce_max3A_828 = vector.extract %reduce_max3A_827[15] : i32 from vector<16xi32>
        %add3A_829 = arith.addi %scan3A_769, %reduce_max3A_828 : i32
        scf.yield %add3A_829 : i32
      }
      %scan3A_523 = arith.constant 128 : i32
      %jit3A_524 = arith.constant 2 : i32
      %div3A_525 = arith.divsi %add3A_463, %jit3A_524 : i32
      %sign3A_526 = arith.constant 0 : i32
      %sign3A_527 = arith.cmpi sgt, %add3A_463, %sign3A_526 : i32
      %sign3A_528 = arith.extui %sign3A_527 : i1 to i32
      %sign3A_529 = arith.constant 0 : i32
      %sign3A_530 = arith.cmpi slt, %add3A_463, %sign3A_529 : i32
      %sign3A_531 = arith.extui %sign3A_530 : i1 to i32
      %sign3A_532 = arith.subi %sign3A_528, %sign3A_531 : i32
      %sign3A_533 = arith.constant 0 : i32
      %sign3A_534 = arith.cmpi sgt, %jit3A_524, %sign3A_533 : i32
      %sign3A_535 = arith.extui %sign3A_534 : i1 to i32
      %sign3A_536 = arith.constant 0 : i32
      %sign3A_537 = arith.cmpi slt, %jit3A_524, %sign3A_536 : i32
      %sign3A_538 = arith.extui %sign3A_537 : i1 to i32
      %sign3A_539 = arith.subi %sign3A_535, %sign3A_538 : i32
      %ne3A_540 = arith.cmpi ne, %sign3A_532, %sign3A_539 : i32
      %rem3A_541 = arith.remsi %add3A_463, %jit3A_524 : i32
      %ne3A_542 = arith.constant 0 : i32
      %ne3A_543 = arith.cmpi ne, %rem3A_541, %ne3A_542 : i32
      %and3A_544 = arith.andi %ne3A_540, %ne3A_543 : i1
      %sub3A_545 = arith.constant 1 : i32
      %sub3A_546 = arith.subi %div3A_525, %sub3A_545 : i32
      %select_n3A_547 = arith.select %and3A_544, %sub3A_546, %div3A_525 : i32
      %mul3A_548 = arith.constant 8 : i32
      %mul3A_549 = arith.muli %select_n3A_547, %mul3A_548 : i32
      %add3A_550 = arith.addi %mul3A_32, %mul3A_549 : i32
      %jit3A_551 = arith.constant 2 : i32
      %eq3A_552 = arith.constant 0 : i32
      %eq3A_553 = arith.cmpi eq, %jit3A_551, %eq3A_552 : i32
      %jit3A_554 = arith.constant 1 : i32
      %select_n3A_555 = arith.select %eq3A_553, %jit3A_554, %jit3A_551 : i32
      %rem3A_556 = arith.remsi %add3A_463, %select_n3A_555 : i32
      %ne3A_557 = arith.constant 0 : i32
      %ne3A_558 = arith.cmpi ne, %rem3A_556, %ne3A_557 : i32
      %lt3A_559 = arith.constant 0 : i32
      %lt3A_560 = arith.cmpi slt, %rem3A_556, %lt3A_559 : i32
      %lt3A_561 = arith.constant 0 : i32
      %lt3A_562 = arith.cmpi slt, %select_n3A_555, %lt3A_561 : i32
      %ne3A_563 = arith.xori %lt3A_560, %lt3A_562 : i1
      %and3A_564 = arith.andi %ne3A_563, %ne3A_558 : i1
      %add3A_565 = arith.addi %rem3A_556, %select_n3A_555 : i32
      %select_n3A_566 = arith.select %and3A_564, %add3A_565, %rem3A_556 : i32
      %mul3A_567 = arith.constant 256 : i32
      %mul3A_568 = arith.muli %select_n3A_566, %mul3A_567 : i32
      %dma_wait3A_569 = arith.constant 0 : i32
      %dma_wait3A_570 = tpu.memref_slice %arg2[%select_n3A, %dma_wait3A_569, %add3A_550, %mul3A_568] : memref<8x21x512x512xf32, #tpu.memory_space<hbm>> -> memref<1x21x8x256xf32, #tpu.memory_space<hbm>>
      %dma_wait3A_571 = tpu.memref_squeeze %dma_wait3A_570 : memref<1x21x8x256xf32, #tpu.memory_space<hbm>> -> memref<21x8x256xf32, #tpu.memory_space<hbm>>
      %dma_wait3A_572 = arith.constant 0 : i32
      %dma_wait3A_573 = tpu.memref_slice %arg2[%select_n3A, %dma_wait3A_572, %add3A_550, %mul3A_568] : memref<8x21x512x512xf32, #tpu.memory_space<hbm>> -> memref<1x21x8x256xf32, #tpu.memory_space<hbm>>
      %dma_wait3A_574 = tpu.memref_squeeze %dma_wait3A_573 : memref<1x21x8x256xf32, #tpu.memory_space<hbm>> -> memref<21x8x256xf32, #tpu.memory_space<hbm>>
      tpu.wait_dma2 semaphore(%arg12 : memref<!tpu.dma_semaphore, #tpu.memory_space<semaphore_mem>>) src(%dma_wait3A_574 : memref<21x8x256xf32, #tpu.memory_space<hbm>>) dst(%arg5 : memref<21x8x256xf32, #tpu.memory_space<vmem>>)
      %add3A_575 = arith.constant 15 : i32
      %add3A_576 = arith.addi %scan3A_522, %add3A_575 : i32
      %jit3A_577 = arith.constant 16 : i32
      %div3A_578 = arith.divsi %add3A_576, %jit3A_577 : i32
      %sign3A_579 = arith.constant 0 : i32
      %sign3A_580 = arith.cmpi sgt, %add3A_576, %sign3A_579 : i32
      %sign3A_581 = arith.extui %sign3A_580 : i1 to i32
      %sign3A_582 = arith.constant 0 : i32
      %sign3A_583 = arith.cmpi slt, %add3A_576, %sign3A_582 : i32
      %sign3A_584 = arith.extui %sign3A_583 : i1 to i32
      %sign3A_585 = arith.subi %sign3A_581, %sign3A_584 : i32
      %sign3A_586 = arith.constant 0 : i32
      %sign3A_587 = arith.cmpi sgt, %jit3A_577, %sign3A_586 : i32
      %sign3A_588 = arith.extui %sign3A_587 : i1 to i32
      %sign3A_589 = arith.constant 0 : i32
      %sign3A_590 = arith.cmpi slt, %jit3A_577, %sign3A_589 : i32
      %sign3A_591 = arith.extui %sign3A_590 : i1 to i32
      %sign3A_592 = arith.subi %sign3A_588, %sign3A_591 : i32
      %ne3A_593 = arith.cmpi ne, %sign3A_585, %sign3A_592 : i32
      %rem3A_594 = arith.remsi %add3A_576, %jit3A_577 : i32
      %ne3A_595 = arith.constant 0 : i32
      %ne3A_596 = arith.cmpi ne, %rem3A_594, %ne3A_595 : i32
      %and3A_597 = arith.andi %ne3A_593, %ne3A_596 : i1
      %sub3A_598 = arith.constant 1 : i32
      %sub3A_599 = arith.subi %div3A_578, %sub3A_598 : i32
      %select_n3A_600 = arith.select %and3A_597, %sub3A_599, %div3A_578 : i32
      %while3A = arith.constant 0 : i32
      %while3A_601 = arith.constant 0 : i32
      %while3A_602 = arith.subi %select_n3A_600, %while3A : i32
      %while3A_603 = arith.addi %while3A, %while3A_602 : i32
      %while3A_604 = arith.constant 1 : i32
      %while3A_605 = arith.divsi %while3A_602, %while3A_604 : i32
      %while3A_606 = arith.muli %while3A_605, %while3A_604 : i32
      %while3A_607 = arith.addi %while3A, %while3A_606 : i32
      %while3A_608 = arith.constant 1 : i32
      %while3A_609 = scf.for %while3A_768 = %while3A to %while3A_607 step %while3A_608 iter_args(%while3A_769 = %while3A_601) -> (i32)  : i32 {
        %mul3A_770 = arith.constant 16 : i32
        %mul3A_771 = arith.muli %while3A_768, %mul3A_770 : i32
        %sub3A_772 = arith.subi %scan3A_522, %mul3A_771 : i32
        %lt3A_773 = vector.broadcast %sub3A_772 : i32 to vector<16xi32>
        %lt3A_774 = arith.cmpi slt, %iota3A, %lt3A_773 : vector<16xi32>
        %get3A = arith.index_cast %mul3A_771 : i32 to index
        %get3A_775 = tpu.vector_load %arg9[%get3A] {strides = array<i32>} : memref<2048xi32, #tpu.memory_space<vmem>>, vector<16xi32>,
        %shift_right_logical3A = arith.constant 8 : i32
        %shift_right_logical3A_776 = vector.broadcast %shift_right_logical3A : i32 to vector<16xi32>
        %shift_right_logical3A_777 = arith.shrui %get3A_775, %shift_right_logical3A_776 : vector<16xi32>
        %and3A_778 = arith.constant 255 : i32
        %and3A_779 = vector.broadcast %and3A_778 : i32 to vector<16xi32>
        %and3A_780 = arith.andi %get3A_775, %and3A_779 : vector<16xi32>
        %gather3A = tpu.vector_load_idx %arg5[%broadcast_in_dim3A_40, %shift_right_logical3A_777, %and3A_780] masked %lt3A_774 : memref<21x8x256xf32, #tpu.memory_space<vmem>>[vector<16xi32>, vector<16xi32>, vector<16xi32>], vector<16xf32>, vector<16xi1>
        %gather3A_781 = tpu.vector_load_idx %arg5[%broadcast_in_dim3A_42, %shift_right_logical3A_777, %and3A_780] masked %lt3A_774 : memref<21x8x256xf32, #tpu.memory_space<vmem>>[vector<16xi32>, vector<16xi32>, vector<16xi32>], vector<16xf32>, vector<16xi1>
        %gather3A_782 = tpu.vector_load_idx %arg5[%broadcast_in_dim3A_44, %shift_right_logical3A_777, %and3A_780] masked %lt3A_774 : memref<21x8x256xf32, #tpu.memory_space<vmem>>[vector<16xi32>, vector<16xi32>, vector<16xi32>], vector<16xf32>, vector<16xi1>
        %gather3A_783 = tpu.vector_load_idx %arg5[%broadcast_in_dim3A_46, %shift_right_logical3A_777, %and3A_780] masked %lt3A_774 : memref<21x8x256xf32, #tpu.memory_space<vmem>>[vector<16xi32>, vector<16xi32>, vector<16xi32>], vector<16xf32>, vector<16xi1>
        %gather3A_784 = tpu.vector_load_idx %arg5[%broadcast_in_dim3A_48, %shift_right_logical3A_777, %and3A_780] masked %lt3A_774 : memref<21x8x256xf32, #tpu.memory_space<vmem>>[vector<16xi32>, vector<16xi32>, vector<16xi32>], vector<16xf32>, vector<16xi1>
        %gather3A_785 = tpu.vector_load_idx %arg5[%broadcast_in_dim3A_50, %shift_right_logical3A_777, %and3A_780] masked %lt3A_774 : memref<21x8x256xf32, #tpu.memory_space<vmem>>[vector<16xi32>, vector<16xi32>, vector<16xi32>], vector<16xf32>, vector<16xi1>
        %gather3A_786 = tpu.vector_load_idx %arg5[%broadcast_in_dim3A_52, %shift_right_logical3A_777, %and3A_780] masked %lt3A_774 : memref<21x8x256xf32, #tpu.memory_space<vmem>>[vector<16xi32>, vector<16xi32>, vector<16xi32>], vector<16xf32>, vector<16xi1>
        %gather3A_787 = tpu.vector_load_idx %arg5[%broadcast_in_dim3A_54, %shift_right_logical3A_777, %and3A_780] masked %lt3A_774 : memref<21x8x256xf32, #tpu.memory_space<vmem>>[vector<16xi32>, vector<16xi32>, vector<16xi32>], vector<16xf32>, vector<16xi1>
        %gather3A_788 = tpu.vector_load_idx %arg5[%broadcast_in_dim3A_56, %shift_right_logical3A_777, %and3A_780] masked %lt3A_774 : memref<21x8x256xf32, #tpu.memory_space<vmem>>[vector<16xi32>, vector<16xi32>, vector<16xi32>], vector<16xf32>, vector<16xi1>
        %gather3A_789 = tpu.vector_load_idx %arg5[%broadcast_in_dim3A_58, %shift_right_logical3A_777, %and3A_780] masked %lt3A_774 : memref<21x8x256xf32, #tpu.memory_space<vmem>>[vector<16xi32>, vector<16xi32>, vector<16xi32>], vector<16xf32>, vector<16xi1>
        %gather3A_790 = tpu.vector_load_idx %arg5[%broadcast_in_dim3A_60, %shift_right_logical3A_777, %and3A_780] masked %lt3A_774 : memref<21x8x256xf32, #tpu.memory_space<vmem>>[vector<16xi32>, vector<16xi32>, vector<16xi32>], vector<16xf32>, vector<16xi1>
        %gather3A_791 = tpu.vector_load_idx %arg5[%broadcast_in_dim3A_62, %shift_right_logical3A_777, %and3A_780] masked %lt3A_774 : memref<21x8x256xf32, #tpu.memory_space<vmem>>[vector<16xi32>, vector<16xi32>, vector<16xi32>], vector<16xf32>, vector<16xi1>
        %gather3A_792 = tpu.vector_load_idx %arg5[%broadcast_in_dim3A_64, %shift_right_logical3A_777, %and3A_780] masked %lt3A_774 : memref<21x8x256xf32, #tpu.memory_space<vmem>>[vector<16xi32>, vector<16xi32>, vector<16xi32>], vector<16xf32>, vector<16xi1>
        %gather3A_793 = tpu.vector_load_idx %arg5[%broadcast_in_dim3A_66, %shift_right_logical3A_777, %and3A_780] masked %lt3A_774 : memref<21x8x256xf32, #tpu.memory_space<vmem>>[vector<16xi32>, vector<16xi32>, vector<16xi32>], vector<16xf32>, vector<16xi1>
        %gather3A_794 = tpu.vector_load_idx %arg5[%broadcast_in_dim3A_68, %shift_right_logical3A_777, %and3A_780] masked %lt3A_774 : memref<21x8x256xf32, #tpu.memory_space<vmem>>[vector<16xi32>, vector<16xi32>, vector<16xi32>], vector<16xf32>, vector<16xi1>
        %gather3A_795 = tpu.vector_load_idx %arg5[%broadcast_in_dim3A_70, %shift_right_logical3A_777, %and3A_780] masked %lt3A_774 : memref<21x8x256xf32, #tpu.memory_space<vmem>>[vector<16xi32>, vector<16xi32>, vector<16xi32>], vector<16xf32>, vector<16xi1>
        %gather3A_796 = tpu.vector_load_idx %arg5[%broadcast_in_dim3A_72, %shift_right_logical3A_777, %and3A_780] masked %lt3A_774 : memref<21x8x256xf32, #tpu.memory_space<vmem>>[vector<16xi32>, vector<16xi32>, vector<16xi32>], vector<16xf32>, vector<16xi1>
        %gather3A_797 = tpu.vector_load_idx %arg5[%broadcast_in_dim3A_74, %shift_right_logical3A_777, %and3A_780] masked %lt3A_774 : memref<21x8x256xf32, #tpu.memory_space<vmem>>[vector<16xi32>, vector<16xi32>, vector<16xi32>], vector<16xf32>, vector<16xi1>
        %gather3A_798 = tpu.vector_load_idx %arg5[%broadcast_in_dim3A_76, %shift_right_logical3A_777, %and3A_780] masked %lt3A_774 : memref<21x8x256xf32, #tpu.memory_space<vmem>>[vector<16xi32>, vector<16xi32>, vector<16xi32>], vector<16xf32>, vector<16xi1>
        %gather3A_799 = tpu.vector_load_idx %arg5[%broadcast_in_dim3A_78, %shift_right_logical3A_777, %and3A_780] masked %lt3A_774 : memref<21x8x256xf32, #tpu.memory_space<vmem>>[vector<16xi32>, vector<16xi32>, vector<16xi32>], vector<16xf32>, vector<16xi1>
        %gather3A_800 = tpu.vector_load_idx %arg5[%broadcast_in_dim3A_80, %shift_right_logical3A_777, %and3A_780] masked %lt3A_774 : memref<21x8x256xf32, #tpu.memory_space<vmem>>[vector<16xi32>, vector<16xi32>, vector<16xi32>], vector<16xf32>, vector<16xi1>
        %max3A = arith.maximumf %gather3A, %gather3A_781 : vector<16xf32>
        %max3A_801 = arith.maximumf %gather3A_782, %gather3A_783 : vector<16xf32>
        %max3A_802 = arith.maximumf %gather3A_784, %gather3A_785 : vector<16xf32>
        %max3A_803 = arith.maximumf %gather3A_786, %gather3A_787 : vector<16xf32>
        %max3A_804 = arith.maximumf %gather3A_788, %gather3A_789 : vector<16xf32>
        %max3A_805 = arith.maximumf %gather3A_790, %gather3A_791 : vector<16xf32>
        %max3A_806 = arith.maximumf %gather3A_792, %gather3A_793 : vector<16xf32>
        %max3A_807 = arith.maximumf %gather3A_794, %gather3A_795 : vector<16xf32>
        %max3A_808 = arith.maximumf %gather3A_796, %gather3A_797 : vector<16xf32>
        %max3A_809 = arith.maximumf %gather3A_798, %gather3A_799 : vector<16xf32>
        %max3A_810 = arith.maximumf %max3A, %max3A_801 : vector<16xf32>
        %max3A_811 = arith.maximumf %max3A_802, %max3A_803 : vector<16xf32>
        %max3A_812 = arith.maximumf %max3A_804, %max3A_805 : vector<16xf32>
        %max3A_813 = arith.maximumf %max3A_806, %max3A_807 : vector<16xf32>
        %max3A_814 = arith.maximumf %max3A_808, %max3A_809 : vector<16xf32>
        %max3A_815 = arith.maximumf %max3A_810, %max3A_811 : vector<16xf32>
        %max3A_816 = arith.maximumf %max3A_812, %max3A_813 : vector<16xf32>
        %max3A_817 = arith.maximumf %max3A_814, %gather3A_800 : vector<16xf32>
        %max3A_818 = arith.maximumf %max3A_815, %max3A_816 : vector<16xf32>
        %max3A_819 = arith.maximumf %max3A_818, %max3A_817 : vector<16xf32>
        %eq3A_820 = arith.cmpf oeq, %gather3A, %max3A_819 : vector<16xf32>
        %jit3A_821 = arith.constant 0 : i32
        %jit3A_822 = arith.constant 21 : i32
        %broadcast_in_dim3A_823 = vector.broadcast %jit3A_821 : i32 to vector<16xi32>
        %broadcast_in_dim3A_824 = vector.broadcast %jit3A_822 : i32 to vector<16xi32>
        %select_n3A_825 = arith.select %eq3A_820, %broadcast_in_dim3A_823, %broadcast_in_dim3A_824 : vector<16xi1>, vector<16xi32>
        %eq3A_826 = arith.cmpf oeq, %gather3A_781, %max3A_819 : vector<16xf32>
        %jit3A_827 = arith.constant 1 : i32
        %jit3A_828 = arith.constant 21 : i32
        %broadcast_in_dim3A_829 = vector.broadcast %jit3A_827 : i32 to vector<16xi32>
        %broadcast_in_dim3A_830 = vector.broadcast %jit3A_828 : i32 to vector<16xi32>
        %select_n3A_831 = arith.select %eq3A_826, %broadcast_in_dim3A_829, %broadcast_in_dim3A_830 : vector<16xi1>, vector<16xi32>
        %eq3A_832 = arith.cmpf oeq, %gather3A_782, %max3A_819 : vector<16xf32>
        %jit3A_833 = arith.constant 2 : i32
        %jit3A_834 = arith.constant 21 : i32
        %broadcast_in_dim3A_835 = vector.broadcast %jit3A_833 : i32 to vector<16xi32>
        %broadcast_in_dim3A_836 = vector.broadcast %jit3A_834 : i32 to vector<16xi32>
        %select_n3A_837 = arith.select %eq3A_832, %broadcast_in_dim3A_835, %broadcast_in_dim3A_836 : vector<16xi1>, vector<16xi32>
        %eq3A_838 = arith.cmpf oeq, %gather3A_783, %max3A_819 : vector<16xf32>
        %jit3A_839 = arith.constant 3 : i32
        %jit3A_840 = arith.constant 21 : i32
        %broadcast_in_dim3A_841 = vector.broadcast %jit3A_839 : i32 to vector<16xi32>
        %broadcast_in_dim3A_842 = vector.broadcast %jit3A_840 : i32 to vector<16xi32>
        %select_n3A_843 = arith.select %eq3A_838, %broadcast_in_dim3A_841, %broadcast_in_dim3A_842 : vector<16xi1>, vector<16xi32>
        %eq3A_844 = arith.cmpf oeq, %gather3A_784, %max3A_819 : vector<16xf32>
        %jit3A_845 = arith.constant 4 : i32
        %jit3A_846 = arith.constant 21 : i32
        %broadcast_in_dim3A_847 = vector.broadcast %jit3A_845 : i32 to vector<16xi32>
        %broadcast_in_dim3A_848 = vector.broadcast %jit3A_846 : i32 to vector<16xi32>
        %select_n3A_849 = arith.select %eq3A_844, %broadcast_in_dim3A_847, %broadcast_in_dim3A_848 : vector<16xi1>, vector<16xi32>
        %eq3A_850 = arith.cmpf oeq, %gather3A_785, %max3A_819 : vector<16xf32>
        %jit3A_851 = arith.constant 5 : i32
        %jit3A_852 = arith.constant 21 : i32
        %broadcast_in_dim3A_853 = vector.broadcast %jit3A_851 : i32 to vector<16xi32>
        %broadcast_in_dim3A_854 = vector.broadcast %jit3A_852 : i32 to vector<16xi32>
        %select_n3A_855 = arith.select %eq3A_850, %broadcast_in_dim3A_853, %broadcast_in_dim3A_854 : vector<16xi1>, vector<16xi32>
        %eq3A_856 = arith.cmpf oeq, %gather3A_786, %max3A_819 : vector<16xf32>
        %jit3A_857 = arith.constant 6 : i32
        %jit3A_858 = arith.constant 21 : i32
        %broadcast_in_dim3A_859 = vector.broadcast %jit3A_857 : i32 to vector<16xi32>
        %broadcast_in_dim3A_860 = vector.broadcast %jit3A_858 : i32 to vector<16xi32>
        %select_n3A_861 = arith.select %eq3A_856, %broadcast_in_dim3A_859, %broadcast_in_dim3A_860 : vector<16xi1>, vector<16xi32>
        %eq3A_862 = arith.cmpf oeq, %gather3A_787, %max3A_819 : vector<16xf32>
        %jit3A_863 = arith.constant 7 : i32
        %jit3A_864 = arith.constant 21 : i32
        %broadcast_in_dim3A_865 = vector.broadcast %jit3A_863 : i32 to vector<16xi32>
        %broadcast_in_dim3A_866 = vector.broadcast %jit3A_864 : i32 to vector<16xi32>
        %select_n3A_867 = arith.select %eq3A_862, %broadcast_in_dim3A_865, %broadcast_in_dim3A_866 : vector<16xi1>, vector<16xi32>
        %eq3A_868 = arith.cmpf oeq, %gather3A_788, %max3A_819 : vector<16xf32>
        %jit3A_869 = arith.constant 8 : i32
        %jit3A_870 = arith.constant 21 : i32
        %broadcast_in_dim3A_871 = vector.broadcast %jit3A_869 : i32 to vector<16xi32>
        %broadcast_in_dim3A_872 = vector.broadcast %jit3A_870 : i32 to vector<16xi32>
        %select_n3A_873 = arith.select %eq3A_868, %broadcast_in_dim3A_871, %broadcast_in_dim3A_872 : vector<16xi1>, vector<16xi32>
        %eq3A_874 = arith.cmpf oeq, %gather3A_789, %max3A_819 : vector<16xf32>
        %jit3A_875 = arith.constant 9 : i32
        %jit3A_876 = arith.constant 21 : i32
        %broadcast_in_dim3A_877 = vector.broadcast %jit3A_875 : i32 to vector<16xi32>
        %broadcast_in_dim3A_878 = vector.broadcast %jit3A_876 : i32 to vector<16xi32>
        %select_n3A_879 = arith.select %eq3A_874, %broadcast_in_dim3A_877, %broadcast_in_dim3A_878 : vector<16xi1>, vector<16xi32>
        %eq3A_880 = arith.cmpf oeq, %gather3A_790, %max3A_819 : vector<16xf32>
        %jit3A_881 = arith.constant 10 : i32
        %jit3A_882 = arith.constant 21 : i32
        %broadcast_in_dim3A_883 = vector.broadcast %jit3A_881 : i32 to vector<16xi32>
        %broadcast_in_dim3A_884 = vector.broadcast %jit3A_882 : i32 to vector<16xi32>
        %select_n3A_885 = arith.select %eq3A_880, %broadcast_in_dim3A_883, %broadcast_in_dim3A_884 : vector<16xi1>, vector<16xi32>
        %eq3A_886 = arith.cmpf oeq, %gather3A_791, %max3A_819 : vector<16xf32>
        %jit3A_887 = arith.constant 11 : i32
        %jit3A_888 = arith.constant 21 : i32
        %broadcast_in_dim3A_889 = vector.broadcast %jit3A_887 : i32 to vector<16xi32>
        %broadcast_in_dim3A_890 = vector.broadcast %jit3A_888 : i32 to vector<16xi32>
        %select_n3A_891 = arith.select %eq3A_886, %broadcast_in_dim3A_889, %broadcast_in_dim3A_890 : vector<16xi1>, vector<16xi32>
        %eq3A_892 = arith.cmpf oeq, %gather3A_792, %max3A_819 : vector<16xf32>
        %jit3A_893 = arith.constant 12 : i32
        %jit3A_894 = arith.constant 21 : i32
        %broadcast_in_dim3A_895 = vector.broadcast %jit3A_893 : i32 to vector<16xi32>
        %broadcast_in_dim3A_896 = vector.broadcast %jit3A_894 : i32 to vector<16xi32>
        %select_n3A_897 = arith.select %eq3A_892, %broadcast_in_dim3A_895, %broadcast_in_dim3A_896 : vector<16xi1>, vector<16xi32>
        %eq3A_898 = arith.cmpf oeq, %gather3A_793, %max3A_819 : vector<16xf32>
        %jit3A_899 = arith.constant 13 : i32
        %jit3A_900 = arith.constant 21 : i32
        %broadcast_in_dim3A_901 = vector.broadcast %jit3A_899 : i32 to vector<16xi32>
        %broadcast_in_dim3A_902 = vector.broadcast %jit3A_900 : i32 to vector<16xi32>
        %select_n3A_903 = arith.select %eq3A_898, %broadcast_in_dim3A_901, %broadcast_in_dim3A_902 : vector<16xi1>, vector<16xi32>
        %eq3A_904 = arith.cmpf oeq, %gather3A_794, %max3A_819 : vector<16xf32>
        %jit3A_905 = arith.constant 14 : i32
        %jit3A_906 = arith.constant 21 : i32
        %broadcast_in_dim3A_907 = vector.broadcast %jit3A_905 : i32 to vector<16xi32>
        %broadcast_in_dim3A_908 = vector.broadcast %jit3A_906 : i32 to vector<16xi32>
        %select_n3A_909 = arith.select %eq3A_904, %broadcast_in_dim3A_907, %broadcast_in_dim3A_908 : vector<16xi1>, vector<16xi32>
        %eq3A_910 = arith.cmpf oeq, %gather3A_795, %max3A_819 : vector<16xf32>
        %jit3A_911 = arith.constant 15 : i32
        %jit3A_912 = arith.constant 21 : i32
        %broadcast_in_dim3A_913 = vector.broadcast %jit3A_911 : i32 to vector<16xi32>
        %broadcast_in_dim3A_914 = vector.broadcast %jit3A_912 : i32 to vector<16xi32>
        %select_n3A_915 = arith.select %eq3A_910, %broadcast_in_dim3A_913, %broadcast_in_dim3A_914 : vector<16xi1>, vector<16xi32>
        %eq3A_916 = arith.cmpf oeq, %gather3A_796, %max3A_819 : vector<16xf32>
        %jit3A_917 = arith.constant 16 : i32
        %jit3A_918 = arith.constant 21 : i32
        %broadcast_in_dim3A_919 = vector.broadcast %jit3A_917 : i32 to vector<16xi32>
        %broadcast_in_dim3A_920 = vector.broadcast %jit3A_918 : i32 to vector<16xi32>
        %select_n3A_921 = arith.select %eq3A_916, %broadcast_in_dim3A_919, %broadcast_in_dim3A_920 : vector<16xi1>, vector<16xi32>
        %eq3A_922 = arith.cmpf oeq, %gather3A_797, %max3A_819 : vector<16xf32>
        %jit3A_923 = arith.constant 17 : i32
        %jit3A_924 = arith.constant 21 : i32
        %broadcast_in_dim3A_925 = vector.broadcast %jit3A_923 : i32 to vector<16xi32>
        %broadcast_in_dim3A_926 = vector.broadcast %jit3A_924 : i32 to vector<16xi32>
        %select_n3A_927 = arith.select %eq3A_922, %broadcast_in_dim3A_925, %broadcast_in_dim3A_926 : vector<16xi1>, vector<16xi32>
        %eq3A_928 = arith.cmpf oeq, %gather3A_798, %max3A_819 : vector<16xf32>
        %jit3A_929 = arith.constant 18 : i32
        %jit3A_930 = arith.constant 21 : i32
        %broadcast_in_dim3A_931 = vector.broadcast %jit3A_929 : i32 to vector<16xi32>
        %broadcast_in_dim3A_932 = vector.broadcast %jit3A_930 : i32 to vector<16xi32>
        %select_n3A_933 = arith.select %eq3A_928, %broadcast_in_dim3A_931, %broadcast_in_dim3A_932 : vector<16xi1>, vector<16xi32>
        %eq3A_934 = arith.cmpf oeq, %gather3A_799, %max3A_819 : vector<16xf32>
        %jit3A_935 = arith.constant 19 : i32
        %jit3A_936 = arith.constant 21 : i32
        %broadcast_in_dim3A_937 = vector.broadcast %jit3A_935 : i32 to vector<16xi32>
        %broadcast_in_dim3A_938 = vector.broadcast %jit3A_936 : i32 to vector<16xi32>
        %select_n3A_939 = arith.select %eq3A_934, %broadcast_in_dim3A_937, %broadcast_in_dim3A_938 : vector<16xi1>, vector<16xi32>
        %eq3A_940 = arith.cmpf oeq, %gather3A_800, %max3A_819 : vector<16xf32>
        %jit3A_941 = arith.constant 20 : i32
        %jit3A_942 = arith.constant 21 : i32
        %broadcast_in_dim3A_943 = vector.broadcast %jit3A_941 : i32 to vector<16xi32>
        %broadcast_in_dim3A_944 = vector.broadcast %jit3A_942 : i32 to vector<16xi32>
        %select_n3A_945 = arith.select %eq3A_940, %broadcast_in_dim3A_943, %broadcast_in_dim3A_944 : vector<16xi1>, vector<16xi32>
        %min3A = arith.minsi %select_n3A_825, %select_n3A_831 : vector<16xi32>
        %min3A_946 = arith.minsi %select_n3A_837, %select_n3A_843 : vector<16xi32>
        %min3A_947 = arith.minsi %select_n3A_849, %select_n3A_855 : vector<16xi32>
        %min3A_948 = arith.minsi %select_n3A_861, %select_n3A_867 : vector<16xi32>
        %min3A_949 = arith.minsi %select_n3A_873, %select_n3A_879 : vector<16xi32>
        %min3A_950 = arith.minsi %select_n3A_885, %select_n3A_891 : vector<16xi32>
        %min3A_951 = arith.minsi %select_n3A_897, %select_n3A_903 : vector<16xi32>
        %min3A_952 = arith.minsi %select_n3A_909, %select_n3A_915 : vector<16xi32>
        %min3A_953 = arith.minsi %select_n3A_921, %select_n3A_927 : vector<16xi32>
        %min3A_954 = arith.minsi %select_n3A_933, %select_n3A_939 : vector<16xi32>
        %min3A_955 = arith.minsi %min3A, %min3A_946 : vector<16xi32>
        %min3A_956 = arith.minsi %min3A_947, %min3A_948 : vector<16xi32>
        %min3A_957 = arith.minsi %min3A_949, %min3A_950 : vector<16xi32>
        %min3A_958 = arith.minsi %min3A_951, %min3A_952 : vector<16xi32>
        %min3A_959 = arith.minsi %min3A_953, %min3A_954 : vector<16xi32>
        %min3A_960 = arith.minsi %min3A_955, %min3A_956 : vector<16xi32>
        %min3A_961 = arith.minsi %min3A_957, %min3A_958 : vector<16xi32>
        %min3A_962 = arith.minsi %min3A_959, %select_n3A_945 : vector<16xi32>
        %min3A_963 = arith.minsi %min3A_960, %min3A_961 : vector<16xi32>
        %min3A_964 = arith.minsi %min3A_963, %min3A_962 : vector<16xi32>
        %sub3A_965 = arith.subf %gather3A, %max3A_819 : vector<16xf32>
        %exp3A = math.exp %sub3A_965 : vector<16xf32>
        %sub3A_966 = arith.subf %gather3A_781, %max3A_819 : vector<16xf32>
        %exp3A_967 = math.exp %sub3A_966 : vector<16xf32>
        %sub3A_968 = arith.subf %gather3A_782, %max3A_819 : vector<16xf32>
        %exp3A_969 = math.exp %sub3A_968 : vector<16xf32>
        %sub3A_970 = arith.subf %gather3A_783, %max3A_819 : vector<16xf32>
        %exp3A_971 = math.exp %sub3A_970 : vector<16xf32>
        %sub3A_972 = arith.subf %gather3A_784, %max3A_819 : vector<16xf32>
        %exp3A_973 = math.exp %sub3A_972 : vector<16xf32>
        %sub3A_974 = arith.subf %gather3A_785, %max3A_819 : vector<16xf32>
        %exp3A_975 = math.exp %sub3A_974 : vector<16xf32>
        %sub3A_976 = arith.subf %gather3A_786, %max3A_819 : vector<16xf32>
        %exp3A_977 = math.exp %sub3A_976 : vector<16xf32>
        %sub3A_978 = arith.subf %gather3A_787, %max3A_819 : vector<16xf32>
        %exp3A_979 = math.exp %sub3A_978 : vector<16xf32>
        %sub3A_980 = arith.subf %gather3A_788, %max3A_819 : vector<16xf32>
        %exp3A_981 = math.exp %sub3A_980 : vector<16xf32>
        %sub3A_982 = arith.subf %gather3A_789, %max3A_819 : vector<16xf32>
        %exp3A_983 = math.exp %sub3A_982 : vector<16xf32>
        %sub3A_984 = arith.subf %gather3A_790, %max3A_819 : vector<16xf32>
        %exp3A_985 = math.exp %sub3A_984 : vector<16xf32>
        %sub3A_986 = arith.subf %gather3A_791, %max3A_819 : vector<16xf32>
        %exp3A_987 = math.exp %sub3A_986 : vector<16xf32>
        %sub3A_988 = arith.subf %gather3A_792, %max3A_819 : vector<16xf32>
        %exp3A_989 = math.exp %sub3A_988 : vector<16xf32>
        %sub3A_990 = arith.subf %gather3A_793, %max3A_819 : vector<16xf32>
        %exp3A_991 = math.exp %sub3A_990 : vector<16xf32>
        %sub3A_992 = arith.subf %gather3A_794, %max3A_819 : vector<16xf32>
        %exp3A_993 = math.exp %sub3A_992 : vector<16xf32>
        %sub3A_994 = arith.subf %gather3A_795, %max3A_819 : vector<16xf32>
        %exp3A_995 = math.exp %sub3A_994 : vector<16xf32>
        %sub3A_996 = arith.subf %gather3A_796, %max3A_819 : vector<16xf32>
        %exp3A_997 = math.exp %sub3A_996 : vector<16xf32>
        %sub3A_998 = arith.subf %gather3A_797, %max3A_819 : vector<16xf32>
        %exp3A_999 = math.exp %sub3A_998 : vector<16xf32>
        %sub3A_1000 = arith.subf %gather3A_798, %max3A_819 : vector<16xf32>
        %exp3A_1001 = math.exp %sub3A_1000 : vector<16xf32>
        %sub3A_1002 = arith.subf %gather3A_799, %max3A_819 : vector<16xf32>
        %exp3A_1003 = math.exp %sub3A_1002 : vector<16xf32>
        %sub3A_1004 = arith.subf %gather3A_800, %max3A_819 : vector<16xf32>
        %exp3A_1005 = math.exp %sub3A_1004 : vector<16xf32>
        %add3A_1006 = arith.addf %exp3A, %exp3A_967 : vector<16xf32>
        %add3A_1007 = arith.addf %exp3A_969, %exp3A_971 : vector<16xf32>
        %add3A_1008 = arith.addf %exp3A_973, %exp3A_975 : vector<16xf32>
        %add3A_1009 = arith.addf %exp3A_977, %exp3A_979 : vector<16xf32>
        %add3A_1010 = arith.addf %exp3A_981, %exp3A_983 : vector<16xf32>
        %add3A_1011 = arith.addf %exp3A_985, %exp3A_987 : vector<16xf32>
        %add3A_1012 = arith.addf %exp3A_989, %exp3A_991 : vector<16xf32>
        %add3A_1013 = arith.addf %exp3A_993, %exp3A_995 : vector<16xf32>
        %add3A_1014 = arith.addf %exp3A_997, %exp3A_999 : vector<16xf32>
        %add3A_1015 = arith.addf %exp3A_1001, %exp3A_1003 : vector<16xf32>
        %add3A_1016 = arith.addf %add3A_1006, %add3A_1007 : vector<16xf32>
        %add3A_1017 = arith.addf %add3A_1008, %add3A_1009 : vector<16xf32>
        %add3A_1018 = arith.addf %add3A_1010, %add3A_1011 : vector<16xf32>
        %add3A_1019 = arith.addf %add3A_1012, %add3A_1013 : vector<16xf32>
        %add3A_1020 = arith.addf %add3A_1014, %add3A_1015 : vector<16xf32>
        %add3A_1021 = arith.addf %add3A_1016, %add3A_1017 : vector<16xf32>
        %add3A_1022 = arith.addf %add3A_1018, %add3A_1019 : vector<16xf32>
        %add3A_1023 = arith.addf %add3A_1020, %exp3A_1005 : vector<16xf32>
        %add3A_1024 = arith.addf %add3A_1021, %add3A_1022 : vector<16xf32>
        %add3A_1025 = arith.addf %add3A_1024, %add3A_1023 : vector<16xf32>
        %div3A_1026 = arith.constant 1.000000e+00 : f32
        %div3A_1027 = vector.broadcast %div3A_1026 : f32 to vector<16xf32>
        %div3A_1028 = arith.divf %div3A_1027, %add3A_1025 : vector<16xf32>
        %mul3A_1029 = arith.constant 2.000000e+01 : f32
        %mul3A_1030 = vector.broadcast %mul3A_1029 : f32 to vector<16xf32>
        %mul3A_1031 = arith.mulf %div3A_1028, %mul3A_1030 : vector<16xf32>
        %convert_element_type3A_1032 = arith.fptosi %mul3A_1031 : vector<16xf32> to vector<16xi32>
        %min3A_1033 = arith.constant 19 : i32
        %min3A_1034 = vector.broadcast %min3A_1033 : i32 to vector<16xi32>
        %min3A_1035 = arith.minsi %convert_element_type3A_1032, %min3A_1034 : vector<16xi32>
        %mul3A_1036 = arith.constant 20 : i32
        %mul3A_1037 = vector.broadcast %mul3A_1036 : i32 to vector<16xi32>
        %mul3A_1038 = arith.muli %min3A_964, %mul3A_1037 : vector<16xi32>
        %add3A_1039 = arith.addi %mul3A_1038, %min3A_1035 : vector<16xi32>
        %add3A_1040 = arith.addi %add3A_1039, %mul3A_35 : vector<16xi32>
        tpu.vector_store_idx %arg10[%add3A_1040], %broadcast_in_dim3A_36 masked %lt3A_774 {add = true} : memref<6912xi32, #tpu.memory_space<vmem>>[vector<16xi32>], vector<16xi32>, vector<16xi1>
        %while3A_1041 = arith.constant 0 : i32
        scf.yield %while3A_1041 : i32
      }
      %while3A_610 = arith.constant 1 : i32
      %while3A_611 = scf.for %while3A_768 = %while3A_607 to %while3A_603 step %while3A_610 iter_args(%while3A_769 = %while3A_609) -> (i32)  : i32 {
        %mul3A_770 = arith.constant 16 : i32
        %mul3A_771 = arith.muli %while3A_768, %mul3A_770 : i32
        %sub3A_772 = arith.subi %scan3A_522, %mul3A_771 : i32
        %lt3A_773 = vector.broadcast %sub3A_772 : i32 to vector<16xi32>
        %lt3A_774 = arith.cmpi slt, %iota3A, %lt3A_773 : vector<16xi32>
        %get3A = arith.index_cast %mul3A_771 : i32 to index
        %get3A_775 = tpu.vector_load %arg9[%get3A] {strides = array<i32>} : memref<2048xi32, #tpu.memory_space<vmem>>, vector<16xi32>,
        %shift_right_logical3A = arith.constant 8 : i32
        %shift_right_logical3A_776 = vector.broadcast %shift_right_logical3A : i32 to vector<16xi32>
        %shift_right_logical3A_777 = arith.shrui %get3A_775, %shift_right_logical3A_776 : vector<16xi32>
        %and3A_778 = arith.constant 255 : i32
        %and3A_779 = vector.broadcast %and3A_778 : i32 to vector<16xi32>
        %and3A_780 = arith.andi %get3A_775, %and3A_779 : vector<16xi32>
        %gather3A = tpu.vector_load_idx %arg5[%broadcast_in_dim3A_40, %shift_right_logical3A_777, %and3A_780] masked %lt3A_774 : memref<21x8x256xf32, #tpu.memory_space<vmem>>[vector<16xi32>, vector<16xi32>, vector<16xi32>], vector<16xf32>, vector<16xi1>
        %gather3A_781 = tpu.vector_load_idx %arg5[%broadcast_in_dim3A_42, %shift_right_logical3A_777, %and3A_780] masked %lt3A_774 : memref<21x8x256xf32, #tpu.memory_space<vmem>>[vector<16xi32>, vector<16xi32>, vector<16xi32>], vector<16xf32>, vector<16xi1>
        %gather3A_782 = tpu.vector_load_idx %arg5[%broadcast_in_dim3A_44, %shift_right_logical3A_777, %and3A_780] masked %lt3A_774 : memref<21x8x256xf32, #tpu.memory_space<vmem>>[vector<16xi32>, vector<16xi32>, vector<16xi32>], vector<16xf32>, vector<16xi1>
        %gather3A_783 = tpu.vector_load_idx %arg5[%broadcast_in_dim3A_46, %shift_right_logical3A_777, %and3A_780] masked %lt3A_774 : memref<21x8x256xf32, #tpu.memory_space<vmem>>[vector<16xi32>, vector<16xi32>, vector<16xi32>], vector<16xf32>, vector<16xi1>
        %gather3A_784 = tpu.vector_load_idx %arg5[%broadcast_in_dim3A_48, %shift_right_logical3A_777, %and3A_780] masked %lt3A_774 : memref<21x8x256xf32, #tpu.memory_space<vmem>>[vector<16xi32>, vector<16xi32>, vector<16xi32>], vector<16xf32>, vector<16xi1>
        %gather3A_785 = tpu.vector_load_idx %arg5[%broadcast_in_dim3A_50, %shift_right_logical3A_777, %and3A_780] masked %lt3A_774 : memref<21x8x256xf32, #tpu.memory_space<vmem>>[vector<16xi32>, vector<16xi32>, vector<16xi32>], vector<16xf32>, vector<16xi1>
        %gather3A_786 = tpu.vector_load_idx %arg5[%broadcast_in_dim3A_52, %shift_right_logical3A_777, %and3A_780] masked %lt3A_774 : memref<21x8x256xf32, #tpu.memory_space<vmem>>[vector<16xi32>, vector<16xi32>, vector<16xi32>], vector<16xf32>, vector<16xi1>
        %gather3A_787 = tpu.vector_load_idx %arg5[%broadcast_in_dim3A_54, %shift_right_logical3A_777, %and3A_780] masked %lt3A_774 : memref<21x8x256xf32, #tpu.memory_space<vmem>>[vector<16xi32>, vector<16xi32>, vector<16xi32>], vector<16xf32>, vector<16xi1>
        %gather3A_788 = tpu.vector_load_idx %arg5[%broadcast_in_dim3A_56, %shift_right_logical3A_777, %and3A_780] masked %lt3A_774 : memref<21x8x256xf32, #tpu.memory_space<vmem>>[vector<16xi32>, vector<16xi32>, vector<16xi32>], vector<16xf32>, vector<16xi1>
        %gather3A_789 = tpu.vector_load_idx %arg5[%broadcast_in_dim3A_58, %shift_right_logical3A_777, %and3A_780] masked %lt3A_774 : memref<21x8x256xf32, #tpu.memory_space<vmem>>[vector<16xi32>, vector<16xi32>, vector<16xi32>], vector<16xf32>, vector<16xi1>
        %gather3A_790 = tpu.vector_load_idx %arg5[%broadcast_in_dim3A_60, %shift_right_logical3A_777, %and3A_780] masked %lt3A_774 : memref<21x8x256xf32, #tpu.memory_space<vmem>>[vector<16xi32>, vector<16xi32>, vector<16xi32>], vector<16xf32>, vector<16xi1>
        %gather3A_791 = tpu.vector_load_idx %arg5[%broadcast_in_dim3A_62, %shift_right_logical3A_777, %and3A_780] masked %lt3A_774 : memref<21x8x256xf32, #tpu.memory_space<vmem>>[vector<16xi32>, vector<16xi32>, vector<16xi32>], vector<16xf32>, vector<16xi1>
        %gather3A_792 = tpu.vector_load_idx %arg5[%broadcast_in_dim3A_64, %shift_right_logical3A_777, %and3A_780] masked %lt3A_774 : memref<21x8x256xf32, #tpu.memory_space<vmem>>[vector<16xi32>, vector<16xi32>, vector<16xi32>], vector<16xf32>, vector<16xi1>
        %gather3A_793 = tpu.vector_load_idx %arg5[%broadcast_in_dim3A_66, %shift_right_logical3A_777, %and3A_780] masked %lt3A_774 : memref<21x8x256xf32, #tpu.memory_space<vmem>>[vector<16xi32>, vector<16xi32>, vector<16xi32>], vector<16xf32>, vector<16xi1>
        %gather3A_794 = tpu.vector_load_idx %arg5[%broadcast_in_dim3A_68, %shift_right_logical3A_777, %and3A_780] masked %lt3A_774 : memref<21x8x256xf32, #tpu.memory_space<vmem>>[vector<16xi32>, vector<16xi32>, vector<16xi32>], vector<16xf32>, vector<16xi1>
        %gather3A_795 = tpu.vector_load_idx %arg5[%broadcast_in_dim3A_70, %shift_right_logical3A_777, %and3A_780] masked %lt3A_774 : memref<21x8x256xf32, #tpu.memory_space<vmem>>[vector<16xi32>, vector<16xi32>, vector<16xi32>], vector<16xf32>, vector<16xi1>
        %gather3A_796 = tpu.vector_load_idx %arg5[%broadcast_in_dim3A_72, %shift_right_logical3A_777, %and3A_780] masked %lt3A_774 : memref<21x8x256xf32, #tpu.memory_space<vmem>>[vector<16xi32>, vector<16xi32>, vector<16xi32>], vector<16xf32>, vector<16xi1>
        %gather3A_797 = tpu.vector_load_idx %arg5[%broadcast_in_dim3A_74, %shift_right_logical3A_777, %and3A_780] masked %lt3A_774 : memref<21x8x256xf32, #tpu.memory_space<vmem>>[vector<16xi32>, vector<16xi32>, vector<16xi32>], vector<16xf32>, vector<16xi1>
        %gather3A_798 = tpu.vector_load_idx %arg5[%broadcast_in_dim3A_76, %shift_right_logical3A_777, %and3A_780] masked %lt3A_774 : memref<21x8x256xf32, #tpu.memory_space<vmem>>[vector<16xi32>, vector<16xi32>, vector<16xi32>], vector<16xf32>, vector<16xi1>
        %gather3A_799 = tpu.vector_load_idx %arg5[%broadcast_in_dim3A_78, %shift_right_logical3A_777, %and3A_780] masked %lt3A_774 : memref<21x8x256xf32, #tpu.memory_space<vmem>>[vector<16xi32>, vector<16xi32>, vector<16xi32>], vector<16xf32>, vector<16xi1>
        %gather3A_800 = tpu.vector_load_idx %arg5[%broadcast_in_dim3A_80, %shift_right_logical3A_777, %and3A_780] masked %lt3A_774 : memref<21x8x256xf32, #tpu.memory_space<vmem>>[vector<16xi32>, vector<16xi32>, vector<16xi32>], vector<16xf32>, vector<16xi1>
        %max3A = arith.maximumf %gather3A, %gather3A_781 : vector<16xf32>
        %max3A_801 = arith.maximumf %gather3A_782, %gather3A_783 : vector<16xf32>
        %max3A_802 = arith.maximumf %gather3A_784, %gather3A_785 : vector<16xf32>
        %max3A_803 = arith.maximumf %gather3A_786, %gather3A_787 : vector<16xf32>
        %max3A_804 = arith.maximumf %gather3A_788, %gather3A_789 : vector<16xf32>
        %max3A_805 = arith.maximumf %gather3A_790, %gather3A_791 : vector<16xf32>
        %max3A_806 = arith.maximumf %gather3A_792, %gather3A_793 : vector<16xf32>
        %max3A_807 = arith.maximumf %gather3A_794, %gather3A_795 : vector<16xf32>
        %max3A_808 = arith.maximumf %gather3A_796, %gather3A_797 : vector<16xf32>
        %max3A_809 = arith.maximumf %gather3A_798, %gather3A_799 : vector<16xf32>
        %max3A_810 = arith.maximumf %max3A, %max3A_801 : vector<16xf32>
        %max3A_811 = arith.maximumf %max3A_802, %max3A_803 : vector<16xf32>
        %max3A_812 = arith.maximumf %max3A_804, %max3A_805 : vector<16xf32>
        %max3A_813 = arith.maximumf %max3A_806, %max3A_807 : vector<16xf32>
        %max3A_814 = arith.maximumf %max3A_808, %max3A_809 : vector<16xf32>
        %max3A_815 = arith.maximumf %max3A_810, %max3A_811 : vector<16xf32>
        %max3A_816 = arith.maximumf %max3A_812, %max3A_813 : vector<16xf32>
        %max3A_817 = arith.maximumf %max3A_814, %gather3A_800 : vector<16xf32>
        %max3A_818 = arith.maximumf %max3A_815, %max3A_816 : vector<16xf32>
        %max3A_819 = arith.maximumf %max3A_818, %max3A_817 : vector<16xf32>
        %eq3A_820 = arith.cmpf oeq, %gather3A, %max3A_819 : vector<16xf32>
        %jit3A_821 = arith.constant 0 : i32
        %jit3A_822 = arith.constant 21 : i32
        %broadcast_in_dim3A_823 = vector.broadcast %jit3A_821 : i32 to vector<16xi32>
        %broadcast_in_dim3A_824 = vector.broadcast %jit3A_822 : i32 to vector<16xi32>
        %select_n3A_825 = arith.select %eq3A_820, %broadcast_in_dim3A_823, %broadcast_in_dim3A_824 : vector<16xi1>, vector<16xi32>
        %eq3A_826 = arith.cmpf oeq, %gather3A_781, %max3A_819 : vector<16xf32>
        %jit3A_827 = arith.constant 1 : i32
        %jit3A_828 = arith.constant 21 : i32
        %broadcast_in_dim3A_829 = vector.broadcast %jit3A_827 : i32 to vector<16xi32>
        %broadcast_in_dim3A_830 = vector.broadcast %jit3A_828 : i32 to vector<16xi32>
        %select_n3A_831 = arith.select %eq3A_826, %broadcast_in_dim3A_829, %broadcast_in_dim3A_830 : vector<16xi1>, vector<16xi32>
        %eq3A_832 = arith.cmpf oeq, %gather3A_782, %max3A_819 : vector<16xf32>
        %jit3A_833 = arith.constant 2 : i32
        %jit3A_834 = arith.constant 21 : i32
        %broadcast_in_dim3A_835 = vector.broadcast %jit3A_833 : i32 to vector<16xi32>
        %broadcast_in_dim3A_836 = vector.broadcast %jit3A_834 : i32 to vector<16xi32>
        %select_n3A_837 = arith.select %eq3A_832, %broadcast_in_dim3A_835, %broadcast_in_dim3A_836 : vector<16xi1>, vector<16xi32>
        %eq3A_838 = arith.cmpf oeq, %gather3A_783, %max3A_819 : vector<16xf32>
        %jit3A_839 = arith.constant 3 : i32
        %jit3A_840 = arith.constant 21 : i32
        %broadcast_in_dim3A_841 = vector.broadcast %jit3A_839 : i32 to vector<16xi32>
        %broadcast_in_dim3A_842 = vector.broadcast %jit3A_840 : i32 to vector<16xi32>
        %select_n3A_843 = arith.select %eq3A_838, %broadcast_in_dim3A_841, %broadcast_in_dim3A_842 : vector<16xi1>, vector<16xi32>
        %eq3A_844 = arith.cmpf oeq, %gather3A_784, %max3A_819 : vector<16xf32>
        %jit3A_845 = arith.constant 4 : i32
        %jit3A_846 = arith.constant 21 : i32
        %broadcast_in_dim3A_847 = vector.broadcast %jit3A_845 : i32 to vector<16xi32>
        %broadcast_in_dim3A_848 = vector.broadcast %jit3A_846 : i32 to vector<16xi32>
        %select_n3A_849 = arith.select %eq3A_844, %broadcast_in_dim3A_847, %broadcast_in_dim3A_848 : vector<16xi1>, vector<16xi32>
        %eq3A_850 = arith.cmpf oeq, %gather3A_785, %max3A_819 : vector<16xf32>
        %jit3A_851 = arith.constant 5 : i32
        %jit3A_852 = arith.constant 21 : i32
        %broadcast_in_dim3A_853 = vector.broadcast %jit3A_851 : i32 to vector<16xi32>
        %broadcast_in_dim3A_854 = vector.broadcast %jit3A_852 : i32 to vector<16xi32>
        %select_n3A_855 = arith.select %eq3A_850, %broadcast_in_dim3A_853, %broadcast_in_dim3A_854 : vector<16xi1>, vector<16xi32>
        %eq3A_856 = arith.cmpf oeq, %gather3A_786, %max3A_819 : vector<16xf32>
        %jit3A_857 = arith.constant 6 : i32
        %jit3A_858 = arith.constant 21 : i32
        %broadcast_in_dim3A_859 = vector.broadcast %jit3A_857 : i32 to vector<16xi32>
        %broadcast_in_dim3A_860 = vector.broadcast %jit3A_858 : i32 to vector<16xi32>
        %select_n3A_861 = arith.select %eq3A_856, %broadcast_in_dim3A_859, %broadcast_in_dim3A_860 : vector<16xi1>, vector<16xi32>
        %eq3A_862 = arith.cmpf oeq, %gather3A_787, %max3A_819 : vector<16xf32>
        %jit3A_863 = arith.constant 7 : i32
        %jit3A_864 = arith.constant 21 : i32
        %broadcast_in_dim3A_865 = vector.broadcast %jit3A_863 : i32 to vector<16xi32>
        %broadcast_in_dim3A_866 = vector.broadcast %jit3A_864 : i32 to vector<16xi32>
        %select_n3A_867 = arith.select %eq3A_862, %broadcast_in_dim3A_865, %broadcast_in_dim3A_866 : vector<16xi1>, vector<16xi32>
        %eq3A_868 = arith.cmpf oeq, %gather3A_788, %max3A_819 : vector<16xf32>
        %jit3A_869 = arith.constant 8 : i32
        %jit3A_870 = arith.constant 21 : i32
        %broadcast_in_dim3A_871 = vector.broadcast %jit3A_869 : i32 to vector<16xi32>
        %broadcast_in_dim3A_872 = vector.broadcast %jit3A_870 : i32 to vector<16xi32>
        %select_n3A_873 = arith.select %eq3A_868, %broadcast_in_dim3A_871, %broadcast_in_dim3A_872 : vector<16xi1>, vector<16xi32>
        %eq3A_874 = arith.cmpf oeq, %gather3A_789, %max3A_819 : vector<16xf32>
        %jit3A_875 = arith.constant 9 : i32
        %jit3A_876 = arith.constant 21 : i32
        %broadcast_in_dim3A_877 = vector.broadcast %jit3A_875 : i32 to vector<16xi32>
        %broadcast_in_dim3A_878 = vector.broadcast %jit3A_876 : i32 to vector<16xi32>
        %select_n3A_879 = arith.select %eq3A_874, %broadcast_in_dim3A_877, %broadcast_in_dim3A_878 : vector<16xi1>, vector<16xi32>
        %eq3A_880 = arith.cmpf oeq, %gather3A_790, %max3A_819 : vector<16xf32>
        %jit3A_881 = arith.constant 10 : i32
        %jit3A_882 = arith.constant 21 : i32
        %broadcast_in_dim3A_883 = vector.broadcast %jit3A_881 : i32 to vector<16xi32>
        %broadcast_in_dim3A_884 = vector.broadcast %jit3A_882 : i32 to vector<16xi32>
        %select_n3A_885 = arith.select %eq3A_880, %broadcast_in_dim3A_883, %broadcast_in_dim3A_884 : vector<16xi1>, vector<16xi32>
        %eq3A_886 = arith.cmpf oeq, %gather3A_791, %max3A_819 : vector<16xf32>
        %jit3A_887 = arith.constant 11 : i32
        %jit3A_888 = arith.constant 21 : i32
        %broadcast_in_dim3A_889 = vector.broadcast %jit3A_887 : i32 to vector<16xi32>
        %broadcast_in_dim3A_890 = vector.broadcast %jit3A_888 : i32 to vector<16xi32>
        %select_n3A_891 = arith.select %eq3A_886, %broadcast_in_dim3A_889, %broadcast_in_dim3A_890 : vector<16xi1>, vector<16xi32>
        %eq3A_892 = arith.cmpf oeq, %gather3A_792, %max3A_819 : vector<16xf32>
        %jit3A_893 = arith.constant 12 : i32
        %jit3A_894 = arith.constant 21 : i32
        %broadcast_in_dim3A_895 = vector.broadcast %jit3A_893 : i32 to vector<16xi32>
        %broadcast_in_dim3A_896 = vector.broadcast %jit3A_894 : i32 to vector<16xi32>
        %select_n3A_897 = arith.select %eq3A_892, %broadcast_in_dim3A_895, %broadcast_in_dim3A_896 : vector<16xi1>, vector<16xi32>
        %eq3A_898 = arith.cmpf oeq, %gather3A_793, %max3A_819 : vector<16xf32>
        %jit3A_899 = arith.constant 13 : i32
        %jit3A_900 = arith.constant 21 : i32
        %broadcast_in_dim3A_901 = vector.broadcast %jit3A_899 : i32 to vector<16xi32>
        %broadcast_in_dim3A_902 = vector.broadcast %jit3A_900 : i32 to vector<16xi32>
        %select_n3A_903 = arith.select %eq3A_898, %broadcast_in_dim3A_901, %broadcast_in_dim3A_902 : vector<16xi1>, vector<16xi32>
        %eq3A_904 = arith.cmpf oeq, %gather3A_794, %max3A_819 : vector<16xf32>
        %jit3A_905 = arith.constant 14 : i32
        %jit3A_906 = arith.constant 21 : i32
        %broadcast_in_dim3A_907 = vector.broadcast %jit3A_905 : i32 to vector<16xi32>
        %broadcast_in_dim3A_908 = vector.broadcast %jit3A_906 : i32 to vector<16xi32>
        %select_n3A_909 = arith.select %eq3A_904, %broadcast_in_dim3A_907, %broadcast_in_dim3A_908 : vector<16xi1>, vector<16xi32>
        %eq3A_910 = arith.cmpf oeq, %gather3A_795, %max3A_819 : vector<16xf32>
        %jit3A_911 = arith.constant 15 : i32
        %jit3A_912 = arith.constant 21 : i32
        %broadcast_in_dim3A_913 = vector.broadcast %jit3A_911 : i32 to vector<16xi32>
        %broadcast_in_dim3A_914 = vector.broadcast %jit3A_912 : i32 to vector<16xi32>
        %select_n3A_915 = arith.select %eq3A_910, %broadcast_in_dim3A_913, %broadcast_in_dim3A_914 : vector<16xi1>, vector<16xi32>
        %eq3A_916 = arith.cmpf oeq, %gather3A_796, %max3A_819 : vector<16xf32>
        %jit3A_917 = arith.constant 16 : i32
        %jit3A_918 = arith.constant 21 : i32
        %broadcast_in_dim3A_919 = vector.broadcast %jit3A_917 : i32 to vector<16xi32>
        %broadcast_in_dim3A_920 = vector.broadcast %jit3A_918 : i32 to vector<16xi32>
        %select_n3A_921 = arith.select %eq3A_916, %broadcast_in_dim3A_919, %broadcast_in_dim3A_920 : vector<16xi1>, vector<16xi32>
        %eq3A_922 = arith.cmpf oeq, %gather3A_797, %max3A_819 : vector<16xf32>
        %jit3A_923 = arith.constant 17 : i32
        %jit3A_924 = arith.constant 21 : i32
        %broadcast_in_dim3A_925 = vector.broadcast %jit3A_923 : i32 to vector<16xi32>
        %broadcast_in_dim3A_926 = vector.broadcast %jit3A_924 : i32 to vector<16xi32>
        %select_n3A_927 = arith.select %eq3A_922, %broadcast_in_dim3A_925, %broadcast_in_dim3A_926 : vector<16xi1>, vector<16xi32>
        %eq3A_928 = arith.cmpf oeq, %gather3A_798, %max3A_819 : vector<16xf32>
        %jit3A_929 = arith.constant 18 : i32
        %jit3A_930 = arith.constant 21 : i32
        %broadcast_in_dim3A_931 = vector.broadcast %jit3A_929 : i32 to vector<16xi32>
        %broadcast_in_dim3A_932 = vector.broadcast %jit3A_930 : i32 to vector<16xi32>
        %select_n3A_933 = arith.select %eq3A_928, %broadcast_in_dim3A_931, %broadcast_in_dim3A_932 : vector<16xi1>, vector<16xi32>
        %eq3A_934 = arith.cmpf oeq, %gather3A_799, %max3A_819 : vector<16xf32>
        %jit3A_935 = arith.constant 19 : i32
        %jit3A_936 = arith.constant 21 : i32
        %broadcast_in_dim3A_937 = vector.broadcast %jit3A_935 : i32 to vector<16xi32>
        %broadcast_in_dim3A_938 = vector.broadcast %jit3A_936 : i32 to vector<16xi32>
        %select_n3A_939 = arith.select %eq3A_934, %broadcast_in_dim3A_937, %broadcast_in_dim3A_938 : vector<16xi1>, vector<16xi32>
        %eq3A_940 = arith.cmpf oeq, %gather3A_800, %max3A_819 : vector<16xf32>
        %jit3A_941 = arith.constant 20 : i32
        %jit3A_942 = arith.constant 21 : i32
        %broadcast_in_dim3A_943 = vector.broadcast %jit3A_941 : i32 to vector<16xi32>
        %broadcast_in_dim3A_944 = vector.broadcast %jit3A_942 : i32 to vector<16xi32>
        %select_n3A_945 = arith.select %eq3A_940, %broadcast_in_dim3A_943, %broadcast_in_dim3A_944 : vector<16xi1>, vector<16xi32>
        %min3A = arith.minsi %select_n3A_825, %select_n3A_831 : vector<16xi32>
        %min3A_946 = arith.minsi %select_n3A_837, %select_n3A_843 : vector<16xi32>
        %min3A_947 = arith.minsi %select_n3A_849, %select_n3A_855 : vector<16xi32>
        %min3A_948 = arith.minsi %select_n3A_861, %select_n3A_867 : vector<16xi32>
        %min3A_949 = arith.minsi %select_n3A_873, %select_n3A_879 : vector<16xi32>
        %min3A_950 = arith.minsi %select_n3A_885, %select_n3A_891 : vector<16xi32>
        %min3A_951 = arith.minsi %select_n3A_897, %select_n3A_903 : vector<16xi32>
        %min3A_952 = arith.minsi %select_n3A_909, %select_n3A_915 : vector<16xi32>
        %min3A_953 = arith.minsi %select_n3A_921, %select_n3A_927 : vector<16xi32>
        %min3A_954 = arith.minsi %select_n3A_933, %select_n3A_939 : vector<16xi32>
        %min3A_955 = arith.minsi %min3A, %min3A_946 : vector<16xi32>
        %min3A_956 = arith.minsi %min3A_947, %min3A_948 : vector<16xi32>
        %min3A_957 = arith.minsi %min3A_949, %min3A_950 : vector<16xi32>
        %min3A_958 = arith.minsi %min3A_951, %min3A_952 : vector<16xi32>
        %min3A_959 = arith.minsi %min3A_953, %min3A_954 : vector<16xi32>
        %min3A_960 = arith.minsi %min3A_955, %min3A_956 : vector<16xi32>
        %min3A_961 = arith.minsi %min3A_957, %min3A_958 : vector<16xi32>
        %min3A_962 = arith.minsi %min3A_959, %select_n3A_945 : vector<16xi32>
        %min3A_963 = arith.minsi %min3A_960, %min3A_961 : vector<16xi32>
        %min3A_964 = arith.minsi %min3A_963, %min3A_962 : vector<16xi32>
        %sub3A_965 = arith.subf %gather3A, %max3A_819 : vector<16xf32>
        %exp3A = math.exp %sub3A_965 : vector<16xf32>
        %sub3A_966 = arith.subf %gather3A_781, %max3A_819 : vector<16xf32>
        %exp3A_967 = math.exp %sub3A_966 : vector<16xf32>
        %sub3A_968 = arith.subf %gather3A_782, %max3A_819 : vector<16xf32>
        %exp3A_969 = math.exp %sub3A_968 : vector<16xf32>
        %sub3A_970 = arith.subf %gather3A_783, %max3A_819 : vector<16xf32>
        %exp3A_971 = math.exp %sub3A_970 : vector<16xf32>
        %sub3A_972 = arith.subf %gather3A_784, %max3A_819 : vector<16xf32>
        %exp3A_973 = math.exp %sub3A_972 : vector<16xf32>
        %sub3A_974 = arith.subf %gather3A_785, %max3A_819 : vector<16xf32>
        %exp3A_975 = math.exp %sub3A_974 : vector<16xf32>
        %sub3A_976 = arith.subf %gather3A_786, %max3A_819 : vector<16xf32>
        %exp3A_977 = math.exp %sub3A_976 : vector<16xf32>
        %sub3A_978 = arith.subf %gather3A_787, %max3A_819 : vector<16xf32>
        %exp3A_979 = math.exp %sub3A_978 : vector<16xf32>
        %sub3A_980 = arith.subf %gather3A_788, %max3A_819 : vector<16xf32>
        %exp3A_981 = math.exp %sub3A_980 : vector<16xf32>
        %sub3A_982 = arith.subf %gather3A_789, %max3A_819 : vector<16xf32>
        %exp3A_983 = math.exp %sub3A_982 : vector<16xf32>
        %sub3A_984 = arith.subf %gather3A_790, %max3A_819 : vector<16xf32>
        %exp3A_985 = math.exp %sub3A_984 : vector<16xf32>
        %sub3A_986 = arith.subf %gather3A_791, %max3A_819 : vector<16xf32>
        %exp3A_987 = math.exp %sub3A_986 : vector<16xf32>
        %sub3A_988 = arith.subf %gather3A_792, %max3A_819 : vector<16xf32>
        %exp3A_989 = math.exp %sub3A_988 : vector<16xf32>
        %sub3A_990 = arith.subf %gather3A_793, %max3A_819 : vector<16xf32>
        %exp3A_991 = math.exp %sub3A_990 : vector<16xf32>
        %sub3A_992 = arith.subf %gather3A_794, %max3A_819 : vector<16xf32>
        %exp3A_993 = math.exp %sub3A_992 : vector<16xf32>
        %sub3A_994 = arith.subf %gather3A_795, %max3A_819 : vector<16xf32>
        %exp3A_995 = math.exp %sub3A_994 : vector<16xf32>
        %sub3A_996 = arith.subf %gather3A_796, %max3A_819 : vector<16xf32>
        %exp3A_997 = math.exp %sub3A_996 : vector<16xf32>
        %sub3A_998 = arith.subf %gather3A_797, %max3A_819 : vector<16xf32>
        %exp3A_999 = math.exp %sub3A_998 : vector<16xf32>
        %sub3A_1000 = arith.subf %gather3A_798, %max3A_819 : vector<16xf32>
        %exp3A_1001 = math.exp %sub3A_1000 : vector<16xf32>
        %sub3A_1002 = arith.subf %gather3A_799, %max3A_819 : vector<16xf32>
        %exp3A_1003 = math.exp %sub3A_1002 : vector<16xf32>
        %sub3A_1004 = arith.subf %gather3A_800, %max3A_819 : vector<16xf32>
        %exp3A_1005 = math.exp %sub3A_1004 : vector<16xf32>
        %add3A_1006 = arith.addf %exp3A, %exp3A_967 : vector<16xf32>
        %add3A_1007 = arith.addf %exp3A_969, %exp3A_971 : vector<16xf32>
        %add3A_1008 = arith.addf %exp3A_973, %exp3A_975 : vector<16xf32>
        %add3A_1009 = arith.addf %exp3A_977, %exp3A_979 : vector<16xf32>
        %add3A_1010 = arith.addf %exp3A_981, %exp3A_983 : vector<16xf32>
        %add3A_1011 = arith.addf %exp3A_985, %exp3A_987 : vector<16xf32>
        %add3A_1012 = arith.addf %exp3A_989, %exp3A_991 : vector<16xf32>
        %add3A_1013 = arith.addf %exp3A_993, %exp3A_995 : vector<16xf32>
        %add3A_1014 = arith.addf %exp3A_997, %exp3A_999 : vector<16xf32>
        %add3A_1015 = arith.addf %exp3A_1001, %exp3A_1003 : vector<16xf32>
        %add3A_1016 = arith.addf %add3A_1006, %add3A_1007 : vector<16xf32>
        %add3A_1017 = arith.addf %add3A_1008, %add3A_1009 : vector<16xf32>
        %add3A_1018 = arith.addf %add3A_1010, %add3A_1011 : vector<16xf32>
        %add3A_1019 = arith.addf %add3A_1012, %add3A_1013 : vector<16xf32>
        %add3A_1020 = arith.addf %add3A_1014, %add3A_1015 : vector<16xf32>
        %add3A_1021 = arith.addf %add3A_1016, %add3A_1017 : vector<16xf32>
        %add3A_1022 = arith.addf %add3A_1018, %add3A_1019 : vector<16xf32>
        %add3A_1023 = arith.addf %add3A_1020, %exp3A_1005 : vector<16xf32>
        %add3A_1024 = arith.addf %add3A_1021, %add3A_1022 : vector<16xf32>
        %add3A_1025 = arith.addf %add3A_1024, %add3A_1023 : vector<16xf32>
        %div3A_1026 = arith.constant 1.000000e+00 : f32
        %div3A_1027 = vector.broadcast %div3A_1026 : f32 to vector<16xf32>
        %div3A_1028 = arith.divf %div3A_1027, %add3A_1025 : vector<16xf32>
        %mul3A_1029 = arith.constant 2.000000e+01 : f32
        %mul3A_1030 = vector.broadcast %mul3A_1029 : f32 to vector<16xf32>
        %mul3A_1031 = arith.mulf %div3A_1028, %mul3A_1030 : vector<16xf32>
        %convert_element_type3A_1032 = arith.fptosi %mul3A_1031 : vector<16xf32> to vector<16xi32>
        %min3A_1033 = arith.constant 19 : i32
        %min3A_1034 = vector.broadcast %min3A_1033 : i32 to vector<16xi32>
        %min3A_1035 = arith.minsi %convert_element_type3A_1032, %min3A_1034 : vector<16xi32>
        %mul3A_1036 = arith.constant 20 : i32
        %mul3A_1037 = vector.broadcast %mul3A_1036 : i32 to vector<16xi32>
        %mul3A_1038 = arith.muli %min3A_964, %mul3A_1037 : vector<16xi32>
        %add3A_1039 = arith.addi %mul3A_1038, %min3A_1035 : vector<16xi32>
        %add3A_1040 = arith.addi %add3A_1039, %mul3A_35 : vector<16xi32>
        tpu.vector_store_idx %arg10[%add3A_1040], %broadcast_in_dim3A_36 masked %lt3A_774 {add = true} : memref<6912xi32, #tpu.memory_space<vmem>>[vector<16xi32>], vector<16xi32>, vector<16xi1>
        %while3A_1041 = arith.constant 0 : i32
        scf.yield %while3A_1041 : i32
      }
      %mul3A_612 = arith.constant 2 : i32
      %mul3A_613 = arith.muli %mul3A_612, %scan3A_459 : i32
      %add3A_614 = arith.constant 1 : i32
      %add3A_615 = arith.addi %mul3A_613, %add3A_614 : i32
      %add3A_616 = arith.constant 1 : i32
      %add3A_617 = arith.addi %add3A_615, %add3A_616 : i32
      %lt3A_618 = arith.constant 32 : i32
      %lt3A_619 = arith.cmpi slt, %add3A_617, %lt3A_618 : i32
      %convert_element_type3A_620 = arith.extui %lt3A_619 : i1 to i32
      %cond3A_621 = arith.constant 0 : i32
      %cond3A_622 = arith.cmpi ne, %convert_element_type3A_620, %cond3A_621 : i32
      scf.if %cond3A_622 {
        %add3A_768 = arith.constant 1 : i32
        %add3A_769 = arith.addi %add3A_615, %add3A_768 : i32
        %jit3A_770 = arith.constant 2 : i32
        %div3A_771 = arith.divsi %add3A_769, %jit3A_770 : i32
        %sign3A_772 = arith.constant 0 : i32
        %sign3A_773 = arith.cmpi sgt, %add3A_769, %sign3A_772 : i32
        %sign3A_774 = arith.extui %sign3A_773 : i1 to i32
        %sign3A_775 = arith.constant 0 : i32
        %sign3A_776 = arith.cmpi slt, %add3A_769, %sign3A_775 : i32
        %sign3A_777 = arith.extui %sign3A_776 : i1 to i32
        %sign3A_778 = arith.subi %sign3A_774, %sign3A_777 : i32
        %sign3A_779 = arith.constant 0 : i32
        %sign3A_780 = arith.cmpi sgt, %jit3A_770, %sign3A_779 : i32
        %sign3A_781 = arith.extui %sign3A_780 : i1 to i32
        %sign3A_782 = arith.constant 0 : i32
        %sign3A_783 = arith.cmpi slt, %jit3A_770, %sign3A_782 : i32
        %sign3A_784 = arith.extui %sign3A_783 : i1 to i32
        %sign3A_785 = arith.subi %sign3A_781, %sign3A_784 : i32
        %ne3A_786 = arith.cmpi ne, %sign3A_778, %sign3A_785 : i32
        %rem3A_787 = arith.remsi %add3A_769, %jit3A_770 : i32
        %ne3A_788 = arith.constant 0 : i32
        %ne3A_789 = arith.cmpi ne, %rem3A_787, %ne3A_788 : i32
        %and3A_790 = arith.andi %ne3A_786, %ne3A_789 : i1
        %sub3A_791 = arith.constant 1 : i32
        %sub3A_792 = arith.subi %div3A_771, %sub3A_791 : i32
        %select_n3A_793 = arith.select %and3A_790, %sub3A_792, %div3A_771 : i32
        %mul3A_794 = arith.constant 8 : i32
        %mul3A_795 = arith.muli %select_n3A_793, %mul3A_794 : i32
        %add3A_796 = arith.addi %mul3A_32, %mul3A_795 : i32
        %jit3A_797 = arith.constant 2 : i32
        %eq3A_798 = arith.constant 0 : i32
        %eq3A_799 = arith.cmpi eq, %jit3A_797, %eq3A_798 : i32
        %jit3A_800 = arith.constant 1 : i32
        %select_n3A_801 = arith.select %eq3A_799, %jit3A_800, %jit3A_797 : i32
        %rem3A_802 = arith.remsi %add3A_769, %select_n3A_801 : i32
        %ne3A_803 = arith.constant 0 : i32
        %ne3A_804 = arith.cmpi ne, %rem3A_802, %ne3A_803 : i32
        %lt3A_805 = arith.constant 0 : i32
        %lt3A_806 = arith.cmpi slt, %rem3A_802, %lt3A_805 : i32
        %lt3A_807 = arith.constant 0 : i32
        %lt3A_808 = arith.cmpi slt, %select_n3A_801, %lt3A_807 : i32
        %ne3A_809 = arith.xori %lt3A_806, %lt3A_808 : i1
        %and3A_810 = arith.andi %ne3A_809, %ne3A_804 : i1
        %add3A_811 = arith.addi %rem3A_802, %select_n3A_801 : i32
        %select_n3A_812 = arith.select %and3A_810, %add3A_811, %rem3A_802 : i32
        %mul3A_813 = arith.constant 256 : i32
        %mul3A_814 = arith.muli %select_n3A_812, %mul3A_813 : i32
        %dma_start3A_815 = tpu.memref_slice %arg3[%select_n3A, %add3A_796, %mul3A_814] : memref<8x512x512xi32, #tpu.memory_space<hbm>> -> memref<1x8x256xi32, #tpu.memory_space<hbm>>
        %dma_start3A_816 = tpu.memref_squeeze %dma_start3A_815 : memref<1x8x256xi32, #tpu.memory_space<hbm>> -> memref<8x256xi32, #tpu.memory_space<hbm>>
        %dma_start3A_817 = tpu.memref_slice %arg3[%select_n3A, %add3A_796, %mul3A_814] : memref<8x512x512xi32, #tpu.memory_space<hbm>> -> memref<1x8x256xi32, #tpu.memory_space<hbm>>
        %dma_start3A_818 = tpu.memref_squeeze %dma_start3A_817 : memref<1x8x256xi32, #tpu.memory_space<hbm>> -> memref<8x256xi32, #tpu.memory_space<hbm>>
        tpu.enqueue_dma source(%dma_start3A_818 : memref<8x256xi32, #tpu.memory_space<hbm>>) target(%arg7 : memref<8x256xi32, #tpu.memory_space<vmem>>) target_semaphore(%arg14 : memref<!tpu.dma_semaphore, #tpu.memory_space<semaphore_mem>>)
        %jit3A_819 = arith.constant 2 : i32
        %div3A_820 = arith.divsi %add3A_769, %jit3A_819 : i32
        %sign3A_821 = arith.constant 0 : i32
        %sign3A_822 = arith.cmpi sgt, %add3A_769, %sign3A_821 : i32
        %sign3A_823 = arith.extui %sign3A_822 : i1 to i32
        %sign3A_824 = arith.constant 0 : i32
        %sign3A_825 = arith.cmpi slt, %add3A_769, %sign3A_824 : i32
        %sign3A_826 = arith.extui %sign3A_825 : i1 to i32
        %sign3A_827 = arith.subi %sign3A_823, %sign3A_826 : i32
        %sign3A_828 = arith.constant 0 : i32
        %sign3A_829 = arith.cmpi sgt, %jit3A_819, %sign3A_828 : i32
        %sign3A_830 = arith.extui %sign3A_829 : i1 to i32
        %sign3A_831 = arith.constant 0 : i32
        %sign3A_832 = arith.cmpi slt, %jit3A_819, %sign3A_831 : i32
        %sign3A_833 = arith.extui %sign3A_832 : i1 to i32
        %sign3A_834 = arith.subi %sign3A_830, %sign3A_833 : i32
        %ne3A_835 = arith.cmpi ne, %sign3A_827, %sign3A_834 : i32
        %rem3A_836 = arith.remsi %add3A_769, %jit3A_819 : i32
        %ne3A_837 = arith.constant 0 : i32
        %ne3A_838 = arith.cmpi ne, %rem3A_836, %ne3A_837 : i32
        %and3A_839 = arith.andi %ne3A_835, %ne3A_838 : i1
        %sub3A_840 = arith.constant 1 : i32
        %sub3A_841 = arith.subi %div3A_820, %sub3A_840 : i32
        %select_n3A_842 = arith.select %and3A_839, %sub3A_841, %div3A_820 : i32
        %mul3A_843 = arith.constant 8 : i32
        %mul3A_844 = arith.muli %select_n3A_842, %mul3A_843 : i32
        %add3A_845 = arith.addi %mul3A_32, %mul3A_844 : i32
        %jit3A_846 = arith.constant 2 : i32
        %eq3A_847 = arith.constant 0 : i32
        %eq3A_848 = arith.cmpi eq, %jit3A_846, %eq3A_847 : i32
        %jit3A_849 = arith.constant 1 : i32
        %select_n3A_850 = arith.select %eq3A_848, %jit3A_849, %jit3A_846 : i32
        %rem3A_851 = arith.remsi %add3A_769, %select_n3A_850 : i32
        %ne3A_852 = arith.constant 0 : i32
        %ne3A_853 = arith.cmpi ne, %rem3A_851, %ne3A_852 : i32
        %lt3A_854 = arith.constant 0 : i32
        %lt3A_855 = arith.cmpi slt, %rem3A_851, %lt3A_854 : i32
        %lt3A_856 = arith.constant 0 : i32
        %lt3A_857 = arith.cmpi slt, %select_n3A_850, %lt3A_856 : i32
        %ne3A_858 = arith.xori %lt3A_855, %lt3A_857 : i1
        %and3A_859 = arith.andi %ne3A_858, %ne3A_853 : i1
        %add3A_860 = arith.addi %rem3A_851, %select_n3A_850 : i32
        %select_n3A_861 = arith.select %and3A_859, %add3A_860, %rem3A_851 : i32
        %mul3A_862 = arith.constant 256 : i32
        %mul3A_863 = arith.muli %select_n3A_861, %mul3A_862 : i32
        %dma_start3A_864 = arith.constant 0 : i32
        %dma_start3A_865 = arith.constant 0 : i32
        %dma_start3A_866 = arith.constant 0 : i32
        %dma_start3A_867 = tpu.memref_slice %arg5[%dma_start3A_864, %dma_start3A_865, %dma_start3A_866] : memref<21x8x256xf32, #tpu.memory_space<vmem>> -> memref<1x8x256xf32, #tpu.memory_space<vmem>>
        %dma_start3A_868 = arith.constant 0 : i32
        %dma_start3A_869 = tpu.memref_slice %arg2[%select_n3A, %dma_start3A_868, %add3A_845, %mul3A_863] : memref<8x21x512x512xf32, #tpu.memory_space<hbm>> -> memref<1x1x8x256xf32, #tpu.memory_space<hbm>>
        %dma_start3A_870 = tpu.memref_squeeze %dma_start3A_869 : memref<1x1x8x256xf32, #tpu.memory_space<hbm>> -> memref<1x8x256xf32, #tpu.memory_space<hbm>>
        %dma_start3A_871 = arith.constant 0 : i32
        %dma_start3A_872 = arith.constant 0 : i32
        %dma_start3A_873 = arith.constant 0 : i32
        %dma_start3A_874 = tpu.memref_slice %arg5[%dma_start3A_871, %dma_start3A_872, %dma_start3A_873] : memref<21x8x256xf32, #tpu.memory_space<vmem>> -> memref<1x8x256xf32, #tpu.memory_space<vmem>>
        %dma_start3A_875 = arith.constant 0 : i32
        %dma_start3A_876 = tpu.memref_slice %arg2[%select_n3A, %dma_start3A_875, %add3A_845, %mul3A_863] : memref<8x21x512x512xf32, #tpu.memory_space<hbm>> -> memref<1x1x8x256xf32, #tpu.memory_space<hbm>>
        %dma_start3A_877 = tpu.memref_squeeze %dma_start3A_876 : memref<1x1x8x256xf32, #tpu.memory_space<hbm>> -> memref<1x8x256xf32, #tpu.memory_space<hbm>>
        tpu.enqueue_dma source(%dma_start3A_877 : memref<1x8x256xf32, #tpu.memory_space<hbm>>) target(%dma_start3A_874 : memref<1x8x256xf32, #tpu.memory_space<vmem>>) target_semaphore(%arg12 : memref<!tpu.dma_semaphore, #tpu.memory_space<semaphore_mem>>)
        %dma_start3A_878 = arith.constant 1 : i32
        %dma_start3A_879 = arith.constant 0 : i32
        %dma_start3A_880 = arith.constant 0 : i32
        %dma_start3A_881 = tpu.memref_slice %arg5[%dma_start3A_878, %dma_start3A_879, %dma_start3A_880] : memref<21x8x256xf32, #tpu.memory_space<vmem>> -> memref<1x8x256xf32, #tpu.memory_space<vmem>>
        %dma_start3A_882 = arith.constant 1 : i32
        %dma_start3A_883 = tpu.memref_slice %arg2[%select_n3A, %dma_start3A_882, %add3A_845, %mul3A_863] : memref<8x21x512x512xf32, #tpu.memory_space<hbm>> -> memref<1x1x8x256xf32, #tpu.memory_space<hbm>>
        %dma_start3A_884 = tpu.memref_squeeze %dma_start3A_883 : memref<1x1x8x256xf32, #tpu.memory_space<hbm>> -> memref<1x8x256xf32, #tpu.memory_space<hbm>>
        %dma_start3A_885 = arith.constant 1 : i32
        %dma_start3A_886 = arith.constant 0 : i32
        %dma_start3A_887 = arith.constant 0 : i32
        %dma_start3A_888 = tpu.memref_slice %arg5[%dma_start3A_885, %dma_start3A_886, %dma_start3A_887] : memref<21x8x256xf32, #tpu.memory_space<vmem>> -> memref<1x8x256xf32, #tpu.memory_space<vmem>>
        %dma_start3A_889 = arith.constant 1 : i32
        %dma_start3A_890 = tpu.memref_slice %arg2[%select_n3A, %dma_start3A_889, %add3A_845, %mul3A_863] : memref<8x21x512x512xf32, #tpu.memory_space<hbm>> -> memref<1x1x8x256xf32, #tpu.memory_space<hbm>>
        %dma_start3A_891 = tpu.memref_squeeze %dma_start3A_890 : memref<1x1x8x256xf32, #tpu.memory_space<hbm>> -> memref<1x8x256xf32, #tpu.memory_space<hbm>>
        tpu.enqueue_dma source(%dma_start3A_891 : memref<1x8x256xf32, #tpu.memory_space<hbm>>) target(%dma_start3A_888 : memref<1x8x256xf32, #tpu.memory_space<vmem>>) target_semaphore(%arg12 : memref<!tpu.dma_semaphore, #tpu.memory_space<semaphore_mem>>)
        %dma_start3A_892 = arith.constant 2 : i32
        %dma_start3A_893 = arith.constant 0 : i32
        %dma_start3A_894 = arith.constant 0 : i32
        %dma_start3A_895 = tpu.memref_slice %arg5[%dma_start3A_892, %dma_start3A_893, %dma_start3A_894] : memref<21x8x256xf32, #tpu.memory_space<vmem>> -> memref<1x8x256xf32, #tpu.memory_space<vmem>>
        %dma_start3A_896 = arith.constant 2 : i32
        %dma_start3A_897 = tpu.memref_slice %arg2[%select_n3A, %dma_start3A_896, %add3A_845, %mul3A_863] : memref<8x21x512x512xf32, #tpu.memory_space<hbm>> -> memref<1x1x8x256xf32, #tpu.memory_space<hbm>>
        %dma_start3A_898 = tpu.memref_squeeze %dma_start3A_897 : memref<1x1x8x256xf32, #tpu.memory_space<hbm>> -> memref<1x8x256xf32, #tpu.memory_space<hbm>>
        %dma_start3A_899 = arith.constant 2 : i32
        %dma_start3A_900 = arith.constant 0 : i32
        %dma_start3A_901 = arith.constant 0 : i32
        %dma_start3A_902 = tpu.memref_slice %arg5[%dma_start3A_899, %dma_start3A_900, %dma_start3A_901] : memref<21x8x256xf32, #tpu.memory_space<vmem>> -> memref<1x8x256xf32, #tpu.memory_space<vmem>>
        %dma_start3A_903 = arith.constant 2 : i32
        %dma_start3A_904 = tpu.memref_slice %arg2[%select_n3A, %dma_start3A_903, %add3A_845, %mul3A_863] : memref<8x21x512x512xf32, #tpu.memory_space<hbm>> -> memref<1x1x8x256xf32, #tpu.memory_space<hbm>>
        %dma_start3A_905 = tpu.memref_squeeze %dma_start3A_904 : memref<1x1x8x256xf32, #tpu.memory_space<hbm>> -> memref<1x8x256xf32, #tpu.memory_space<hbm>>
        tpu.enqueue_dma source(%dma_start3A_905 : memref<1x8x256xf32, #tpu.memory_space<hbm>>) target(%dma_start3A_902 : memref<1x8x256xf32, #tpu.memory_space<vmem>>) target_semaphore(%arg12 : memref<!tpu.dma_semaphore, #tpu.memory_space<semaphore_mem>>)
        %dma_start3A_906 = arith.constant 3 : i32
        %dma_start3A_907 = arith.constant 0 : i32
        %dma_start3A_908 = arith.constant 0 : i32
        %dma_start3A_909 = tpu.memref_slice %arg5[%dma_start3A_906, %dma_start3A_907, %dma_start3A_908] : memref<21x8x256xf32, #tpu.memory_space<vmem>> -> memref<1x8x256xf32, #tpu.memory_space<vmem>>
        %dma_start3A_910 = arith.constant 3 : i32
        %dma_start3A_911 = tpu.memref_slice %arg2[%select_n3A, %dma_start3A_910, %add3A_845, %mul3A_863] : memref<8x21x512x512xf32, #tpu.memory_space<hbm>> -> memref<1x1x8x256xf32, #tpu.memory_space<hbm>>
        %dma_start3A_912 = tpu.memref_squeeze %dma_start3A_911 : memref<1x1x8x256xf32, #tpu.memory_space<hbm>> -> memref<1x8x256xf32, #tpu.memory_space<hbm>>
        %dma_start3A_913 = arith.constant 3 : i32
        %dma_start3A_914 = arith.constant 0 : i32
        %dma_start3A_915 = arith.constant 0 : i32
        %dma_start3A_916 = tpu.memref_slice %arg5[%dma_start3A_913, %dma_start3A_914, %dma_start3A_915] : memref<21x8x256xf32, #tpu.memory_space<vmem>> -> memref<1x8x256xf32, #tpu.memory_space<vmem>>
        %dma_start3A_917 = arith.constant 3 : i32
        %dma_start3A_918 = tpu.memref_slice %arg2[%select_n3A, %dma_start3A_917, %add3A_845, %mul3A_863] : memref<8x21x512x512xf32, #tpu.memory_space<hbm>> -> memref<1x1x8x256xf32, #tpu.memory_space<hbm>>
        %dma_start3A_919 = tpu.memref_squeeze %dma_start3A_918 : memref<1x1x8x256xf32, #tpu.memory_space<hbm>> -> memref<1x8x256xf32, #tpu.memory_space<hbm>>
        tpu.enqueue_dma source(%dma_start3A_919 : memref<1x8x256xf32, #tpu.memory_space<hbm>>) target(%dma_start3A_916 : memref<1x8x256xf32, #tpu.memory_space<vmem>>) target_semaphore(%arg12 : memref<!tpu.dma_semaphore, #tpu.memory_space<semaphore_mem>>)
        %dma_start3A_920 = arith.constant 4 : i32
        %dma_start3A_921 = arith.constant 0 : i32
        %dma_start3A_922 = arith.constant 0 : i32
        %dma_start3A_923 = tpu.memref_slice %arg5[%dma_start3A_920, %dma_start3A_921, %dma_start3A_922] : memref<21x8x256xf32, #tpu.memory_space<vmem>> -> memref<1x8x256xf32, #tpu.memory_space<vmem>>
        %dma_start3A_924 = arith.constant 4 : i32
        %dma_start3A_925 = tpu.memref_slice %arg2[%select_n3A, %dma_start3A_924, %add3A_845, %mul3A_863] : memref<8x21x512x512xf32, #tpu.memory_space<hbm>> -> memref<1x1x8x256xf32, #tpu.memory_space<hbm>>
        %dma_start3A_926 = tpu.memref_squeeze %dma_start3A_925 : memref<1x1x8x256xf32, #tpu.memory_space<hbm>> -> memref<1x8x256xf32, #tpu.memory_space<hbm>>
        %dma_start3A_927 = arith.constant 4 : i32
        %dma_start3A_928 = arith.constant 0 : i32
        %dma_start3A_929 = arith.constant 0 : i32
        %dma_start3A_930 = tpu.memref_slice %arg5[%dma_start3A_927, %dma_start3A_928, %dma_start3A_929] : memref<21x8x256xf32, #tpu.memory_space<vmem>> -> memref<1x8x256xf32, #tpu.memory_space<vmem>>
        %dma_start3A_931 = arith.constant 4 : i32
        %dma_start3A_932 = tpu.memref_slice %arg2[%select_n3A, %dma_start3A_931, %add3A_845, %mul3A_863] : memref<8x21x512x512xf32, #tpu.memory_space<hbm>> -> memref<1x1x8x256xf32, #tpu.memory_space<hbm>>
        %dma_start3A_933 = tpu.memref_squeeze %dma_start3A_932 : memref<1x1x8x256xf32, #tpu.memory_space<hbm>> -> memref<1x8x256xf32, #tpu.memory_space<hbm>>
        tpu.enqueue_dma source(%dma_start3A_933 : memref<1x8x256xf32, #tpu.memory_space<hbm>>) target(%dma_start3A_930 : memref<1x8x256xf32, #tpu.memory_space<vmem>>) target_semaphore(%arg12 : memref<!tpu.dma_semaphore, #tpu.memory_space<semaphore_mem>>)
        %dma_start3A_934 = arith.constant 5 : i32
        %dma_start3A_935 = arith.constant 0 : i32
        %dma_start3A_936 = arith.constant 0 : i32
        %dma_start3A_937 = tpu.memref_slice %arg5[%dma_start3A_934, %dma_start3A_935, %dma_start3A_936] : memref<21x8x256xf32, #tpu.memory_space<vmem>> -> memref<1x8x256xf32, #tpu.memory_space<vmem>>
        %dma_start3A_938 = arith.constant 5 : i32
        %dma_start3A_939 = tpu.memref_slice %arg2[%select_n3A, %dma_start3A_938, %add3A_845, %mul3A_863] : memref<8x21x512x512xf32, #tpu.memory_space<hbm>> -> memref<1x1x8x256xf32, #tpu.memory_space<hbm>>
        %dma_start3A_940 = tpu.memref_squeeze %dma_start3A_939 : memref<1x1x8x256xf32, #tpu.memory_space<hbm>> -> memref<1x8x256xf32, #tpu.memory_space<hbm>>
        %dma_start3A_941 = arith.constant 5 : i32
        %dma_start3A_942 = arith.constant 0 : i32
        %dma_start3A_943 = arith.constant 0 : i32
        %dma_start3A_944 = tpu.memref_slice %arg5[%dma_start3A_941, %dma_start3A_942, %dma_start3A_943] : memref<21x8x256xf32, #tpu.memory_space<vmem>> -> memref<1x8x256xf32, #tpu.memory_space<vmem>>
        %dma_start3A_945 = arith.constant 5 : i32
        %dma_start3A_946 = tpu.memref_slice %arg2[%select_n3A, %dma_start3A_945, %add3A_845, %mul3A_863] : memref<8x21x512x512xf32, #tpu.memory_space<hbm>> -> memref<1x1x8x256xf32, #tpu.memory_space<hbm>>
        %dma_start3A_947 = tpu.memref_squeeze %dma_start3A_946 : memref<1x1x8x256xf32, #tpu.memory_space<hbm>> -> memref<1x8x256xf32, #tpu.memory_space<hbm>>
        tpu.enqueue_dma source(%dma_start3A_947 : memref<1x8x256xf32, #tpu.memory_space<hbm>>) target(%dma_start3A_944 : memref<1x8x256xf32, #tpu.memory_space<vmem>>) target_semaphore(%arg12 : memref<!tpu.dma_semaphore, #tpu.memory_space<semaphore_mem>>)
        %dma_start3A_948 = arith.constant 6 : i32
        %dma_start3A_949 = arith.constant 0 : i32
        %dma_start3A_950 = arith.constant 0 : i32
        %dma_start3A_951 = tpu.memref_slice %arg5[%dma_start3A_948, %dma_start3A_949, %dma_start3A_950] : memref<21x8x256xf32, #tpu.memory_space<vmem>> -> memref<1x8x256xf32, #tpu.memory_space<vmem>>
        %dma_start3A_952 = arith.constant 6 : i32
        %dma_start3A_953 = tpu.memref_slice %arg2[%select_n3A, %dma_start3A_952, %add3A_845, %mul3A_863] : memref<8x21x512x512xf32, #tpu.memory_space<hbm>> -> memref<1x1x8x256xf32, #tpu.memory_space<hbm>>
        %dma_start3A_954 = tpu.memref_squeeze %dma_start3A_953 : memref<1x1x8x256xf32, #tpu.memory_space<hbm>> -> memref<1x8x256xf32, #tpu.memory_space<hbm>>
        %dma_start3A_955 = arith.constant 6 : i32
        %dma_start3A_956 = arith.constant 0 : i32
        %dma_start3A_957 = arith.constant 0 : i32
        %dma_start3A_958 = tpu.memref_slice %arg5[%dma_start3A_955, %dma_start3A_956, %dma_start3A_957] : memref<21x8x256xf32, #tpu.memory_space<vmem>> -> memref<1x8x256xf32, #tpu.memory_space<vmem>>
        %dma_start3A_959 = arith.constant 6 : i32
        %dma_start3A_960 = tpu.memref_slice %arg2[%select_n3A, %dma_start3A_959, %add3A_845, %mul3A_863] : memref<8x21x512x512xf32, #tpu.memory_space<hbm>> -> memref<1x1x8x256xf32, #tpu.memory_space<hbm>>
        %dma_start3A_961 = tpu.memref_squeeze %dma_start3A_960 : memref<1x1x8x256xf32, #tpu.memory_space<hbm>> -> memref<1x8x256xf32, #tpu.memory_space<hbm>>
        tpu.enqueue_dma source(%dma_start3A_961 : memref<1x8x256xf32, #tpu.memory_space<hbm>>) target(%dma_start3A_958 : memref<1x8x256xf32, #tpu.memory_space<vmem>>) target_semaphore(%arg12 : memref<!tpu.dma_semaphore, #tpu.memory_space<semaphore_mem>>)
        %dma_start3A_962 = arith.constant 7 : i32
        %dma_start3A_963 = arith.constant 0 : i32
        %dma_start3A_964 = arith.constant 0 : i32
        %dma_start3A_965 = tpu.memref_slice %arg5[%dma_start3A_962, %dma_start3A_963, %dma_start3A_964] : memref<21x8x256xf32, #tpu.memory_space<vmem>> -> memref<1x8x256xf32, #tpu.memory_space<vmem>>
        %dma_start3A_966 = arith.constant 7 : i32
        %dma_start3A_967 = tpu.memref_slice %arg2[%select_n3A, %dma_start3A_966, %add3A_845, %mul3A_863] : memref<8x21x512x512xf32, #tpu.memory_space<hbm>> -> memref<1x1x8x256xf32, #tpu.memory_space<hbm>>
        %dma_start3A_968 = tpu.memref_squeeze %dma_start3A_967 : memref<1x1x8x256xf32, #tpu.memory_space<hbm>> -> memref<1x8x256xf32, #tpu.memory_space<hbm>>
        %dma_start3A_969 = arith.constant 7 : i32
        %dma_start3A_970 = arith.constant 0 : i32
        %dma_start3A_971 = arith.constant 0 : i32
        %dma_start3A_972 = tpu.memref_slice %arg5[%dma_start3A_969, %dma_start3A_970, %dma_start3A_971] : memref<21x8x256xf32, #tpu.memory_space<vmem>> -> memref<1x8x256xf32, #tpu.memory_space<vmem>>
        %dma_start3A_973 = arith.constant 7 : i32
        %dma_start3A_974 = tpu.memref_slice %arg2[%select_n3A, %dma_start3A_973, %add3A_845, %mul3A_863] : memref<8x21x512x512xf32, #tpu.memory_space<hbm>> -> memref<1x1x8x256xf32, #tpu.memory_space<hbm>>
        %dma_start3A_975 = tpu.memref_squeeze %dma_start3A_974 : memref<1x1x8x256xf32, #tpu.memory_space<hbm>> -> memref<1x8x256xf32, #tpu.memory_space<hbm>>
        tpu.enqueue_dma source(%dma_start3A_975 : memref<1x8x256xf32, #tpu.memory_space<hbm>>) target(%dma_start3A_972 : memref<1x8x256xf32, #tpu.memory_space<vmem>>) target_semaphore(%arg12 : memref<!tpu.dma_semaphore, #tpu.memory_space<semaphore_mem>>)
        %dma_start3A_976 = arith.constant 8 : i32
        %dma_start3A_977 = arith.constant 0 : i32
        %dma_start3A_978 = arith.constant 0 : i32
        %dma_start3A_979 = tpu.memref_slice %arg5[%dma_start3A_976, %dma_start3A_977, %dma_start3A_978] : memref<21x8x256xf32, #tpu.memory_space<vmem>> -> memref<1x8x256xf32, #tpu.memory_space<vmem>>
        %dma_start3A_980 = arith.constant 8 : i32
        %dma_start3A_981 = tpu.memref_slice %arg2[%select_n3A, %dma_start3A_980, %add3A_845, %mul3A_863] : memref<8x21x512x512xf32, #tpu.memory_space<hbm>> -> memref<1x1x8x256xf32, #tpu.memory_space<hbm>>
        %dma_start3A_982 = tpu.memref_squeeze %dma_start3A_981 : memref<1x1x8x256xf32, #tpu.memory_space<hbm>> -> memref<1x8x256xf32, #tpu.memory_space<hbm>>
        %dma_start3A_983 = arith.constant 8 : i32
        %dma_start3A_984 = arith.constant 0 : i32
        %dma_start3A_985 = arith.constant 0 : i32
        %dma_start3A_986 = tpu.memref_slice %arg5[%dma_start3A_983, %dma_start3A_984, %dma_start3A_985] : memref<21x8x256xf32, #tpu.memory_space<vmem>> -> memref<1x8x256xf32, #tpu.memory_space<vmem>>
        %dma_start3A_987 = arith.constant 8 : i32
        %dma_start3A_988 = tpu.memref_slice %arg2[%select_n3A, %dma_start3A_987, %add3A_845, %mul3A_863] : memref<8x21x512x512xf32, #tpu.memory_space<hbm>> -> memref<1x1x8x256xf32, #tpu.memory_space<hbm>>
        %dma_start3A_989 = tpu.memref_squeeze %dma_start3A_988 : memref<1x1x8x256xf32, #tpu.memory_space<hbm>> -> memref<1x8x256xf32, #tpu.memory_space<hbm>>
        tpu.enqueue_dma source(%dma_start3A_989 : memref<1x8x256xf32, #tpu.memory_space<hbm>>) target(%dma_start3A_986 : memref<1x8x256xf32, #tpu.memory_space<vmem>>) target_semaphore(%arg12 : memref<!tpu.dma_semaphore, #tpu.memory_space<semaphore_mem>>)
        %dma_start3A_990 = arith.constant 9 : i32
        %dma_start3A_991 = arith.constant 0 : i32
        %dma_start3A_992 = arith.constant 0 : i32
        %dma_start3A_993 = tpu.memref_slice %arg5[%dma_start3A_990, %dma_start3A_991, %dma_start3A_992] : memref<21x8x256xf32, #tpu.memory_space<vmem>> -> memref<1x8x256xf32, #tpu.memory_space<vmem>>
        %dma_start3A_994 = arith.constant 9 : i32
        %dma_start3A_995 = tpu.memref_slice %arg2[%select_n3A, %dma_start3A_994, %add3A_845, %mul3A_863] : memref<8x21x512x512xf32, #tpu.memory_space<hbm>> -> memref<1x1x8x256xf32, #tpu.memory_space<hbm>>
        %dma_start3A_996 = tpu.memref_squeeze %dma_start3A_995 : memref<1x1x8x256xf32, #tpu.memory_space<hbm>> -> memref<1x8x256xf32, #tpu.memory_space<hbm>>
        %dma_start3A_997 = arith.constant 9 : i32
        %dma_start3A_998 = arith.constant 0 : i32
        %dma_start3A_999 = arith.constant 0 : i32
        %dma_start3A_1000 = tpu.memref_slice %arg5[%dma_start3A_997, %dma_start3A_998, %dma_start3A_999] : memref<21x8x256xf32, #tpu.memory_space<vmem>> -> memref<1x8x256xf32, #tpu.memory_space<vmem>>
        %dma_start3A_1001 = arith.constant 9 : i32
        %dma_start3A_1002 = tpu.memref_slice %arg2[%select_n3A, %dma_start3A_1001, %add3A_845, %mul3A_863] : memref<8x21x512x512xf32, #tpu.memory_space<hbm>> -> memref<1x1x8x256xf32, #tpu.memory_space<hbm>>
        %dma_start3A_1003 = tpu.memref_squeeze %dma_start3A_1002 : memref<1x1x8x256xf32, #tpu.memory_space<hbm>> -> memref<1x8x256xf32, #tpu.memory_space<hbm>>
        tpu.enqueue_dma source(%dma_start3A_1003 : memref<1x8x256xf32, #tpu.memory_space<hbm>>) target(%dma_start3A_1000 : memref<1x8x256xf32, #tpu.memory_space<vmem>>) target_semaphore(%arg12 : memref<!tpu.dma_semaphore, #tpu.memory_space<semaphore_mem>>)
        %dma_start3A_1004 = arith.constant 10 : i32
        %dma_start3A_1005 = arith.constant 0 : i32
        %dma_start3A_1006 = arith.constant 0 : i32
        %dma_start3A_1007 = tpu.memref_slice %arg5[%dma_start3A_1004, %dma_start3A_1005, %dma_start3A_1006] : memref<21x8x256xf32, #tpu.memory_space<vmem>> -> memref<1x8x256xf32, #tpu.memory_space<vmem>>
        %dma_start3A_1008 = arith.constant 10 : i32
        %dma_start3A_1009 = tpu.memref_slice %arg2[%select_n3A, %dma_start3A_1008, %add3A_845, %mul3A_863] : memref<8x21x512x512xf32, #tpu.memory_space<hbm>> -> memref<1x1x8x256xf32, #tpu.memory_space<hbm>>
        %dma_start3A_1010 = tpu.memref_squeeze %dma_start3A_1009 : memref<1x1x8x256xf32, #tpu.memory_space<hbm>> -> memref<1x8x256xf32, #tpu.memory_space<hbm>>
        %dma_start3A_1011 = arith.constant 10 : i32
        %dma_start3A_1012 = arith.constant 0 : i32
        %dma_start3A_1013 = arith.constant 0 : i32
        %dma_start3A_1014 = tpu.memref_slice %arg5[%dma_start3A_1011, %dma_start3A_1012, %dma_start3A_1013] : memref<21x8x256xf32, #tpu.memory_space<vmem>> -> memref<1x8x256xf32, #tpu.memory_space<vmem>>
        %dma_start3A_1015 = arith.constant 10 : i32
        %dma_start3A_1016 = tpu.memref_slice %arg2[%select_n3A, %dma_start3A_1015, %add3A_845, %mul3A_863] : memref<8x21x512x512xf32, #tpu.memory_space<hbm>> -> memref<1x1x8x256xf32, #tpu.memory_space<hbm>>
        %dma_start3A_1017 = tpu.memref_squeeze %dma_start3A_1016 : memref<1x1x8x256xf32, #tpu.memory_space<hbm>> -> memref<1x8x256xf32, #tpu.memory_space<hbm>>
        tpu.enqueue_dma source(%dma_start3A_1017 : memref<1x8x256xf32, #tpu.memory_space<hbm>>) target(%dma_start3A_1014 : memref<1x8x256xf32, #tpu.memory_space<vmem>>) target_semaphore(%arg12 : memref<!tpu.dma_semaphore, #tpu.memory_space<semaphore_mem>>)
        %dma_start3A_1018 = arith.constant 11 : i32
        %dma_start3A_1019 = arith.constant 0 : i32
        %dma_start3A_1020 = arith.constant 0 : i32
        %dma_start3A_1021 = tpu.memref_slice %arg5[%dma_start3A_1018, %dma_start3A_1019, %dma_start3A_1020] : memref<21x8x256xf32, #tpu.memory_space<vmem>> -> memref<1x8x256xf32, #tpu.memory_space<vmem>>
        %dma_start3A_1022 = arith.constant 11 : i32
        %dma_start3A_1023 = tpu.memref_slice %arg2[%select_n3A, %dma_start3A_1022, %add3A_845, %mul3A_863] : memref<8x21x512x512xf32, #tpu.memory_space<hbm>> -> memref<1x1x8x256xf32, #tpu.memory_space<hbm>>
        %dma_start3A_1024 = tpu.memref_squeeze %dma_start3A_1023 : memref<1x1x8x256xf32, #tpu.memory_space<hbm>> -> memref<1x8x256xf32, #tpu.memory_space<hbm>>
        %dma_start3A_1025 = arith.constant 11 : i32
        %dma_start3A_1026 = arith.constant 0 : i32
        %dma_start3A_1027 = arith.constant 0 : i32
        %dma_start3A_1028 = tpu.memref_slice %arg5[%dma_start3A_1025, %dma_start3A_1026, %dma_start3A_1027] : memref<21x8x256xf32, #tpu.memory_space<vmem>> -> memref<1x8x256xf32, #tpu.memory_space<vmem>>
        %dma_start3A_1029 = arith.constant 11 : i32
        %dma_start3A_1030 = tpu.memref_slice %arg2[%select_n3A, %dma_start3A_1029, %add3A_845, %mul3A_863] : memref<8x21x512x512xf32, #tpu.memory_space<hbm>> -> memref<1x1x8x256xf32, #tpu.memory_space<hbm>>
        %dma_start3A_1031 = tpu.memref_squeeze %dma_start3A_1030 : memref<1x1x8x256xf32, #tpu.memory_space<hbm>> -> memref<1x8x256xf32, #tpu.memory_space<hbm>>
        tpu.enqueue_dma source(%dma_start3A_1031 : memref<1x8x256xf32, #tpu.memory_space<hbm>>) target(%dma_start3A_1028 : memref<1x8x256xf32, #tpu.memory_space<vmem>>) target_semaphore(%arg12 : memref<!tpu.dma_semaphore, #tpu.memory_space<semaphore_mem>>)
        %dma_start3A_1032 = arith.constant 12 : i32
        %dma_start3A_1033 = arith.constant 0 : i32
        %dma_start3A_1034 = arith.constant 0 : i32
        %dma_start3A_1035 = tpu.memref_slice %arg5[%dma_start3A_1032, %dma_start3A_1033, %dma_start3A_1034] : memref<21x8x256xf32, #tpu.memory_space<vmem>> -> memref<1x8x256xf32, #tpu.memory_space<vmem>>
        %dma_start3A_1036 = arith.constant 12 : i32
        %dma_start3A_1037 = tpu.memref_slice %arg2[%select_n3A, %dma_start3A_1036, %add3A_845, %mul3A_863] : memref<8x21x512x512xf32, #tpu.memory_space<hbm>> -> memref<1x1x8x256xf32, #tpu.memory_space<hbm>>
        %dma_start3A_1038 = tpu.memref_squeeze %dma_start3A_1037 : memref<1x1x8x256xf32, #tpu.memory_space<hbm>> -> memref<1x8x256xf32, #tpu.memory_space<hbm>>
        %dma_start3A_1039 = arith.constant 12 : i32
        %dma_start3A_1040 = arith.constant 0 : i32
        %dma_start3A_1041 = arith.constant 0 : i32
        %dma_start3A_1042 = tpu.memref_slice %arg5[%dma_start3A_1039, %dma_start3A_1040, %dma_start3A_1041] : memref<21x8x256xf32, #tpu.memory_space<vmem>> -> memref<1x8x256xf32, #tpu.memory_space<vmem>>
        %dma_start3A_1043 = arith.constant 12 : i32
        %dma_start3A_1044 = tpu.memref_slice %arg2[%select_n3A, %dma_start3A_1043, %add3A_845, %mul3A_863] : memref<8x21x512x512xf32, #tpu.memory_space<hbm>> -> memref<1x1x8x256xf32, #tpu.memory_space<hbm>>
        %dma_start3A_1045 = tpu.memref_squeeze %dma_start3A_1044 : memref<1x1x8x256xf32, #tpu.memory_space<hbm>> -> memref<1x8x256xf32, #tpu.memory_space<hbm>>
        tpu.enqueue_dma source(%dma_start3A_1045 : memref<1x8x256xf32, #tpu.memory_space<hbm>>) target(%dma_start3A_1042 : memref<1x8x256xf32, #tpu.memory_space<vmem>>) target_semaphore(%arg12 : memref<!tpu.dma_semaphore, #tpu.memory_space<semaphore_mem>>)
        %dma_start3A_1046 = arith.constant 13 : i32
        %dma_start3A_1047 = arith.constant 0 : i32
        %dma_start3A_1048 = arith.constant 0 : i32
        %dma_start3A_1049 = tpu.memref_slice %arg5[%dma_start3A_1046, %dma_start3A_1047, %dma_start3A_1048] : memref<21x8x256xf32, #tpu.memory_space<vmem>> -> memref<1x8x256xf32, #tpu.memory_space<vmem>>
        %dma_start3A_1050 = arith.constant 13 : i32
        %dma_start3A_1051 = tpu.memref_slice %arg2[%select_n3A, %dma_start3A_1050, %add3A_845, %mul3A_863] : memref<8x21x512x512xf32, #tpu.memory_space<hbm>> -> memref<1x1x8x256xf32, #tpu.memory_space<hbm>>
        %dma_start3A_1052 = tpu.memref_squeeze %dma_start3A_1051 : memref<1x1x8x256xf32, #tpu.memory_space<hbm>> -> memref<1x8x256xf32, #tpu.memory_space<hbm>>
        %dma_start3A_1053 = arith.constant 13 : i32
        %dma_start3A_1054 = arith.constant 0 : i32
        %dma_start3A_1055 = arith.constant 0 : i32
        %dma_start3A_1056 = tpu.memref_slice %arg5[%dma_start3A_1053, %dma_start3A_1054, %dma_start3A_1055] : memref<21x8x256xf32, #tpu.memory_space<vmem>> -> memref<1x8x256xf32, #tpu.memory_space<vmem>>
        %dma_start3A_1057 = arith.constant 13 : i32
        %dma_start3A_1058 = tpu.memref_slice %arg2[%select_n3A, %dma_start3A_1057, %add3A_845, %mul3A_863] : memref<8x21x512x512xf32, #tpu.memory_space<hbm>> -> memref<1x1x8x256xf32, #tpu.memory_space<hbm>>
        %dma_start3A_1059 = tpu.memref_squeeze %dma_start3A_1058 : memref<1x1x8x256xf32, #tpu.memory_space<hbm>> -> memref<1x8x256xf32, #tpu.memory_space<hbm>>
        tpu.enqueue_dma source(%dma_start3A_1059 : memref<1x8x256xf32, #tpu.memory_space<hbm>>) target(%dma_start3A_1056 : memref<1x8x256xf32, #tpu.memory_space<vmem>>) target_semaphore(%arg12 : memref<!tpu.dma_semaphore, #tpu.memory_space<semaphore_mem>>)
        %dma_start3A_1060 = arith.constant 14 : i32
        %dma_start3A_1061 = arith.constant 0 : i32
        %dma_start3A_1062 = arith.constant 0 : i32
        %dma_start3A_1063 = tpu.memref_slice %arg5[%dma_start3A_1060, %dma_start3A_1061, %dma_start3A_1062] : memref<21x8x256xf32, #tpu.memory_space<vmem>> -> memref<1x8x256xf32, #tpu.memory_space<vmem>>
        %dma_start3A_1064 = arith.constant 14 : i32
        %dma_start3A_1065 = tpu.memref_slice %arg2[%select_n3A, %dma_start3A_1064, %add3A_845, %mul3A_863] : memref<8x21x512x512xf32, #tpu.memory_space<hbm>> -> memref<1x1x8x256xf32, #tpu.memory_space<hbm>>
        %dma_start3A_1066 = tpu.memref_squeeze %dma_start3A_1065 : memref<1x1x8x256xf32, #tpu.memory_space<hbm>> -> memref<1x8x256xf32, #tpu.memory_space<hbm>>
        %dma_start3A_1067 = arith.constant 14 : i32
        %dma_start3A_1068 = arith.constant 0 : i32
        %dma_start3A_1069 = arith.constant 0 : i32
        %dma_start3A_1070 = tpu.memref_slice %arg5[%dma_start3A_1067, %dma_start3A_1068, %dma_start3A_1069] : memref<21x8x256xf32, #tpu.memory_space<vmem>> -> memref<1x8x256xf32, #tpu.memory_space<vmem>>
        %dma_start3A_1071 = arith.constant 14 : i32
        %dma_start3A_1072 = tpu.memref_slice %arg2[%select_n3A, %dma_start3A_1071, %add3A_845, %mul3A_863] : memref<8x21x512x512xf32, #tpu.memory_space<hbm>> -> memref<1x1x8x256xf32, #tpu.memory_space<hbm>>
        %dma_start3A_1073 = tpu.memref_squeeze %dma_start3A_1072 : memref<1x1x8x256xf32, #tpu.memory_space<hbm>> -> memref<1x8x256xf32, #tpu.memory_space<hbm>>
        tpu.enqueue_dma source(%dma_start3A_1073 : memref<1x8x256xf32, #tpu.memory_space<hbm>>) target(%dma_start3A_1070 : memref<1x8x256xf32, #tpu.memory_space<vmem>>) target_semaphore(%arg12 : memref<!tpu.dma_semaphore, #tpu.memory_space<semaphore_mem>>)
        %dma_start3A_1074 = arith.constant 15 : i32
        %dma_start3A_1075 = arith.constant 0 : i32
        %dma_start3A_1076 = arith.constant 0 : i32
        %dma_start3A_1077 = tpu.memref_slice %arg5[%dma_start3A_1074, %dma_start3A_1075, %dma_start3A_1076] : memref<21x8x256xf32, #tpu.memory_space<vmem>> -> memref<1x8x256xf32, #tpu.memory_space<vmem>>
        %dma_start3A_1078 = arith.constant 15 : i32
        %dma_start3A_1079 = tpu.memref_slice %arg2[%select_n3A, %dma_start3A_1078, %add3A_845, %mul3A_863] : memref<8x21x512x512xf32, #tpu.memory_space<hbm>> -> memref<1x1x8x256xf32, #tpu.memory_space<hbm>>
        %dma_start3A_1080 = tpu.memref_squeeze %dma_start3A_1079 : memref<1x1x8x256xf32, #tpu.memory_space<hbm>> -> memref<1x8x256xf32, #tpu.memory_space<hbm>>
        %dma_start3A_1081 = arith.constant 15 : i32
        %dma_start3A_1082 = arith.constant 0 : i32
        %dma_start3A_1083 = arith.constant 0 : i32
        %dma_start3A_1084 = tpu.memref_slice %arg5[%dma_start3A_1081, %dma_start3A_1082, %dma_start3A_1083] : memref<21x8x256xf32, #tpu.memory_space<vmem>> -> memref<1x8x256xf32, #tpu.memory_space<vmem>>
        %dma_start3A_1085 = arith.constant 15 : i32
        %dma_start3A_1086 = tpu.memref_slice %arg2[%select_n3A, %dma_start3A_1085, %add3A_845, %mul3A_863] : memref<8x21x512x512xf32, #tpu.memory_space<hbm>> -> memref<1x1x8x256xf32, #tpu.memory_space<hbm>>
        %dma_start3A_1087 = tpu.memref_squeeze %dma_start3A_1086 : memref<1x1x8x256xf32, #tpu.memory_space<hbm>> -> memref<1x8x256xf32, #tpu.memory_space<hbm>>
        tpu.enqueue_dma source(%dma_start3A_1087 : memref<1x8x256xf32, #tpu.memory_space<hbm>>) target(%dma_start3A_1084 : memref<1x8x256xf32, #tpu.memory_space<vmem>>) target_semaphore(%arg12 : memref<!tpu.dma_semaphore, #tpu.memory_space<semaphore_mem>>)
        %dma_start3A_1088 = arith.constant 16 : i32
        %dma_start3A_1089 = arith.constant 0 : i32
        %dma_start3A_1090 = arith.constant 0 : i32
        %dma_start3A_1091 = tpu.memref_slice %arg5[%dma_start3A_1088, %dma_start3A_1089, %dma_start3A_1090] : memref<21x8x256xf32, #tpu.memory_space<vmem>> -> memref<1x8x256xf32, #tpu.memory_space<vmem>>
        %dma_start3A_1092 = arith.constant 16 : i32
        %dma_start3A_1093 = tpu.memref_slice %arg2[%select_n3A, %dma_start3A_1092, %add3A_845, %mul3A_863] : memref<8x21x512x512xf32, #tpu.memory_space<hbm>> -> memref<1x1x8x256xf32, #tpu.memory_space<hbm>>
        %dma_start3A_1094 = tpu.memref_squeeze %dma_start3A_1093 : memref<1x1x8x256xf32, #tpu.memory_space<hbm>> -> memref<1x8x256xf32, #tpu.memory_space<hbm>>
        %dma_start3A_1095 = arith.constant 16 : i32
        %dma_start3A_1096 = arith.constant 0 : i32
        %dma_start3A_1097 = arith.constant 0 : i32
        %dma_start3A_1098 = tpu.memref_slice %arg5[%dma_start3A_1095, %dma_start3A_1096, %dma_start3A_1097] : memref<21x8x256xf32, #tpu.memory_space<vmem>> -> memref<1x8x256xf32, #tpu.memory_space<vmem>>
        %dma_start3A_1099 = arith.constant 16 : i32
        %dma_start3A_1100 = tpu.memref_slice %arg2[%select_n3A, %dma_start3A_1099, %add3A_845, %mul3A_863] : memref<8x21x512x512xf32, #tpu.memory_space<hbm>> -> memref<1x1x8x256xf32, #tpu.memory_space<hbm>>
        %dma_start3A_1101 = tpu.memref_squeeze %dma_start3A_1100 : memref<1x1x8x256xf32, #tpu.memory_space<hbm>> -> memref<1x8x256xf32, #tpu.memory_space<hbm>>
        tpu.enqueue_dma source(%dma_start3A_1101 : memref<1x8x256xf32, #tpu.memory_space<hbm>>) target(%dma_start3A_1098 : memref<1x8x256xf32, #tpu.memory_space<vmem>>) target_semaphore(%arg12 : memref<!tpu.dma_semaphore, #tpu.memory_space<semaphore_mem>>)
        %dma_start3A_1102 = arith.constant 17 : i32
        %dma_start3A_1103 = arith.constant 0 : i32
        %dma_start3A_1104 = arith.constant 0 : i32
        %dma_start3A_1105 = tpu.memref_slice %arg5[%dma_start3A_1102, %dma_start3A_1103, %dma_start3A_1104] : memref<21x8x256xf32, #tpu.memory_space<vmem>> -> memref<1x8x256xf32, #tpu.memory_space<vmem>>
        %dma_start3A_1106 = arith.constant 17 : i32
        %dma_start3A_1107 = tpu.memref_slice %arg2[%select_n3A, %dma_start3A_1106, %add3A_845, %mul3A_863] : memref<8x21x512x512xf32, #tpu.memory_space<hbm>> -> memref<1x1x8x256xf32, #tpu.memory_space<hbm>>
        %dma_start3A_1108 = tpu.memref_squeeze %dma_start3A_1107 : memref<1x1x8x256xf32, #tpu.memory_space<hbm>> -> memref<1x8x256xf32, #tpu.memory_space<hbm>>
        %dma_start3A_1109 = arith.constant 17 : i32
        %dma_start3A_1110 = arith.constant 0 : i32
        %dma_start3A_1111 = arith.constant 0 : i32
        %dma_start3A_1112 = tpu.memref_slice %arg5[%dma_start3A_1109, %dma_start3A_1110, %dma_start3A_1111] : memref<21x8x256xf32, #tpu.memory_space<vmem>> -> memref<1x8x256xf32, #tpu.memory_space<vmem>>
        %dma_start3A_1113 = arith.constant 17 : i32
        %dma_start3A_1114 = tpu.memref_slice %arg2[%select_n3A, %dma_start3A_1113, %add3A_845, %mul3A_863] : memref<8x21x512x512xf32, #tpu.memory_space<hbm>> -> memref<1x1x8x256xf32, #tpu.memory_space<hbm>>
        %dma_start3A_1115 = tpu.memref_squeeze %dma_start3A_1114 : memref<1x1x8x256xf32, #tpu.memory_space<hbm>> -> memref<1x8x256xf32, #tpu.memory_space<hbm>>
        tpu.enqueue_dma source(%dma_start3A_1115 : memref<1x8x256xf32, #tpu.memory_space<hbm>>) target(%dma_start3A_1112 : memref<1x8x256xf32, #tpu.memory_space<vmem>>) target_semaphore(%arg12 : memref<!tpu.dma_semaphore, #tpu.memory_space<semaphore_mem>>)
        %dma_start3A_1116 = arith.constant 18 : i32
        %dma_start3A_1117 = arith.constant 0 : i32
        %dma_start3A_1118 = arith.constant 0 : i32
        %dma_start3A_1119 = tpu.memref_slice %arg5[%dma_start3A_1116, %dma_start3A_1117, %dma_start3A_1118] : memref<21x8x256xf32, #tpu.memory_space<vmem>> -> memref<1x8x256xf32, #tpu.memory_space<vmem>>
        %dma_start3A_1120 = arith.constant 18 : i32
        %dma_start3A_1121 = tpu.memref_slice %arg2[%select_n3A, %dma_start3A_1120, %add3A_845, %mul3A_863] : memref<8x21x512x512xf32, #tpu.memory_space<hbm>> -> memref<1x1x8x256xf32, #tpu.memory_space<hbm>>
        %dma_start3A_1122 = tpu.memref_squeeze %dma_start3A_1121 : memref<1x1x8x256xf32, #tpu.memory_space<hbm>> -> memref<1x8x256xf32, #tpu.memory_space<hbm>>
        %dma_start3A_1123 = arith.constant 18 : i32
        %dma_start3A_1124 = arith.constant 0 : i32
        %dma_start3A_1125 = arith.constant 0 : i32
        %dma_start3A_1126 = tpu.memref_slice %arg5[%dma_start3A_1123, %dma_start3A_1124, %dma_start3A_1125] : memref<21x8x256xf32, #tpu.memory_space<vmem>> -> memref<1x8x256xf32, #tpu.memory_space<vmem>>
        %dma_start3A_1127 = arith.constant 18 : i32
        %dma_start3A_1128 = tpu.memref_slice %arg2[%select_n3A, %dma_start3A_1127, %add3A_845, %mul3A_863] : memref<8x21x512x512xf32, #tpu.memory_space<hbm>> -> memref<1x1x8x256xf32, #tpu.memory_space<hbm>>
        %dma_start3A_1129 = tpu.memref_squeeze %dma_start3A_1128 : memref<1x1x8x256xf32, #tpu.memory_space<hbm>> -> memref<1x8x256xf32, #tpu.memory_space<hbm>>
        tpu.enqueue_dma source(%dma_start3A_1129 : memref<1x8x256xf32, #tpu.memory_space<hbm>>) target(%dma_start3A_1126 : memref<1x8x256xf32, #tpu.memory_space<vmem>>) target_semaphore(%arg12 : memref<!tpu.dma_semaphore, #tpu.memory_space<semaphore_mem>>)
        %dma_start3A_1130 = arith.constant 19 : i32
        %dma_start3A_1131 = arith.constant 0 : i32
        %dma_start3A_1132 = arith.constant 0 : i32
        %dma_start3A_1133 = tpu.memref_slice %arg5[%dma_start3A_1130, %dma_start3A_1131, %dma_start3A_1132] : memref<21x8x256xf32, #tpu.memory_space<vmem>> -> memref<1x8x256xf32, #tpu.memory_space<vmem>>
        %dma_start3A_1134 = arith.constant 19 : i32
        %dma_start3A_1135 = tpu.memref_slice %arg2[%select_n3A, %dma_start3A_1134, %add3A_845, %mul3A_863] : memref<8x21x512x512xf32, #tpu.memory_space<hbm>> -> memref<1x1x8x256xf32, #tpu.memory_space<hbm>>
        %dma_start3A_1136 = tpu.memref_squeeze %dma_start3A_1135 : memref<1x1x8x256xf32, #tpu.memory_space<hbm>> -> memref<1x8x256xf32, #tpu.memory_space<hbm>>
        %dma_start3A_1137 = arith.constant 19 : i32
        %dma_start3A_1138 = arith.constant 0 : i32
        %dma_start3A_1139 = arith.constant 0 : i32
        %dma_start3A_1140 = tpu.memref_slice %arg5[%dma_start3A_1137, %dma_start3A_1138, %dma_start3A_1139] : memref<21x8x256xf32, #tpu.memory_space<vmem>> -> memref<1x8x256xf32, #tpu.memory_space<vmem>>
        %dma_start3A_1141 = arith.constant 19 : i32
        %dma_start3A_1142 = tpu.memref_slice %arg2[%select_n3A, %dma_start3A_1141, %add3A_845, %mul3A_863] : memref<8x21x512x512xf32, #tpu.memory_space<hbm>> -> memref<1x1x8x256xf32, #tpu.memory_space<hbm>>
        %dma_start3A_1143 = tpu.memref_squeeze %dma_start3A_1142 : memref<1x1x8x256xf32, #tpu.memory_space<hbm>> -> memref<1x8x256xf32, #tpu.memory_space<hbm>>
        tpu.enqueue_dma source(%dma_start3A_1143 : memref<1x8x256xf32, #tpu.memory_space<hbm>>) target(%dma_start3A_1140 : memref<1x8x256xf32, #tpu.memory_space<vmem>>) target_semaphore(%arg12 : memref<!tpu.dma_semaphore, #tpu.memory_space<semaphore_mem>>)
        %dma_start3A_1144 = arith.constant 20 : i32
        %dma_start3A_1145 = arith.constant 0 : i32
        %dma_start3A_1146 = arith.constant 0 : i32
        %dma_start3A_1147 = tpu.memref_slice %arg5[%dma_start3A_1144, %dma_start3A_1145, %dma_start3A_1146] : memref<21x8x256xf32, #tpu.memory_space<vmem>> -> memref<1x8x256xf32, #tpu.memory_space<vmem>>
        %dma_start3A_1148 = arith.constant 20 : i32
        %dma_start3A_1149 = tpu.memref_slice %arg2[%select_n3A, %dma_start3A_1148, %add3A_845, %mul3A_863] : memref<8x21x512x512xf32, #tpu.memory_space<hbm>> -> memref<1x1x8x256xf32, #tpu.memory_space<hbm>>
        %dma_start3A_1150 = tpu.memref_squeeze %dma_start3A_1149 : memref<1x1x8x256xf32, #tpu.memory_space<hbm>> -> memref<1x8x256xf32, #tpu.memory_space<hbm>>
        %dma_start3A_1151 = arith.constant 20 : i32
        %dma_start3A_1152 = arith.constant 0 : i32
        %dma_start3A_1153 = arith.constant 0 : i32
        %dma_start3A_1154 = tpu.memref_slice %arg5[%dma_start3A_1151, %dma_start3A_1152, %dma_start3A_1153] : memref<21x8x256xf32, #tpu.memory_space<vmem>> -> memref<1x8x256xf32, #tpu.memory_space<vmem>>
        %dma_start3A_1155 = arith.constant 20 : i32
        %dma_start3A_1156 = tpu.memref_slice %arg2[%select_n3A, %dma_start3A_1155, %add3A_845, %mul3A_863] : memref<8x21x512x512xf32, #tpu.memory_space<hbm>> -> memref<1x1x8x256xf32, #tpu.memory_space<hbm>>
        %dma_start3A_1157 = tpu.memref_squeeze %dma_start3A_1156 : memref<1x1x8x256xf32, #tpu.memory_space<hbm>> -> memref<1x8x256xf32, #tpu.memory_space<hbm>>
        tpu.enqueue_dma source(%dma_start3A_1157 : memref<1x8x256xf32, #tpu.memory_space<hbm>>) target(%dma_start3A_1154 : memref<1x8x256xf32, #tpu.memory_space<vmem>>) target_semaphore(%arg12 : memref<!tpu.dma_semaphore, #tpu.memory_space<semaphore_mem>>)
      } else {
      }
      %jit3A_623 = arith.constant 2 : i32
      %div3A_624 = arith.divsi %add3A_615, %jit3A_623 : i32
      %sign3A_625 = arith.constant 0 : i32
      %sign3A_626 = arith.cmpi sgt, %add3A_615, %sign3A_625 : i32
      %sign3A_627 = arith.extui %sign3A_626 : i1 to i32
      %sign3A_628 = arith.constant 0 : i32
      %sign3A_629 = arith.cmpi slt, %add3A_615, %sign3A_628 : i32
      %sign3A_630 = arith.extui %sign3A_629 : i1 to i32
      %sign3A_631 = arith.subi %sign3A_627, %sign3A_630 : i32
      %sign3A_632 = arith.constant 0 : i32
      %sign3A_633 = arith.cmpi sgt, %jit3A_623, %sign3A_632 : i32
      %sign3A_634 = arith.extui %sign3A_633 : i1 to i32
      %sign3A_635 = arith.constant 0 : i32
      %sign3A_636 = arith.cmpi slt, %jit3A_623, %sign3A_635 : i32
      %sign3A_637 = arith.extui %sign3A_636 : i1 to i32
      %sign3A_638 = arith.subi %sign3A_634, %sign3A_637 : i32
      %ne3A_639 = arith.cmpi ne, %sign3A_631, %sign3A_638 : i32
      %rem3A_640 = arith.remsi %add3A_615, %jit3A_623 : i32
      %ne3A_641 = arith.constant 0 : i32
      %ne3A_642 = arith.cmpi ne, %rem3A_640, %ne3A_641 : i32
      %and3A_643 = arith.andi %ne3A_639, %ne3A_642 : i1
      %sub3A_644 = arith.constant 1 : i32
      %sub3A_645 = arith.subi %div3A_624, %sub3A_644 : i32
      %select_n3A_646 = arith.select %and3A_643, %sub3A_645, %div3A_624 : i32
      %mul3A_647 = arith.constant 8 : i32
      %mul3A_648 = arith.muli %select_n3A_646, %mul3A_647 : i32
      %add3A_649 = arith.addi %mul3A_32, %mul3A_648 : i32
      %jit3A_650 = arith.constant 2 : i32
      %eq3A_651 = arith.constant 0 : i32
      %eq3A_652 = arith.cmpi eq, %jit3A_650, %eq3A_651 : i32
      %jit3A_653 = arith.constant 1 : i32
      %select_n3A_654 = arith.select %eq3A_652, %jit3A_653, %jit3A_650 : i32
      %rem3A_655 = arith.remsi %add3A_615, %select_n3A_654 : i32
      %ne3A_656 = arith.constant 0 : i32
      %ne3A_657 = arith.cmpi ne, %rem3A_655, %ne3A_656 : i32
      %lt3A_658 = arith.constant 0 : i32
      %lt3A_659 = arith.cmpi slt, %rem3A_655, %lt3A_658 : i32
      %lt3A_660 = arith.constant 0 : i32
      %lt3A_661 = arith.cmpi slt, %select_n3A_654, %lt3A_660 : i32
      %ne3A_662 = arith.xori %lt3A_659, %lt3A_661 : i1
      %and3A_663 = arith.andi %ne3A_662, %ne3A_657 : i1
      %add3A_664 = arith.addi %rem3A_655, %select_n3A_654 : i32
      %select_n3A_665 = arith.select %and3A_663, %add3A_664, %rem3A_655 : i32
      %mul3A_666 = arith.constant 256 : i32
      %mul3A_667 = arith.muli %select_n3A_665, %mul3A_666 : i32
      %dma_wait3A_668 = tpu.memref_slice %arg3[%select_n3A, %add3A_649, %mul3A_667] : memref<8x512x512xi32, #tpu.memory_space<hbm>> -> memref<1x8x256xi32, #tpu.memory_space<hbm>>
      %dma_wait3A_669 = tpu.memref_squeeze %dma_wait3A_668 : memref<1x8x256xi32, #tpu.memory_space<hbm>> -> memref<8x256xi32, #tpu.memory_space<hbm>>
      %dma_wait3A_670 = tpu.memref_slice %arg3[%select_n3A, %add3A_649, %mul3A_667] : memref<8x512x512xi32, #tpu.memory_space<hbm>> -> memref<1x8x256xi32, #tpu.memory_space<hbm>>
      %dma_wait3A_671 = tpu.memref_squeeze %dma_wait3A_670 : memref<1x8x256xi32, #tpu.memory_space<hbm>> -> memref<8x256xi32, #tpu.memory_space<hbm>>
      tpu.wait_dma2 semaphore(%arg15 : memref<!tpu.dma_semaphore, #tpu.memory_space<semaphore_mem>>) src(%dma_wait3A_671 : memref<8x256xi32, #tpu.memory_space<hbm>>) dst(%arg8 : memref<8x256xi32, #tpu.memory_space<vmem>>)
      %scan3A_672 = arith.constant 0 : i32
      %scan3A_673 = arith.constant 0 : i32
      %scan3A_674 = arith.constant 128 : i32
      %scan3A_675 = arith.addi %scan3A_673, %scan3A_674 : i32
      %scan3A_676 = arith.constant 1 : i32
      %scan3A_677 = scf.for %scan3A_768 = %scan3A_673 to %scan3A_675 step %scan3A_676 iter_args(%scan3A_769 = %scan3A_672) -> (i32)  : i32 {
        %jit3A_770 = arith.constant 16 : i32
        %div3A_771 = arith.divsi %scan3A_768, %jit3A_770 : i32
        %sign3A_772 = arith.constant 0 : i32
        %sign3A_773 = arith.cmpi sgt, %scan3A_768, %sign3A_772 : i32
        %sign3A_774 = arith.extui %sign3A_773 : i1 to i32
        %sign3A_775 = arith.constant 0 : i32
        %sign3A_776 = arith.cmpi slt, %scan3A_768, %sign3A_775 : i32
        %sign3A_777 = arith.extui %sign3A_776 : i1 to i32
        %sign3A_778 = arith.subi %sign3A_774, %sign3A_777 : i32
        %sign3A_779 = arith.constant 0 : i32
        %sign3A_780 = arith.cmpi sgt, %jit3A_770, %sign3A_779 : i32
        %sign3A_781 = arith.extui %sign3A_780 : i1 to i32
        %sign3A_782 = arith.constant 0 : i32
        %sign3A_783 = arith.cmpi slt, %jit3A_770, %sign3A_782 : i32
        %sign3A_784 = arith.extui %sign3A_783 : i1 to i32
        %sign3A_785 = arith.subi %sign3A_781, %sign3A_784 : i32
        %ne3A_786 = arith.cmpi ne, %sign3A_778, %sign3A_785 : i32
        %rem3A_787 = arith.remsi %scan3A_768, %jit3A_770 : i32
        %ne3A_788 = arith.constant 0 : i32
        %ne3A_789 = arith.cmpi ne, %rem3A_787, %ne3A_788 : i32
        %and3A_790 = arith.andi %ne3A_786, %ne3A_789 : i1
        %sub3A_791 = arith.constant 1 : i32
        %sub3A_792 = arith.subi %div3A_771, %sub3A_791 : i32
        %select_n3A_793 = arith.select %and3A_790, %sub3A_792, %div3A_771 : i32
        %jit3A_794 = arith.constant 16 : i32
        %eq3A_795 = arith.constant 0 : i32
        %eq3A_796 = arith.cmpi eq, %jit3A_794, %eq3A_795 : i32
        %jit3A_797 = arith.constant 1 : i32
        %select_n3A_798 = arith.select %eq3A_796, %jit3A_797, %jit3A_794 : i32
        %rem3A_799 = arith.remsi %scan3A_768, %select_n3A_798 : i32
        %ne3A_800 = arith.constant 0 : i32
        %ne3A_801 = arith.cmpi ne, %rem3A_799, %ne3A_800 : i32
        %lt3A_802 = arith.constant 0 : i32
        %lt3A_803 = arith.cmpi slt, %rem3A_799, %lt3A_802 : i32
        %lt3A_804 = arith.constant 0 : i32
        %lt3A_805 = arith.cmpi slt, %select_n3A_798, %lt3A_804 : i32
        %ne3A_806 = arith.xori %lt3A_803, %lt3A_805 : i1
        %and3A_807 = arith.andi %ne3A_806, %ne3A_801 : i1
        %add3A_808 = arith.addi %rem3A_799, %select_n3A_798 : i32
        %select_n3A_809 = arith.select %and3A_807, %add3A_808, %rem3A_799 : i32
        %mul3A_810 = arith.constant 16 : i32
        %mul3A_811 = arith.muli %select_n3A_809, %mul3A_810 : i32
        %get3A = arith.index_cast %select_n3A_793 : i32 to index
        %get3A_812 = arith.index_cast %mul3A_811 : i32 to index
        %get3A_813 = tpu.vector_load %arg8[%get3A, %get3A_812] {strides = array<i32>} : memref<8x256xi32, #tpu.memory_space<vmem>>, vector<16xi32>,
        %eq3A_814 = arith.constant 0 : i32
        %eq3A_815 = vector.broadcast %eq3A_814 : i32 to vector<16xi32>
        %eq3A_816 = arith.cmpi eq, %get3A_813, %eq3A_815 : vector<16xi32>
        %mul3A_817 = arith.constant 16 : i32
        %mul3A_818 = arith.muli %scan3A_768, %mul3A_817 : i32
        %add3A_819 = vector.broadcast %mul3A_818 : i32 to vector<16xi32>
        %add3A_820 = arith.addi %add3A_819, %iota3A : vector<16xi32>
        %swap3A = arith.index_cast %scan3A_769 : i32 to index
        %swap3A_821 = tpu.vector_load %arg9[%swap3A] masked %eq3A_816 {strides = array<i32>} : memref<2048xi32, #tpu.memory_space<vmem>>, vector<16xi32>, vector<16xi1>
        tpu.vector_store %arg9[%swap3A], %add3A_820 masked %eq3A_816 {strides = array<i32>} : memref<2048xi32, #tpu.memory_space<vmem>>, vector<16xi32>, vector<16xi1>
        %all_reduce_population_count3A = tpu.all_reduce %eq3A_816 {dim = 0 : i64, kind = #tpu.reduction_kind<sum>} : vector<16xi1> -> vector<16xi32>
        %reduce_max3A = arith.constant true
        %reduce_max3A_822 = vector.broadcast %reduce_max3A : i1 to vector<16xi1>
        %reduce_max3A_823 = arith.constant -2147483648 : i32
        %reduce_max3A_824 = vector.broadcast %reduce_max3A_823 : i32 to vector<16xi32>
        %reduce_max3A_825 = arith.xori %all_reduce_population_count3A, %reduce_max3A_824 : vector<16xi32>
        %reduce_max3A_826 = tpu.scan <max>, %reduce_max3A_825 masked %reduce_max3A_822 : vector<16xi32>, vector<16xi1> -> vector<16xi32>
        %reduce_max3A_827 = arith.xori %reduce_max3A_826, %reduce_max3A_824 : vector<16xi32>
        %reduce_max3A_828 = vector.extract %reduce_max3A_827[15] : i32 from vector<16xi32>
        %add3A_829 = arith.addi %scan3A_769, %reduce_max3A_828 : i32
        scf.yield %add3A_829 : i32
      }
      %scan3A_678 = arith.constant 128 : i32
      %jit3A_679 = arith.constant 2 : i32
      %div3A_680 = arith.divsi %add3A_615, %jit3A_679 : i32
      %sign3A_681 = arith.constant 0 : i32
      %sign3A_682 = arith.cmpi sgt, %add3A_615, %sign3A_681 : i32
      %sign3A_683 = arith.extui %sign3A_682 : i1 to i32
      %sign3A_684 = arith.constant 0 : i32
      %sign3A_685 = arith.cmpi slt, %add3A_615, %sign3A_684 : i32
      %sign3A_686 = arith.extui %sign3A_685 : i1 to i32
      %sign3A_687 = arith.subi %sign3A_683, %sign3A_686 : i32
      %sign3A_688 = arith.constant 0 : i32
      %sign3A_689 = arith.cmpi sgt, %jit3A_679, %sign3A_688 : i32
      %sign3A_690 = arith.extui %sign3A_689 : i1 to i32
      %sign3A_691 = arith.constant 0 : i32
      %sign3A_692 = arith.cmpi slt, %jit3A_679, %sign3A_691 : i32
      %sign3A_693 = arith.extui %sign3A_692 : i1 to i32
      %sign3A_694 = arith.subi %sign3A_690, %sign3A_693 : i32
      %ne3A_695 = arith.cmpi ne, %sign3A_687, %sign3A_694 : i32
      %rem3A_696 = arith.remsi %add3A_615, %jit3A_679 : i32
      %ne3A_697 = arith.constant 0 : i32
      %ne3A_698 = arith.cmpi ne, %rem3A_696, %ne3A_697 : i32
      %and3A_699 = arith.andi %ne3A_695, %ne3A_698 : i1
      %sub3A_700 = arith.constant 1 : i32
      %sub3A_701 = arith.subi %div3A_680, %sub3A_700 : i32
      %select_n3A_702 = arith.select %and3A_699, %sub3A_701, %div3A_680 : i32
      %mul3A_703 = arith.constant 8 : i32
      %mul3A_704 = arith.muli %select_n3A_702, %mul3A_703 : i32
      %add3A_705 = arith.addi %mul3A_32, %mul3A_704 : i32
      %jit3A_706 = arith.constant 2 : i32
      %eq3A_707 = arith.constant 0 : i32
      %eq3A_708 = arith.cmpi eq, %jit3A_706, %eq3A_707 : i32
      %jit3A_709 = arith.constant 1 : i32
      %select_n3A_710 = arith.select %eq3A_708, %jit3A_709, %jit3A_706 : i32
      %rem3A_711 = arith.remsi %add3A_615, %select_n3A_710 : i32
      %ne3A_712 = arith.constant 0 : i32
      %ne3A_713 = arith.cmpi ne, %rem3A_711, %ne3A_712 : i32
      %lt3A_714 = arith.constant 0 : i32
      %lt3A_715 = arith.cmpi slt, %rem3A_711, %lt3A_714 : i32
      %lt3A_716 = arith.constant 0 : i32
      %lt3A_717 = arith.cmpi slt, %select_n3A_710, %lt3A_716 : i32
      %ne3A_718 = arith.xori %lt3A_715, %lt3A_717 : i1
      %and3A_719 = arith.andi %ne3A_718, %ne3A_713 : i1
      %add3A_720 = arith.addi %rem3A_711, %select_n3A_710 : i32
      %select_n3A_721 = arith.select %and3A_719, %add3A_720, %rem3A_711 : i32
      %mul3A_722 = arith.constant 256 : i32
      %mul3A_723 = arith.muli %select_n3A_721, %mul3A_722 : i32
      %dma_wait3A_724 = arith.constant 0 : i32
      %dma_wait3A_725 = tpu.memref_slice %arg2[%select_n3A, %dma_wait3A_724, %add3A_705, %mul3A_723] : memref<8x21x512x512xf32, #tpu.memory_space<hbm>> -> memref<1x21x8x256xf32, #tpu.memory_space<hbm>>
      %dma_wait3A_726 = tpu.memref_squeeze %dma_wait3A_725 : memref<1x21x8x256xf32, #tpu.memory_space<hbm>> -> memref<21x8x256xf32, #tpu.memory_space<hbm>>
      %dma_wait3A_727 = arith.constant 0 : i32
      %dma_wait3A_728 = tpu.memref_slice %arg2[%select_n3A, %dma_wait3A_727, %add3A_705, %mul3A_723] : memref<8x21x512x512xf32, #tpu.memory_space<hbm>> -> memref<1x21x8x256xf32, #tpu.memory_space<hbm>>
      %dma_wait3A_729 = tpu.memref_squeeze %dma_wait3A_728 : memref<1x21x8x256xf32, #tpu.memory_space<hbm>> -> memref<21x8x256xf32, #tpu.memory_space<hbm>>
      tpu.wait_dma2 semaphore(%arg13 : memref<!tpu.dma_semaphore, #tpu.memory_space<semaphore_mem>>) src(%dma_wait3A_729 : memref<21x8x256xf32, #tpu.memory_space<hbm>>) dst(%arg6 : memref<21x8x256xf32, #tpu.memory_space<vmem>>)
      %add3A_730 = arith.constant 15 : i32
      %add3A_731 = arith.addi %scan3A_677, %add3A_730 : i32
      %jit3A_732 = arith.constant 16 : i32
      %div3A_733 = arith.divsi %add3A_731, %jit3A_732 : i32
      %sign3A_734 = arith.constant 0 : i32
      %sign3A_735 = arith.cmpi sgt, %add3A_731, %sign3A_734 : i32
      %sign3A_736 = arith.extui %sign3A_735 : i1 to i32
      %sign3A_737 = arith.constant 0 : i32
      %sign3A_738 = arith.cmpi slt, %add3A_731, %sign3A_737 : i32
      %sign3A_739 = arith.extui %sign3A_738 : i1 to i32
      %sign3A_740 = arith.subi %sign3A_736, %sign3A_739 : i32
      %sign3A_741 = arith.constant 0 : i32
      %sign3A_742 = arith.cmpi sgt, %jit3A_732, %sign3A_741 : i32
      %sign3A_743 = arith.extui %sign3A_742 : i1 to i32
      %sign3A_744 = arith.constant 0 : i32
      %sign3A_745 = arith.cmpi slt, %jit3A_732, %sign3A_744 : i32
      %sign3A_746 = arith.extui %sign3A_745 : i1 to i32
      %sign3A_747 = arith.subi %sign3A_743, %sign3A_746 : i32
      %ne3A_748 = arith.cmpi ne, %sign3A_740, %sign3A_747 : i32
      %rem3A_749 = arith.remsi %add3A_731, %jit3A_732 : i32
      %ne3A_750 = arith.constant 0 : i32
      %ne3A_751 = arith.cmpi ne, %rem3A_749, %ne3A_750 : i32
      %and3A_752 = arith.andi %ne3A_748, %ne3A_751 : i1
      %sub3A_753 = arith.constant 1 : i32
      %sub3A_754 = arith.subi %div3A_733, %sub3A_753 : i32
      %select_n3A_755 = arith.select %and3A_752, %sub3A_754, %div3A_733 : i32
      %while3A_756 = arith.constant 0 : i32
      %while3A_757 = arith.constant 0 : i32
      %while3A_758 = arith.subi %select_n3A_755, %while3A_756 : i32
      %while3A_759 = arith.addi %while3A_756, %while3A_758 : i32
      %while3A_760 = arith.constant 1 : i32
      %while3A_761 = arith.divsi %while3A_758, %while3A_760 : i32
      %while3A_762 = arith.muli %while3A_761, %while3A_760 : i32
      %while3A_763 = arith.addi %while3A_756, %while3A_762 : i32
      %while3A_764 = arith.constant 1 : i32
      %while3A_765 = scf.for %while3A_768 = %while3A_756 to %while3A_763 step %while3A_764 iter_args(%while3A_769 = %while3A_757) -> (i32)  : i32 {
        %mul3A_770 = arith.constant 16 : i32
        %mul3A_771 = arith.muli %while3A_768, %mul3A_770 : i32
        %sub3A_772 = arith.subi %scan3A_677, %mul3A_771 : i32
        %lt3A_773 = vector.broadcast %sub3A_772 : i32 to vector<16xi32>
        %lt3A_774 = arith.cmpi slt, %iota3A, %lt3A_773 : vector<16xi32>
        %get3A = arith.index_cast %mul3A_771 : i32 to index
        %get3A_775 = tpu.vector_load %arg9[%get3A] {strides = array<i32>} : memref<2048xi32, #tpu.memory_space<vmem>>, vector<16xi32>,
        %shift_right_logical3A = arith.constant 8 : i32
        %shift_right_logical3A_776 = vector.broadcast %shift_right_logical3A : i32 to vector<16xi32>
        %shift_right_logical3A_777 = arith.shrui %get3A_775, %shift_right_logical3A_776 : vector<16xi32>
        %and3A_778 = arith.constant 255 : i32
        %and3A_779 = vector.broadcast %and3A_778 : i32 to vector<16xi32>
        %and3A_780 = arith.andi %get3A_775, %and3A_779 : vector<16xi32>
        %gather3A = tpu.vector_load_idx %arg6[%broadcast_in_dim3A_40, %shift_right_logical3A_777, %and3A_780] masked %lt3A_774 : memref<21x8x256xf32, #tpu.memory_space<vmem>>[vector<16xi32>, vector<16xi32>, vector<16xi32>], vector<16xf32>, vector<16xi1>
        %gather3A_781 = tpu.vector_load_idx %arg6[%broadcast_in_dim3A_42, %shift_right_logical3A_777, %and3A_780] masked %lt3A_774 : memref<21x8x256xf32, #tpu.memory_space<vmem>>[vector<16xi32>, vector<16xi32>, vector<16xi32>], vector<16xf32>, vector<16xi1>
        %gather3A_782 = tpu.vector_load_idx %arg6[%broadcast_in_dim3A_44, %shift_right_logical3A_777, %and3A_780] masked %lt3A_774 : memref<21x8x256xf32, #tpu.memory_space<vmem>>[vector<16xi32>, vector<16xi32>, vector<16xi32>], vector<16xf32>, vector<16xi1>
        %gather3A_783 = tpu.vector_load_idx %arg6[%broadcast_in_dim3A_46, %shift_right_logical3A_777, %and3A_780] masked %lt3A_774 : memref<21x8x256xf32, #tpu.memory_space<vmem>>[vector<16xi32>, vector<16xi32>, vector<16xi32>], vector<16xf32>, vector<16xi1>
        %gather3A_784 = tpu.vector_load_idx %arg6[%broadcast_in_dim3A_48, %shift_right_logical3A_777, %and3A_780] masked %lt3A_774 : memref<21x8x256xf32, #tpu.memory_space<vmem>>[vector<16xi32>, vector<16xi32>, vector<16xi32>], vector<16xf32>, vector<16xi1>
        %gather3A_785 = tpu.vector_load_idx %arg6[%broadcast_in_dim3A_50, %shift_right_logical3A_777, %and3A_780] masked %lt3A_774 : memref<21x8x256xf32, #tpu.memory_space<vmem>>[vector<16xi32>, vector<16xi32>, vector<16xi32>], vector<16xf32>, vector<16xi1>
        %gather3A_786 = tpu.vector_load_idx %arg6[%broadcast_in_dim3A_52, %shift_right_logical3A_777, %and3A_780] masked %lt3A_774 : memref<21x8x256xf32, #tpu.memory_space<vmem>>[vector<16xi32>, vector<16xi32>, vector<16xi32>], vector<16xf32>, vector<16xi1>
        %gather3A_787 = tpu.vector_load_idx %arg6[%broadcast_in_dim3A_54, %shift_right_logical3A_777, %and3A_780] masked %lt3A_774 : memref<21x8x256xf32, #tpu.memory_space<vmem>>[vector<16xi32>, vector<16xi32>, vector<16xi32>], vector<16xf32>, vector<16xi1>
        %gather3A_788 = tpu.vector_load_idx %arg6[%broadcast_in_dim3A_56, %shift_right_logical3A_777, %and3A_780] masked %lt3A_774 : memref<21x8x256xf32, #tpu.memory_space<vmem>>[vector<16xi32>, vector<16xi32>, vector<16xi32>], vector<16xf32>, vector<16xi1>
        %gather3A_789 = tpu.vector_load_idx %arg6[%broadcast_in_dim3A_58, %shift_right_logical3A_777, %and3A_780] masked %lt3A_774 : memref<21x8x256xf32, #tpu.memory_space<vmem>>[vector<16xi32>, vector<16xi32>, vector<16xi32>], vector<16xf32>, vector<16xi1>
        %gather3A_790 = tpu.vector_load_idx %arg6[%broadcast_in_dim3A_60, %shift_right_logical3A_777, %and3A_780] masked %lt3A_774 : memref<21x8x256xf32, #tpu.memory_space<vmem>>[vector<16xi32>, vector<16xi32>, vector<16xi32>], vector<16xf32>, vector<16xi1>
        %gather3A_791 = tpu.vector_load_idx %arg6[%broadcast_in_dim3A_62, %shift_right_logical3A_777, %and3A_780] masked %lt3A_774 : memref<21x8x256xf32, #tpu.memory_space<vmem>>[vector<16xi32>, vector<16xi32>, vector<16xi32>], vector<16xf32>, vector<16xi1>
        %gather3A_792 = tpu.vector_load_idx %arg6[%broadcast_in_dim3A_64, %shift_right_logical3A_777, %and3A_780] masked %lt3A_774 : memref<21x8x256xf32, #tpu.memory_space<vmem>>[vector<16xi32>, vector<16xi32>, vector<16xi32>], vector<16xf32>, vector<16xi1>
        %gather3A_793 = tpu.vector_load_idx %arg6[%broadcast_in_dim3A_66, %shift_right_logical3A_777, %and3A_780] masked %lt3A_774 : memref<21x8x256xf32, #tpu.memory_space<vmem>>[vector<16xi32>, vector<16xi32>, vector<16xi32>], vector<16xf32>, vector<16xi1>
        %gather3A_794 = tpu.vector_load_idx %arg6[%broadcast_in_dim3A_68, %shift_right_logical3A_777, %and3A_780] masked %lt3A_774 : memref<21x8x256xf32, #tpu.memory_space<vmem>>[vector<16xi32>, vector<16xi32>, vector<16xi32>], vector<16xf32>, vector<16xi1>
        %gather3A_795 = tpu.vector_load_idx %arg6[%broadcast_in_dim3A_70, %shift_right_logical3A_777, %and3A_780] masked %lt3A_774 : memref<21x8x256xf32, #tpu.memory_space<vmem>>[vector<16xi32>, vector<16xi32>, vector<16xi32>], vector<16xf32>, vector<16xi1>
        %gather3A_796 = tpu.vector_load_idx %arg6[%broadcast_in_dim3A_72, %shift_right_logical3A_777, %and3A_780] masked %lt3A_774 : memref<21x8x256xf32, #tpu.memory_space<vmem>>[vector<16xi32>, vector<16xi32>, vector<16xi32>], vector<16xf32>, vector<16xi1>
        %gather3A_797 = tpu.vector_load_idx %arg6[%broadcast_in_dim3A_74, %shift_right_logical3A_777, %and3A_780] masked %lt3A_774 : memref<21x8x256xf32, #tpu.memory_space<vmem>>[vector<16xi32>, vector<16xi32>, vector<16xi32>], vector<16xf32>, vector<16xi1>
        %gather3A_798 = tpu.vector_load_idx %arg6[%broadcast_in_dim3A_76, %shift_right_logical3A_777, %and3A_780] masked %lt3A_774 : memref<21x8x256xf32, #tpu.memory_space<vmem>>[vector<16xi32>, vector<16xi32>, vector<16xi32>], vector<16xf32>, vector<16xi1>
        %gather3A_799 = tpu.vector_load_idx %arg6[%broadcast_in_dim3A_78, %shift_right_logical3A_777, %and3A_780] masked %lt3A_774 : memref<21x8x256xf32, #tpu.memory_space<vmem>>[vector<16xi32>, vector<16xi32>, vector<16xi32>], vector<16xf32>, vector<16xi1>
        %gather3A_800 = tpu.vector_load_idx %arg6[%broadcast_in_dim3A_80, %shift_right_logical3A_777, %and3A_780] masked %lt3A_774 : memref<21x8x256xf32, #tpu.memory_space<vmem>>[vector<16xi32>, vector<16xi32>, vector<16xi32>], vector<16xf32>, vector<16xi1>
        %max3A = arith.maximumf %gather3A, %gather3A_781 : vector<16xf32>
        %max3A_801 = arith.maximumf %gather3A_782, %gather3A_783 : vector<16xf32>
        %max3A_802 = arith.maximumf %gather3A_784, %gather3A_785 : vector<16xf32>
        %max3A_803 = arith.maximumf %gather3A_786, %gather3A_787 : vector<16xf32>
        %max3A_804 = arith.maximumf %gather3A_788, %gather3A_789 : vector<16xf32>
        %max3A_805 = arith.maximumf %gather3A_790, %gather3A_791 : vector<16xf32>
        %max3A_806 = arith.maximumf %gather3A_792, %gather3A_793 : vector<16xf32>
        %max3A_807 = arith.maximumf %gather3A_794, %gather3A_795 : vector<16xf32>
        %max3A_808 = arith.maximumf %gather3A_796, %gather3A_797 : vector<16xf32>
        %max3A_809 = arith.maximumf %gather3A_798, %gather3A_799 : vector<16xf32>
        %max3A_810 = arith.maximumf %max3A, %max3A_801 : vector<16xf32>
        %max3A_811 = arith.maximumf %max3A_802, %max3A_803 : vector<16xf32>
        %max3A_812 = arith.maximumf %max3A_804, %max3A_805 : vector<16xf32>
        %max3A_813 = arith.maximumf %max3A_806, %max3A_807 : vector<16xf32>
        %max3A_814 = arith.maximumf %max3A_808, %max3A_809 : vector<16xf32>
        %max3A_815 = arith.maximumf %max3A_810, %max3A_811 : vector<16xf32>
        %max3A_816 = arith.maximumf %max3A_812, %max3A_813 : vector<16xf32>
        %max3A_817 = arith.maximumf %max3A_814, %gather3A_800 : vector<16xf32>
        %max3A_818 = arith.maximumf %max3A_815, %max3A_816 : vector<16xf32>
        %max3A_819 = arith.maximumf %max3A_818, %max3A_817 : vector<16xf32>
        %eq3A_820 = arith.cmpf oeq, %gather3A, %max3A_819 : vector<16xf32>
        %jit3A_821 = arith.constant 0 : i32
        %jit3A_822 = arith.constant 21 : i32
        %broadcast_in_dim3A_823 = vector.broadcast %jit3A_821 : i32 to vector<16xi32>
        %broadcast_in_dim3A_824 = vector.broadcast %jit3A_822 : i32 to vector<16xi32>
        %select_n3A_825 = arith.select %eq3A_820, %broadcast_in_dim3A_823, %broadcast_in_dim3A_824 : vector<16xi1>, vector<16xi32>
        %eq3A_826 = arith.cmpf oeq, %gather3A_781, %max3A_819 : vector<16xf32>
        %jit3A_827 = arith.constant 1 : i32
        %jit3A_828 = arith.constant 21 : i32
        %broadcast_in_dim3A_829 = vector.broadcast %jit3A_827 : i32 to vector<16xi32>
        %broadcast_in_dim3A_830 = vector.broadcast %jit3A_828 : i32 to vector<16xi32>
        %select_n3A_831 = arith.select %eq3A_826, %broadcast_in_dim3A_829, %broadcast_in_dim3A_830 : vector<16xi1>, vector<16xi32>
        %eq3A_832 = arith.cmpf oeq, %gather3A_782, %max3A_819 : vector<16xf32>
        %jit3A_833 = arith.constant 2 : i32
        %jit3A_834 = arith.constant 21 : i32
        %broadcast_in_dim3A_835 = vector.broadcast %jit3A_833 : i32 to vector<16xi32>
        %broadcast_in_dim3A_836 = vector.broadcast %jit3A_834 : i32 to vector<16xi32>
        %select_n3A_837 = arith.select %eq3A_832, %broadcast_in_dim3A_835, %broadcast_in_dim3A_836 : vector<16xi1>, vector<16xi32>
        %eq3A_838 = arith.cmpf oeq, %gather3A_783, %max3A_819 : vector<16xf32>
        %jit3A_839 = arith.constant 3 : i32
        %jit3A_840 = arith.constant 21 : i32
        %broadcast_in_dim3A_841 = vector.broadcast %jit3A_839 : i32 to vector<16xi32>
        %broadcast_in_dim3A_842 = vector.broadcast %jit3A_840 : i32 to vector<16xi32>
        %select_n3A_843 = arith.select %eq3A_838, %broadcast_in_dim3A_841, %broadcast_in_dim3A_842 : vector<16xi1>, vector<16xi32>
        %eq3A_844 = arith.cmpf oeq, %gather3A_784, %max3A_819 : vector<16xf32>
        %jit3A_845 = arith.constant 4 : i32
        %jit3A_846 = arith.constant 21 : i32
        %broadcast_in_dim3A_847 = vector.broadcast %jit3A_845 : i32 to vector<16xi32>
        %broadcast_in_dim3A_848 = vector.broadcast %jit3A_846 : i32 to vector<16xi32>
        %select_n3A_849 = arith.select %eq3A_844, %broadcast_in_dim3A_847, %broadcast_in_dim3A_848 : vector<16xi1>, vector<16xi32>
        %eq3A_850 = arith.cmpf oeq, %gather3A_785, %max3A_819 : vector<16xf32>
        %jit3A_851 = arith.constant 5 : i32
        %jit3A_852 = arith.constant 21 : i32
        %broadcast_in_dim3A_853 = vector.broadcast %jit3A_851 : i32 to vector<16xi32>
        %broadcast_in_dim3A_854 = vector.broadcast %jit3A_852 : i32 to vector<16xi32>
        %select_n3A_855 = arith.select %eq3A_850, %broadcast_in_dim3A_853, %broadcast_in_dim3A_854 : vector<16xi1>, vector<16xi32>
        %eq3A_856 = arith.cmpf oeq, %gather3A_786, %max3A_819 : vector<16xf32>
        %jit3A_857 = arith.constant 6 : i32
        %jit3A_858 = arith.constant 21 : i32
        %broadcast_in_dim3A_859 = vector.broadcast %jit3A_857 : i32 to vector<16xi32>
        %broadcast_in_dim3A_860 = vector.broadcast %jit3A_858 : i32 to vector<16xi32>
        %select_n3A_861 = arith.select %eq3A_856, %broadcast_in_dim3A_859, %broadcast_in_dim3A_860 : vector<16xi1>, vector<16xi32>
        %eq3A_862 = arith.cmpf oeq, %gather3A_787, %max3A_819 : vector<16xf32>
        %jit3A_863 = arith.constant 7 : i32
        %jit3A_864 = arith.constant 21 : i32
        %broadcast_in_dim3A_865 = vector.broadcast %jit3A_863 : i32 to vector<16xi32>
        %broadcast_in_dim3A_866 = vector.broadcast %jit3A_864 : i32 to vector<16xi32>
        %select_n3A_867 = arith.select %eq3A_862, %broadcast_in_dim3A_865, %broadcast_in_dim3A_866 : vector<16xi1>, vector<16xi32>
        %eq3A_868 = arith.cmpf oeq, %gather3A_788, %max3A_819 : vector<16xf32>
        %jit3A_869 = arith.constant 8 : i32
        %jit3A_870 = arith.constant 21 : i32
        %broadcast_in_dim3A_871 = vector.broadcast %jit3A_869 : i32 to vector<16xi32>
        %broadcast_in_dim3A_872 = vector.broadcast %jit3A_870 : i32 to vector<16xi32>
        %select_n3A_873 = arith.select %eq3A_868, %broadcast_in_dim3A_871, %broadcast_in_dim3A_872 : vector<16xi1>, vector<16xi32>
        %eq3A_874 = arith.cmpf oeq, %gather3A_789, %max3A_819 : vector<16xf32>
        %jit3A_875 = arith.constant 9 : i32
        %jit3A_876 = arith.constant 21 : i32
        %broadcast_in_dim3A_877 = vector.broadcast %jit3A_875 : i32 to vector<16xi32>
        %broadcast_in_dim3A_878 = vector.broadcast %jit3A_876 : i32 to vector<16xi32>
        %select_n3A_879 = arith.select %eq3A_874, %broadcast_in_dim3A_877, %broadcast_in_dim3A_878 : vector<16xi1>, vector<16xi32>
        %eq3A_880 = arith.cmpf oeq, %gather3A_790, %max3A_819 : vector<16xf32>
        %jit3A_881 = arith.constant 10 : i32
        %jit3A_882 = arith.constant 21 : i32
        %broadcast_in_dim3A_883 = vector.broadcast %jit3A_881 : i32 to vector<16xi32>
        %broadcast_in_dim3A_884 = vector.broadcast %jit3A_882 : i32 to vector<16xi32>
        %select_n3A_885 = arith.select %eq3A_880, %broadcast_in_dim3A_883, %broadcast_in_dim3A_884 : vector<16xi1>, vector<16xi32>
        %eq3A_886 = arith.cmpf oeq, %gather3A_791, %max3A_819 : vector<16xf32>
        %jit3A_887 = arith.constant 11 : i32
        %jit3A_888 = arith.constant 21 : i32
        %broadcast_in_dim3A_889 = vector.broadcast %jit3A_887 : i32 to vector<16xi32>
        %broadcast_in_dim3A_890 = vector.broadcast %jit3A_888 : i32 to vector<16xi32>
        %select_n3A_891 = arith.select %eq3A_886, %broadcast_in_dim3A_889, %broadcast_in_dim3A_890 : vector<16xi1>, vector<16xi32>
        %eq3A_892 = arith.cmpf oeq, %gather3A_792, %max3A_819 : vector<16xf32>
        %jit3A_893 = arith.constant 12 : i32
        %jit3A_894 = arith.constant 21 : i32
        %broadcast_in_dim3A_895 = vector.broadcast %jit3A_893 : i32 to vector<16xi32>
        %broadcast_in_dim3A_896 = vector.broadcast %jit3A_894 : i32 to vector<16xi32>
        %select_n3A_897 = arith.select %eq3A_892, %broadcast_in_dim3A_895, %broadcast_in_dim3A_896 : vector<16xi1>, vector<16xi32>
        %eq3A_898 = arith.cmpf oeq, %gather3A_793, %max3A_819 : vector<16xf32>
        %jit3A_899 = arith.constant 13 : i32
        %jit3A_900 = arith.constant 21 : i32
        %broadcast_in_dim3A_901 = vector.broadcast %jit3A_899 : i32 to vector<16xi32>
        %broadcast_in_dim3A_902 = vector.broadcast %jit3A_900 : i32 to vector<16xi32>
        %select_n3A_903 = arith.select %eq3A_898, %broadcast_in_dim3A_901, %broadcast_in_dim3A_902 : vector<16xi1>, vector<16xi32>
        %eq3A_904 = arith.cmpf oeq, %gather3A_794, %max3A_819 : vector<16xf32>
        %jit3A_905 = arith.constant 14 : i32
        %jit3A_906 = arith.constant 21 : i32
        %broadcast_in_dim3A_907 = vector.broadcast %jit3A_905 : i32 to vector<16xi32>
        %broadcast_in_dim3A_908 = vector.broadcast %jit3A_906 : i32 to vector<16xi32>
        %select_n3A_909 = arith.select %eq3A_904, %broadcast_in_dim3A_907, %broadcast_in_dim3A_908 : vector<16xi1>, vector<16xi32>
        %eq3A_910 = arith.cmpf oeq, %gather3A_795, %max3A_819 : vector<16xf32>
        %jit3A_911 = arith.constant 15 : i32
        %jit3A_912 = arith.constant 21 : i32
        %broadcast_in_dim3A_913 = vector.broadcast %jit3A_911 : i32 to vector<16xi32>
        %broadcast_in_dim3A_914 = vector.broadcast %jit3A_912 : i32 to vector<16xi32>
        %select_n3A_915 = arith.select %eq3A_910, %broadcast_in_dim3A_913, %broadcast_in_dim3A_914 : vector<16xi1>, vector<16xi32>
        %eq3A_916 = arith.cmpf oeq, %gather3A_796, %max3A_819 : vector<16xf32>
        %jit3A_917 = arith.constant 16 : i32
        %jit3A_918 = arith.constant 21 : i32
        %broadcast_in_dim3A_919 = vector.broadcast %jit3A_917 : i32 to vector<16xi32>
        %broadcast_in_dim3A_920 = vector.broadcast %jit3A_918 : i32 to vector<16xi32>
        %select_n3A_921 = arith.select %eq3A_916, %broadcast_in_dim3A_919, %broadcast_in_dim3A_920 : vector<16xi1>, vector<16xi32>
        %eq3A_922 = arith.cmpf oeq, %gather3A_797, %max3A_819 : vector<16xf32>
        %jit3A_923 = arith.constant 17 : i32
        %jit3A_924 = arith.constant 21 : i32
        %broadcast_in_dim3A_925 = vector.broadcast %jit3A_923 : i32 to vector<16xi32>
        %broadcast_in_dim3A_926 = vector.broadcast %jit3A_924 : i32 to vector<16xi32>
        %select_n3A_927 = arith.select %eq3A_922, %broadcast_in_dim3A_925, %broadcast_in_dim3A_926 : vector<16xi1>, vector<16xi32>
        %eq3A_928 = arith.cmpf oeq, %gather3A_798, %max3A_819 : vector<16xf32>
        %jit3A_929 = arith.constant 18 : i32
        %jit3A_930 = arith.constant 21 : i32
        %broadcast_in_dim3A_931 = vector.broadcast %jit3A_929 : i32 to vector<16xi32>
        %broadcast_in_dim3A_932 = vector.broadcast %jit3A_930 : i32 to vector<16xi32>
        %select_n3A_933 = arith.select %eq3A_928, %broadcast_in_dim3A_931, %broadcast_in_dim3A_932 : vector<16xi1>, vector<16xi32>
        %eq3A_934 = arith.cmpf oeq, %gather3A_799, %max3A_819 : vector<16xf32>
        %jit3A_935 = arith.constant 19 : i32
        %jit3A_936 = arith.constant 21 : i32
        %broadcast_in_dim3A_937 = vector.broadcast %jit3A_935 : i32 to vector<16xi32>
        %broadcast_in_dim3A_938 = vector.broadcast %jit3A_936 : i32 to vector<16xi32>
        %select_n3A_939 = arith.select %eq3A_934, %broadcast_in_dim3A_937, %broadcast_in_dim3A_938 : vector<16xi1>, vector<16xi32>
        %eq3A_940 = arith.cmpf oeq, %gather3A_800, %max3A_819 : vector<16xf32>
        %jit3A_941 = arith.constant 20 : i32
        %jit3A_942 = arith.constant 21 : i32
        %broadcast_in_dim3A_943 = vector.broadcast %jit3A_941 : i32 to vector<16xi32>
        %broadcast_in_dim3A_944 = vector.broadcast %jit3A_942 : i32 to vector<16xi32>
        %select_n3A_945 = arith.select %eq3A_940, %broadcast_in_dim3A_943, %broadcast_in_dim3A_944 : vector<16xi1>, vector<16xi32>
        %min3A = arith.minsi %select_n3A_825, %select_n3A_831 : vector<16xi32>
        %min3A_946 = arith.minsi %select_n3A_837, %select_n3A_843 : vector<16xi32>
        %min3A_947 = arith.minsi %select_n3A_849, %select_n3A_855 : vector<16xi32>
        %min3A_948 = arith.minsi %select_n3A_861, %select_n3A_867 : vector<16xi32>
        %min3A_949 = arith.minsi %select_n3A_873, %select_n3A_879 : vector<16xi32>
        %min3A_950 = arith.minsi %select_n3A_885, %select_n3A_891 : vector<16xi32>
        %min3A_951 = arith.minsi %select_n3A_897, %select_n3A_903 : vector<16xi32>
        %min3A_952 = arith.minsi %select_n3A_909, %select_n3A_915 : vector<16xi32>
        %min3A_953 = arith.minsi %select_n3A_921, %select_n3A_927 : vector<16xi32>
        %min3A_954 = arith.minsi %select_n3A_933, %select_n3A_939 : vector<16xi32>
        %min3A_955 = arith.minsi %min3A, %min3A_946 : vector<16xi32>
        %min3A_956 = arith.minsi %min3A_947, %min3A_948 : vector<16xi32>
        %min3A_957 = arith.minsi %min3A_949, %min3A_950 : vector<16xi32>
        %min3A_958 = arith.minsi %min3A_951, %min3A_952 : vector<16xi32>
        %min3A_959 = arith.minsi %min3A_953, %min3A_954 : vector<16xi32>
        %min3A_960 = arith.minsi %min3A_955, %min3A_956 : vector<16xi32>
        %min3A_961 = arith.minsi %min3A_957, %min3A_958 : vector<16xi32>
        %min3A_962 = arith.minsi %min3A_959, %select_n3A_945 : vector<16xi32>
        %min3A_963 = arith.minsi %min3A_960, %min3A_961 : vector<16xi32>
        %min3A_964 = arith.minsi %min3A_963, %min3A_962 : vector<16xi32>
        %sub3A_965 = arith.subf %gather3A, %max3A_819 : vector<16xf32>
        %exp3A = math.exp %sub3A_965 : vector<16xf32>
        %sub3A_966 = arith.subf %gather3A_781, %max3A_819 : vector<16xf32>
        %exp3A_967 = math.exp %sub3A_966 : vector<16xf32>
        %sub3A_968 = arith.subf %gather3A_782, %max3A_819 : vector<16xf32>
        %exp3A_969 = math.exp %sub3A_968 : vector<16xf32>
        %sub3A_970 = arith.subf %gather3A_783, %max3A_819 : vector<16xf32>
        %exp3A_971 = math.exp %sub3A_970 : vector<16xf32>
        %sub3A_972 = arith.subf %gather3A_784, %max3A_819 : vector<16xf32>
        %exp3A_973 = math.exp %sub3A_972 : vector<16xf32>
        %sub3A_974 = arith.subf %gather3A_785, %max3A_819 : vector<16xf32>
        %exp3A_975 = math.exp %sub3A_974 : vector<16xf32>
        %sub3A_976 = arith.subf %gather3A_786, %max3A_819 : vector<16xf32>
        %exp3A_977 = math.exp %sub3A_976 : vector<16xf32>
        %sub3A_978 = arith.subf %gather3A_787, %max3A_819 : vector<16xf32>
        %exp3A_979 = math.exp %sub3A_978 : vector<16xf32>
        %sub3A_980 = arith.subf %gather3A_788, %max3A_819 : vector<16xf32>
        %exp3A_981 = math.exp %sub3A_980 : vector<16xf32>
        %sub3A_982 = arith.subf %gather3A_789, %max3A_819 : vector<16xf32>
        %exp3A_983 = math.exp %sub3A_982 : vector<16xf32>
        %sub3A_984 = arith.subf %gather3A_790, %max3A_819 : vector<16xf32>
        %exp3A_985 = math.exp %sub3A_984 : vector<16xf32>
        %sub3A_986 = arith.subf %gather3A_791, %max3A_819 : vector<16xf32>
        %exp3A_987 = math.exp %sub3A_986 : vector<16xf32>
        %sub3A_988 = arith.subf %gather3A_792, %max3A_819 : vector<16xf32>
        %exp3A_989 = math.exp %sub3A_988 : vector<16xf32>
        %sub3A_990 = arith.subf %gather3A_793, %max3A_819 : vector<16xf32>
        %exp3A_991 = math.exp %sub3A_990 : vector<16xf32>
        %sub3A_992 = arith.subf %gather3A_794, %max3A_819 : vector<16xf32>
        %exp3A_993 = math.exp %sub3A_992 : vector<16xf32>
        %sub3A_994 = arith.subf %gather3A_795, %max3A_819 : vector<16xf32>
        %exp3A_995 = math.exp %sub3A_994 : vector<16xf32>
        %sub3A_996 = arith.subf %gather3A_796, %max3A_819 : vector<16xf32>
        %exp3A_997 = math.exp %sub3A_996 : vector<16xf32>
        %sub3A_998 = arith.subf %gather3A_797, %max3A_819 : vector<16xf32>
        %exp3A_999 = math.exp %sub3A_998 : vector<16xf32>
        %sub3A_1000 = arith.subf %gather3A_798, %max3A_819 : vector<16xf32>
        %exp3A_1001 = math.exp %sub3A_1000 : vector<16xf32>
        %sub3A_1002 = arith.subf %gather3A_799, %max3A_819 : vector<16xf32>
        %exp3A_1003 = math.exp %sub3A_1002 : vector<16xf32>
        %sub3A_1004 = arith.subf %gather3A_800, %max3A_819 : vector<16xf32>
        %exp3A_1005 = math.exp %sub3A_1004 : vector<16xf32>
        %add3A_1006 = arith.addf %exp3A, %exp3A_967 : vector<16xf32>
        %add3A_1007 = arith.addf %exp3A_969, %exp3A_971 : vector<16xf32>
        %add3A_1008 = arith.addf %exp3A_973, %exp3A_975 : vector<16xf32>
        %add3A_1009 = arith.addf %exp3A_977, %exp3A_979 : vector<16xf32>
        %add3A_1010 = arith.addf %exp3A_981, %exp3A_983 : vector<16xf32>
        %add3A_1011 = arith.addf %exp3A_985, %exp3A_987 : vector<16xf32>
        %add3A_1012 = arith.addf %exp3A_989, %exp3A_991 : vector<16xf32>
        %add3A_1013 = arith.addf %exp3A_993, %exp3A_995 : vector<16xf32>
        %add3A_1014 = arith.addf %exp3A_997, %exp3A_999 : vector<16xf32>
        %add3A_1015 = arith.addf %exp3A_1001, %exp3A_1003 : vector<16xf32>
        %add3A_1016 = arith.addf %add3A_1006, %add3A_1007 : vector<16xf32>
        %add3A_1017 = arith.addf %add3A_1008, %add3A_1009 : vector<16xf32>
        %add3A_1018 = arith.addf %add3A_1010, %add3A_1011 : vector<16xf32>
        %add3A_1019 = arith.addf %add3A_1012, %add3A_1013 : vector<16xf32>
        %add3A_1020 = arith.addf %add3A_1014, %add3A_1015 : vector<16xf32>
        %add3A_1021 = arith.addf %add3A_1016, %add3A_1017 : vector<16xf32>
        %add3A_1022 = arith.addf %add3A_1018, %add3A_1019 : vector<16xf32>
        %add3A_1023 = arith.addf %add3A_1020, %exp3A_1005 : vector<16xf32>
        %add3A_1024 = arith.addf %add3A_1021, %add3A_1022 : vector<16xf32>
        %add3A_1025 = arith.addf %add3A_1024, %add3A_1023 : vector<16xf32>
        %div3A_1026 = arith.constant 1.000000e+00 : f32
        %div3A_1027 = vector.broadcast %div3A_1026 : f32 to vector<16xf32>
        %div3A_1028 = arith.divf %div3A_1027, %add3A_1025 : vector<16xf32>
        %mul3A_1029 = arith.constant 2.000000e+01 : f32
        %mul3A_1030 = vector.broadcast %mul3A_1029 : f32 to vector<16xf32>
        %mul3A_1031 = arith.mulf %div3A_1028, %mul3A_1030 : vector<16xf32>
        %convert_element_type3A_1032 = arith.fptosi %mul3A_1031 : vector<16xf32> to vector<16xi32>
        %min3A_1033 = arith.constant 19 : i32
        %min3A_1034 = vector.broadcast %min3A_1033 : i32 to vector<16xi32>
        %min3A_1035 = arith.minsi %convert_element_type3A_1032, %min3A_1034 : vector<16xi32>
        %mul3A_1036 = arith.constant 20 : i32
        %mul3A_1037 = vector.broadcast %mul3A_1036 : i32 to vector<16xi32>
        %mul3A_1038 = arith.muli %min3A_964, %mul3A_1037 : vector<16xi32>
        %add3A_1039 = arith.addi %mul3A_1038, %min3A_1035 : vector<16xi32>
        %add3A_1040 = arith.addi %add3A_1039, %mul3A_35 : vector<16xi32>
        tpu.vector_store_idx %arg10[%add3A_1040], %broadcast_in_dim3A_36 masked %lt3A_774 {add = true} : memref<6912xi32, #tpu.memory_space<vmem>>[vector<16xi32>], vector<16xi32>, vector<16xi1>
        %while3A_1041 = arith.constant 0 : i32
        scf.yield %while3A_1041 : i32
      }
      %while3A_766 = arith.constant 1 : i32
      %while3A_767 = scf.for %while3A_768 = %while3A_763 to %while3A_759 step %while3A_766 iter_args(%while3A_769 = %while3A_765) -> (i32)  : i32 {
        %mul3A_770 = arith.constant 16 : i32
        %mul3A_771 = arith.muli %while3A_768, %mul3A_770 : i32
        %sub3A_772 = arith.subi %scan3A_677, %mul3A_771 : i32
        %lt3A_773 = vector.broadcast %sub3A_772 : i32 to vector<16xi32>
        %lt3A_774 = arith.cmpi slt, %iota3A, %lt3A_773 : vector<16xi32>
        %get3A = arith.index_cast %mul3A_771 : i32 to index
        %get3A_775 = tpu.vector_load %arg9[%get3A] {strides = array<i32>} : memref<2048xi32, #tpu.memory_space<vmem>>, vector<16xi32>,
        %shift_right_logical3A = arith.constant 8 : i32
        %shift_right_logical3A_776 = vector.broadcast %shift_right_logical3A : i32 to vector<16xi32>
        %shift_right_logical3A_777 = arith.shrui %get3A_775, %shift_right_logical3A_776 : vector<16xi32>
        %and3A_778 = arith.constant 255 : i32
        %and3A_779 = vector.broadcast %and3A_778 : i32 to vector<16xi32>
        %and3A_780 = arith.andi %get3A_775, %and3A_779 : vector<16xi32>
        %gather3A = tpu.vector_load_idx %arg6[%broadcast_in_dim3A_40, %shift_right_logical3A_777, %and3A_780] masked %lt3A_774 : memref<21x8x256xf32, #tpu.memory_space<vmem>>[vector<16xi32>, vector<16xi32>, vector<16xi32>], vector<16xf32>, vector<16xi1>
        %gather3A_781 = tpu.vector_load_idx %arg6[%broadcast_in_dim3A_42, %shift_right_logical3A_777, %and3A_780] masked %lt3A_774 : memref<21x8x256xf32, #tpu.memory_space<vmem>>[vector<16xi32>, vector<16xi32>, vector<16xi32>], vector<16xf32>, vector<16xi1>
        %gather3A_782 = tpu.vector_load_idx %arg6[%broadcast_in_dim3A_44, %shift_right_logical3A_777, %and3A_780] masked %lt3A_774 : memref<21x8x256xf32, #tpu.memory_space<vmem>>[vector<16xi32>, vector<16xi32>, vector<16xi32>], vector<16xf32>, vector<16xi1>
        %gather3A_783 = tpu.vector_load_idx %arg6[%broadcast_in_dim3A_46, %shift_right_logical3A_777, %and3A_780] masked %lt3A_774 : memref<21x8x256xf32, #tpu.memory_space<vmem>>[vector<16xi32>, vector<16xi32>, vector<16xi32>], vector<16xf32>, vector<16xi1>
        %gather3A_784 = tpu.vector_load_idx %arg6[%broadcast_in_dim3A_48, %shift_right_logical3A_777, %and3A_780] masked %lt3A_774 : memref<21x8x256xf32, #tpu.memory_space<vmem>>[vector<16xi32>, vector<16xi32>, vector<16xi32>], vector<16xf32>, vector<16xi1>
        %gather3A_785 = tpu.vector_load_idx %arg6[%broadcast_in_dim3A_50, %shift_right_logical3A_777, %and3A_780] masked %lt3A_774 : memref<21x8x256xf32, #tpu.memory_space<vmem>>[vector<16xi32>, vector<16xi32>, vector<16xi32>], vector<16xf32>, vector<16xi1>
        %gather3A_786 = tpu.vector_load_idx %arg6[%broadcast_in_dim3A_52, %shift_right_logical3A_777, %and3A_780] masked %lt3A_774 : memref<21x8x256xf32, #tpu.memory_space<vmem>>[vector<16xi32>, vector<16xi32>, vector<16xi32>], vector<16xf32>, vector<16xi1>
        %gather3A_787 = tpu.vector_load_idx %arg6[%broadcast_in_dim3A_54, %shift_right_logical3A_777, %and3A_780] masked %lt3A_774 : memref<21x8x256xf32, #tpu.memory_space<vmem>>[vector<16xi32>, vector<16xi32>, vector<16xi32>], vector<16xf32>, vector<16xi1>
        %gather3A_788 = tpu.vector_load_idx %arg6[%broadcast_in_dim3A_56, %shift_right_logical3A_777, %and3A_780] masked %lt3A_774 : memref<21x8x256xf32, #tpu.memory_space<vmem>>[vector<16xi32>, vector<16xi32>, vector<16xi32>], vector<16xf32>, vector<16xi1>
        %gather3A_789 = tpu.vector_load_idx %arg6[%broadcast_in_dim3A_58, %shift_right_logical3A_777, %and3A_780] masked %lt3A_774 : memref<21x8x256xf32, #tpu.memory_space<vmem>>[vector<16xi32>, vector<16xi32>, vector<16xi32>], vector<16xf32>, vector<16xi1>
        %gather3A_790 = tpu.vector_load_idx %arg6[%broadcast_in_dim3A_60, %shift_right_logical3A_777, %and3A_780] masked %lt3A_774 : memref<21x8x256xf32, #tpu.memory_space<vmem>>[vector<16xi32>, vector<16xi32>, vector<16xi32>], vector<16xf32>, vector<16xi1>
        %gather3A_791 = tpu.vector_load_idx %arg6[%broadcast_in_dim3A_62, %shift_right_logical3A_777, %and3A_780] masked %lt3A_774 : memref<21x8x256xf32, #tpu.memory_space<vmem>>[vector<16xi32>, vector<16xi32>, vector<16xi32>], vector<16xf32>, vector<16xi1>
        %gather3A_792 = tpu.vector_load_idx %arg6[%broadcast_in_dim3A_64, %shift_right_logical3A_777, %and3A_780] masked %lt3A_774 : memref<21x8x256xf32, #tpu.memory_space<vmem>>[vector<16xi32>, vector<16xi32>, vector<16xi32>], vector<16xf32>, vector<16xi1>
        %gather3A_793 = tpu.vector_load_idx %arg6[%broadcast_in_dim3A_66, %shift_right_logical3A_777, %and3A_780] masked %lt3A_774 : memref<21x8x256xf32, #tpu.memory_space<vmem>>[vector<16xi32>, vector<16xi32>, vector<16xi32>], vector<16xf32>, vector<16xi1>
        %gather3A_794 = tpu.vector_load_idx %arg6[%broadcast_in_dim3A_68, %shift_right_logical3A_777, %and3A_780] masked %lt3A_774 : memref<21x8x256xf32, #tpu.memory_space<vmem>>[vector<16xi32>, vector<16xi32>, vector<16xi32>], vector<16xf32>, vector<16xi1>
        %gather3A_795 = tpu.vector_load_idx %arg6[%broadcast_in_dim3A_70, %shift_right_logical3A_777, %and3A_780] masked %lt3A_774 : memref<21x8x256xf32, #tpu.memory_space<vmem>>[vector<16xi32>, vector<16xi32>, vector<16xi32>], vector<16xf32>, vector<16xi1>
        %gather3A_796 = tpu.vector_load_idx %arg6[%broadcast_in_dim3A_72, %shift_right_logical3A_777, %and3A_780] masked %lt3A_774 : memref<21x8x256xf32, #tpu.memory_space<vmem>>[vector<16xi32>, vector<16xi32>, vector<16xi32>], vector<16xf32>, vector<16xi1>
        %gather3A_797 = tpu.vector_load_idx %arg6[%broadcast_in_dim3A_74, %shift_right_logical3A_777, %and3A_780] masked %lt3A_774 : memref<21x8x256xf32, #tpu.memory_space<vmem>>[vector<16xi32>, vector<16xi32>, vector<16xi32>], vector<16xf32>, vector<16xi1>
        %gather3A_798 = tpu.vector_load_idx %arg6[%broadcast_in_dim3A_76, %shift_right_logical3A_777, %and3A_780] masked %lt3A_774 : memref<21x8x256xf32, #tpu.memory_space<vmem>>[vector<16xi32>, vector<16xi32>, vector<16xi32>], vector<16xf32>, vector<16xi1>
        %gather3A_799 = tpu.vector_load_idx %arg6[%broadcast_in_dim3A_78, %shift_right_logical3A_777, %and3A_780] masked %lt3A_774 : memref<21x8x256xf32, #tpu.memory_space<vmem>>[vector<16xi32>, vector<16xi32>, vector<16xi32>], vector<16xf32>, vector<16xi1>
        %gather3A_800 = tpu.vector_load_idx %arg6[%broadcast_in_dim3A_80, %shift_right_logical3A_777, %and3A_780] masked %lt3A_774 : memref<21x8x256xf32, #tpu.memory_space<vmem>>[vector<16xi32>, vector<16xi32>, vector<16xi32>], vector<16xf32>, vector<16xi1>
        %max3A = arith.maximumf %gather3A, %gather3A_781 : vector<16xf32>
        %max3A_801 = arith.maximumf %gather3A_782, %gather3A_783 : vector<16xf32>
        %max3A_802 = arith.maximumf %gather3A_784, %gather3A_785 : vector<16xf32>
        %max3A_803 = arith.maximumf %gather3A_786, %gather3A_787 : vector<16xf32>
        %max3A_804 = arith.maximumf %gather3A_788, %gather3A_789 : vector<16xf32>
        %max3A_805 = arith.maximumf %gather3A_790, %gather3A_791 : vector<16xf32>
        %max3A_806 = arith.maximumf %gather3A_792, %gather3A_793 : vector<16xf32>
        %max3A_807 = arith.maximumf %gather3A_794, %gather3A_795 : vector<16xf32>
        %max3A_808 = arith.maximumf %gather3A_796, %gather3A_797 : vector<16xf32>
        %max3A_809 = arith.maximumf %gather3A_798, %gather3A_799 : vector<16xf32>
        %max3A_810 = arith.maximumf %max3A, %max3A_801 : vector<16xf32>
        %max3A_811 = arith.maximumf %max3A_802, %max3A_803 : vector<16xf32>
        %max3A_812 = arith.maximumf %max3A_804, %max3A_805 : vector<16xf32>
        %max3A_813 = arith.maximumf %max3A_806, %max3A_807 : vector<16xf32>
        %max3A_814 = arith.maximumf %max3A_808, %max3A_809 : vector<16xf32>
        %max3A_815 = arith.maximumf %max3A_810, %max3A_811 : vector<16xf32>
        %max3A_816 = arith.maximumf %max3A_812, %max3A_813 : vector<16xf32>
        %max3A_817 = arith.maximumf %max3A_814, %gather3A_800 : vector<16xf32>
        %max3A_818 = arith.maximumf %max3A_815, %max3A_816 : vector<16xf32>
        %max3A_819 = arith.maximumf %max3A_818, %max3A_817 : vector<16xf32>
        %eq3A_820 = arith.cmpf oeq, %gather3A, %max3A_819 : vector<16xf32>
        %jit3A_821 = arith.constant 0 : i32
        %jit3A_822 = arith.constant 21 : i32
        %broadcast_in_dim3A_823 = vector.broadcast %jit3A_821 : i32 to vector<16xi32>
        %broadcast_in_dim3A_824 = vector.broadcast %jit3A_822 : i32 to vector<16xi32>
        %select_n3A_825 = arith.select %eq3A_820, %broadcast_in_dim3A_823, %broadcast_in_dim3A_824 : vector<16xi1>, vector<16xi32>
        %eq3A_826 = arith.cmpf oeq, %gather3A_781, %max3A_819 : vector<16xf32>
        %jit3A_827 = arith.constant 1 : i32
        %jit3A_828 = arith.constant 21 : i32
        %broadcast_in_dim3A_829 = vector.broadcast %jit3A_827 : i32 to vector<16xi32>
        %broadcast_in_dim3A_830 = vector.broadcast %jit3A_828 : i32 to vector<16xi32>
        %select_n3A_831 = arith.select %eq3A_826, %broadcast_in_dim3A_829, %broadcast_in_dim3A_830 : vector<16xi1>, vector<16xi32>
        %eq3A_832 = arith.cmpf oeq, %gather3A_782, %max3A_819 : vector<16xf32>
        %jit3A_833 = arith.constant 2 : i32
        %jit3A_834 = arith.constant 21 : i32
        %broadcast_in_dim3A_835 = vector.broadcast %jit3A_833 : i32 to vector<16xi32>
        %broadcast_in_dim3A_836 = vector.broadcast %jit3A_834 : i32 to vector<16xi32>
        %select_n3A_837 = arith.select %eq3A_832, %broadcast_in_dim3A_835, %broadcast_in_dim3A_836 : vector<16xi1>, vector<16xi32>
        %eq3A_838 = arith.cmpf oeq, %gather3A_783, %max3A_819 : vector<16xf32>
        %jit3A_839 = arith.constant 3 : i32
        %jit3A_840 = arith.constant 21 : i32
        %broadcast_in_dim3A_841 = vector.broadcast %jit3A_839 : i32 to vector<16xi32>
        %broadcast_in_dim3A_842 = vector.broadcast %jit3A_840 : i32 to vector<16xi32>
        %select_n3A_843 = arith.select %eq3A_838, %broadcast_in_dim3A_841, %broadcast_in_dim3A_842 : vector<16xi1>, vector<16xi32>
        %eq3A_844 = arith.cmpf oeq, %gather3A_784, %max3A_819 : vector<16xf32>
        %jit3A_845 = arith.constant 4 : i32
        %jit3A_846 = arith.constant 21 : i32
        %broadcast_in_dim3A_847 = vector.broadcast %jit3A_845 : i32 to vector<16xi32>
        %broadcast_in_dim3A_848 = vector.broadcast %jit3A_846 : i32 to vector<16xi32>
        %select_n3A_849 = arith.select %eq3A_844, %broadcast_in_dim3A_847, %broadcast_in_dim3A_848 : vector<16xi1>, vector<16xi32>
        %eq3A_850 = arith.cmpf oeq, %gather3A_785, %max3A_819 : vector<16xf32>
        %jit3A_851 = arith.constant 5 : i32
        %jit3A_852 = arith.constant 21 : i32
        %broadcast_in_dim3A_853 = vector.broadcast %jit3A_851 : i32 to vector<16xi32>
        %broadcast_in_dim3A_854 = vector.broadcast %jit3A_852 : i32 to vector<16xi32>
        %select_n3A_855 = arith.select %eq3A_850, %broadcast_in_dim3A_853, %broadcast_in_dim3A_854 : vector<16xi1>, vector<16xi32>
        %eq3A_856 = arith.cmpf oeq, %gather3A_786, %max3A_819 : vector<16xf32>
        %jit3A_857 = arith.constant 6 : i32
        %jit3A_858 = arith.constant 21 : i32
        %broadcast_in_dim3A_859 = vector.broadcast %jit3A_857 : i32 to vector<16xi32>
        %broadcast_in_dim3A_860 = vector.broadcast %jit3A_858 : i32 to vector<16xi32>
        %select_n3A_861 = arith.select %eq3A_856, %broadcast_in_dim3A_859, %broadcast_in_dim3A_860 : vector<16xi1>, vector<16xi32>
        %eq3A_862 = arith.cmpf oeq, %gather3A_787, %max3A_819 : vector<16xf32>
        %jit3A_863 = arith.constant 7 : i32
        %jit3A_864 = arith.constant 21 : i32
        %broadcast_in_dim3A_865 = vector.broadcast %jit3A_863 : i32 to vector<16xi32>
        %broadcast_in_dim3A_866 = vector.broadcast %jit3A_864 : i32 to vector<16xi32>
        %select_n3A_867 = arith.select %eq3A_862, %broadcast_in_dim3A_865, %broadcast_in_dim3A_866 : vector<16xi1>, vector<16xi32>
        %eq3A_868 = arith.cmpf oeq, %gather3A_788, %max3A_819 : vector<16xf32>
        %jit3A_869 = arith.constant 8 : i32
        %jit3A_870 = arith.constant 21 : i32
        %broadcast_in_dim3A_871 = vector.broadcast %jit3A_869 : i32 to vector<16xi32>
        %broadcast_in_dim3A_872 = vector.broadcast %jit3A_870 : i32 to vector<16xi32>
        %select_n3A_873 = arith.select %eq3A_868, %broadcast_in_dim3A_871, %broadcast_in_dim3A_872 : vector<16xi1>, vector<16xi32>
        %eq3A_874 = arith.cmpf oeq, %gather3A_789, %max3A_819 : vector<16xf32>
        %jit3A_875 = arith.constant 9 : i32
        %jit3A_876 = arith.constant 21 : i32
        %broadcast_in_dim3A_877 = vector.broadcast %jit3A_875 : i32 to vector<16xi32>
        %broadcast_in_dim3A_878 = vector.broadcast %jit3A_876 : i32 to vector<16xi32>
        %select_n3A_879 = arith.select %eq3A_874, %broadcast_in_dim3A_877, %broadcast_in_dim3A_878 : vector<16xi1>, vector<16xi32>
        %eq3A_880 = arith.cmpf oeq, %gather3A_790, %max3A_819 : vector<16xf32>
        %jit3A_881 = arith.constant 10 : i32
        %jit3A_882 = arith.constant 21 : i32
        %broadcast_in_dim3A_883 = vector.broadcast %jit3A_881 : i32 to vector<16xi32>
        %broadcast_in_dim3A_884 = vector.broadcast %jit3A_882 : i32 to vector<16xi32>
        %select_n3A_885 = arith.select %eq3A_880, %broadcast_in_dim3A_883, %broadcast_in_dim3A_884 : vector<16xi1>, vector<16xi32>
        %eq3A_886 = arith.cmpf oeq, %gather3A_791, %max3A_819 : vector<16xf32>
        %jit3A_887 = arith.constant 11 : i32
        %jit3A_888 = arith.constant 21 : i32
        %broadcast_in_dim3A_889 = vector.broadcast %jit3A_887 : i32 to vector<16xi32>
        %broadcast_in_dim3A_890 = vector.broadcast %jit3A_888 : i32 to vector<16xi32>
        %select_n3A_891 = arith.select %eq3A_886, %broadcast_in_dim3A_889, %broadcast_in_dim3A_890 : vector<16xi1>, vector<16xi32>
        %eq3A_892 = arith.cmpf oeq, %gather3A_792, %max3A_819 : vector<16xf32>
        %jit3A_893 = arith.constant 12 : i32
        %jit3A_894 = arith.constant 21 : i32
        %broadcast_in_dim3A_895 = vector.broadcast %jit3A_893 : i32 to vector<16xi32>
        %broadcast_in_dim3A_896 = vector.broadcast %jit3A_894 : i32 to vector<16xi32>
        %select_n3A_897 = arith.select %eq3A_892, %broadcast_in_dim3A_895, %broadcast_in_dim3A_896 : vector<16xi1>, vector<16xi32>
        %eq3A_898 = arith.cmpf oeq, %gather3A_793, %max3A_819 : vector<16xf32>
        %jit3A_899 = arith.constant 13 : i32
        %jit3A_900 = arith.constant 21 : i32
        %broadcast_in_dim3A_901 = vector.broadcast %jit3A_899 : i32 to vector<16xi32>
        %broadcast_in_dim3A_902 = vector.broadcast %jit3A_900 : i32 to vector<16xi32>
        %select_n3A_903 = arith.select %eq3A_898, %broadcast_in_dim3A_901, %broadcast_in_dim3A_902 : vector<16xi1>, vector<16xi32>
        %eq3A_904 = arith.cmpf oeq, %gather3A_794, %max3A_819 : vector<16xf32>
        %jit3A_905 = arith.constant 14 : i32
        %jit3A_906 = arith.constant 21 : i32
        %broadcast_in_dim3A_907 = vector.broadcast %jit3A_905 : i32 to vector<16xi32>
        %broadcast_in_dim3A_908 = vector.broadcast %jit3A_906 : i32 to vector<16xi32>
        %select_n3A_909 = arith.select %eq3A_904, %broadcast_in_dim3A_907, %broadcast_in_dim3A_908 : vector<16xi1>, vector<16xi32>
        %eq3A_910 = arith.cmpf oeq, %gather3A_795, %max3A_819 : vector<16xf32>
        %jit3A_911 = arith.constant 15 : i32
        %jit3A_912 = arith.constant 21 : i32
        %broadcast_in_dim3A_913 = vector.broadcast %jit3A_911 : i32 to vector<16xi32>
        %broadcast_in_dim3A_914 = vector.broadcast %jit3A_912 : i32 to vector<16xi32>
        %select_n3A_915 = arith.select %eq3A_910, %broadcast_in_dim3A_913, %broadcast_in_dim3A_914 : vector<16xi1>, vector<16xi32>
        %eq3A_916 = arith.cmpf oeq, %gather3A_796, %max3A_819 : vector<16xf32>
        %jit3A_917 = arith.constant 16 : i32
        %jit3A_918 = arith.constant 21 : i32
        %broadcast_in_dim3A_919 = vector.broadcast %jit3A_917 : i32 to vector<16xi32>
        %broadcast_in_dim3A_920 = vector.broadcast %jit3A_918 : i32 to vector<16xi32>
        %select_n3A_921 = arith.select %eq3A_916, %broadcast_in_dim3A_919, %broadcast_in_dim3A_920 : vector<16xi1>, vector<16xi32>
        %eq3A_922 = arith.cmpf oeq, %gather3A_797, %max3A_819 : vector<16xf32>
        %jit3A_923 = arith.constant 17 : i32
        %jit3A_924 = arith.constant 21 : i32
        %broadcast_in_dim3A_925 = vector.broadcast %jit3A_923 : i32 to vector<16xi32>
        %broadcast_in_dim3A_926 = vector.broadcast %jit3A_924 : i32 to vector<16xi32>
        %select_n3A_927 = arith.select %eq3A_922, %broadcast_in_dim3A_925, %broadcast_in_dim3A_926 : vector<16xi1>, vector<16xi32>
        %eq3A_928 = arith.cmpf oeq, %gather3A_798, %max3A_819 : vector<16xf32>
        %jit3A_929 = arith.constant 18 : i32
        %jit3A_930 = arith.constant 21 : i32
        %broadcast_in_dim3A_931 = vector.broadcast %jit3A_929 : i32 to vector<16xi32>
        %broadcast_in_dim3A_932 = vector.broadcast %jit3A_930 : i32 to vector<16xi32>
        %select_n3A_933 = arith.select %eq3A_928, %broadcast_in_dim3A_931, %broadcast_in_dim3A_932 : vector<16xi1>, vector<16xi32>
        %eq3A_934 = arith.cmpf oeq, %gather3A_799, %max3A_819 : vector<16xf32>
        %jit3A_935 = arith.constant 19 : i32
        %jit3A_936 = arith.constant 21 : i32
        %broadcast_in_dim3A_937 = vector.broadcast %jit3A_935 : i32 to vector<16xi32>
        %broadcast_in_dim3A_938 = vector.broadcast %jit3A_936 : i32 to vector<16xi32>
        %select_n3A_939 = arith.select %eq3A_934, %broadcast_in_dim3A_937, %broadcast_in_dim3A_938 : vector<16xi1>, vector<16xi32>
        %eq3A_940 = arith.cmpf oeq, %gather3A_800, %max3A_819 : vector<16xf32>
        %jit3A_941 = arith.constant 20 : i32
        %jit3A_942 = arith.constant 21 : i32
        %broadcast_in_dim3A_943 = vector.broadcast %jit3A_941 : i32 to vector<16xi32>
        %broadcast_in_dim3A_944 = vector.broadcast %jit3A_942 : i32 to vector<16xi32>
        %select_n3A_945 = arith.select %eq3A_940, %broadcast_in_dim3A_943, %broadcast_in_dim3A_944 : vector<16xi1>, vector<16xi32>
        %min3A = arith.minsi %select_n3A_825, %select_n3A_831 : vector<16xi32>
        %min3A_946 = arith.minsi %select_n3A_837, %select_n3A_843 : vector<16xi32>
        %min3A_947 = arith.minsi %select_n3A_849, %select_n3A_855 : vector<16xi32>
        %min3A_948 = arith.minsi %select_n3A_861, %select_n3A_867 : vector<16xi32>
        %min3A_949 = arith.minsi %select_n3A_873, %select_n3A_879 : vector<16xi32>
        %min3A_950 = arith.minsi %select_n3A_885, %select_n3A_891 : vector<16xi32>
        %min3A_951 = arith.minsi %select_n3A_897, %select_n3A_903 : vector<16xi32>
        %min3A_952 = arith.minsi %select_n3A_909, %select_n3A_915 : vector<16xi32>
        %min3A_953 = arith.minsi %select_n3A_921, %select_n3A_927 : vector<16xi32>
        %min3A_954 = arith.minsi %select_n3A_933, %select_n3A_939 : vector<16xi32>
        %min3A_955 = arith.minsi %min3A, %min3A_946 : vector<16xi32>
        %min3A_956 = arith.minsi %min3A_947, %min3A_948 : vector<16xi32>
        %min3A_957 = arith.minsi %min3A_949, %min3A_950 : vector<16xi32>
        %min3A_958 = arith.minsi %min3A_951, %min3A_952 : vector<16xi32>
        %min3A_959 = arith.minsi %min3A_953, %min3A_954 : vector<16xi32>
        %min3A_960 = arith.minsi %min3A_955, %min3A_956 : vector<16xi32>
        %min3A_961 = arith.minsi %min3A_957, %min3A_958 : vector<16xi32>
        %min3A_962 = arith.minsi %min3A_959, %select_n3A_945 : vector<16xi32>
        %min3A_963 = arith.minsi %min3A_960, %min3A_961 : vector<16xi32>
        %min3A_964 = arith.minsi %min3A_963, %min3A_962 : vector<16xi32>
        %sub3A_965 = arith.subf %gather3A, %max3A_819 : vector<16xf32>
        %exp3A = math.exp %sub3A_965 : vector<16xf32>
        %sub3A_966 = arith.subf %gather3A_781, %max3A_819 : vector<16xf32>
        %exp3A_967 = math.exp %sub3A_966 : vector<16xf32>
        %sub3A_968 = arith.subf %gather3A_782, %max3A_819 : vector<16xf32>
        %exp3A_969 = math.exp %sub3A_968 : vector<16xf32>
        %sub3A_970 = arith.subf %gather3A_783, %max3A_819 : vector<16xf32>
        %exp3A_971 = math.exp %sub3A_970 : vector<16xf32>
        %sub3A_972 = arith.subf %gather3A_784, %max3A_819 : vector<16xf32>
        %exp3A_973 = math.exp %sub3A_972 : vector<16xf32>
        %sub3A_974 = arith.subf %gather3A_785, %max3A_819 : vector<16xf32>
        %exp3A_975 = math.exp %sub3A_974 : vector<16xf32>
        %sub3A_976 = arith.subf %gather3A_786, %max3A_819 : vector<16xf32>
        %exp3A_977 = math.exp %sub3A_976 : vector<16xf32>
        %sub3A_978 = arith.subf %gather3A_787, %max3A_819 : vector<16xf32>
        %exp3A_979 = math.exp %sub3A_978 : vector<16xf32>
        %sub3A_980 = arith.subf %gather3A_788, %max3A_819 : vector<16xf32>
        %exp3A_981 = math.exp %sub3A_980 : vector<16xf32>
        %sub3A_982 = arith.subf %gather3A_789, %max3A_819 : vector<16xf32>
        %exp3A_983 = math.exp %sub3A_982 : vector<16xf32>
        %sub3A_984 = arith.subf %gather3A_790, %max3A_819 : vector<16xf32>
        %exp3A_985 = math.exp %sub3A_984 : vector<16xf32>
        %sub3A_986 = arith.subf %gather3A_791, %max3A_819 : vector<16xf32>
        %exp3A_987 = math.exp %sub3A_986 : vector<16xf32>
        %sub3A_988 = arith.subf %gather3A_792, %max3A_819 : vector<16xf32>
        %exp3A_989 = math.exp %sub3A_988 : vector<16xf32>
        %sub3A_990 = arith.subf %gather3A_793, %max3A_819 : vector<16xf32>
        %exp3A_991 = math.exp %sub3A_990 : vector<16xf32>
        %sub3A_992 = arith.subf %gather3A_794, %max3A_819 : vector<16xf32>
        %exp3A_993 = math.exp %sub3A_992 : vector<16xf32>
        %sub3A_994 = arith.subf %gather3A_795, %max3A_819 : vector<16xf32>
        %exp3A_995 = math.exp %sub3A_994 : vector<16xf32>
        %sub3A_996 = arith.subf %gather3A_796, %max3A_819 : vector<16xf32>
        %exp3A_997 = math.exp %sub3A_996 : vector<16xf32>
        %sub3A_998 = arith.subf %gather3A_797, %max3A_819 : vector<16xf32>
        %exp3A_999 = math.exp %sub3A_998 : vector<16xf32>
        %sub3A_1000 = arith.subf %gather3A_798, %max3A_819 : vector<16xf32>
        %exp3A_1001 = math.exp %sub3A_1000 : vector<16xf32>
        %sub3A_1002 = arith.subf %gather3A_799, %max3A_819 : vector<16xf32>
        %exp3A_1003 = math.exp %sub3A_1002 : vector<16xf32>
        %sub3A_1004 = arith.subf %gather3A_800, %max3A_819 : vector<16xf32>
        %exp3A_1005 = math.exp %sub3A_1004 : vector<16xf32>
        %add3A_1006 = arith.addf %exp3A, %exp3A_967 : vector<16xf32>
        %add3A_1007 = arith.addf %exp3A_969, %exp3A_971 : vector<16xf32>
        %add3A_1008 = arith.addf %exp3A_973, %exp3A_975 : vector<16xf32>
        %add3A_1009 = arith.addf %exp3A_977, %exp3A_979 : vector<16xf32>
        %add3A_1010 = arith.addf %exp3A_981, %exp3A_983 : vector<16xf32>
        %add3A_1011 = arith.addf %exp3A_985, %exp3A_987 : vector<16xf32>
        %add3A_1012 = arith.addf %exp3A_989, %exp3A_991 : vector<16xf32>
        %add3A_1013 = arith.addf %exp3A_993, %exp3A_995 : vector<16xf32>
        %add3A_1014 = arith.addf %exp3A_997, %exp3A_999 : vector<16xf32>
        %add3A_1015 = arith.addf %exp3A_1001, %exp3A_1003 : vector<16xf32>
        %add3A_1016 = arith.addf %add3A_1006, %add3A_1007 : vector<16xf32>
        %add3A_1017 = arith.addf %add3A_1008, %add3A_1009 : vector<16xf32>
        %add3A_1018 = arith.addf %add3A_1010, %add3A_1011 : vector<16xf32>
        %add3A_1019 = arith.addf %add3A_1012, %add3A_1013 : vector<16xf32>
        %add3A_1020 = arith.addf %add3A_1014, %add3A_1015 : vector<16xf32>
        %add3A_1021 = arith.addf %add3A_1016, %add3A_1017 : vector<16xf32>
        %add3A_1022 = arith.addf %add3A_1018, %add3A_1019 : vector<16xf32>
        %add3A_1023 = arith.addf %add3A_1020, %exp3A_1005 : vector<16xf32>
        %add3A_1024 = arith.addf %add3A_1021, %add3A_1022 : vector<16xf32>
        %add3A_1025 = arith.addf %add3A_1024, %add3A_1023 : vector<16xf32>
        %div3A_1026 = arith.constant 1.000000e+00 : f32
        %div3A_1027 = vector.broadcast %div3A_1026 : f32 to vector<16xf32>
        %div3A_1028 = arith.divf %div3A_1027, %add3A_1025 : vector<16xf32>
        %mul3A_1029 = arith.constant 2.000000e+01 : f32
        %mul3A_1030 = vector.broadcast %mul3A_1029 : f32 to vector<16xf32>
        %mul3A_1031 = arith.mulf %div3A_1028, %mul3A_1030 : vector<16xf32>
        %convert_element_type3A_1032 = arith.fptosi %mul3A_1031 : vector<16xf32> to vector<16xi32>
        %min3A_1033 = arith.constant 19 : i32
        %min3A_1034 = vector.broadcast %min3A_1033 : i32 to vector<16xi32>
        %min3A_1035 = arith.minsi %convert_element_type3A_1032, %min3A_1034 : vector<16xi32>
        %mul3A_1036 = arith.constant 20 : i32
        %mul3A_1037 = vector.broadcast %mul3A_1036 : i32 to vector<16xi32>
        %mul3A_1038 = arith.muli %min3A_964, %mul3A_1037 : vector<16xi32>
        %add3A_1039 = arith.addi %mul3A_1038, %min3A_1035 : vector<16xi32>
        %add3A_1040 = arith.addi %add3A_1039, %mul3A_35 : vector<16xi32>
        tpu.vector_store_idx %arg10[%add3A_1040], %broadcast_in_dim3A_36 masked %lt3A_774 {add = true} : memref<6912xi32, #tpu.memory_space<vmem>>[vector<16xi32>], vector<16xi32>, vector<16xi1>
        %while3A_1041 = arith.constant 0 : i32
        scf.yield %while3A_1041 : i32
      }
    }
    %scan3A_444 = arith.constant 16 : i32
    %scan3A_445 = arith.constant 0 : i32
    %scan3A_446 = arith.constant 0 : i32
    %scan3A_447 = arith.constant 27 : i32
    %scan3A_448 = arith.addi %scan3A_446, %scan3A_447 : i32
    %scan3A_449 = arith.constant 1 : i32
    %scan3A_450 = scf.for %scan3A_459 = %scan3A_446 to %scan3A_448 step %scan3A_449 iter_args(%scan3A_460 = %scan3A_445) -> (i32)  : i32 {
      %mul3A_461 = arith.constant 16 : i32
      %mul3A_462 = arith.muli %scan3A_459, %mul3A_461 : i32
      %get3A = arith.index_cast %mul3A_462 : i32 to index
      %get3A_463 = tpu.vector_load %arg10[%get3A] {strides = array<i32>} : memref<6912xi32, #tpu.memory_space<vmem>>, vector<16xi32>,
      %mul3A_464 = arith.constant 16 : i32
      %mul3A_465 = arith.muli %scan3A_459, %mul3A_464 : i32
      %add3A_466 = arith.constant 432 : i32
      %add3A_467 = arith.addi %add3A_466, %mul3A_465 : i32
      %get3A_468 = arith.index_cast %add3A_467 : i32 to index
      %get3A_469 = tpu.vector_load %arg10[%get3A_468] {strides = array<i32>} : memref<6912xi32, #tpu.memory_space<vmem>>, vector<16xi32>,
      %add3A_470 = arith.addi %get3A_463, %get3A_469 : vector<16xi32>
      %mul3A_471 = arith.constant 16 : i32
      %mul3A_472 = arith.muli %scan3A_459, %mul3A_471 : i32
      %add3A_473 = arith.constant 864 : i32
      %add3A_474 = arith.addi %add3A_473, %mul3A_472 : i32
      %get3A_475 = arith.index_cast %add3A_474 : i32 to index
      %get3A_476 = tpu.vector_load %arg10[%get3A_475] {strides = array<i32>} : memref<6912xi32, #tpu.memory_space<vmem>>, vector<16xi32>,
      %add3A_477 = arith.addi %add3A_470, %get3A_476 : vector<16xi32>
      %mul3A_478 = arith.constant 16 : i32
      %mul3A_479 = arith.muli %scan3A_459, %mul3A_478 : i32
      %add3A_480 = arith.constant 1296 : i32
      %add3A_481 = arith.addi %add3A_480, %mul3A_479 : i32
      %get3A_482 = arith.index_cast %add3A_481 : i32 to index
      %get3A_483 = tpu.vector_load %arg10[%get3A_482] {strides = array<i32>} : memref<6912xi32, #tpu.memory_space<vmem>>, vector<16xi32>,
      %add3A_484 = arith.addi %add3A_477, %get3A_483 : vector<16xi32>
      %mul3A_485 = arith.constant 16 : i32
      %mul3A_486 = arith.muli %scan3A_459, %mul3A_485 : i32
      %add3A_487 = arith.constant 1728 : i32
      %add3A_488 = arith.addi %add3A_487, %mul3A_486 : i32
      %get3A_489 = arith.index_cast %add3A_488 : i32 to index
      %get3A_490 = tpu.vector_load %arg10[%get3A_489] {strides = array<i32>} : memref<6912xi32, #tpu.memory_space<vmem>>, vector<16xi32>,
      %add3A_491 = arith.addi %add3A_484, %get3A_490 : vector<16xi32>
      %mul3A_492 = arith.constant 16 : i32
      %mul3A_493 = arith.muli %scan3A_459, %mul3A_492 : i32
      %add3A_494 = arith.constant 2160 : i32
      %add3A_495 = arith.addi %add3A_494, %mul3A_493 : i32
      %get3A_496 = arith.index_cast %add3A_495 : i32 to index
      %get3A_497 = tpu.vector_load %arg10[%get3A_496] {strides = array<i32>} : memref<6912xi32, #tpu.memory_space<vmem>>, vector<16xi32>,
      %add3A_498 = arith.addi %add3A_491, %get3A_497 : vector<16xi32>
      %mul3A_499 = arith.constant 16 : i32
      %mul3A_500 = arith.muli %scan3A_459, %mul3A_499 : i32
      %add3A_501 = arith.constant 2592 : i32
      %add3A_502 = arith.addi %add3A_501, %mul3A_500 : i32
      %get3A_503 = arith.index_cast %add3A_502 : i32 to index
      %get3A_504 = tpu.vector_load %arg10[%get3A_503] {strides = array<i32>} : memref<6912xi32, #tpu.memory_space<vmem>>, vector<16xi32>,
      %add3A_505 = arith.addi %add3A_498, %get3A_504 : vector<16xi32>
      %mul3A_506 = arith.constant 16 : i32
      %mul3A_507 = arith.muli %scan3A_459, %mul3A_506 : i32
      %add3A_508 = arith.constant 3024 : i32
      %add3A_509 = arith.addi %add3A_508, %mul3A_507 : i32
      %get3A_510 = arith.index_cast %add3A_509 : i32 to index
      %get3A_511 = tpu.vector_load %arg10[%get3A_510] {strides = array<i32>} : memref<6912xi32, #tpu.memory_space<vmem>>, vector<16xi32>,
      %add3A_512 = arith.addi %add3A_505, %get3A_511 : vector<16xi32>
      %mul3A_513 = arith.constant 16 : i32
      %mul3A_514 = arith.muli %scan3A_459, %mul3A_513 : i32
      %add3A_515 = arith.constant 3456 : i32
      %add3A_516 = arith.addi %add3A_515, %mul3A_514 : i32
      %get3A_517 = arith.index_cast %add3A_516 : i32 to index
      %get3A_518 = tpu.vector_load %arg10[%get3A_517] {strides = array<i32>} : memref<6912xi32, #tpu.memory_space<vmem>>, vector<16xi32>,
      %add3A_519 = arith.addi %add3A_512, %get3A_518 : vector<16xi32>
      %mul3A_520 = arith.constant 16 : i32
      %mul3A_521 = arith.muli %scan3A_459, %mul3A_520 : i32
      %add3A_522 = arith.constant 3888 : i32
      %add3A_523 = arith.addi %add3A_522, %mul3A_521 : i32
      %get3A_524 = arith.index_cast %add3A_523 : i32 to index
      %get3A_525 = tpu.vector_load %arg10[%get3A_524] {strides = array<i32>} : memref<6912xi32, #tpu.memory_space<vmem>>, vector<16xi32>,
      %add3A_526 = arith.addi %add3A_519, %get3A_525 : vector<16xi32>
      %mul3A_527 = arith.constant 16 : i32
      %mul3A_528 = arith.muli %scan3A_459, %mul3A_527 : i32
      %add3A_529 = arith.constant 4320 : i32
      %add3A_530 = arith.addi %add3A_529, %mul3A_528 : i32
      %get3A_531 = arith.index_cast %add3A_530 : i32 to index
      %get3A_532 = tpu.vector_load %arg10[%get3A_531] {strides = array<i32>} : memref<6912xi32, #tpu.memory_space<vmem>>, vector<16xi32>,
      %add3A_533 = arith.addi %add3A_526, %get3A_532 : vector<16xi32>
      %mul3A_534 = arith.constant 16 : i32
      %mul3A_535 = arith.muli %scan3A_459, %mul3A_534 : i32
      %add3A_536 = arith.constant 4752 : i32
      %add3A_537 = arith.addi %add3A_536, %mul3A_535 : i32
      %get3A_538 = arith.index_cast %add3A_537 : i32 to index
      %get3A_539 = tpu.vector_load %arg10[%get3A_538] {strides = array<i32>} : memref<6912xi32, #tpu.memory_space<vmem>>, vector<16xi32>,
      %add3A_540 = arith.addi %add3A_533, %get3A_539 : vector<16xi32>
      %mul3A_541 = arith.constant 16 : i32
      %mul3A_542 = arith.muli %scan3A_459, %mul3A_541 : i32
      %add3A_543 = arith.constant 5184 : i32
      %add3A_544 = arith.addi %add3A_543, %mul3A_542 : i32
      %get3A_545 = arith.index_cast %add3A_544 : i32 to index
      %get3A_546 = tpu.vector_load %arg10[%get3A_545] {strides = array<i32>} : memref<6912xi32, #tpu.memory_space<vmem>>, vector<16xi32>,
      %add3A_547 = arith.addi %add3A_540, %get3A_546 : vector<16xi32>
      %mul3A_548 = arith.constant 16 : i32
      %mul3A_549 = arith.muli %scan3A_459, %mul3A_548 : i32
      %add3A_550 = arith.constant 5616 : i32
      %add3A_551 = arith.addi %add3A_550, %mul3A_549 : i32
      %get3A_552 = arith.index_cast %add3A_551 : i32 to index
      %get3A_553 = tpu.vector_load %arg10[%get3A_552] {strides = array<i32>} : memref<6912xi32, #tpu.memory_space<vmem>>, vector<16xi32>,
      %add3A_554 = arith.addi %add3A_547, %get3A_553 : vector<16xi32>
      %mul3A_555 = arith.constant 16 : i32
      %mul3A_556 = arith.muli %scan3A_459, %mul3A_555 : i32
      %add3A_557 = arith.constant 6048 : i32
      %add3A_558 = arith.addi %add3A_557, %mul3A_556 : i32
      %get3A_559 = arith.index_cast %add3A_558 : i32 to index
      %get3A_560 = tpu.vector_load %arg10[%get3A_559] {strides = array<i32>} : memref<6912xi32, #tpu.memory_space<vmem>>, vector<16xi32>,
      %add3A_561 = arith.addi %add3A_554, %get3A_560 : vector<16xi32>
      %mul3A_562 = arith.constant 16 : i32
      %mul3A_563 = arith.muli %scan3A_459, %mul3A_562 : i32
      %add3A_564 = arith.constant 6480 : i32
      %add3A_565 = arith.addi %add3A_564, %mul3A_563 : i32
      %get3A_566 = arith.index_cast %add3A_565 : i32 to index
      %get3A_567 = tpu.vector_load %arg10[%get3A_566] {strides = array<i32>} : memref<6912xi32, #tpu.memory_space<vmem>>, vector<16xi32>,
      %add3A_568 = arith.addi %add3A_561, %get3A_567 : vector<16xi32>
      %mul3A_569 = arith.constant 16 : i32
      %mul3A_570 = arith.muli %scan3A_459, %mul3A_569 : i32
      %jit3A_571 = arith.constant 128 : i32
      %div3A_572 = arith.divsi %mul3A_570, %jit3A_571 : i32
      %sign3A_573 = arith.constant 0 : i32
      %sign3A_574 = arith.cmpi sgt, %mul3A_570, %sign3A_573 : i32
      %sign3A_575 = arith.extui %sign3A_574 : i1 to i32
      %sign3A_576 = arith.constant 0 : i32
      %sign3A_577 = arith.cmpi slt, %mul3A_570, %sign3A_576 : i32
      %sign3A_578 = arith.extui %sign3A_577 : i1 to i32
      %sign3A_579 = arith.subi %sign3A_575, %sign3A_578 : i32
      %sign3A_580 = arith.constant 0 : i32
      %sign3A_581 = arith.cmpi sgt, %jit3A_571, %sign3A_580 : i32
      %sign3A_582 = arith.extui %sign3A_581 : i1 to i32
      %sign3A_583 = arith.constant 0 : i32
      %sign3A_584 = arith.cmpi slt, %jit3A_571, %sign3A_583 : i32
      %sign3A_585 = arith.extui %sign3A_584 : i1 to i32
      %sign3A_586 = arith.subi %sign3A_582, %sign3A_585 : i32
      %ne3A_587 = arith.cmpi ne, %sign3A_579, %sign3A_586 : i32
      %rem3A_588 = arith.remsi %mul3A_570, %jit3A_571 : i32
      %ne3A_589 = arith.constant 0 : i32
      %ne3A_590 = arith.cmpi ne, %rem3A_588, %ne3A_589 : i32
      %and3A_591 = arith.andi %ne3A_587, %ne3A_590 : i1
      %sub3A_592 = arith.constant 1 : i32
      %sub3A_593 = arith.subi %div3A_572, %sub3A_592 : i32
      %select_n3A_594 = arith.select %and3A_591, %sub3A_593, %div3A_572 : i32
      %mul3A_595 = arith.constant 16 : i32
      %mul3A_596 = arith.muli %scan3A_459, %mul3A_595 : i32
      %jit3A_597 = arith.constant 128 : i32
      %eq3A_598 = arith.constant 0 : i32
      %eq3A_599 = arith.cmpi eq, %jit3A_597, %eq3A_598 : i32
      %jit3A_600 = arith.constant 1 : i32
      %select_n3A_601 = arith.select %eq3A_599, %jit3A_600, %jit3A_597 : i32
      %rem3A_602 = arith.remsi %mul3A_596, %select_n3A_601 : i32
      %ne3A_603 = arith.constant 0 : i32
      %ne3A_604 = arith.cmpi ne, %rem3A_602, %ne3A_603 : i32
      %lt3A_605 = arith.constant 0 : i32
      %lt3A_606 = arith.cmpi slt, %rem3A_602, %lt3A_605 : i32
      %lt3A_607 = arith.constant 0 : i32
      %lt3A_608 = arith.cmpi slt, %select_n3A_601, %lt3A_607 : i32
      %ne3A_609 = arith.xori %lt3A_606, %lt3A_608 : i1
      %and3A_610 = arith.andi %ne3A_609, %ne3A_604 : i1
      %add3A_611 = arith.addi %rem3A_602, %select_n3A_601 : i32
      %select_n3A_612 = arith.select %and3A_610, %add3A_611, %rem3A_602 : i32
      %swap3A = arith.index_cast %select_n3A_594 : i32 to index
      %swap3A_613 = arith.index_cast %select_n3A_612 : i32 to index
      %swap3A_614 = tpu.vector_load %arg11[%swap3A, %swap3A_613] {strides = array<i32>} : memref<8x128xi32, #tpu.memory_space<vmem>>, vector<16xi32>,
      tpu.vector_store %arg11[%swap3A, %swap3A_613], %add3A_568 {strides = array<i32>} : memref<8x128xi32, #tpu.memory_space<vmem>>, vector<16xi32>,
      %scan3A_615 = arith.constant 0 : i32
      scf.yield %scan3A_615 : i32
    }
    %scan3A_451 = arith.constant 27 : i32
    %scan3A_452 = arith.constant 0 : i32
    %scan3A_453 = arith.constant 0 : i32
    %scan3A_454 = arith.constant 37 : i32
    %scan3A_455 = arith.addi %scan3A_453, %scan3A_454 : i32
    %scan3A_456 = arith.constant 1 : i32
    %scan3A_457 = scf.for %scan3A_459 = %scan3A_453 to %scan3A_455 step %scan3A_456 iter_args(%scan3A_460 = %scan3A_452) -> (i32)  : i32 {
      %mul3A_461 = arith.constant 16 : i32
      %mul3A_462 = arith.muli %scan3A_459, %mul3A_461 : i32
      %add3A_463 = arith.constant 432 : i32
      %add3A_464 = arith.addi %add3A_463, %mul3A_462 : i32
      %jit3A_465 = arith.constant 128 : i32
      %div3A_466 = arith.divsi %add3A_464, %jit3A_465 : i32
      %sign3A_467 = arith.constant 0 : i32
      %sign3A_468 = arith.cmpi sgt, %add3A_464, %sign3A_467 : i32
      %sign3A_469 = arith.extui %sign3A_468 : i1 to i32
      %sign3A_470 = arith.constant 0 : i32
      %sign3A_471 = arith.cmpi slt, %add3A_464, %sign3A_470 : i32
      %sign3A_472 = arith.extui %sign3A_471 : i1 to i32
      %sign3A_473 = arith.subi %sign3A_469, %sign3A_472 : i32
      %sign3A_474 = arith.constant 0 : i32
      %sign3A_475 = arith.cmpi sgt, %jit3A_465, %sign3A_474 : i32
      %sign3A_476 = arith.extui %sign3A_475 : i1 to i32
      %sign3A_477 = arith.constant 0 : i32
      %sign3A_478 = arith.cmpi slt, %jit3A_465, %sign3A_477 : i32
      %sign3A_479 = arith.extui %sign3A_478 : i1 to i32
      %sign3A_480 = arith.subi %sign3A_476, %sign3A_479 : i32
      %ne3A_481 = arith.cmpi ne, %sign3A_473, %sign3A_480 : i32
      %rem3A_482 = arith.remsi %add3A_464, %jit3A_465 : i32
      %ne3A_483 = arith.constant 0 : i32
      %ne3A_484 = arith.cmpi ne, %rem3A_482, %ne3A_483 : i32
      %and3A_485 = arith.andi %ne3A_481, %ne3A_484 : i1
      %sub3A_486 = arith.constant 1 : i32
      %sub3A_487 = arith.subi %div3A_466, %sub3A_486 : i32
      %select_n3A_488 = arith.select %and3A_485, %sub3A_487, %div3A_466 : i32
      %mul3A_489 = arith.constant 16 : i32
      %mul3A_490 = arith.muli %scan3A_459, %mul3A_489 : i32
      %add3A_491 = arith.constant 432 : i32
      %add3A_492 = arith.addi %add3A_491, %mul3A_490 : i32
      %jit3A_493 = arith.constant 128 : i32
      %eq3A_494 = arith.constant 0 : i32
      %eq3A_495 = arith.cmpi eq, %jit3A_493, %eq3A_494 : i32
      %jit3A_496 = arith.constant 1 : i32
      %select_n3A_497 = arith.select %eq3A_495, %jit3A_496, %jit3A_493 : i32
      %rem3A_498 = arith.remsi %add3A_492, %select_n3A_497 : i32
      %ne3A_499 = arith.constant 0 : i32
      %ne3A_500 = arith.cmpi ne, %rem3A_498, %ne3A_499 : i32
      %lt3A_501 = arith.constant 0 : i32
      %lt3A_502 = arith.cmpi slt, %rem3A_498, %lt3A_501 : i32
      %lt3A_503 = arith.constant 0 : i32
      %lt3A_504 = arith.cmpi slt, %select_n3A_497, %lt3A_503 : i32
      %ne3A_505 = arith.xori %lt3A_502, %lt3A_504 : i1
      %and3A_506 = arith.andi %ne3A_505, %ne3A_500 : i1
      %add3A_507 = arith.addi %rem3A_498, %select_n3A_497 : i32
      %select_n3A_508 = arith.select %and3A_506, %add3A_507, %rem3A_498 : i32
      %swap3A = arith.index_cast %select_n3A_488 : i32 to index
      %swap3A_509 = arith.index_cast %select_n3A_508 : i32 to index
      %swap3A_510 = tpu.vector_load %arg11[%swap3A, %swap3A_509] {strides = array<i32>} : memref<8x128xi32, #tpu.memory_space<vmem>>, vector<16xi32>,
      tpu.vector_store %arg11[%swap3A, %swap3A_509], %broadcast_in_dim3A_38 {strides = array<i32>} : memref<8x128xi32, #tpu.memory_space<vmem>>, vector<16xi32>,
      %scan3A_511 = arith.constant 0 : i32
      scf.yield %scan3A_511 : i32
    }
    %scan3A_458 = arith.constant 37 : i32
    "tpu.region"() ({
      %run_scoped3A = tpu.sem_alloc : memref<!tpu.dma_semaphore, #tpu.memory_space<semaphore_mem>>
      %dma_start3A_459 = arith.constant 0 : i32
      %dma_start3A_460 = arith.constant 0 : i32
      %dma_start3A_461 = tpu.memref_slice %arg4[%add3A, %dma_start3A_459, %dma_start3A_460] : memref<32x8x128xi32, #tpu.memory_space<hbm>> -> memref<1x8x128xi32, #tpu.memory_space<hbm>>
      %dma_start3A_462 = tpu.memref_squeeze %dma_start3A_461 : memref<1x8x128xi32, #tpu.memory_space<hbm>> -> memref<8x128xi32, #tpu.memory_space<hbm>>
      %dma_start3A_463 = arith.constant 0 : i32
      %dma_start3A_464 = arith.constant 0 : i32
      %dma_start3A_465 = tpu.memref_slice %arg4[%add3A, %dma_start3A_463, %dma_start3A_464] : memref<32x8x128xi32, #tpu.memory_space<hbm>> -> memref<1x8x128xi32, #tpu.memory_space<hbm>>
      %dma_start3A_466 = tpu.memref_squeeze %dma_start3A_465 : memref<1x8x128xi32, #tpu.memory_space<hbm>> -> memref<8x128xi32, #tpu.memory_space<hbm>>
      tpu.enqueue_dma source(%arg11 : memref<8x128xi32, #tpu.memory_space<vmem>>) target(%dma_start3A_466 : memref<8x128xi32, #tpu.memory_space<hbm>>) target_semaphore(%run_scoped3A : memref<!tpu.dma_semaphore, #tpu.memory_space<semaphore_mem>>)
      %dma_wait3A = arith.constant 0 : i32
      %dma_wait3A_467 = arith.constant 0 : i32
      %dma_wait3A_468 = tpu.memref_slice %arg4[%add3A, %dma_wait3A, %dma_wait3A_467] : memref<32x8x128xi32, #tpu.memory_space<hbm>> -> memref<1x8x128xi32, #tpu.memory_space<hbm>>
      %dma_wait3A_469 = tpu.memref_squeeze %dma_wait3A_468 : memref<1x8x128xi32, #tpu.memory_space<hbm>> -> memref<8x128xi32, #tpu.memory_space<hbm>>
      %dma_wait3A_470 = arith.constant 0 : i32
      %dma_wait3A_471 = arith.constant 0 : i32
      %dma_wait3A_472 = tpu.memref_slice %arg4[%add3A, %dma_wait3A_470, %dma_wait3A_471] : memref<32x8x128xi32, #tpu.memory_space<hbm>> -> memref<1x8x128xi32, #tpu.memory_space<hbm>>
      %dma_wait3A_473 = tpu.memref_squeeze %dma_wait3A_472 : memref<1x8x128xi32, #tpu.memory_space<hbm>> -> memref<8x128xi32, #tpu.memory_space<hbm>>
      tpu.wait_dma2 semaphore(%run_scoped3A : memref<!tpu.dma_semaphore, #tpu.memory_space<semaphore_mem>>) src(%arg11 : memref<8x128xi32, #tpu.memory_space<vmem>>) dst(%dma_wait3A_473 : memref<8x128xi32, #tpu.memory_space<hbm>>)
      tpu.yield
    }) : () -> ()
    return
  }
}

</mosaic_0001>

<sc_bundles>
// kernel: kernel.3.cloned.1.call-start
scs
__scs_entry_jumppad:
0x0: {  	(pc) =	sbr.rel $0x88, $3  }
0x1: {  	(tag) =	ssettag $0x0;
	lr =	simm.s32 $0x1  }
0x2: {  	[smem:$0x3F9F] =	sst lr;
	_ =	strace $0xD0000000  }
0x3: {  	_ = 	snop  }
0x4: {  	_ = 	snop  }
0x5: {  	_ = 	snop  }
0x6: {  	_ = 	snop  }
0x7: {  	_ = 	snop  }
__scs_overlays_trampoline_lowered:
0x8: {  	[smem:$0x3FAE] =	sst s0  }
0x9: {  	[smem:$0x3FAF] =	sst s1  }
0xa: {  	[smem:$0x3FB0] =	sst s2  }
0xb: {  	[smem:$0x3FB1] =	sst s3  }
0xc: {  	[smem:$0x3FB2] =	sst s4  }
0xd: {  	[smem:$0x3FB3] =	sst s5  }
0xe: {  	[smem:$0x3FB4] =	sst s6  }
0xf: {  	[smem:$0x3FB5] =	sst s7  }
0x10: {  	[smem:$0x3FB6] =	sst s8  }
0x11: {  	[smem:$0x3FB7] =	sst s9;
	s0 =	simm.s32 @!p0 $0x0  }
0x12: {  	s1 =	sld [smem:$0x3F9D];
	s0 =	simm.s32 @p0 $0x1  }
0x13: {  	[smem:$0x3FB8] =	sst s0;
	s0 =	simm.s32 @!p1 $0x0  }
0x14: {  	s2 =	sld [smem:$0x3F9C];
	s0 =	simm.s32 @p1 $0x1  }
0x15: {  	[smem:$0x3FB9] =	sst s0;
	s0 =	simm.s32 @!p2 $0x0  }
0x16: {  	s3 =	sld [smem:$0x3FDB];
	s0 =	simm.s32 @p2 $0x1  }
0x17: {  	s4 =	simm.s32 $0x1BF5;
	[smem:$0x3FBB] =	sst s0  }
0x18: {  	s0 =	sld [smem:$0x3F9E];
	_ =	swait.ge [sflag:s4], $0x0  }
0x19: {  	s7 =	sld [smem:$0x3F9F]  }
0x1a: {  	s8 =	sadd.s32 $0xFFFFE003, lr  }
0x1b: {  	s9 =	sadd.s32 $0xFFFFFEF7, lr;
	s5 =	simm.s32 $0xFFFFFFFF;
	p2 =	slt.u32 s8, $0xFFFFF086  }
0x1c: {  	p1 =	slt.u32 s9, $0xF7A;
	s5 =	simm.s32 @!p2 $0x0  }
0x1d: {  	s5 =	simm.s32 @p1 $0x1;
	p0 =	seq.s32 s7, s2  }
0x1e: {  	s7 =	smul.u32 @!p0 $0xF7A, s2;
	p2 =	seq.s32 @!p0 s5, $0x0  }
0x1f: {  	s9 =	smul.u32 $0xF7A, s1;
	s8 =	simm.s32 @!p0 $0x1BF5;
	p2 =	por !p2, p0  }
0x20: {  	[sflag:s8] =	ssyncset.s32 @!p0 $0xFFFFF086;
	s6 =	sadd.s32 @!p0 s3, s7;
	s7 =	simm.s32 @!p0 $0x108  }
0x21: {  	s3 =	sadd.s32 s3, s9;
	s6 =	sadd.s32 @!p0 $0x88, s6;
	s7 =	simm.s32 @p2 $0x1082  }
0x22: {  	[simem:s7], [sflag:s8] =	dma.local @!p0 [hbm:s6], $0xF7A  }
0x23: {  	s9 =	sor.u32 $0xD0000000, s2;
	s6 =	simm.s32 $0x108;
	_ =	swait.ge @!p0 [sflag:s8], $0x0  }
0x24: {  	s3 =	sadd.s32 $0x88, s3;
	s6 =	simm.s32 @!p1 $0x1082;
	[sflag:s4] =	ssyncset.s32 $0xFFFFF086  }
0x25: {  	[simem:s6], [sflag:s4] =	dma.local [hbm:s3], $0xF7A  }
0x26: {  	[smem:$0x3F9F] =	sst s1;
	(tag) =	ssettag s2;
	_ =	strace s9  }
0x27: {  	s1 =	sld [smem:$0x3FAF]  }
0x28: {  	s2 =	sld [smem:$0x3FB0]  }
0x29: {  	s4 =	sld [smem:$0x3FB2]  }
0x2a: {  	p0 =	seq.s32 s5, $0x0;
	s5 =	sld [smem:$0x3FB3]  }
0x2b: {  	s6 =	sld [smem:$0x3FB4]  }
0x2c: {  	s7 =	sld [smem:$0x3FB5]  }
0x2d: {  	s3 =	simm.s32 $0x108;
	s8 =	sld [smem:$0x3FB6]  }
0x2e: {  	s3 =	simm.s32 @!p0 $0x1082;
	s9 =	sld [smem:$0x3FB7]  }
0x2f: {  	lr =	sadd.s32 s0, s3;
	s0 =	sld [smem:$0x3FAE]  }
0x30: {  	s3 =	sld [smem:$0x3FB1]  }
0x31: {  	[smem:$0x3FBA] =	sst s10  }
0x32: {  	s10 =	sld [smem:$0x3FB8];
	_ =	sdelay $0x3  }
0x33: {  	p0 =	seq.s32 s10, $0x1;
	s10 =	sld [smem:$0x3FBA];
	_ =	sdelay $0x3  }
0x34: {  	[smem:$0x3FBA] =	sst s10  }
0x35: {  	s10 =	sld [smem:$0x3FB9];
	_ =	sdelay $0x3  }
0x36: {  	p1 =	seq.s32 s10, $0x1;
	s10 =	sld [smem:$0x3FBA];
	_ =	sdelay $0x3  }
0x37: {  	[smem:$0x3FBA] =	sst s10  }
0x38: {  	s10 =	sld [smem:$0x3FBB]  }
0x39: {  	_ = 	snop;
	(pc) =	sbr.ind lr, $3  }
0x3a: {  	_ = 	snop  }
0x3b: {  	_ = 	snop  }
0x3c: {  	p2 =	seq.s32 s10, $0x1;
	s10 =	sld [smem:$0x3FBA]  }
0x3d: {  	_ =	shalt  }
0x3e: {  	_ =	shalt  }
0x3f: {  	_ =	shalt  }
0x40: {  	_ =	shalt  }
0x41: {  	_ =	shalt  }
0x42: {  	_ =	shalt  }
0x43: {  	_ =	shalt  }
0x44: {  	_ =	shalt  }
0x45: {  	_ =	shalt  }
0x46: {  	_ =	shalt  }
0x47: {  	_ =	shalt  }
0x48: {  	_ =	shalt  }
0x49: {  	_ =	shalt  }
0x4a: {  	_ =	shalt  }
0x4b: {  	_ =	shalt  }
0x4c: {  	_ =	shalt  }
0x4d: {  	_ =	shalt  }
0x4e: {  	_ =	shalt  }
0x4f: {  	_ =	shalt  }
0x50: {  	_ =	shalt  }
0x51: {  	_ =	shalt  }
0x52: {  	_ =	shalt  }
0x53: {  	_ =	shalt  }
0x54: {  	_ =	shalt  }
0x55: {  	_ =	shalt  }
0x56: {  	_ =	shalt  }
0x57: {  	_ =	shalt  }
0x58: {  	_ =	shalt  }
0x59: {  	_ =	shalt  }
0x5a: {  	_ =	shalt  }
0x5b: {  	_ =	shalt  }
0x5c: {  	_ =	shalt  }
0x5d: {  	_ =	shalt  }
0x5e: {  	_ =	shalt  }
0x5f: {  	_ =	shalt  }
0x60: {  	_ =	shalt  }
0x61: {  	_ =	shalt  }
0x62: {  	_ =	shalt  }
0x63: {  	_ =	shalt  }
0x64: {  	_ =	shalt  }
0x65: {  	_ =	shalt  }
0x66: {  	_ =	shalt  }
0x67: {  	_ =	shalt  }
0x68: {  	_ =	shalt  }
0x69: {  	_ =	shalt  }
0x6a: {  	_ =	shalt  }
0x6b: {  	_ =	shalt  }
0x6c: {  	_ =	shalt  }
0x6d: {  	_ =	shalt  }
0x6e: {  	_ =	shalt  }
0x6f: {  	_ =	shalt  }
0x70: {  	_ =	shalt  }
0x71: {  	_ =	shalt  }
0x72: {  	_ =	shalt  }
0x73: {  	_ =	shalt  }
0x74: {  	_ =	shalt  }
0x75: {  	_ =	shalt  }
0x76: {  	_ =	shalt  }
0x77: {  	_ =	shalt  }
0x78: {  	_ =	shalt  }
0x79: {  	_ =	shalt  }
0x7a: {  	_ =	shalt  }
0x7b: {  	_ =	shalt  }
0x7c: {  	_ =	shalt  }
0x7d: {  	_ =	shalt  }
0x7e: {  	_ =	shalt  }
0x7f: {  	_ =	shalt  }
0x80: {  	_ =	shalt  }
0x81: {  	_ =	shalt  }
0x82: {  	_ =	shalt  }
0x83: {  	_ =	shalt  }
0x84: {  	_ =	shalt  }
0x85: {  	_ =	shalt  }
0x86: {  	_ =	shalt  }
0x87: {  	_ =	shalt  }
.Lfunc_end0:
.L_simem_size_0:
called_computation_lowered:
.L_overlay_start_0:
0x88: {  	s2 =	sld [smem:$0x3FD9]  }
0x89: {  	s3 =	sld [smem:$0x3FFE];
	_ =	sdelay $0x1  }
0x8a: {  	s1 =	srdreg.scid  }
0x8b: {  	s0 =	sand.u32 $0x1, s1  }
0x8c: {  	s17 =	sshll.u32 s0, $0xA;
	s2 =	sadd.s32 s3, s2  }
0x8d: {  	s2 =	sadd.s32 s2, s17  }
0x8e: {  	[smem:$0x3FC6] =	sst s2  }
0x8f: {  	_ = 	snop  }
0x90: {  	s2 =	sld [smem:$0x3FC9]  }
0x91: {  	s18 =	sld [smem:$0x3FC8];
	(tm) =	ssettm $0x1  }
0x92: {  	s4 =	sld [smem:$0x3FFB];
	_ =	sdelay $0x3  }
0x93: {  	_ =	strace s4  }
0x94: {  	s4 =	sld [smem:$0x3FFC];
	_ =	sdelay $0x3  }
0x95: {  	_ =	strace s4  }
0x96: {  	s4 =	sld [smem:$0x3FFD];
	_ =	sdelay $0x3  }
0x97: {  	_ =	strace s4  }
0x98: {  	_ =	strace $0x8FFFFFFF  }
0x99: {  	s19 =	sld [smem:$0x3FDB];
	_ =	sdelay $0x1  }
0x9a: {  	s5 =	simm.s32 $_scs_section_size  }
0x9b: {  	s6 =	simm.s32 $_size__tile_overlayer_lowered;
	s7 =	simm.s32 $_tile_overlayer_lowered  }
0x9c: {  	s22 =	simm.s32 $0x1BFF;
	s21 =	sshll.u32 s7, $0x1;
	s4 =	sadd.s32 s5, s19  }
0x9d: {  	s8 =	simm.s32 $0x0;
	s20 =	sshll.u32 s6, $0x1;
	s6 =	sadd.s32 s21, s4  }
0x9e: {  	[timem:s8], [sflag:s22] =	dma.local [hbm:s6], s20  }
0x9f: {  	_ =	swait.ge [sflag:s22], s20  }
0xa0: {  	s5 =	ssub.s32 $0x0, s20;
	[sflag:s22] =	ssyncset.done $0x0  }
0xa1: {  	[sflag:s22] =	ssyncadd.s32 s5;
	_ =	sdelay $0x1  }
0xa2: {  	s23 =	simm.s32 $0x1B8B  }
0xa3: {  	_ =	swait.ge [sflag:s23], $0x1  }
0xa4: {  	[sflag:s23] =	ssyncset.done $0x0  }
0xa5: {  	s25 =	simm.s32 $0x1B8E;
	s24 =	sld [smem:$0x3FFE];
	[sflag:s23] =	ssyncadd.s32 $0xFFFFFFFF  }
0xa6: {  	s26 =	simm.s32 $execute0_lowered;
	[smem:$0x3FD2] =	sst s25  }
0xa7: {  	s6 =	sshll.u32 s26, $0x1;
	_ =	strace $0x80000046;
	[dreg:$0x1] =	wrdreg $0xFFFFFFFF  }
0xa8: {  	s28 =	simm.s32 $_size_execute0_lowered;
	s4 =	sadd.s32 s4, s6;
	[dreg:$0x0] =	wrdreg $0x0  }
0xa9: {  	s6 =	sshll.u32 s28, $0x1;
	[dreg:$0x2] =	wrdreg s4  }
0xaa: {  	[dreg:$0x3] =	wrdreg s6  }
0xab: {  	[dreg:$0x4] =	wrdreg $0xC0  }
0xac: {  	_ =	task [dreg:s8], $0x5FFFF  }
0xad: {  	[dreg:$0x1] =	wrdreg $0xFFFFFFFF  }
0xae: {  	[dreg:$0x0] =	wrdreg $0x60  }
0xaf: {  	[dreg:$0x2] =	wrdreg s2  }
0xb0: {  	[dreg:$0x3] =	wrdreg s18  }
0xb1: {  	[dreg:$0x4] =	wrdreg s24  }
0xb2: {  	[dreg:$0x5] =	wrdreg $0x9  }
0xb3: {  	_ =	task.clear_ibuf [dreg:s8], $0x6FFFF;
	_ =	strace $0x90000046  }
0xb4: {  	s29 =	simm.s32 $0x9;
	_ =	strace $0x80000048  }
0xb5: {  	_ =	swait.ge [sflag:s29], $0x1  }
0xb6: {  	[sflag:s29] =	ssyncadd.s32 $0xFFFFFFFF  }
0xb7: {  	_ =	strace $0x90000048  }
0xb8: {  	_ =	sfence  }
0xb9: {  	s30 =	sld [smem:$0x0];
	_ =	sdelay $0x2  }
0xba: {  	s31 =	sshll.u32 s1, $0xD;
	s1 =	sshrl.u32 s1, $0x2  }
0xbb: {  	s3 =	sand.u32 $0x4000, s31;
	s1 =	sadd.s32 s1, s30  }
0xbc: {  	s0 =	sor.u32 s3, s0;
	s1 =	sshll.u32 s1, $0x11  }
0xbd: {  	s0 =	sor.u32 s1, s0  }
0xbe: {  	s0 =	sadd.s32 $0x8F2B, s0  }
0xbf: {  	[sflag:s0] =	ssyncadd.remote.s32 $0x1  }
0xc0: {  	_ =	sfence.sel $0xFFFF  }
0xc1: {  	[dreg:$0x0] =	wrdreg $0xFFFFFFFF;
	(pc) =	sbr.abs _section_cstart, $3  }
0xc2: {  	[dreg:$0x1] =	wrdreg $0xFFFFFFFF  }
0xc3: {  	_ =	task.clear_ibuf [dreg:s8], $0x2FFFF;
	_ =	strace $0x9FFFFFFF  }
0xc4: {  	(tm) =	ssettm $0x7FFFFFFF  }
0xc5: {  	_ =	shalt  }
tec
execute0_lowered:
.L_overlay_start_1:
0x0: {  	(tag) =	ssettag $0x1  }
0x1: {  	s2 =	rddreg [dreg:$0x0]  }
0x2: {  	s11 =	rddreg [dreg:$0x1]  }
0x3: {  	s0 =	rddreg [dreg:$0x2]  }
0x4: {  	s1 =	srdreg.scid;
	s5 =	stileid.u32  }
0x5: {  	s4 =	simm.s32 $0x0;
	s1 =	sand.u32 $0x1, s1;
	s3 =	sshll.u32 s5, $0x1  }
0x6: {  	s7 =	sshrl.u32 s5, $0x1;
	[smem:$0x7FF] =	sst s4;
	s3 =	sor.u32 s1, s3  }
0x7: {  	s5 =	smul.u32 $0x540000, s7;
	_ =	strace $0x80000047;
	s1 =	ssub.s32 $0x2, s1  }
0x8: {  	s7 =	sshll.u32 s7, $0x12;
	s6 =	sshll.u32 s3, $0x10;
	s9 =	sshrl.u32 s1, $0x1  }
0x9: {  	s3 =	sshll.u32 s3, $0x7;
	s6 =	sand.u32 $0x30000, s6;
	s1 =	ssub.s32 s1, s9  }
0xa: {  	s0 =	sadd.s32 s0, s3;
	s8 =	sor.u32 s5, s6;
	s10 =	sor.u32 s7, s6  }
0xb: {  	[dreg:$0x13] =	wrdreg s0;
	s19 =	smax.u32 s1, $0x1;
	s20 =	sshrl.u32 s10, $0x3  }
0xc: {  	s8 =	sshrl.u32 s8, $0x3;
	[dreg:$0x15] =	wrdreg s19;
	s9 =	sadd.s32 s11, s20  }
0xd: {  	s8 =	sadd.s32 s2, s8;
	[dreg:$0x5] =	wrdreg s9  }
0xe: {  	s21 =	sadd.s32 $0x8000, s8;
	[dreg:$0x4] =	wrdreg s8  }
0xf: {  	s22 =	sadd.s32 $0x10000, s8;
	[dreg:$0x6] =	wrdreg s21  }
0x10: {  	s23 =	sadd.s32 $0x18000, s8;
	[dreg:$0x7] =	wrdreg s22  }
0x11: {  	s24 =	sadd.s32 $0x20000, s8;
	[dreg:$0x8] =	wrdreg s23  }
0x12: {  	s25 =	sadd.s32 $0x28000, s8;
	[dreg:$0x9] =	wrdreg s24  }
0x13: {  	s26 =	sadd.s32 $0x30000, s8;
	[dreg:$0xa] =	wrdreg s25  }
0x14: {  	s10 =	sadd.s32 $0x38000, s8;
	[dreg:$0xb] =	wrdreg s26  }
0x15: {  	s12 =	sadd.s32 $0x40000, s8;
	[dreg:$0xc] =	wrdreg s10  }
0x16: {  	s13 =	sadd.s32 $0x48000, s8;
	[dreg:$0xd] =	wrdreg s12  }
0x17: {  	s28 =	simm.s32 $0x13000;
	s14 =	sadd.s32 $0x50000, s8;
	[dreg:$0xe] =	wrdreg s13  }
0x18: {  	s29 =	simm.s32 $0x13800;
	s15 =	sadd.s32 $0x58000, s8;
	[dreg:$0xf] =	wrdreg s14  }
0x19: {  	s30 =	simm.s32 $0x14000;
	s16 =	sadd.s32 $0x60000, s8;
	[dreg:$0x10] =	wrdreg s15  }
0x1a: {  	s31 =	simm.s32 $0x14800;
	s17 =	sadd.s32 $0x68000, s8;
	[dreg:$0x11] =	wrdreg s16  }
0x1b: {  	s3 =	simm.s32 $0xA800;
	s18 =	sadd.s32 $0x70000, s8;
	[dreg:$0x12] =	wrdreg s17  }
0x1c: {  	s1 =	sadd.s32 $0x100, s11;
	s20 =	sadd.s32 $0x78000, s8;
	[dreg:$0x14] =	wrdreg s18  }
0x1d: {  	s0 =	simm.s32 $0x3;
	[dreg:$0x16] =	wrdreg s20;
	s21 =	sadd.s32 $0x80000, s8  }
0x1e: {  	s11 =	simm.s32 $0x4;
	s22 =	sadd.s32 $0x88000, s8;
	[dreg:$0x17] =	wrdreg s21  }
0x1f: {  	s9 =	sadd.s32 $0x100, s2;
	s23 =	sadd.s32 $0x90000, s8;
	[dreg:$0x18] =	wrdreg s22  }
0x20: {  	s24 =	sadd.s32 $0x98000, s8;
	s25 =	sadd.s32 $0xA0000, s8;
	[dreg:$0x19] =	wrdreg s23  }
0x21: {  	s26 =	sor.u32 $0x1000, s6;
	s10 =	simm.s32 $0x1;
	[dreg:$0x1a] =	wrdreg s24  }
0x22: {  	s8 =	simm.s32 $0x16800;
	s12 =	simm.s32 $0x2;
	[dreg:$0x1b] =	wrdreg s25  }
0x23: {  	v0 =	vimm.s32 $0x0;
	v1 =	vlaneseq.u32;
	s15 =	simm.s32 $0x0;
	[dreg:$0x1c] =	wrdreg s26;
	s23 =	simm.s32 $0x11000  }
0x24: {  	v2 =	vimm.s32 $0x1;
	v3 =	vimm.s32 $0x1A4;
	v4 =	vmul.u32 $0x1B0, v1;
	s24 =	simm.s32 $0x11800;
	s25 =	simm.s32 $0x12000;
	s26 =	simm.s32 $0x12800  }
.LBB2_1:
0x25: {  	s13 =	simm.s32 $0x0  }
.LBB2_2:
0x26: {  	p0 =	sne.s32 s13, $0x6BC0  }
.Ltmp0:
0x27: {  	_ = 	snop;
	(pc) =	sbr.rel @p0 .LBB2_2-.Ltmp0, $3  }
0x28: {  	_ =	sdelay $0x1  }
0x29: {  	s14 =	sshra.s32 s13, $0x2  }
0x2a: {  	s13 =	sadd.s32 $0x40, s13;
	[tilespmem:s14+$0x16800] =	vst v0  }
0x2b: {  	[dreg:$0x1d] =	wrdreg s15;
	s13 =	simm.s32 $0x40;
	s14 =	simm.s32 $0x0  }
.LBB2_4:
0x2c: {  	p0 =	sne.s32 s13, $0x1FC0;
	[tilespmem:s14+$0x16000] =	vst v0;
	s14 =	smov.u32 s13;
	s13 =	sadd.s32 $0x40, s13  }
.Ltmp1:
0x2d: {  	(pc) =	sbr.rel @p0 .LBB2_4-.Ltmp1, $2  }
0x2e: {  	_ =	sdelay $0x2  }
0x2f: {  	s14 =	sshra.s32 s14, $0x2  }
0x30: {  	[tilespmem:s14+$0x16000] =	vst v0;
	s13 =	simm.s32 $0x0;
	s21 =	rddreg [dreg:$0x5];
	s15 =	simm.s32 $0x15000  }
0x31: {  	[tilespmem:s15], [sflag:$0x3] =	stream.linear.gather [hbm4b:s21+s13], $0x800, $0x38;
	[tilespmem:$0x18700] =	vst v63  }
0x32: {  	s22 =	rddreg [dreg:$0x4]  }
0x33: {  	[tilespmem:s13], [sflag:$0x1] =	stream.linear.gather [hbm4b:s22+s13], $0x800, $0x38;
	[tilespmem:$0x18700] =	vst v63  }
0x34: {  	s16 =	simm.s32 $0x800;
	s15 =	rddreg [dreg:$0x6]  }
0x35: {  	[tilespmem:s16], [sflag:$0x1] =	stream.linear.gather [hbm4b:s15+s13], $0x800, $0x38;
	[tilespmem:$0x18700] =	vst v63  }
0x36: {  	s17 =	rddreg [dreg:$0x7];
	s18 =	simm.s32 $0x1000  }
0x37: {  	[tilespmem:s18], [sflag:$0x1] =	stream.linear.gather [hbm4b:s17+s13], $0x800, $0x38;
	[tilespmem:$0x18700] =	vst v63  }
0x38: {  	s19 =	rddreg [dreg:$0x8];
	s20 =	simm.s32 $0x1800  }
0x39: {  	[tilespmem:s20], [sflag:$0x1] =	stream.linear.gather [hbm4b:s19+s13], $0x800, $0x38;
	[tilespmem:$0x18700] =	vst v63  }
0x3a: {  	s21 =	rddreg [dreg:$0x9];
	s22 =	simm.s32 $0x2000  }
0x3b: {  	[tilespmem:s22], [sflag:$0x1] =	stream.linear.gather [hbm4b:s21+s13], $0x800, $0x38;
	[tilespmem:$0x18700] =	vst v63  }
0x3c: {  	s15 =	rddreg [dreg:$0xa];
	s16 =	simm.s32 $0x2800  }
0x3d: {  	[tilespmem:s16], [sflag:$0x1] =	stream.linear.gather [hbm4b:s15+s13], $0x800, $0x38;
	[tilespmem:$0x18700] =	vst v63  }
0x3e: {  	s17 =	rddreg [dreg:$0xb];
	s18 =	simm.s32 $0x3000  }
0x3f: {  	[tilespmem:s18], [sflag:$0x1] =	stream.linear.gather [hbm4b:s17+s13], $0x800, $0x38;
	[tilespmem:$0x18700] =	vst v63  }
0x40: {  	s19 =	rddreg [dreg:$0xc];
	s20 =	simm.s32 $0x3800  }
0x41: {  	[tilespmem:s20], [sflag:$0x1] =	stream.linear.gather [hbm4b:s19+s13], $0x800, $0x38;
	[tilespmem:$0x18700] =	vst v63  }
0x42: {  	s21 =	rddreg [dreg:$0xd];
	s22 =	simm.s32 $0x4000  }
0x43: {  	[tilespmem:s22], [sflag:$0x1] =	stream.linear.gather [hbm4b:s21+s13], $0x800, $0x38;
	[tilespmem:$0x18700] =	vst v63  }
0x44: {  	s15 =	rddreg [dreg:$0xe];
	s16 =	simm.s32 $0x4800  }
0x45: {  	[tilespmem:s16], [sflag:$0x1] =	stream.linear.gather [hbm4b:s15+s13], $0x800, $0x38;
	[tilespmem:$0x18700] =	vst v63  }
0x46: {  	s17 =	rddreg [dreg:$0xf];
	s18 =	simm.s32 $0x5000  }
0x47: {  	[tilespmem:s18], [sflag:$0x1] =	stream.linear.gather [hbm4b:s17+s13], $0x800, $0x38;
	[tilespmem:$0x18700] =	vst v63  }
0x48: {  	s19 =	rddreg [dreg:$0x10];
	s20 =	simm.s32 $0x5800  }
0x49: {  	[tilespmem:s20], [sflag:$0x1] =	stream.linear.gather [hbm4b:s19+s13], $0x800, $0x38;
	[tilespmem:$0x18700] =	vst v63  }
0x4a: {  	s21 =	rddreg [dreg:$0x11];
	s22 =	simm.s32 $0x6000  }
0x4b: {  	[tilespmem:s22], [sflag:$0x1] =	stream.linear.gather [hbm4b:s21+s13], $0x800, $0x38;
	[tilespmem:$0x18700] =	vst v63  }
0x4c: {  	s15 =	rddreg [dreg:$0x12];
	s16 =	simm.s32 $0x6800  }
0x4d: {  	[tilespmem:s16], [sflag:$0x1] =	stream.linear.gather [hbm4b:s15+s13], $0x800, $0x38;
	[tilespmem:$0x18700] =	vst v63  }
0x4e: {  	s17 =	rddreg [dreg:$0x14];
	s18 =	simm.s32 $0x7000  }
0x4f: {  	[tilespmem:s18], [sflag:$0x1] =	stream.linear.gather [hbm4b:s17+s13], $0x800, $0x38;
	[tilespmem:$0x18700] =	vst v63  }
0x50: {  	s19 =	rddreg [dreg:$0x16];
	s20 =	simm.s32 $0x7800  }
0x51: {  	[tilespmem:s20], [sflag:$0x1] =	stream.linear.gather [hbm4b:s19+s13], $0x800, $0x38;
	[tilespmem:$0x18700] =	vst v63  }
0x52: {  	s21 =	rddreg [dreg:$0x17];
	s22 =	simm.s32 $0x8000  }
0x53: {  	[tilespmem:s22], [sflag:$0x1] =	stream.linear.gather [hbm4b:s21+s13], $0x800, $0x38;
	[tilespmem:$0x18700] =	vst v63  }
0x54: {  	s15 =	rddreg [dreg:$0x18];
	s16 =	simm.s32 $0x8800  }
0x55: {  	[tilespmem:s16], [sflag:$0x1] =	stream.linear.gather [hbm4b:s15+s13], $0x800, $0x38;
	[tilespmem:$0x18700] =	vst v63  }
0x56: {  	s17 =	rddreg [dreg:$0x19];
	s18 =	simm.s32 $0x9000  }
0x57: {  	[tilespmem:s18], [sflag:$0x1] =	stream.linear.gather [hbm4b:s17+s13], $0x800, $0x38;
	[tilespmem:$0x18700] =	vst v63  }
.Ltmp2:
0x58: {  	_ = 	snop;
	(pc) =	sbr.rel .LBB2_6-.Ltmp2, $4  }
0x59: {  	s19 =	rddreg [dreg:$0x1a];
	s20 =	simm.s32 $0x9800  }
0x5a: {  	[tilespmem:s20], [sflag:$0x1] =	stream.linear.gather [hbm4b:s19+s13], $0x800, $0x38;
	[tilespmem:$0x18700] =	vst v63  }
0x5b: {  	s14 =	simm.s32 $0x0;
	s21 =	rddreg [dreg:$0x1b];
	s22 =	simm.s32 $0xA000  }
0x5c: {  	[tilespmem:s22], [sflag:$0x1] =	stream.linear.gather [hbm4b:s21+s13], $0x800, $0x38;
	[tilespmem:$0x18700] =	vst v63  }
.LBB2_18:
0x5d: {  	s14 =	sadd.s32 $0x1, s14  }
0x5e: {  	p0 =	sne.s32 s14, $0x10  }
.Ltmp3:
0x5f: {  	_ = 	snop;
	(pc) =	sbr.rel @!p0 .LBB2_19-.Ltmp3, $1  }
0x60: {  	_ =	sdelay $0x3  }
.LBB2_6:
0x61: {  	s15 =	sshll.u32 s14, $0xC  }
0x62: {  	s16 =	sor.u32 s6, s15  }
0x63: {  	s17 =	sor.u32 s7, s16  }
0x64: {  	s16 =	sor.u32 s5, s16;
	s17 =	sshrl.u32 s17, $0x3  }
0x65: {  	s18 =	simm.s32 $0x15800;
	s16 =	sshrl.u32 s16, $0x3;
	s17 =	sadd.s32 s17, s1  }
0x66: {  	[tilespmem:s18], [sflag:$0x4] =	stream.linear.gather [hbm4b:s17+s13], $0x800, $0x38;
	[tilespmem:$0x18700] =	vst v63  }
0x67: {  	s18 =	sadd.s32 s16, s9;
	s16 =	sadd.s32 s2, s16  }
0x68: {  	[tilespmem:s3], [sflag:$0x2] =	stream.linear.gather [hbm4b:s18+s13], $0x800, $0x38;
	[tilespmem:$0x18700] =	vst v63  }
0x69: {  	s20 =	simm.s32 $0xB000;
	s19 =	sadd.s32 $0x8100, s16  }
0x6a: {  	[tilespmem:s20], [sflag:$0x2] =	stream.linear.gather [hbm4b:s19+s13], $0x800, $0x38;
	[tilespmem:$0x18700] =	vst v63  }
0x6b: {  	s22 =	simm.s32 $0xB800;
	s21 =	sadd.s32 $0x10100, s16  }
0x6c: {  	[tilespmem:s22], [sflag:$0x2] =	stream.linear.gather [hbm4b:s21+s13], $0x800, $0x38;
	[tilespmem:$0x18700] =	vst v63  }
0x6d: {  	s19 =	sadd.s32 $0x18100, s16;
	s20 =	simm.s32 $0xC000  }
0x6e: {  	[tilespmem:s20], [sflag:$0x2] =	stream.linear.gather [hbm4b:s19+s13], $0x800, $0x38;
	[tilespmem:$0x18700] =	vst v63  }
0x6f: {  	s21 =	sadd.s32 $0x20100, s16;
	s22 =	simm.s32 $0xC800  }
0x70: {  	[tilespmem:s22], [sflag:$0x2] =	stream.linear.gather [hbm4b:s21+s13], $0x800, $0x38;
	[tilespmem:$0x18700] =	vst v63  }
0x71: {  	s19 =	sadd.s32 $0x28100, s16;
	s20 =	simm.s32 $0xD000  }
0x72: {  	[tilespmem:s20], [sflag:$0x2] =	stream.linear.gather [hbm4b:s19+s13], $0x800, $0x38;
	[tilespmem:$0x18700] =	vst v63  }
0x73: {  	s21 =	sadd.s32 $0x30100, s16;
	s22 =	simm.s32 $0xD800  }
0x74: {  	[tilespmem:s22], [sflag:$0x2] =	stream.linear.gather [hbm4b:s21+s13], $0x800, $0x38;
	[tilespmem:$0x18700] =	vst v63  }
0x75: {  	s19 =	sadd.s32 $0x38100, s16;
	s20 =	simm.s32 $0xE000  }
0x76: {  	[tilespmem:s20], [sflag:$0x2] =	stream.linear.gather [hbm4b:s19+s13], $0x800, $0x38;
	[tilespmem:$0x18700] =	vst v63  }
0x77: {  	s21 =	sadd.s32 $0x40100, s16;
	s22 =	simm.s32 $0xE800  }
0x78: {  	[tilespmem:s22], [sflag:$0x2] =	stream.linear.gather [hbm4b:s21+s13], $0x800, $0x38;
	[tilespmem:$0x18700] =	vst v63  }
0x79: {  	s19 =	sadd.s32 $0x48100, s16;
	s20 =	simm.s32 $0xF000  }
0x7a: {  	[tilespmem:s20], [sflag:$0x2] =	stream.linear.gather [hbm4b:s19+s13], $0x800, $0x38;
	[tilespmem:$0x18700] =	vst v63  }
0x7b: {  	s21 =	sadd.s32 $0x50100, s16;
	s22 =	simm.s32 $0xF800  }
0x7c: {  	[tilespmem:s22], [sflag:$0x2] =	stream.linear.gather [hbm4b:s21+s13], $0x800, $0x38;
	[tilespmem:$0x18700] =	vst v63  }
0x7d: {  	s18 =	sadd.s32 $0x58100, s16;
	s19 =	simm.s32 $0x10000  }
0x7e: {  	[tilespmem:s19], [sflag:$0x2] =	stream.linear.gather [hbm4b:s18+s13], $0x800, $0x38;
	[tilespmem:$0x18700] =	vst v63  }
0x7f: {  	s20 =	sadd.s32 $0x60100, s16;
	s21 =	simm.s32 $0x10800  }
0x80: {  	[tilespmem:s21], [sflag:$0x2] =	stream.linear.gather [hbm4b:s20+s13], $0x800, $0x38;
	[tilespmem:$0x18700] =	vst v63  }
0x81: {  	s22 =	sadd.s32 $0x68100, s16  }
0x82: {  	[tilespmem:s23], [sflag:$0x2] =	stream.linear.gather [hbm4b:s22+s13], $0x800, $0x38;
	[tilespmem:$0x18700] =	vst v63  }
0x83: {  	s18 =	sadd.s32 $0x70100, s16  }
0x84: {  	[tilespmem:s24], [sflag:$0x2] =	stream.linear.gather [hbm4b:s18+s13], $0x800, $0x38;
	[tilespmem:$0x18700] =	vst v63  }
0x85: {  	s19 =	sadd.s32 $0x78100, s16  }
0x86: {  	[tilespmem:s25], [sflag:$0x2] =	stream.linear.gather [hbm4b:s19+s13], $0x800, $0x38;
	[tilespmem:$0x18700] =	vst v63  }
0x87: {  	s20 =	sadd.s32 $0x80100, s16  }
0x88: {  	[tilespmem:s26], [sflag:$0x2] =	stream.linear.gather [hbm4b:s20+s13], $0x800, $0x38;
	[tilespmem:$0x18700] =	vst v63  }
0x89: {  	s21 =	sadd.s32 $0x88100, s16  }
0x8a: {  	[tilespmem:s28], [sflag:$0x2] =	stream.linear.gather [hbm4b:s21+s13], $0x800, $0x38;
	[tilespmem:$0x18700] =	vst v63  }
0x8b: {  	s22 =	sadd.s32 $0x90100, s16  }
0x8c: {  	[tilespmem:s29], [sflag:$0x2] =	stream.linear.gather [hbm4b:s22+s13], $0x800, $0x38;
	[tilespmem:$0x18700] =	vst v63  }
0x8d: {  	s18 =	sadd.s32 $0x98100, s16  }
0x8e: {  	[tilespmem:s30], [sflag:$0x2] =	stream.linear.gather [hbm4b:s18+s13], $0x800, $0x38;
	[tilespmem:$0x18700] =	vst v63  }
0x8f: {  	s16 =	sadd.s32 $0xA0100, s16  }
0x90: {  	[tilespmem:s31], [sflag:$0x2] =	stream.linear.gather [hbm4b:s16+s13], $0x800, $0x38;
	[tilespmem:$0x18700] =	vst v63  }
0x91: {  	s19 =	sand.u32 $0x380, s13;
	s20 =	sand.u32 $0x400, s13;
	_ =	swait.ge [sflag:s0], $0x800  }
0x92: {  	s21 =	sand.u32 $0x70, s13;
	s16 =	sor.u32 s19, s20;
	[sflag:s0] =	ssyncset.done $0x0  }
0x93: {  	s16 =	sor.u32 s21, s16;
	[sflag:s0] =	ssyncadd.s32 $0xFFFFF800  }
0x94: {  	v5 =	vld [tilespmem:s16+$0x15000];
	_ =	sdelay $0x4  }
0x95: {  	vm0 =	veq.s32 v5, $0x0  }
0x96: {  	v5 =	vmpcnt.ones.xlane vm0;
	_ =	sdelay $0x1  }
0x97: {  	v5 =	vxor.u32 $0x80000000, v5  }
0x98: {  	(xrf0) =	vmax.scan.msk.u32 $0xffff, v5;
	_ =	sdelay $0x3  }
0x99: {  	s22 =	simm.s32 $0x8  }
0x9a: {  	s17 =	simm.s32 $0x0;
	s18 =	simm.s32 $0x80;
	s20 =	sand.u32 $0x380, s22  }
0x9b: {  	v6 =	vor.u32 s13, v1;
	s19 =	simm.s32 $0x10;
	s21 =	sand.u32 $0x400, s18;
	s16 =	simm.s32 $0x10;
	v5, _, _ =	vpop (xrf0)  }
.LBB2_7:
0x9c: {  	p0 =	sne.s32 s19, $0x3F8;
	s22 =	sand.u32 $0x70, s16;
	s20 =	sor.u32 s20, s21;
	[tilespmem:s17+$0x16000] =	vst.msk vm0, v6;
	(v2sf) =	vpush v5, $0xF  }
0x9d: {  	s20 =	sor.u32 s22, s20;
	s22 =	smov.u32 s16  }
0x9e: {  	v5 =	vld [tilespmem:s20+$0x15000];
	_ =	sdelay $0x4  }
0x9f: {  	vm0 =	veq.s32 v5, $0x0  }
0xa0: {  	v5 =	vmpcnt.ones.xlane vm0;
	_ =	sdelay $0x1  }
0xa1: {  	v5 =	vxor.u32 $0x80000000, v5  }
0xa2: {  	(xrf0) =	vmax.scan.msk.u32 $0xffff, v5;
	_ =	sdelay $0x1  }
.Ltmp4:
0xa3: {  	(pc) =	sbr.rel @p0 .LBB2_7-.Ltmp4, $4  }
0xa4: {  	_ = 	snop  }
0xa5: {  	s16 =	sadd.s32 $0x10, s16;
	s21 =	spop (v2sf)  }
0xa6: {  	s18 =	sadd.s32 $0x80, s18;
	s20 =	sand.u32 $0x380, s19;
	s17 =	sadd.s32 s21, s17  }
0xa7: {  	s19 =	sadd.s32 $0x8, s19;
	v6 =	vor.u32 s22, v1;
	s21 =	sand.u32 $0x400, s18;
	v5, _, _ =	vpop (xrf0);
	s17 =	sadd.s32 $0x80000000, s17  }
0xa8: {  	s18 =	sand.u32 $0x70, s16;
	s19 =	sor.u32 s20, s21  }
0xa9: {  	[tilespmem:s17+$0x16000] =	vst.msk vm0, v6;
	s18 =	sor.u32 s18, s19  }
0xaa: {  	v6 =	vld [tilespmem:s18+$0x15000];
	_ =	sdelay $0x4  }
0xab: {  	vm15 =	veq.s32 v6, $0x0  }
0xac: {  	v6 =	vmpcnt.ones.xlane vm15;
	_ =	sdelay $0x1  }
0xad: {  	v6 =	vxor.u32 $0x80000000, v6  }
0xae: {  	(xrf0) =	vmax.scan.msk.u32 $0xffff, v6;
	_ =	sdelay $0x4  }
0xaf: {  	(v2sf) =	vpush v5, $0xF  }
0xb0: {  	v5, _, _ =	vpop (xrf0)  }
0xb1: {  	(v2sf) =	vpush v5, $0xF;
	_ =	sdelay $0xc  }
0xb2: {  	s19 =	spop (v2sf)  }
0xb3: {  	s20 =	sadd.s32 s19, s17  }
0xb4: {  	s17 =	sadd.s32 $0x80000000, s20;
	s18 =	spop (v2sf)  }
0xb5: {  	s21 =	sadd.s32 s18, s17  }
0xb6: {  	s19 =	sadd.s32 $0x80000000, s21  }
0xb7: {  	s19 =	sadd.s32 $0xF, s19  }
0xb8: {  	s22 =	sand.u32 $0xF, s19  }
0xb9: {  	s21 =	sshra.s32 s19, $0x1F;
	p1 =	slt.s32 s19, $0x1;
	p0 =	sne.s32 s22, $0x0  }
0xba: {  	s20 =	sshrl.u32 s21, $0x1C;
	p0 =	por !p1, !p0  }
0xbb: {  	s22 =	sadd.s32 s20, s19;
	s19 =	simm.s32 $0x1;
	p0 =	por !p0, !p0  }
0xbc: {  	v5 =	vor.u32 s16, v1;
	s16 =	sshra.s32 s22, $0x4;
	s19 =	simm.s32 @!p0 $0x0  }
0xbd: {  	s16 =	ssub.s32 s16, s19  }
0xbe: {  	p0 =	slt.s32 s16, $0x1  }
.Ltmp5:
0xbf: {  	_ = 	snop;
	(pc) =	sbr.rel @p0 .LBB2_11-.Ltmp5, $4  }
0xc0: {  	[tilespmem:s17+$0x16000] =	vst.msk vm15, v5  }
0xc1: {  	_ =	swait.ge [sflag:s10], $0xA800  }
0xc2: {  	[sflag:s10] =	ssyncset.done $0x0  }
0xc3: {  	[sflag:s10] =	ssyncadd.s32 $0xFFFF5800  }
0xc4: {  	s17 =	sadd.s32 s17, s18  }
0xc5: {  	s18 =	simm.s32 $0x16000;
	s17 =	sadd.s32 $0x80000000, s17  }
.LBB2_10:
0xc6: {  	v5 =	vld [tilespmem:s18+$0x0];
	_ =	sdelay $0x4  }
0xc7: {  	v6 =	vmov s17;
	v7 =	vand.u32 $0xFFFFF800, v5;
	v8 =	vshll.u32 v5, $0x3  }
0xc8: {  	v9 =	vand.u32 $0x7F, v5;
	v5 =	vshrl.u32 v5, $0x1;
	v8 =	vand.u32 $0x400, v8  }
0xc9: {  	v5 =	vand.u32 $0x380, v5;
	v10 =	vor.u32 v9, v8;
	v8 =	vor.u32 v8, v7  }
0xca: {  	vm0 =	vgt.s32 v6, v1;
	v6 =	vor.u32 v7, v10;
	v7 =	vor.u32 v5, v8  }
0xcb: {  	v5 =	vor.u32 v5, v6;
	v19 =	vor.u32 v9, v7  }
0xcc: {  	v6 =	vadd.s32 $0x800, v19  }
0xcd: {  	v7 =	vadd.s32 $0x1000, v19  }
0xce: {  	v57 =	vadd.s32 $0x1800, v19  }
0xcf: {  	v9 =	vadd.s32 $0x2000, v19  }
0xd0: {  	v58 =	vadd.s32 $0x2800, v19;
	v5 =	vld.idx.msk [tilespmem:v5+s4+$0x0], vm0  }
0xd1: {  	v11 =	vadd.s32 $0x3000, v19;
	v6 =	vld.idx.msk [tilespmem:v6+s4+$0x0], vm0  }
0xd2: {  	v12 =	vadd.s32 $0x3800, v19;
	v7 =	vld.idx.msk [tilespmem:v7+s4+$0x0], vm0  }
0xd3: {  	v13 =	vadd.s32 $0x4000, v19;
	v8 =	vld.idx.msk [tilespmem:v57+s4+$0x0], vm0  }
0xd4: {  	v14 =	vadd.s32 $0x4800, v19;
	v9 =	vld.idx.msk [tilespmem:v9+s4+$0x0], vm0  }
0xd5: {  	v15 =	vadd.s32 $0x5000, v19;
	v10 =	vld.idx.msk [tilespmem:v58+s4+$0x0], vm0  }
0xd6: {  	v16 =	vadd.s32 $0x5800, v19;
	v11 =	vld.idx.msk [tilespmem:v11+s4+$0x0], vm0  }
0xd7: {  	v17 =	vadd.s32 $0x6000, v19;
	v12 =	vld.idx.msk [tilespmem:v12+s4+$0x0], vm0  }
0xd8: {  	v18 =	vadd.s32 $0x6800, v19;
	v13 =	vld.idx.msk [tilespmem:v13+s4+$0x0], vm0  }
0xd9: {  	v20 =	vadd.s32 $0x7000, v19;
	v14 =	vld.idx.msk [tilespmem:v14+s4+$0x0], vm0  }
0xda: {  	v21 =	vadd.s32 $0x7800, v19;
	v15 =	vld.idx.msk [tilespmem:v15+s4+$0x0], vm0  }
0xdb: {  	v22 =	vadd.s32 $0x8000, v19;
	v16 =	vld.idx.msk [tilespmem:v16+s4+$0x0], vm0  }
0xdc: {  	v23 =	vadd.s32 $0x8800, v19;
	v17 =	vld.idx.msk [tilespmem:v17+s4+$0x0], vm0  }
0xdd: {  	v24 =	vadd.s32 $0x9000, v19;
	v18 =	vld.idx.msk [tilespmem:v18+s4+$0x0], vm0  }
0xde: {  	v25 =	vadd.s32 $0x9800, v19;
	v20 =	vld.idx.msk [tilespmem:v20+s4+$0x0], vm0  }
0xdf: {  	v21 =	vld.idx.msk [tilespmem:v21+s4+$0x0], vm0  }
0xe0: {  	v22 =	vld.idx.msk [tilespmem:v22+s4+$0x0], vm0  }
0xe1: {  	v19 =	vadd.s32 $0xA000, v19;
	v23 =	vld.idx.msk [tilespmem:v23+s4+$0x0], vm0  }
0xe2: {  	v24 =	vld.idx.msk [tilespmem:v24+s4+$0x0], vm0  }
0xe3: {  	v25 =	vld.idx.msk [tilespmem:v25+s4+$0x0], vm0;
	_ =	sdelay $0x1  }
0xe4: {  	v26 =	vmax.f32 v5, v6;
	v27 =	vmax.f32 v7, v8  }
0xe5: {  	v28 =	vld.idx.msk [tilespmem:v19+s4+$0x0], vm0;
	v59 =	vmax.f32 v9, v10;
	v29 =	vmax.f32 v11, v12;
	v30 =	vmax.f32 v13, v14  }
0xe6: {  	v31 =	vmax.f32 v15, v16;
	v32 =	vmax.f32 v17, v18;
	v33 =	vmax.f32 v20, v21  }
0xe7: {  	v34 =	vmax.f32 v22, v23;
	v35 =	vmax.f32 v24, v25;
	v26 =	vmax.f32 v26, v27  }
0xe8: {  	v19 =	vmax.f32 v59, v29;
	v60 =	vmax.f32 v30, v31;
	v61 =	vmax.f32 v32, v33  }
0xe9: {  	v62 =	vmax.f32 v34, v35;
	v19 =	vmax.f32 v26, v19;
	v63 =	vmax.f32 v60, v61  }
0xea: {  	v31 =	vmax.f32 v62, v28;
	v19 =	vmax.f32 v19, v63  }
0xeb: {  	v19 =	vmax.f32 v19, v31  }
0xec: {  	v32 =	vsub.f32 v5, v19  }
0xed: {  	v27 =	vsub.f32 v6, v19  }
0xee: {  	v33 =	vsub.f32 v7, v19;
	v26 =	vmul.f32 $1.442695020e+00, v32  }
0xef: {  	v34 =	vsub.f32 v8, v19;
	v27 =	vmul.f32 $1.442695020e+00, v27  }
0xf0: {  	v36 =	vsub.f32 v9, v19;
	v35 =	vmul.f32 $1.442695020e+00, v33;
	(erf) = vpow2.f32 v26  }
0xf1: {  	v38 =	vsub.f32 v10, v19;
	v37 =	vmul.f32 $1.442695020e+00, v34;
	(erf) = vpow2.f32 v27  }
0xf2: {  	v40 =	vsub.f32 v11, v19;
	v39 =	vmul.f32 $1.442695020e+00, v36;
	(erf) = vpow2.f32 v35  }
0xf3: {  	v42 =	vsub.f32 v12, v19;
	v41 =	vmul.f32 $1.442695020e+00, v38;
	(erf) = vpow2.f32 v37  }
0xf4: {  	v44 =	vsub.f32 v13, v19;
	v43 =	vmul.f32 $1.442695020e+00, v40;
	(erf) = vpow2.f32 v39  }
0xf5: {  	v46 =	vsub.f32 v14, v19;
	v45 =	vmul.f32 $1.442695020e+00, v42;
	(erf) = vpow2.f32 v41  }
0xf6: {  	v48 =	vsub.f32 v15, v19;
	v47 =	vmul.f32 $1.442695020e+00, v44;
	(erf) = vpow2.f32 v43  }
0xf7: {  	v50 =	vsub.f32 v16, v19;
	v49 =	vmul.f32 $1.442695020e+00, v46;
	(erf) = vpow2.f32 v45  }
0xf8: {  	v52 =	vsub.f32 v17, v19;
	v51 =	vmul.f32 $1.442695020e+00, v48;
	(erf) = vpow2.f32 v47  }
0xf9: {  	v54 =	vsub.f32 v18, v19;
	v53 =	vmul.f32 $1.442695020e+00, v50;
	v31 =	vpop (erf);
	(erf) = vpow2.f32 v49  }
0xfa: {  	v56 =	vsub.f32 v20, v19;
	v55 =	vmul.f32 $1.442695020e+00, v52;
	v32 =	vpop (erf);
	(erf) = vpow2.f32 v51  }
0xfb: {  	v59 =	vsub.f32 v21, v19;
	v58 =	vmul.f32 $1.442695020e+00, v54;
	v57 =	vpop (erf);
	(erf) = vpow2.f32 v53  }
0xfc: {  	v62 =	vsub.f32 v22, v19;
	v61 =	vmul.f32 $1.442695020e+00, v56;
	v60 =	vpop (erf);
	(erf) = vpow2.f32 v55  }
0xfd: {  	v46 =	vsub.f32 v23, v19;
	v45 =	vmul.f32 $1.442695020e+00, v59;
	v63 =	vpop (erf);
	(erf) = vpow2.f32 v58  }
0xfe: {  	v48 =	vsub.f32 v24, v19;
	v47 =	vmul.f32 $1.442695020e+00, v62;
	v36 =	vpop (erf);
	(erf) = vpow2.f32 v61  }
0xff: {  	v50 =	vsub.f32 v25, v19;
	v49 =	vmul.f32 $1.442695020e+00, v46;
	v37 =	vpop (erf);
	(erf) = vpow2.f32 v45  }
0x100: {  	v51 =	vmul.f32 $1.442695020e+00, v48;
	v38 =	vpop (erf);
	(erf) = vpow2.f32 v47  }
0x101: {  	v53 =	vmul.f32 $1.442695020e+00, v50;
	v52 =	vpop (erf);
	(erf) = vpow2.f32 v49  }
0x102: {  	v54 =	vpop (erf);
	(erf) = vpow2.f32 v51  }
0x103: {  	v40 =	vsub.f32 v28, v19;
	v55 =	vpop (erf);
	(erf) = vpow2.f32 v53  }
0x104: {  	v56 =	vpop (erf)  }
0x105: {  	v40 =	vmul.f32 $1.442695020e+00, v40;
	v39 =	vpop (erf)  }
0x106: {  	v31 =	vadd.f32 v32, v31;
	v57 =	vadd.f32 v60, v57;
	v41 =	vpop (erf)  }
0x107: {  	(erf) = vpow2.f32 v40;
	v42 =	vpop (erf)  }
0x108: {  	v59 =	vadd.f32 v36, v63;
	v31 =	vadd.f32 v57, v31;
	v43 =	vpop (erf)  }
0x109: {  	v60 =	vadd.f32 v38, v37;
	v29 =	vadd.f32 v54, v52;
	v44 =	vpop (erf)  }
0x10a: {  	v26 =	vadd.f32 v56, v55;
	v63 =	vadd.f32 v41, v39;
	v58 =	vpop (erf)  }
0x10b: {  	v41 =	vadd.f32 v60, v59;
	v40 =	vadd.f32 v43, v42;
	v61 =	vpop (erf)  }
0x10c: {  	v26 =	vadd.f32 v26, v29;
	v33 =	vadd.f32 v58, v44;
	v62 =	vpop (erf)  }
0x10d: {  	v42 =	vadd.f32 v40, v63;
	v27 =	vadd.f32 v62, v61  }
0x10e: {  	v43 =	vadd.f32 v41, v31  }
0x10f: {  	v26 =	vadd.f32 v42, v26;
	v27 =	vadd.f32 v27, v33  }
0x110: {  	vm1 =	veq.f32 v25, v19;
	vm2 =	veq.f32 v28, v19;
	v44 =	vpop (erf)  }
0x111: {  	v45 =	vsel vm2, $0x190, v3;
	v26 =	vadd.f32 v26, v43;
	v25 =	vadd.f32 v27, v44  }
0x112: {  	vm8 =	veq.f32 v24, v19;
	v46 =	vsel vm1, $0x17C, v45  }
0x113: {  	vm9 =	veq.f32 v23, v19;
	v24 =	vsel vm8, $0x168, v46;
	v47 =	vadd.f32 v26, v25  }
0x114: {  	vm10 =	veq.f32 v22, v19;
	v48 =	vsel vm9, $0x154, v24  }
0x115: {  	vm11 =	veq.f32 v21, v19;
	v49 =	vsel vm10, $0x140, v48;
	(erf) = vrcp.f32 v47  }
0x116: {  	vm12 =	veq.f32 v20, v19;
	v50 =	vsel vm11, $0x12C, v49  }
0x117: {  	vm13 =	veq.f32 v18, v19;
	v51 =	vsel vm12, $0x118, v50  }
0x118: {  	vm14 =	veq.f32 v17, v19;
	v52 =	vsel vm13, $0x104, v51  }
0x119: {  	vm15 =	veq.f32 v16, v19;
	v53 =	vsel vm14, $0xF0, v52  }
0x11a: {  	vm4 =	veq.f32 v15, v19;
	v54 =	vsel vm15, $0xDC, v53  }
0x11b: {  	vm5 =	veq.f32 v14, v19;
	v55 =	vsel vm4, $0xC8, v54  }
0x11c: {  	vm6 =	veq.f32 v13, v19;
	v56 =	vsel vm5, $0xB4, v55  }
0x11d: {  	vm7 =	veq.f32 v12, v19;
	v57 =	vsel vm6, $0xA0, v56  }
0x11e: {  	vm8 =	veq.f32 v11, v19;
	v12 =	vsel vm7, $0x8C, v57;
	v58 =	vpop (erf)  }
0x11f: {  	vm9 =	veq.f32 v10, v19;
	v60 =	vsel vm8, $0x78, v12;
	v59 =	vmul.f32 $2.000000000e+01, v58  }
0x120: {  	vm10 =	veq.f32 v9, v19;
	v61 =	vsel vm9, $0x64, v60  }
0x121: {  	vm11 =	veq.f32 v8, v19;
	v9 =	vsel vm10, $0x50, v61;
	v62 =	vtrunc.f32 v59  }
0x122: {  	vm12 =	veq.f32 v7, v19;
	v63 =	vsel vm11, $0x3C, v9;
	v7 =	vcvt.f32.s32 v62  }
0x123: {  	vm13 =	veq.f32 v6, v19;
	v6 =	vsel vm12, $0x28, v63  }
0x124: {  	vm14 =	veq.f32 v5, v19;
	v5 =	vsel vm13, $0x14, v6;
	vm15 =	vlt.s32 v7, $0x13  }
0x125: {  	v5 =	vsel vm14, $0x0, v5;
	v6 =	vnsel vm15, $0x13, v7  }
0x126: {  	v5 =	vadd.s32 v5, v6  }
0x127: {  	p0 =	sne.s32 s16, $0x1;
	v5 =	vadd.s32 v4, v5  }
.Ltmp6:
0x128: {  	_ = 	snop;
	(pc) =	sbr.rel @p0 .LBB2_10-.Ltmp6, $2  }
0x129: {  	_ =	sdelay $0x2  }
0x12a: {  	s18 =	sadd.s32 $0x10, s18;
	s17 =	sadd.s32 $0xFFFFFFF0, s17;
	s16 =	sadd.s32 $0xFFFFFFFF, s16;
	[tilespmem:v5+s8+$0x0] =	vst.idx.add.s32.msk vm0, v2  }
.LBB2_11:
0x12b: {  	p0 =	seq.s32 s14, $0xF  }
.Ltmp7:
0x12c: {  	_ = 	snop;
	(pc) =	sbr.rel @p0 .LBB2_13-.Ltmp7, $1  }
0x12d: {  	_ =	sdelay $0x3  }
0x12e: {  	s16 =	rddreg [dreg:$0x1c]  }
0x12f: {  	s15 =	sadd.s32 s15, s16  }
0x130: {  	s16 =	sadd.s32 s7, s15  }
0x131: {  	s17 =	rddreg [dreg:$0x1];
	s15 =	sadd.s32 s5, s15;
	s16 =	sshrl.u32 s16, $0x3  }
0x132: {  	s18 =	simm.s32 $0x15000;
	s15 =	sshrl.u32 s15, $0x3;
	s16 =	sadd.s32 s17, s16  }
0x133: {  	[tilespmem:s18], [sflag:$0x3] =	stream.linear.gather [hbm4b:s16+s4], $0x800, $0x38;
	[tilespmem:$0x18700] =	vst v63  }
0x134: {  	s15 =	sadd.s32 s2, s15  }
0x135: {  	[tilespmem:s4], [sflag:$0x1] =	stream.linear.gather [hbm4b:s15+s4], $0x800, $0x38;
	[tilespmem:$0x18700] =	vst v63  }
0x136: {  	s20 =	simm.s32 $0x800;
	s19 =	sadd.s32 $0x8000, s15  }
0x137: {  	[tilespmem:s20], [sflag:$0x1] =	stream.linear.gather [hbm4b:s19+s4], $0x800, $0x38;
	[tilespmem:$0x18700] =	vst v63  }
0x138: {  	s22 =	simm.s32 $0x1000;
	s21 =	sadd.s32 $0x10000, s15  }
0x139: {  	[tilespmem:s22], [sflag:$0x1] =	stream.linear.gather [hbm4b:s21+s4], $0x800, $0x38;
	[tilespmem:$0x18700] =	vst v63  }
0x13a: {  	s17 =	sadd.s32 $0x18000, s15;
	s18 =	simm.s32 $0x1800  }
0x13b: {  	[tilespmem:s18], [sflag:$0x1] =	stream.linear.gather [hbm4b:s17+s4], $0x800, $0x38;
	[tilespmem:$0x18700] =	vst v63  }
0x13c: {  	s19 =	sadd.s32 $0x20000, s15;
	s20 =	simm.s32 $0x2000  }
0x13d: {  	[tilespmem:s20], [sflag:$0x1] =	stream.linear.gather [hbm4b:s19+s4], $0x800, $0x38;
	[tilespmem:$0x18700] =	vst v63  }
0x13e: {  	s21 =	sadd.s32 $0x28000, s15;
	s22 =	simm.s32 $0x2800  }
0x13f: {  	[tilespmem:s22], [sflag:$0x1] =	stream.linear.gather [hbm4b:s21+s4], $0x800, $0x38;
	[tilespmem:$0x18700] =	vst v63  }
0x140: {  	s17 =	sadd.s32 $0x30000, s15;
	s18 =	simm.s32 $0x3000  }
0x141: {  	[tilespmem:s18], [sflag:$0x1] =	stream.linear.gather [hbm4b:s17+s4], $0x800, $0x38;
	[tilespmem:$0x18700] =	vst v63  }
0x142: {  	s19 =	sadd.s32 $0x38000, s15;
	s20 =	simm.s32 $0x3800  }
0x143: {  	[tilespmem:s20], [sflag:$0x1] =	stream.linear.gather [hbm4b:s19+s4], $0x800, $0x38;
	[tilespmem:$0x18700] =	vst v63  }
0x144: {  	s21 =	sadd.s32 $0x40000, s15;
	s22 =	simm.s32 $0x4000  }
0x145: {  	[tilespmem:s22], [sflag:$0x1] =	stream.linear.gather [hbm4b:s21+s4], $0x800, $0x38;
	[tilespmem:$0x18700] =	vst v63  }
0x146: {  	s17 =	sadd.s32 $0x48000, s15;
	s18 =	simm.s32 $0x4800  }
0x147: {  	[tilespmem:s18], [sflag:$0x1] =	stream.linear.gather [hbm4b:s17+s4], $0x800, $0x38;
	[tilespmem:$0x18700] =	vst v63  }
0x148: {  	s19 =	sadd.s32 $0x50000, s15;
	s20 =	simm.s32 $0x5000  }
0x149: {  	[tilespmem:s20], [sflag:$0x1] =	stream.linear.gather [hbm4b:s19+s4], $0x800, $0x38;
	[tilespmem:$0x18700] =	vst v63  }
0x14a: {  	s21 =	sadd.s32 $0x58000, s15;
	s22 =	simm.s32 $0x5800  }
0x14b: {  	[tilespmem:s22], [sflag:$0x1] =	stream.linear.gather [hbm4b:s21+s4], $0x800, $0x38;
	[tilespmem:$0x18700] =	vst v63  }
0x14c: {  	s17 =	sadd.s32 $0x60000, s15;
	s18 =	simm.s32 $0x6000  }
0x14d: {  	[tilespmem:s18], [sflag:$0x1] =	stream.linear.gather [hbm4b:s17+s4], $0x800, $0x38;
	[tilespmem:$0x18700] =	vst v63  }
0x14e: {  	s19 =	sadd.s32 $0x68000, s15;
	s20 =	simm.s32 $0x6800  }
0x14f: {  	[tilespmem:s20], [sflag:$0x1] =	stream.linear.gather [hbm4b:s19+s4], $0x800, $0x38;
	[tilespmem:$0x18700] =	vst v63  }
0x150: {  	s21 =	sadd.s32 $0x70000, s15;
	s22 =	simm.s32 $0x7000  }
0x151: {  	[tilespmem:s22], [sflag:$0x1] =	stream.linear.gather [hbm4b:s21+s4], $0x800, $0x38;
	[tilespmem:$0x18700] =	vst v63  }
0x152: {  	s17 =	sadd.s32 $0x78000, s15;
	s18 =	simm.s32 $0x7800  }
0x153: {  	[tilespmem:s18], [sflag:$0x1] =	stream.linear.gather [hbm4b:s17+s4], $0x800, $0x38;
	[tilespmem:$0x18700] =	vst v63  }
0x154: {  	s19 =	sadd.s32 $0x80000, s15;
	s20 =	simm.s32 $0x8000  }
0x155: {  	[tilespmem:s20], [sflag:$0x1] =	stream.linear.gather [hbm4b:s19+s4], $0x800, $0x38;
	[tilespmem:$0x18700] =	vst v63  }
0x156: {  	s21 =	sadd.s32 $0x88000, s15;
	s22 =	simm.s32 $0x8800  }
0x157: {  	[tilespmem:s22], [sflag:$0x1] =	stream.linear.gather [hbm4b:s21+s4], $0x800, $0x38;
	[tilespmem:$0x18700] =	vst v63  }
0x158: {  	s18 =	sadd.s32 $0x90000, s15;
	s19 =	simm.s32 $0x9000  }
0x159: {  	[tilespmem:s19], [sflag:$0x1] =	stream.linear.gather [hbm4b:s18+s4], $0x800, $0x38;
	[tilespmem:$0x18700] =	vst v63  }
0x15a: {  	s20 =	sadd.s32 $0x98000, s15;
	s21 =	simm.s32 $0x9800  }
0x15b: {  	[tilespmem:s21], [sflag:$0x1] =	stream.linear.gather [hbm4b:s20+s4], $0x800, $0x38;
	[tilespmem:$0x18700] =	vst v63  }
0x15c: {  	s15 =	sadd.s32 $0xA0000, s15;
	s22 =	simm.s32 $0xA000  }
0x15d: {  	[tilespmem:s22], [sflag:$0x1] =	stream.linear.gather [hbm4b:s15+s4], $0x800, $0x38;
	[tilespmem:$0x18700] =	vst v63  }
.LBB2_13:
0x15e: {  	s16 =	simm.s32 $0x0  }
0x15f: {  	_ =	swait.ge [sflag:s11], $0x800;
	s15 =	sand.u32 $0x380, s16;
	s17 =	sand.u32 $0x400, s16  }
0x160: {  	[sflag:s11] =	ssyncset.done $0x0;
	s18 =	sand.u32 $0x70, s16;
	s15 =	sor.u32 s15, s17  }
0x161: {  	[sflag:s11] =	ssyncadd.s32 $0xFFFFF800;
	s15 =	sor.u32 s18, s15  }
0x162: {  	v5 =	vld [tilespmem:s15+$0x15800];
	_ =	sdelay $0x4  }
0x163: {  	vm0 =	veq.s32 v5, $0x0  }
0x164: {  	v5 =	vmpcnt.ones.xlane vm0;
	_ =	sdelay $0x1  }
0x165: {  	v5 =	vxor.u32 $0x80000000, v5  }
0x166: {  	(xrf0) =	vmax.scan.msk.u32 $0xffff, v5;
	_ =	sdelay $0x3  }
0x167: {  	s22 =	simm.s32 $0x8  }
0x168: {  	s19 =	sand.u32 $0x380, s22;
	s17 =	simm.s32 $0x80  }
0x169: {  	v6 =	vor.u32 s16, v1;
	s20 =	sand.u32 $0x400, s17;
	s18 =	simm.s32 $0x10;
	s15 =	simm.s32 $0x10;
	v5, _, _ =	vpop (xrf0)  }
.LBB2_14:
0x16a: {  	p0 =	sne.s32 s18, $0x3F8;
	s21 =	sand.u32 $0x70, s15;
	s19 =	sor.u32 s19, s20;
	[tilespmem:s16+$0x16000] =	vst.msk vm0, v6;
	(v2sf) =	vpush v5, $0xF  }
0x16b: {  	s19 =	sor.u32 s21, s19;
	s21 =	smov.u32 s15  }
0x16c: {  	v5 =	vld [tilespmem:s19+$0x15800];
	_ =	sdelay $0x4  }
0x16d: {  	vm0 =	veq.s32 v5, $0x0  }
0x16e: {  	v5 =	vmpcnt.ones.xlane vm0;
	_ =	sdelay $0x1  }
0x16f: {  	v5 =	vxor.u32 $0x80000000, v5  }
0x170: {  	(xrf0) =	vmax.scan.msk.u32 $0xffff, v5;
	_ =	sdelay $0x1  }
.Ltmp8:
0x171: {  	(pc) =	sbr.rel @p0 .LBB2_14-.Ltmp8, $4  }
0x172: {  	_ = 	snop  }
0x173: {  	s15 =	sadd.s32 $0x10, s15;
	s20 =	spop (v2sf)  }
0x174: {  	s17 =	sadd.s32 $0x80, s17;
	s19 =	sand.u32 $0x380, s18;
	s16 =	sadd.s32 s20, s16  }
0x175: {  	s18 =	sadd.s32 $0x8, s18;
	v6 =	vor.u32 s21, v1;
	s20 =	sand.u32 $0x400, s17;
	v5, _, _ =	vpop (xrf0);
	s16 =	sadd.s32 $0x80000000, s16  }
0x176: {  	s17 =	sand.u32 $0x70, s15;
	s18 =	sor.u32 s19, s20  }
0x177: {  	[tilespmem:s16+$0x16000] =	vst.msk vm0, v6;
	s17 =	sor.u32 s17, s18  }
0x178: {  	v6 =	vld [tilespmem:s17+$0x15800];
	_ =	sdelay $0x4  }
0x179: {  	vm15 =	veq.s32 v6, $0x0  }
0x17a: {  	v6 =	vmpcnt.ones.xlane vm15;
	_ =	sdelay $0x1  }
0x17b: {  	v6 =	vxor.u32 $0x80000000, v6  }
0x17c: {  	(xrf0) =	vmax.scan.msk.u32 $0xffff, v6;
	_ =	sdelay $0x4  }
0x17d: {  	(v2sf) =	vpush v5, $0xF  }
0x17e: {  	v5, _, _ =	vpop (xrf0)  }
0x17f: {  	(v2sf) =	vpush v5, $0xF;
	_ =	sdelay $0xc  }
0x180: {  	s22 =	spop (v2sf)  }
0x181: {  	s18 =	sadd.s32 s22, s16  }
0x182: {  	s16 =	sadd.s32 $0x80000000, s18;
	s17 =	spop (v2sf)  }
0x183: {  	s19 =	sadd.s32 s17, s16  }
0x184: {  	s18 =	sadd.s32 $0x80000000, s19  }
0x185: {  	s18 =	sadd.s32 $0xF, s18  }
0x186: {  	s20 =	sand.u32 $0xF, s18  }
0x187: {  	s21 =	sshra.s32 s18, $0x1F;
	p1 =	slt.s32 s18, $0x1;
	p0 =	sne.s32 s20, $0x0  }
0x188: {  	s19 =	sshrl.u32 s21, $0x1C;
	p0 =	por !p1, !p0  }
0x189: {  	s22 =	sadd.s32 s19, s18;
	s18 =	simm.s32 $0x1;
	p0 =	por !p0, !p0  }
0x18a: {  	v5 =	vor.u32 s15, v1;
	s15 =	sshra.s32 s22, $0x4;
	s18 =	simm.s32 @!p0 $0x0  }
0x18b: {  	s15 =	ssub.s32 s15, s18  }
0x18c: {  	p0 =	slt.s32 s15, $0x1  }
.Ltmp9:
0x18d: {  	_ = 	snop;
	(pc) =	sbr.rel @p0 .LBB2_18-.Ltmp9, $4  }
0x18e: {  	[tilespmem:s16+$0x16000] =	vst.msk vm15, v5  }
0x18f: {  	_ =	swait.ge [sflag:s12], $0xA800  }
0x190: {  	[sflag:s12] =	ssyncset.done $0x0  }
0x191: {  	[sflag:s12] =	ssyncadd.s32 $0xFFFF5800  }
0x192: {  	s16 =	sadd.s32 s16, s17  }
0x193: {  	s17 =	simm.s32 $0x16000;
	s16 =	sadd.s32 $0x80000000, s16  }
.LBB2_17:
0x194: {  	v5 =	vld [tilespmem:s17+$0x0];
	_ =	sdelay $0x4  }
0x195: {  	v6 =	vmov s16;
	v7 =	vand.u32 $0xFFFFF800, v5;
	v8 =	vshll.u32 v5, $0x3  }
0x196: {  	v9 =	vand.u32 $0x7F, v5;
	v5 =	vshrl.u32 v5, $0x1;
	v8 =	vand.u32 $0x400, v8  }
0x197: {  	v5 =	vand.u32 $0x380, v5;
	v10 =	vor.u32 v9, v8;
	v8 =	vor.u32 v8, v7  }
0x198: {  	vm0 =	vgt.s32 v6, v1;
	v6 =	vor.u32 v7, v10;
	v7 =	vor.u32 v5, v8  }
0x199: {  	v5 =	vor.u32 v5, v6;
	v19 =	vor.u32 v9, v7  }
0x19a: {  	v6 =	vadd.s32 $0x800, v19  }
0x19b: {  	v7 =	vadd.s32 $0x1000, v19  }
0x19c: {  	v57 =	vadd.s32 $0x1800, v19  }
0x19d: {  	v9 =	vadd.s32 $0x2000, v19  }
0x19e: {  	v58 =	vadd.s32 $0x2800, v19;
	v5 =	vld.idx.msk [tilespmem:v5+s3+$0x0], vm0  }
0x19f: {  	v11 =	vadd.s32 $0x3000, v19;
	v6 =	vld.idx.msk [tilespmem:v6+s3+$0x0], vm0  }
0x1a0: {  	v12 =	vadd.s32 $0x3800, v19;
	v7 =	vld.idx.msk [tilespmem:v7+s3+$0x0], vm0  }
0x1a1: {  	v13 =	vadd.s32 $0x4000, v19;
	v8 =	vld.idx.msk [tilespmem:v57+s3+$0x0], vm0  }
0x1a2: {  	v14 =	vadd.s32 $0x4800, v19;
	v9 =	vld.idx.msk [tilespmem:v9+s3+$0x0], vm0  }
0x1a3: {  	v15 =	vadd.s32 $0x5000, v19;
	v10 =	vld.idx.msk [tilespmem:v58+s3+$0x0], vm0  }
0x1a4: {  	v16 =	vadd.s32 $0x5800, v19;
	v11 =	vld.idx.msk [tilespmem:v11+s3+$0x0], vm0  }
0x1a5: {  	v17 =	vadd.s32 $0x6000, v19;
	v12 =	vld.idx.msk [tilespmem:v12+s3+$0x0], vm0  }
0x1a6: {  	v18 =	vadd.s32 $0x6800, v19;
	v13 =	vld.idx.msk [tilespmem:v13+s3+$0x0], vm0  }
0x1a7: {  	v20 =	vadd.s32 $0x7000, v19;
	v14 =	vld.idx.msk [tilespmem:v14+s3+$0x0], vm0  }
0x1a8: {  	v21 =	vadd.s32 $0x7800, v19;
	v15 =	vld.idx.msk [tilespmem:v15+s3+$0x0], vm0  }
0x1a9: {  	v22 =	vadd.s32 $0x8000, v19;
	v16 =	vld.idx.msk [tilespmem:v16+s3+$0x0], vm0  }
0x1aa: {  	v23 =	vadd.s32 $0x8800, v19;
	v17 =	vld.idx.msk [tilespmem:v17+s3+$0x0], vm0  }
0x1ab: {  	v24 =	vadd.s32 $0x9000, v19;
	v18 =	vld.idx.msk [tilespmem:v18+s3+$0x0], vm0  }
0x1ac: {  	v25 =	vadd.s32 $0x9800, v19;
	v20 =	vld.idx.msk [tilespmem:v20+s3+$0x0], vm0  }
0x1ad: {  	v21 =	vld.idx.msk [tilespmem:v21+s3+$0x0], vm0  }
0x1ae: {  	v22 =	vld.idx.msk [tilespmem:v22+s3+$0x0], vm0  }
0x1af: {  	v19 =	vadd.s32 $0xA000, v19;
	v23 =	vld.idx.msk [tilespmem:v23+s3+$0x0], vm0  }
0x1b0: {  	v24 =	vld.idx.msk [tilespmem:v24+s3+$0x0], vm0  }
0x1b1: {  	v25 =	vld.idx.msk [tilespmem:v25+s3+$0x0], vm0;
	_ =	sdelay $0x1  }
0x1b2: {  	v26 =	vmax.f32 v5, v6;
	v27 =	vmax.f32 v7, v8  }
0x1b3: {  	v28 =	vld.idx.msk [tilespmem:v19+s3+$0x0], vm0;
	v59 =	vmax.f32 v9, v10;
	v29 =	vmax.f32 v11, v12;
	v30 =	vmax.f32 v13, v14  }
0x1b4: {  	v31 =	vmax.f32 v15, v16;
	v32 =	vmax.f32 v17, v18;
	v33 =	vmax.f32 v20, v21  }
0x1b5: {  	v34 =	vmax.f32 v22, v23;
	v35 =	vmax.f32 v24, v25;
	v26 =	vmax.f32 v26, v27  }
0x1b6: {  	v19 =	vmax.f32 v59, v29;
	v60 =	vmax.f32 v30, v31;
	v61 =	vmax.f32 v32, v33  }
0x1b7: {  	v62 =	vmax.f32 v34, v35;
	v19 =	vmax.f32 v26, v19;
	v63 =	vmax.f32 v60, v61  }
0x1b8: {  	v31 =	vmax.f32 v62, v28;
	v19 =	vmax.f32 v19, v63  }
0x1b9: {  	v19 =	vmax.f32 v19, v31  }
0x1ba: {  	v32 =	vsub.f32 v5, v19  }
0x1bb: {  	v27 =	vsub.f32 v6, v19  }
0x1bc: {  	v33 =	vsub.f32 v7, v19;
	v26 =	vmul.f32 $1.442695020e+00, v32  }
0x1bd: {  	v34 =	vsub.f32 v8, v19;
	v27 =	vmul.f32 $1.442695020e+00, v27  }
0x1be: {  	v36 =	vsub.f32 v9, v19;
	v35 =	vmul.f32 $1.442695020e+00, v33;
	(erf) = vpow2.f32 v26  }
0x1bf: {  	v38 =	vsub.f32 v10, v19;
	v37 =	vmul.f32 $1.442695020e+00, v34;
	(erf) = vpow2.f32 v27  }
0x1c0: {  	v40 =	vsub.f32 v11, v19;
	v39 =	vmul.f32 $1.442695020e+00, v36;
	(erf) = vpow2.f32 v35  }
0x1c1: {  	v42 =	vsub.f32 v12, v19;
	v41 =	vmul.f32 $1.442695020e+00, v38;
	(erf) = vpow2.f32 v37  }
0x1c2: {  	v44 =	vsub.f32 v13, v19;
	v43 =	vmul.f32 $1.442695020e+00, v40;
	(erf) = vpow2.f32 v39  }
0x1c3: {  	v46 =	vsub.f32 v14, v19;
	v45 =	vmul.f32 $1.442695020e+00, v42;
	(erf) = vpow2.f32 v41  }
0x1c4: {  	v48 =	vsub.f32 v15, v19;
	v47 =	vmul.f32 $1.442695020e+00, v44;
	(erf) = vpow2.f32 v43  }
0x1c5: {  	v50 =	vsub.f32 v16, v19;
	v49 =	vmul.f32 $1.442695020e+00, v46;
	(erf) = vpow2.f32 v45  }
0x1c6: {  	v52 =	vsub.f32 v17, v19;
	v51 =	vmul.f32 $1.442695020e+00, v48;
	(erf) = vpow2.f32 v47  }
0x1c7: {  	v54 =	vsub.f32 v18, v19;
	v53 =	vmul.f32 $1.442695020e+00, v50;
	v31 =	vpop (erf);
	(erf) = vpow2.f32 v49  }
0x1c8: {  	v56 =	vsub.f32 v20, v19;
	v55 =	vmul.f32 $1.442695020e+00, v52;
	v32 =	vpop (erf);
	(erf) = vpow2.f32 v51  }
0x1c9: {  	v59 =	vsub.f32 v21, v19;
	v58 =	vmul.f32 $1.442695020e+00, v54;
	v57 =	vpop (erf);
	(erf) = vpow2.f32 v53  }
0x1ca: {  	v62 =	vsub.f32 v22, v19;
	v61 =	vmul.f32 $1.442695020e+00, v56;
	v60 =	vpop (erf);
	(erf) = vpow2.f32 v55  }
0x1cb: {  	v46 =	vsub.f32 v23, v19;
	v45 =	vmul.f32 $1.442695020e+00, v59;
	v63 =	vpop (erf);
	(erf) = vpow2.f32 v58  }
0x1cc: {  	v48 =	vsub.f32 v24, v19;
	v47 =	vmul.f32 $1.442695020e+00, v62;
	v36 =	vpop (erf);
	(erf) = vpow2.f32 v61  }
0x1cd: {  	v50 =	vsub.f32 v25, v19;
	v49 =	vmul.f32 $1.442695020e+00, v46;
	v37 =	vpop (erf);
	(erf) = vpow2.f32 v45  }
0x1ce: {  	v51 =	vmul.f32 $1.442695020e+00, v48;
	v38 =	vpop (erf);
	(erf) = vpow2.f32 v47  }
0x1cf: {  	v53 =	vmul.f32 $1.442695020e+00, v50;
	v52 =	vpop (erf);
	(erf) = vpow2.f32 v49  }
0x1d0: {  	v54 =	vpop (erf);
	(erf) = vpow2.f32 v51  }
0x1d1: {  	v40 =	vsub.f32 v28, v19;
	v55 =	vpop (erf);
	(erf) = vpow2.f32 v53  }
0x1d2: {  	v56 =	vpop (erf)  }
0x1d3: {  	v40 =	vmul.f32 $1.442695020e+00, v40;
	v39 =	vpop (erf)  }
0x1d4: {  	v31 =	vadd.f32 v32, v31;
	v57 =	vadd.f32 v60, v57;
	v41 =	vpop (erf)  }
0x1d5: {  	(erf) = vpow2.f32 v40;
	v42 =	vpop (erf)  }
0x1d6: {  	v59 =	vadd.f32 v36, v63;
	v31 =	vadd.f32 v57, v31;
	v43 =	vpop (erf)  }
0x1d7: {  	v60 =	vadd.f32 v38, v37;
	v29 =	vadd.f32 v54, v52;
	v44 =	vpop (erf)  }
0x1d8: {  	v26 =	vadd.f32 v56, v55;
	v63 =	vadd.f32 v41, v39;
	v58 =	vpop (erf)  }
0x1d9: {  	v41 =	vadd.f32 v60, v59;
	v40 =	vadd.f32 v43, v42;
	v61 =	vpop (erf)  }
0x1da: {  	v26 =	vadd.f32 v26, v29;
	v33 =	vadd.f32 v58, v44;
	v62 =	vpop (erf)  }
0x1db: {  	v42 =	vadd.f32 v40, v63;
	v27 =	vadd.f32 v62, v61  }
0x1dc: {  	v43 =	vadd.f32 v41, v31  }
0x1dd: {  	v26 =	vadd.f32 v42, v26;
	v27 =	vadd.f32 v27, v33  }
0x1de: {  	vm1 =	veq.f32 v25, v19;
	vm2 =	veq.f32 v28, v19;
	v44 =	vpop (erf)  }
0x1df: {  	v45 =	vsel vm2, $0x190, v3;
	v26 =	vadd.f32 v26, v43;
	v25 =	vadd.f32 v27, v44  }
0x1e0: {  	vm8 =	veq.f32 v24, v19;
	v46 =	vsel vm1, $0x17C, v45  }
0x1e1: {  	vm9 =	veq.f32 v23, v19;
	v24 =	vsel vm8, $0x168, v46;
	v47 =	vadd.f32 v26, v25  }
0x1e2: {  	vm10 =	veq.f32 v22, v19;
	v48 =	vsel vm9, $0x154, v24  }
0x1e3: {  	vm11 =	veq.f32 v21, v19;
	v49 =	vsel vm10, $0x140, v48;
	(erf) = vrcp.f32 v47  }
0x1e4: {  	vm12 =	veq.f32 v20, v19;
	v50 =	vsel vm11, $0x12C, v49  }
0x1e5: {  	vm13 =	veq.f32 v18, v19;
	v51 =	vsel vm12, $0x118, v50  }
0x1e6: {  	vm14 =	veq.f32 v17, v19;
	v52 =	vsel vm13, $0x104, v51  }
0x1e7: {  	vm15 =	veq.f32 v16, v19;
	v53 =	vsel vm14, $0xF0, v52  }
0x1e8: {  	vm4 =	veq.f32 v15, v19;
	v54 =	vsel vm15, $0xDC, v53  }
0x1e9: {  	vm5 =	veq.f32 v14, v19;
	v55 =	vsel vm4, $0xC8, v54  }
0x1ea: {  	vm6 =	veq.f32 v13, v19;
	v56 =	vsel vm5, $0xB4, v55  }
0x1eb: {  	vm7 =	veq.f32 v12, v19;
	v57 =	vsel vm6, $0xA0, v56  }
0x1ec: {  	vm8 =	veq.f32 v11, v19;
	v12 =	vsel vm7, $0x8C, v57;
	v58 =	vpop (erf)  }
0x1ed: {  	vm9 =	veq.f32 v10, v19;
	v60 =	vsel vm8, $0x78, v12;
	v59 =	vmul.f32 $2.000000000e+01, v58  }
0x1ee: {  	vm10 =	veq.f32 v9, v19;
	v61 =	vsel vm9, $0x64, v60  }
0x1ef: {  	vm11 =	veq.f32 v8, v19;
	v9 =	vsel vm10, $0x50, v61;
	v62 =	vtrunc.f32 v59  }
0x1f0: {  	vm12 =	veq.f32 v7, v19;
	v63 =	vsel vm11, $0x3C, v9;
	v7 =	vcvt.f32.s32 v62  }
0x1f1: {  	vm13 =	veq.f32 v6, v19;
	v6 =	vsel vm12, $0x28, v63  }
0x1f2: {  	vm14 =	veq.f32 v5, v19;
	v5 =	vsel vm13, $0x14, v6;
	vm15 =	vlt.s32 v7, $0x13  }
0x1f3: {  	v5 =	vsel vm14, $0x0, v5;
	v6 =	vnsel vm15, $0x13, v7  }
0x1f4: {  	v5 =	vadd.s32 v5, v6  }
0x1f5: {  	p0 =	sne.s32 s15, $0x1;
	v5 =	vadd.s32 v4, v5  }
.Ltmp10:
0x1f6: {  	_ = 	snop;
	(pc) =	sbr.rel @p0 .LBB2_17-.Ltmp10, $2  }
0x1f7: {  	_ =	sdelay $0x2  }
0x1f8: {  	s17 =	sadd.s32 $0x10, s17;
	s16 =	sadd.s32 $0xFFFFFFF0, s16;
	s15 =	sadd.s32 $0xFFFFFFFF, s15;
	[tilespmem:v5+s8+$0x0] =	vst.idx.add.s32.msk vm0, v2  }
.Ltmp11:
0x1f9: {  	_ = 	snop;
	(pc) =	sbr.rel .LBB2_18-.Ltmp11, $1  }
0x1fa: {  	_ =	sdelay $0x3  }
.LBB2_19:
0x1fb: {  	s14 =	simm.s32 $0x0  }
0x1fc: {  	v5 =	vld [tilespmem:s14+$0x169B0]  }
0x1fd: {  	v6 =	vld [tilespmem:s14+$0x16800]  }
0x1fe: {  	v7 =	vld [tilespmem:s14+$0x16B60]  }
0x1ff: {  	v8 =	vld [tilespmem:s14+$0x16D10]  }
0x200: {  	v9 =	vld [tilespmem:s14+$0x16EC0]  }
0x201: {  	v10 =	vld [tilespmem:s14+$0x17070]  }
0x202: {  	s13 =	simm.s32 $0x0;
	v5 =	vadd.s32 v6, v5;
	v6 =	vld [tilespmem:s14+$0x17220]  }
0x203: {  	s15 =	sand.u32 $0x1F0, s13;
	v5 =	vadd.s32 v7, v5;
	v7 =	vld [tilespmem:s14+$0x173D0]  }
0x204: {  	v58 =	vld [tilespmem:s15+$0x17580];
	v5 =	vadd.s32 v8, v5  }
0x205: {  	v59 =	vld [tilespmem:s14+$0x17730];
	v5 =	vadd.s32 v9, v5  }
0x206: {  	v60 =	vld [tilespmem:s14+$0x178E0];
	v5 =	vadd.s32 v10, v5  }
0x207: {  	v5 =	vadd.s32 v6, v5;
	v6 =	vld [tilespmem:s14+$0x17A90]  }
0x208: {  	v5 =	vadd.s32 v7, v5;
	v7 =	vld [tilespmem:s14+$0x17C40]  }
0x209: {  	v61 =	vld [tilespmem:s14+$0x17DF0];
	v5 =	vadd.s32 v58, v5  }
0x20a: {  	v62 =	vld [tilespmem:s14+$0x17FA0];
	v5 =	vadd.s32 v59, v5  }
0x20b: {  	v63 =	vld [tilespmem:s14+$0x18150];
	v5 =	vadd.s32 v60, v5  }
0x20c: {  	v5 =	vadd.s32 v6, v5  }
0x20d: {  	v5 =	vadd.s32 v7, v5  }
0x20e: {  	s21 =	sand.u32 $0x600, s13;
	v5 =	vadd.s32 v61, v5  }
0x20f: {  	s22 =	sand.u32 $0x70, s13;
	s14 =	sshrl.u32 s21, $0x2;
	v5 =	vadd.s32 v62, v5  }
0x210: {  	s14 =	sor.u32 s22, s14;
	v5 =	vadd.s32 v63, v5  }
0x211: {  	s15 =	simm.s32 $0x10;
	[tilespmem:s14+$0x18300] =	vst v5  }
0x212: {  	s16 =	simm.s32 $0x80;
	s14 =	simm.s32 $0x40;
	v5 =	vld [tilespmem:s15+$0x169B0]  }
.LBB2_20:
0x213: {  	p0 =	sne.s32 s16, $0x680;
	v6 =	vld [tilespmem:s15+$0x16800]  }
0x214: {  	v7 =	vld [tilespmem:s15+$0x16B60]  }
0x215: {  	v8 =	vld [tilespmem:s15+$0x16D10]  }
0x216: {  	v9 =	vld [tilespmem:s15+$0x16EC0]  }
0x217: {  	v10 =	vld [tilespmem:s15+$0x17070]  }
0x218: {  	s13 =	sadd.s32 $0x10, s13;
	v5 =	vadd.s32 v6, v5;
	v6 =	vld [tilespmem:s15+$0x17220]  }
0x219: {  	s17 =	sand.u32 $0x1F0, s13;
	v5 =	vadd.s32 v7, v5;
	v7 =	vld [tilespmem:s15+$0x173D0]  }
0x21a: {  	v5 =	vadd.s32 v8, v5;
	v8 =	vld [tilespmem:s17+$0x17580]  }
0x21b: {  	v5 =	vadd.s32 v9, v5;
	v9 =	vld [tilespmem:s15+$0x17730]  }
0x21c: {  	v5 =	vadd.s32 v10, v5;
	v10 =	vld [tilespmem:s15+$0x178E0]  }
0x21d: {  	v5 =	vadd.s32 v6, v5;
	v6 =	vld [tilespmem:s15+$0x17A90]  }
0x21e: {  	v5 =	vadd.s32 v7, v5;
	v7 =	vld [tilespmem:s15+$0x17C40]  }
0x21f: {  	v5 =	vadd.s32 v8, v5;
	v8 =	vld [tilespmem:s15+$0x17DF0]  }
0x220: {  	v5 =	vadd.s32 v9, v5;
	v9 =	vld [tilespmem:s15+$0x17FA0]  }
0x221: {  	v5 =	vadd.s32 v10, v5;
	v10 =	vld [tilespmem:s15+$0x18150]  }
0x222: {  	v5 =	vadd.s32 v6, v5  }
0x223: {  	v5 =	vadd.s32 v7, v5  }
.Ltmp12:
0x224: {  	s15 =	sand.u32 $0x600, s14;
	s14 =	smov.u32 s16;
	v5 =	vadd.s32 v8, v5;
	(pc) =	sbr.rel @p0 .LBB2_20-.Ltmp12, $4  }
0x225: {  	s17 =	sand.u32 $0x70, s13;
	s15 =	sshrl.u32 s15, $0x2;
	v5 =	vadd.s32 v9, v5  }
0x226: {  	s17 =	sor.u32 s17, s15;
	v5 =	vadd.s32 v10, v5  }
0x227: {  	s15 =	sshra.s32 s16, $0x2;
	[tilespmem:s17+$0x18300] =	vst v5  }
0x228: {  	s16 =	sadd.s32 $0x40, s16;
	v5 =	vld [tilespmem:s15+$0x169B0]  }
0x229: {  	v6 =	vld [tilespmem:s15+$0x16800]  }
0x22a: {  	v7 =	vld [tilespmem:s15+$0x16B60]  }
0x22b: {  	v8 =	vld [tilespmem:s15+$0x16D10]  }
0x22c: {  	v9 =	vld [tilespmem:s15+$0x16EC0]  }
0x22d: {  	v10 =	vld [tilespmem:s15+$0x17070]  }
0x22e: {  	s13 =	sadd.s32 $0x10, s13;
	v5 =	vadd.s32 v6, v5;
	v6 =	vld [tilespmem:s15+$0x17220]  }
0x22f: {  	s16 =	sand.u32 $0x1F0, s13;
	v5 =	vadd.s32 v7, v5;
	v7 =	vld [tilespmem:s15+$0x173D0]  }
0x230: {  	v58 =	vld [tilespmem:s16+$0x17580];
	v5 =	vadd.s32 v8, v5  }
0x231: {  	v59 =	vld [tilespmem:s15+$0x17730];
	v5 =	vadd.s32 v9, v5  }
0x232: {  	v60 =	vld [tilespmem:s15+$0x178E0];
	v5 =	vadd.s32 v10, v5  }
0x233: {  	v5 =	vadd.s32 v6, v5;
	v6 =	vld [tilespmem:s15+$0x17A90]  }
0x234: {  	v5 =	vadd.s32 v7, v5;
	v7 =	vld [tilespmem:s15+$0x17C40]  }
0x235: {  	v61 =	vld [tilespmem:s15+$0x17DF0];
	v5 =	vadd.s32 v58, v5  }
0x236: {  	v62 =	vld [tilespmem:s15+$0x17FA0];
	v5 =	vadd.s32 v59, v5  }
0x237: {  	v63 =	vld [tilespmem:s15+$0x18150];
	v5 =	vadd.s32 v60, v5  }
0x238: {  	v5 =	vadd.s32 v6, v5  }
0x239: {  	v5 =	vadd.s32 v7, v5  }
0x23a: {  	s14 =	sand.u32 $0x600, s14;
	s19 =	sand.u32 $0x70, s13;
	s13 =	simm.s32 $0x6C0;
	v5 =	vadd.s32 v61, v5  }
0x23b: {  	s20 =	simm.s32 $0x1B0;
	s14 =	sshrl.u32 s14, $0x2;
	s17 =	sand.u32 $0x1E00, s13;
	v5 =	vadd.s32 v62, v5  }
0x23c: {  	s21 =	sand.u32 $0x70, s20;
	s14 =	sor.u32 s19, s14;
	s22 =	sshrl.u32 s17, $0x2;
	v5 =	vadd.s32 v63, v5  }
0x23d: {  	s15 =	sor.u32 s21, s22;
	[tilespmem:s14+$0x18300] =	vst v5;
	s14 =	simm.s32 $0x1C0  }
.LBB2_22:
0x23e: {  	p0 =	sne.s32 s14, $0x3F0  }
0x23f: {  	[tilespmem:s15+$0x18300] =	vst v0;
	s13 =	sadd.s32 $0x40, s13;
	s15 =	smov.u32 s14;
	s14 =	sadd.s32 $0x10, s14  }
.Ltmp13:
0x240: {  	(pc) =	sbr.rel @p0 .LBB2_22-.Ltmp13, $4  }
0x241: {  	_ = 	snop  }
0x242: {  	s16 =	sand.u32 $0x1E00, s13  }
0x243: {  	s15 =	sand.u32 $0x70, s15;
	s16 =	sshrl.u32 s16, $0x2  }
0x244: {  	s15 =	sor.u32 s15, s16  }
0x245: {  	[tilespmem:s15+$0x18300] =	vst v0;
	s13 =	rddreg [dreg:$0x13];
	s14 =	simm.s32 $0x18300;
	s20 =	simm.s32 $0x5  }
0x246: {  	[hbm4b:s13+s4] =	stream.linear.scatter [tilespmem:s14], [sflag:$0x5], $0x400, $0x38;
	[tilespmem:$0x18700] =	vst v63  }
0x247: {  	_ =	swait.ge [sflag:s20], $0x400  }
0x248: {  	s21 =	rddreg [dreg:$0x1d]  }
0x249: {  	s22 =	rddreg [dreg:$0x15];
	s15 =	sadd.s32 $0x1, s21  }
0x24a: {  	p0 =	sne.s32 s15, s22  }
.Ltmp14:
0x24b: {  	_ = 	snop;
	(pc) =	sbr.rel @p0 .LBB2_1-.Ltmp14, $3  }
0x24c: {  	_ =	sdelay $0x1  }
0x24d: {  	[sflag:s20] =	ssyncset.done $0x0  }
0x24e: {  	[sflag:s20] =	ssyncadd.s32 $0xFFFFFC00  }
0x24f: {  	_ =	sfence.sel $0x180000  }
0x250: {  	[bflag:$0x0] =	sbarrier.arrive $0xFFFF  }
0x251: {  	_ =	strace $0x90000047  }
0x252: {  	s0 =	stileid.u32;
	[bflag:$0x2] =	sbarrier.arrive $0xFFFF  }
0x253: {  	p0 =	sne.s32 s0, $0x0;
	s0 =	rddreg [dreg:$0x3]  }
0x254: {  	s0 =	sadd.s32 @!p0 $0x100000, s0  }
0x255: {  	[sflag:s0] =	ssyncadd.tile.s32 @!p0 $0x1;
	_ =	shalt  }
.Lfunc_end2:
_tile_overlayer_lowered:
.L_overlay_start_2:
0x256: {  	(tag) =	ssettag $0x2  }
0x257: {  	s0 =	rddreg [dreg:$0x0];
	s2 =	stileid.u32  }
0x258: {  	s1 =	rddreg [dreg:$0x1];
	p0 =	sne.s32 s2, $0x0  }
0x259: {  	s3 =	rddreg [dreg:$0x2];
	[bflag:$0x3] =	sbarrier.arrive $0xFFFF;
	s2 =	simm.s32 @!p0 $0x1C05  }
0x25a: {  	[timem:s3], [sflag:s2] =	dma.local @!p0 [hbm:s0], s1  }
0x25b: {  	s0 =	simm.s32 @!p0 $0x5  }
0x25c: {  	_ =	swait.ge @!p0 [sflag:s0], s1  }
0x25d: {  	s1 =	ssub.s32 @!p0 $0x0, s1;
	[sflag:s0] =	ssyncset.done @!p0 $0x0  }
0x25e: {  	[sflag:s0] =	ssyncadd.s32 @!p0 s1  }
0x25f: {  	[bflag:$0x3] =	sbarrier.arrive $0xFFFF  }
0x260: {  	_ =	shalt  }

</sc_bundles>
